<compile_context>
chip_gen: v7x
topology: tpu7x:2x2x1
jax: 0.10.2.dev20260603
libtpu: 0.0.44.dev20260713+nightly
codegen_flags: <defaults>
</compile_context>

<pallas_src>
import math

import jax
import jax.numpy as jnp
from jax import lax
from jax.experimental import pallas as pl
from jax.experimental.pallas import tpu as pltpu
from jax.experimental.pallas import tpu_sc as plsc

_NUM_MOVABLE = 100000
_NUM_TERMINALS = 10000
_NUM_FILLER = 20000
_N = _NUM_MOVABLE + _NUM_TERMINALS + _NUM_FILLER
_NB = 512
_TARGET_DENSITY = 0.9
_SQRT2 = math.sqrt(2.0)
_K = 5

_SUB = 8192
_GSUB = _SUB // 16
_QROWS = 128
_TG0 = _NUM_MOVABLE // 16
_TG1 = (_NUM_MOVABLE + _NUM_TERMINALS) // 16
_NGROUPS = _N // 16
_LASTW = (_NGROUPS - 1) // _GSUB
_TAILC = _N - _LASTW * _SUB
_YSH = 8


def _body(pos_hbm, sx_hbm, sy_hbm, out_hbm, part_hbm,
          qmap, xb, yb, sxb, syb,
          acc, tmp0, tmp1, sem0, rsem):
    c = lax.axis_index("c")
    s = lax.axis_index("s")
    q = 2 * c + (s & 1)
    ql = s & 1
    chunk = s >> 1
    zeros16 = jnp.zeros((16,), jnp.float32)

    def zero_row(r, _):
        for j in range(_NB // 16):
            qmap[pl.ds(r * _NB + j * 16, 16)] = zeros16
        return 0
    lax.fori_loop(0, _QROWS, zero_row, 0)

    def scatter(ix0, iy0, wt, xe, ye, sxe, sye, ix0f, iy0f, kk):
        f = xe - ix0f
        fl = f + sxe
        g = ye - iy0f
        gl = g + sye
        px = [jnp.minimum(fl, 1.0) - f] + [
            jnp.maximum(jnp.minimum(fl - float(k), 1.0), 0.0) for k in range(1, kk)]
        py = [jnp.minimum(gl, 1.0) - g] + [
            jnp.maximum(jnp.minimum(gl - float(k), 1.0), 0.0) for k in range(1, kk)]
        lq = ix0 - (q << 7)
        wpx = [wt * p for p in px]
        rows = [lq + k for k in range(kk)]
        masks = [lax.bitcast_convert_type(r, jnp.uint32) < jnp.uint32(_QROWS)
                 for r in rows]
        py0 = jnp.where(iy0 >= 0, py[0], 0.0)
        pys = [py0] + py[1:]
        cols = [iy0 & (_NB - 1)] + [iy0 + k for k in range(1, kk)]
        rbase = [r << 9 for r in rows]
        for a in range(kk):
            for b in range(kk):
                plsc.addupdate_scatter(qmap, [rbase[a] + cols[b]], wpx[a] * pys[b],
                                       mask=masks[a])

    def make_body(terminal):
        def body(i, carry):
            sl = pl.ds(i * 16, 16)
            x = xb[sl]
            y = yb[pl.ds(i * 16 + _YSH, 16)]
            sx = sxb[sl]
            sy = syb[sl]
            if terminal:
                xe, ye, sxe, sye = x, y, sx, sy
                wt = jnp.full((16,), _TARGET_DENSITY, jnp.float32)
                ix0 = xe.astype(jnp.int32)
                iy0 = ye.astype(jnp.int32)
                kk = _K
            else:
                sxe = jnp.maximum(sx, _SQRT2)
                sye = jnp.maximum(sy, _SQRT2)
                xe = x + (sx - sxe) * 0.5
                ye = y + (sy - sye) * 0.5
                wt = (sx * sy) / (sxe * sye)
                ix0 = (xe + 1.0).astype(jnp.int32) - 1
                iy0 = (ye + 1.0).astype(jnp.int32) - 1
                kk = 3
            ix0f = ix0.astype(jnp.float32)
            iy0f = iy0.astype(jnp.float32)
            scatter(ix0, iy0, wt, xe, ye, sxe, sye, ix0f, iy0f, kk)
            return carry

        return body

    def process(glo, ghi, terminal):
        body = make_body(terminal)

        def win(wi, _):
            xbase = wi * _SUB
            ybase = _N - _YSH + wi * _SUB

            @pl.when(wi < _LASTW)
            def _():
                for cp in [
                    pltpu.async_copy(pos_hbm.at[pl.ds(xbase, _SUB)], xb, sem0),
                    pltpu.async_copy(pos_hbm.at[pl.ds(ybase, _SUB + 2 * _YSH)], yb, sem0),
                    pltpu.async_copy(sx_hbm.at[pl.ds(xbase, _SUB)], sxb, sem0),
                    pltpu.async_copy(sy_hbm.at[pl.ds(xbase, _SUB)], syb, sem0),
                ]:
                    cp.wait()

            @pl.when(wi == _LASTW)
            def _():
                for cp in [
                    pltpu.async_copy(pos_hbm.at[pl.ds(xbase, _TAILC)],
                                     xb.at[pl.ds(0, _TAILC)], sem0),
                    pltpu.async_copy(pos_hbm.at[pl.ds(ybase, _TAILC + _YSH)],
                                     yb.at[pl.ds(0, _TAILC + _YSH)], sem0),
                    pltpu.async_copy(sx_hbm.at[pl.ds(xbase, _TAILC)],
                                     sxb.at[pl.ds(0, _TAILC)], sem0),
                    pltpu.async_copy(sy_hbm.at[pl.ds(xbase, _TAILC)],
                                     syb.at[pl.ds(0, _TAILC)], sem0),
                ]:
                    cp.wait()
            base_g = wi * _GSUB
            lo = jnp.clip(glo - base_g, 0, _GSUB)
            hi = jnp.clip(ghi - base_g, 0, _GSUB)
            lax.fori_loop(lo, hi, body, 0)
            return 0

        lax.fori_loop(glo // _GSUB, (ghi + _GSUB - 1) // _GSUB, win, 0)

    ngroups = _NGROUPS
    nstr = _TG0 + (ngroups - _TG1)
    v0 = (chunk * nstr) >> 3
    v1 = ((chunk + 1) * nstr) >> 3
    a0 = jnp.minimum(v0, _TG0)
    a1 = jnp.minimum(v1, _TG0)
    b0 = jnp.maximum(v0, _TG0) + (_TG1 - _TG0)
    b1 = jnp.maximum(v1, _TG0) + (_TG1 - _TG0)
    nterm = _TG1 - _TG0
    t0 = _TG0 + ((chunk * nterm) >> 3)
    t1 = _TG0 + (((chunk + 1) * nterm) >> 3)
    process(a0, a1, False)
    process(b0, b1, False)
    process(t0, t1, True)

    pltpu.sync_copy(qmap, part_hbm.at[c, s])
    plsc.subcore_barrier()

    p = s >> 1
    nred = _QROWS * _NB // 8
    rsl = pl.ds(p * nred, nred)
    pltpu.sync_copy(part_hbm.at[c, ql, rsl], acc)
    tmps = (tmp0, tmp1)
    cp = pltpu.async_copy(part_hbm.at[c, 2 + ql, rsl], tmp0, rsem)

    def add_tmp(t):
        def go(r, _):
            for j in range(8):
                csl = pl.ds(r * 128 + j * 16, 16)
                acc[csl] = acc[csl] + t[csl]
            return 0
        return go

    for k in range(1, 8):
        cp.wait()
        t = tmps[(k - 1) & 1]
        if k < 7:
            cp = pltpu.async_copy(part_hbm.at[c, 2 * (k + 1) + ql, rsl],
                                  tmps[k & 1], rsem)
        lax.fori_loop(0, nred // 128, add_tmp(t), 0)

    q0 = 2 * c + ql
    pltpu.sync_copy(acc, out_hbm.at[pl.ds(q0 * _QROWS * _NB + p * nred, nred)])


@jax.jit
def _density(pos, sxp, syp):
    mesh = plsc.VectorSubcoreMesh(core_axis_name="c", subcore_axis_name="s")
    out, _ = pl.kernel(
        _body,
        out_type=(
            jax.ShapeDtypeStruct((_NB * _NB,), jnp.float32),
            jax.ShapeDtypeStruct((2, 16, _QROWS * _NB), jnp.float32),
        ),
        mesh=mesh,
        compiler_params=pltpu.CompilerParams(needs_layout_passes=False),
        scratch_types=[
            pltpu.VMEM((_QROWS * _NB,), jnp.float32),
            pltpu.VMEM((_SUB,), jnp.float32),
            pltpu.VMEM((_SUB + 2 * _YSH,), jnp.float32),
            pltpu.VMEM((_SUB,), jnp.float32),
            pltpu.VMEM((_SUB,), jnp.float32),
            pltpu.VMEM((16 * _NB,), jnp.float32),
            pltpu.VMEM((16 * _NB,), jnp.float32),
            pltpu.VMEM((16 * _NB,), jnp.float32),
            pltpu.SemaphoreType.DMA,
            pltpu.SemaphoreType.DMA,
        ],
    )(pos, sxp, syp)
    return out.reshape(_NB, _NB)


def kernel(pos, node_size_x, node_size_y):
    return _density(pos, node_size_x, node_size_y)

# --- scband reference (transcript-rebuilt; emitter-appended) ---
"""Pipeline reference for scband-electric-overflow-65292092834417 (READ-ONLY COPY).

The authoritative reference and input builder live on the scoring server;
editing this copy changes nothing except your own understanding.
"""

import jax, jax.numpy as jnp
import numpy as np
import math

NUM_MOVABLE = 100000
NUM_TERMINALS = 10000
NUM_FILLER = 20000
N = NUM_MOVABLE + NUM_TERMINALS + NUM_FILLER
XL, YL, XH, YH = 0.0, 0.0, 512.0, 512.0
BIN_SIZE_X = 1.0
BIN_SIZE_Y = 1.0
NUM_BINS_X = 512
NUM_BINS_Y = 512
TARGET_DENSITY = 0.9
K_MOV = 5  # ceil((max_movable_size + 2*sqrt2*bin)/bin), clamped to num_bins
K_FIX = 5  # ceil((max_fixed_size + bin)/bin)


def setup_inputs(seed: int = 0):
    key = jax.random.key(seed)
    k1, k2, k3, k4, k5, k6, k7, k8 = jax.random.split(key, 8)
    node_size_x = jnp.concatenate([
        jax.random.uniform(k1, (NUM_MOVABLE,), minval=0.5, maxval=1.5),
        jax.random.uniform(k2, (NUM_TERMINALS,), minval=1.0, maxval=4.0),
        jax.random.uniform(k3, (NUM_FILLER,), minval=0.5, maxval=1.5),
    ]).astype(jnp.float32)
    node_size_y = jnp.concatenate([
        jax.random.uniform(k4, (NUM_MOVABLE,), minval=0.5, maxval=1.5),
        jax.random.uniform(k5, (NUM_TERMINALS,), minval=1.0, maxval=4.0),
        jax.random.uniform(k6, (NUM_FILLER,), minval=0.5, maxval=1.5),
    ]).astype(jnp.float32)
    x = jax.random.uniform(k7, (N,), minval=XL, maxval=XH - 4.0)
    y = jax.random.uniform(k8, (N,), minval=YL, maxval=YH - 4.0)
    pos = jnp.concatenate([x, y]).astype(jnp.float32)
    return {"pos": pos, "node_size_x": node_size_x, "node_size_y": node_size_y}


def _overlap(c, size, K, num_bins, lo, bs):
    # exact 1D overlap between [c, c+size] and each of K candidate bins
    idx0 = jnp.floor((c - lo) / bs).astype(jnp.int32)
    idx = idx0[:, None] + jnp.arange(K, dtype=jnp.int32)[None, :]
    idx_c = jnp.clip(idx, 0, num_bins - 1)
    bin_lo = lo + idx_c.astype(jnp.float32) * bs
    p = jnp.maximum(
        jnp.minimum(c[:, None] + size[:, None], bin_lo + bs) - jnp.maximum(c[:, None], bin_lo),
        0.0,
    )
    p = jnp.where((idx >= 0) & (idx < num_bins), p, 0.0)
    return p, idx_c


def _density_map(x, y, sx, sy, wt, Kx, Ky):
    px, ix = _overlap(x, sx, Kx, NUM_BINS_X, XL, BIN_SIZE_X)
    py, iy = _overlap(y, sy, Ky, NUM_BINS_Y, YL, BIN_SIZE_Y)
    contrib = wt[:, None, None] * px[:, :, None] * py[:, None, :]
    flat = (ix[:, :, None] * NUM_BINS_Y + iy[:, None, :]).reshape(-1)
    dmap = jnp.zeros(NUM_BINS_X * NUM_BINS_Y, jnp.float32).at[flat].add(contrib.reshape(-1))
    return dmap.reshape(NUM_BINS_X, NUM_BINS_Y)


def reference(pos, node_size_x, node_size_y):
    sqrt2 = math.sqrt(2.0)
    x = pos[:N]
    y = pos[N:]
    # reset(): stretch cells to at least sqrt2*bin and compute area-preserving ratio
    sxc = jnp.maximum(node_size_x, BIN_SIZE_X * sqrt2)
    syc = jnp.maximum(node_size_y, BIN_SIZE_Y * sqrt2)
    offx = (node_size_x - sxc) * 0.5
    offy = (node_size_y - syc) * 0.5
    ratio = (node_size_x * node_size_y) / (sxc * syc)
    # compute_initial_density_map(): fixed (terminal) cells, exact sizes, scaled by target density
    t0, t1 = NUM_MOVABLE, NUM_MOVABLE + NUM_TERMINALS
    fixed_map = _density_map(
        x[t0:t1], y[t0:t1], node_size_x[t0:t1], node_size_y[t0:t1],
        jnp.ones(NUM_TERMINALS, jnp.float32), K_FIX, K_FIX,
    )
    initial_density_map = fixed_map * TARGET_DENSITY
    # ElectricDensityMapFunction: movable + filler cells with stretched geometry
    xm = jnp.concatenate([x[:NUM_MOVABLE] + offx[:NUM_MOVABLE], x[N - NUM_FILLER:] + offx[N - NUM_FILLER:]])
    ym = jnp.concatenate([y[:NUM_MOVABLE] + offy[:NUM_MOVABLE], y[N - NUM_FILLER:] + offy[N - NUM_FILLER:]])
    sxm = jnp.concatenate([sxc[:NUM_MOVABLE], sxc[N - NUM_FILLER:]])
    sym = jnp.concatenate([syc[:NUM_MOVABLE], syc[N - NUM_FILLER:]])
    wtm = jnp.concatenate([ratio[:NUM_MOVABLE], ratio[N - NUM_FILLER:]])
    mov_map = _density_map(xm, ym, sxm, sym, wtm, K_MOV, K_MOV)
    density_map = mov_map + initial_density_map
    # padding == 0, so padding mask is a no-op
    return density_map

if __name__ == "__main__":
    import jax
    _d = setup_inputs()
    print(jax.jit(kernel)(*tuple(_d.values())))

</pallas_src>

<mosaic_0001>
#map = affine_map<(d0, d1) -> (0)>
#map1 = affine_map<(d0, d1) -> (0, 0, 0)>
module attributes {stable_mosaic.version = 14 : i64} {
  func.func @_body(%arg0: i32, %arg1: i32, %arg2: memref<260000xf32, #tpu.memory_space<hbm>>, %arg3: memref<130000xf32, #tpu.memory_space<hbm>>, %arg4: memref<130000xf32, #tpu.memory_space<hbm>>, %arg5: memref<262144xf32, #tpu.memory_space<hbm>>, %arg6: memref<2x16x65536xf32, #tpu.memory_space<hbm>>, %arg7: memref<65536xf32, #tpu.memory_space<vmem>>, %arg8: memref<8192xf32, #tpu.memory_space<vmem>>, %arg9: memref<8208xf32, #tpu.memory_space<vmem>>, %arg10: memref<8192xf32, #tpu.memory_space<vmem>>, %arg11: memref<8192xf32, #tpu.memory_space<vmem>>, %arg12: memref<8192xf32, #tpu.memory_space<vmem>>, %arg13: memref<8192xf32, #tpu.memory_space<vmem>>, %arg14: memref<8192xf32, #tpu.memory_space<vmem>>, %arg15: memref<!tpu.dma_semaphore, #tpu.memory_space<semaphore_mem>>, %arg16: memref<!tpu.dma_semaphore, #tpu.memory_space<semaphore_mem>>) attributes {dimension_semantics = [#tpu.dimension_semantics<core_parallel>, #tpu.dimension_semantics<subcore_parallel>], iteration_bounds = array<i64: 2, 16>, scalar_prefetch = 0 : i64, scratch_operands = 10 : i64, tpu.core_type = #tpu.core_type<sc_vector_subcore>, window_params = [{transform_indices = #map}, {transform_indices = #map}, {transform_indices = #map}, {transform_indices = #map}, {transform_indices = #map1}]} {
    %mul3A = arith.constant 2 : i32
    %mul3A_0 = arith.muli %mul3A, %arg0 : i32
    %and3A = arith.constant 1 : i32
    %and3A_1 = arith.andi %arg1, %and3A : i32
    %add3A = arith.addi %mul3A_0, %and3A_1 : i32
    %and3A_2 = arith.constant 1 : i32
    %and3A_3 = arith.andi %arg1, %and3A_2 : i32
    %shift_right_arithmetic3A = arith.constant 1 : i32
    %shift_right_arithmetic3A_4 = arith.shrsi %arg1, %shift_right_arithmetic3A : i32
    %broadcast_in_dim3A = arith.constant 0.000000e+00 : f32
    %broadcast_in_dim3A_5 = vector.broadcast %broadcast_in_dim3A : f32 to vector<16xf32>
    %scan3A = arith.constant 0 : i32
    %scan3A_6 = arith.constant 0 : i32
    %scan3A_7 = arith.constant 128 : i32
    %scan3A_8 = arith.addi %scan3A_6, %scan3A_7 : i32
    %scan3A_9 = arith.constant 1 : i32
    %scan3A_10 = scf.for %scan3A_358 = %scan3A_6 to %scan3A_8 step %scan3A_9 iter_args(%scan3A_359 = %scan3A) -> (i32)  : i32 {
      %mul3A_360 = arith.constant 512 : i32
      %mul3A_361 = arith.muli %scan3A_358, %mul3A_360 : i32
      %add3A_362 = arith.constant 0 : i32
      %add3A_363 = arith.addi %mul3A_361, %add3A_362 : i32
      %swap3A = arith.index_cast %add3A_363 : i32 to index
      %swap3A_364 = tpu.vector_load %arg7[%swap3A] {strides = array<i32>} : memref<65536xf32, #tpu.memory_space<vmem>>, vector<16xf32>,
      tpu.vector_store %arg7[%swap3A], %broadcast_in_dim3A_5 {strides = array<i32>} : memref<65536xf32, #tpu.memory_space<vmem>>, vector<16xf32>,
      %mul3A_365 = arith.constant 512 : i32
      %mul3A_366 = arith.muli %scan3A_358, %mul3A_365 : i32
      %add3A_367 = arith.constant 16 : i32
      %add3A_368 = arith.addi %mul3A_366, %add3A_367 : i32
      %swap3A_369 = arith.index_cast %add3A_368 : i32 to index
      %swap3A_370 = tpu.vector_load %arg7[%swap3A_369] {strides = array<i32>} : memref<65536xf32, #tpu.memory_space<vmem>>, vector<16xf32>,
      tpu.vector_store %arg7[%swap3A_369], %broadcast_in_dim3A_5 {strides = array<i32>} : memref<65536xf32, #tpu.memory_space<vmem>>, vector<16xf32>,
      %mul3A_371 = arith.constant 512 : i32
      %mul3A_372 = arith.muli %scan3A_358, %mul3A_371 : i32
      %add3A_373 = arith.constant 32 : i32
      %add3A_374 = arith.addi %mul3A_372, %add3A_373 : i32
      %swap3A_375 = arith.index_cast %add3A_374 : i32 to index
      %swap3A_376 = tpu.vector_load %arg7[%swap3A_375] {strides = array<i32>} : memref<65536xf32, #tpu.memory_space<vmem>>, vector<16xf32>,
      tpu.vector_store %arg7[%swap3A_375], %broadcast_in_dim3A_5 {strides = array<i32>} : memref<65536xf32, #tpu.memory_space<vmem>>, vector<16xf32>,
      %mul3A_377 = arith.constant 512 : i32
      %mul3A_378 = arith.muli %scan3A_358, %mul3A_377 : i32
      %add3A_379 = arith.constant 48 : i32
      %add3A_380 = arith.addi %mul3A_378, %add3A_379 : i32
      %swap3A_381 = arith.index_cast %add3A_380 : i32 to index
      %swap3A_382 = tpu.vector_load %arg7[%swap3A_381] {strides = array<i32>} : memref<65536xf32, #tpu.memory_space<vmem>>, vector<16xf32>,
      tpu.vector_store %arg7[%swap3A_381], %broadcast_in_dim3A_5 {strides = array<i32>} : memref<65536xf32, #tpu.memory_space<vmem>>, vector<16xf32>,
      %mul3A_383 = arith.constant 512 : i32
      %mul3A_384 = arith.muli %scan3A_358, %mul3A_383 : i32
      %add3A_385 = arith.constant 64 : i32
      %add3A_386 = arith.addi %mul3A_384, %add3A_385 : i32
      %swap3A_387 = arith.index_cast %add3A_386 : i32 to index
      %swap3A_388 = tpu.vector_load %arg7[%swap3A_387] {strides = array<i32>} : memref<65536xf32, #tpu.memory_space<vmem>>, vector<16xf32>,
      tpu.vector_store %arg7[%swap3A_387], %broadcast_in_dim3A_5 {strides = array<i32>} : memref<65536xf32, #tpu.memory_space<vmem>>, vector<16xf32>,
      %mul3A_389 = arith.constant 512 : i32
      %mul3A_390 = arith.muli %scan3A_358, %mul3A_389 : i32
      %add3A_391 = arith.constant 80 : i32
      %add3A_392 = arith.addi %mul3A_390, %add3A_391 : i32
      %swap3A_393 = arith.index_cast %add3A_392 : i32 to index
      %swap3A_394 = tpu.vector_load %arg7[%swap3A_393] {strides = array<i32>} : memref<65536xf32, #tpu.memory_space<vmem>>, vector<16xf32>,
      tpu.vector_store %arg7[%swap3A_393], %broadcast_in_dim3A_5 {strides = array<i32>} : memref<65536xf32, #tpu.memory_space<vmem>>, vector<16xf32>,
      %mul3A_395 = arith.constant 512 : i32
      %mul3A_396 = arith.muli %scan3A_358, %mul3A_395 : i32
      %add3A_397 = arith.constant 96 : i32
      %add3A_398 = arith.addi %mul3A_396, %add3A_397 : i32
      %swap3A_399 = arith.index_cast %add3A_398 : i32 to index
      %swap3A_400 = tpu.vector_load %arg7[%swap3A_399] {strides = array<i32>} : memref<65536xf32, #tpu.memory_space<vmem>>, vector<16xf32>,
      tpu.vector_store %arg7[%swap3A_399], %broadcast_in_dim3A_5 {strides = array<i32>} : memref<65536xf32, #tpu.memory_space<vmem>>, vector<16xf32>,
      %mul3A_401 = arith.constant 512 : i32
      %mul3A_402 = arith.muli %scan3A_358, %mul3A_401 : i32
      %add3A_403 = arith.constant 112 : i32
      %add3A_404 = arith.addi %mul3A_402, %add3A_403 : i32
      %swap3A_405 = arith.index_cast %add3A_404 : i32 to index
      %swap3A_406 = tpu.vector_load %arg7[%swap3A_405] {strides = array<i32>} : memref<65536xf32, #tpu.memory_space<vmem>>, vector<16xf32>,
      tpu.vector_store %arg7[%swap3A_405], %broadcast_in_dim3A_5 {strides = array<i32>} : memref<65536xf32, #tpu.memory_space<vmem>>, vector<16xf32>,
      %mul3A_407 = arith.constant 512 : i32
      %mul3A_408 = arith.muli %scan3A_358, %mul3A_407 : i32
      %add3A_409 = arith.constant 128 : i32
      %add3A_410 = arith.addi %mul3A_408, %add3A_409 : i32
      %swap3A_411 = arith.index_cast %add3A_410 : i32 to index
      %swap3A_412 = tpu.vector_load %arg7[%swap3A_411] {strides = array<i32>} : memref<65536xf32, #tpu.memory_space<vmem>>, vector<16xf32>,
      tpu.vector_store %arg7[%swap3A_411], %broadcast_in_dim3A_5 {strides = array<i32>} : memref<65536xf32, #tpu.memory_space<vmem>>, vector<16xf32>,
      %mul3A_413 = arith.constant 512 : i32
      %mul3A_414 = arith.muli %scan3A_358, %mul3A_413 : i32
      %add3A_415 = arith.constant 144 : i32
      %add3A_416 = arith.addi %mul3A_414, %add3A_415 : i32
      %swap3A_417 = arith.index_cast %add3A_416 : i32 to index
      %swap3A_418 = tpu.vector_load %arg7[%swap3A_417] {strides = array<i32>} : memref<65536xf32, #tpu.memory_space<vmem>>, vector<16xf32>,
      tpu.vector_store %arg7[%swap3A_417], %broadcast_in_dim3A_5 {strides = array<i32>} : memref<65536xf32, #tpu.memory_space<vmem>>, vector<16xf32>,
      %mul3A_419 = arith.constant 512 : i32
      %mul3A_420 = arith.muli %scan3A_358, %mul3A_419 : i32
      %add3A_421 = arith.constant 160 : i32
      %add3A_422 = arith.addi %mul3A_420, %add3A_421 : i32
      %swap3A_423 = arith.index_cast %add3A_422 : i32 to index
      %swap3A_424 = tpu.vector_load %arg7[%swap3A_423] {strides = array<i32>} : memref<65536xf32, #tpu.memory_space<vmem>>, vector<16xf32>,
      tpu.vector_store %arg7[%swap3A_423], %broadcast_in_dim3A_5 {strides = array<i32>} : memref<65536xf32, #tpu.memory_space<vmem>>, vector<16xf32>,
      %mul3A_425 = arith.constant 512 : i32
      %mul3A_426 = arith.muli %scan3A_358, %mul3A_425 : i32
      %add3A_427 = arith.constant 176 : i32
      %add3A_428 = arith.addi %mul3A_426, %add3A_427 : i32
      %swap3A_429 = arith.index_cast %add3A_428 : i32 to index
      %swap3A_430 = tpu.vector_load %arg7[%swap3A_429] {strides = array<i32>} : memref<65536xf32, #tpu.memory_space<vmem>>, vector<16xf32>,
      tpu.vector_store %arg7[%swap3A_429], %broadcast_in_dim3A_5 {strides = array<i32>} : memref<65536xf32, #tpu.memory_space<vmem>>, vector<16xf32>,
      %mul3A_431 = arith.constant 512 : i32
      %mul3A_432 = arith.muli %scan3A_358, %mul3A_431 : i32
      %add3A_433 = arith.constant 192 : i32
      %add3A_434 = arith.addi %mul3A_432, %add3A_433 : i32
      %swap3A_435 = arith.index_cast %add3A_434 : i32 to index
      %swap3A_436 = tpu.vector_load %arg7[%swap3A_435] {strides = array<i32>} : memref<65536xf32, #tpu.memory_space<vmem>>, vector<16xf32>,
      tpu.vector_store %arg7[%swap3A_435], %broadcast_in_dim3A_5 {strides = array<i32>} : memref<65536xf32, #tpu.memory_space<vmem>>, vector<16xf32>,
      %mul3A_437 = arith.constant 512 : i32
      %mul3A_438 = arith.muli %scan3A_358, %mul3A_437 : i32
      %add3A_439 = arith.constant 208 : i32
      %add3A_440 = arith.addi %mul3A_438, %add3A_439 : i32
      %swap3A_441 = arith.index_cast %add3A_440 : i32 to index
      %swap3A_442 = tpu.vector_load %arg7[%swap3A_441] {strides = array<i32>} : memref<65536xf32, #tpu.memory_space<vmem>>, vector<16xf32>,
      tpu.vector_store %arg7[%swap3A_441], %broadcast_in_dim3A_5 {strides = array<i32>} : memref<65536xf32, #tpu.memory_space<vmem>>, vector<16xf32>,
      %mul3A_443 = arith.constant 512 : i32
      %mul3A_444 = arith.muli %scan3A_358, %mul3A_443 : i32
      %add3A_445 = arith.constant 224 : i32
      %add3A_446 = arith.addi %mul3A_444, %add3A_445 : i32
      %swap3A_447 = arith.index_cast %add3A_446 : i32 to index
      %swap3A_448 = tpu.vector_load %arg7[%swap3A_447] {strides = array<i32>} : memref<65536xf32, #tpu.memory_space<vmem>>, vector<16xf32>,
      tpu.vector_store %arg7[%swap3A_447], %broadcast_in_dim3A_5 {strides = array<i32>} : memref<65536xf32, #tpu.memory_space<vmem>>, vector<16xf32>,
      %mul3A_449 = arith.constant 512 : i32
      %mul3A_450 = arith.muli %scan3A_358, %mul3A_449 : i32
      %add3A_451 = arith.constant 240 : i32
      %add3A_452 = arith.addi %mul3A_450, %add3A_451 : i32
      %swap3A_453 = arith.index_cast %add3A_452 : i32 to index
      %swap3A_454 = tpu.vector_load %arg7[%swap3A_453] {strides = array<i32>} : memref<65536xf32, #tpu.memory_space<vmem>>, vector<16xf32>,
      tpu.vector_store %arg7[%swap3A_453], %broadcast_in_dim3A_5 {strides = array<i32>} : memref<65536xf32, #tpu.memory_space<vmem>>, vector<16xf32>,
      %mul3A_455 = arith.constant 512 : i32
      %mul3A_456 = arith.muli %scan3A_358, %mul3A_455 : i32
      %add3A_457 = arith.constant 256 : i32
      %add3A_458 = arith.addi %mul3A_456, %add3A_457 : i32
      %swap3A_459 = arith.index_cast %add3A_458 : i32 to index
      %swap3A_460 = tpu.vector_load %arg7[%swap3A_459] {strides = array<i32>} : memref<65536xf32, #tpu.memory_space<vmem>>, vector<16xf32>,
      tpu.vector_store %arg7[%swap3A_459], %broadcast_in_dim3A_5 {strides = array<i32>} : memref<65536xf32, #tpu.memory_space<vmem>>, vector<16xf32>,
      %mul3A_461 = arith.constant 512 : i32
      %mul3A_462 = arith.muli %scan3A_358, %mul3A_461 : i32
      %add3A_463 = arith.constant 272 : i32
      %add3A_464 = arith.addi %mul3A_462, %add3A_463 : i32
      %swap3A_465 = arith.index_cast %add3A_464 : i32 to index
      %swap3A_466 = tpu.vector_load %arg7[%swap3A_465] {strides = array<i32>} : memref<65536xf32, #tpu.memory_space<vmem>>, vector<16xf32>,
      tpu.vector_store %arg7[%swap3A_465], %broadcast_in_dim3A_5 {strides = array<i32>} : memref<65536xf32, #tpu.memory_space<vmem>>, vector<16xf32>,
      %mul3A_467 = arith.constant 512 : i32
      %mul3A_468 = arith.muli %scan3A_358, %mul3A_467 : i32
      %add3A_469 = arith.constant 288 : i32
      %add3A_470 = arith.addi %mul3A_468, %add3A_469 : i32
      %swap3A_471 = arith.index_cast %add3A_470 : i32 to index
      %swap3A_472 = tpu.vector_load %arg7[%swap3A_471] {strides = array<i32>} : memref<65536xf32, #tpu.memory_space<vmem>>, vector<16xf32>,
      tpu.vector_store %arg7[%swap3A_471], %broadcast_in_dim3A_5 {strides = array<i32>} : memref<65536xf32, #tpu.memory_space<vmem>>, vector<16xf32>,
      %mul3A_473 = arith.constant 512 : i32
      %mul3A_474 = arith.muli %scan3A_358, %mul3A_473 : i32
      %add3A_475 = arith.constant 304 : i32
      %add3A_476 = arith.addi %mul3A_474, %add3A_475 : i32
      %swap3A_477 = arith.index_cast %add3A_476 : i32 to index
      %swap3A_478 = tpu.vector_load %arg7[%swap3A_477] {strides = array<i32>} : memref<65536xf32, #tpu.memory_space<vmem>>, vector<16xf32>,
      tpu.vector_store %arg7[%swap3A_477], %broadcast_in_dim3A_5 {strides = array<i32>} : memref<65536xf32, #tpu.memory_space<vmem>>, vector<16xf32>,
      %mul3A_479 = arith.constant 512 : i32
      %mul3A_480 = arith.muli %scan3A_358, %mul3A_479 : i32
      %add3A_481 = arith.constant 320 : i32
      %add3A_482 = arith.addi %mul3A_480, %add3A_481 : i32
      %swap3A_483 = arith.index_cast %add3A_482 : i32 to index
      %swap3A_484 = tpu.vector_load %arg7[%swap3A_483] {strides = array<i32>} : memref<65536xf32, #tpu.memory_space<vmem>>, vector<16xf32>,
      tpu.vector_store %arg7[%swap3A_483], %broadcast_in_dim3A_5 {strides = array<i32>} : memref<65536xf32, #tpu.memory_space<vmem>>, vector<16xf32>,
      %mul3A_485 = arith.constant 512 : i32
      %mul3A_486 = arith.muli %scan3A_358, %mul3A_485 : i32
      %add3A_487 = arith.constant 336 : i32
      %add3A_488 = arith.addi %mul3A_486, %add3A_487 : i32
      %swap3A_489 = arith.index_cast %add3A_488 : i32 to index
      %swap3A_490 = tpu.vector_load %arg7[%swap3A_489] {strides = array<i32>} : memref<65536xf32, #tpu.memory_space<vmem>>, vector<16xf32>,
      tpu.vector_store %arg7[%swap3A_489], %broadcast_in_dim3A_5 {strides = array<i32>} : memref<65536xf32, #tpu.memory_space<vmem>>, vector<16xf32>,
      %mul3A_491 = arith.constant 512 : i32
      %mul3A_492 = arith.muli %scan3A_358, %mul3A_491 : i32
      %add3A_493 = arith.constant 352 : i32
      %add3A_494 = arith.addi %mul3A_492, %add3A_493 : i32
      %swap3A_495 = arith.index_cast %add3A_494 : i32 to index
      %swap3A_496 = tpu.vector_load %arg7[%swap3A_495] {strides = array<i32>} : memref<65536xf32, #tpu.memory_space<vmem>>, vector<16xf32>,
      tpu.vector_store %arg7[%swap3A_495], %broadcast_in_dim3A_5 {strides = array<i32>} : memref<65536xf32, #tpu.memory_space<vmem>>, vector<16xf32>,
      %mul3A_497 = arith.constant 512 : i32
      %mul3A_498 = arith.muli %scan3A_358, %mul3A_497 : i32
      %add3A_499 = arith.constant 368 : i32
      %add3A_500 = arith.addi %mul3A_498, %add3A_499 : i32
      %swap3A_501 = arith.index_cast %add3A_500 : i32 to index
      %swap3A_502 = tpu.vector_load %arg7[%swap3A_501] {strides = array<i32>} : memref<65536xf32, #tpu.memory_space<vmem>>, vector<16xf32>,
      tpu.vector_store %arg7[%swap3A_501], %broadcast_in_dim3A_5 {strides = array<i32>} : memref<65536xf32, #tpu.memory_space<vmem>>, vector<16xf32>,
      %mul3A_503 = arith.constant 512 : i32
      %mul3A_504 = arith.muli %scan3A_358, %mul3A_503 : i32
      %add3A_505 = arith.constant 384 : i32
      %add3A_506 = arith.addi %mul3A_504, %add3A_505 : i32
      %swap3A_507 = arith.index_cast %add3A_506 : i32 to index
      %swap3A_508 = tpu.vector_load %arg7[%swap3A_507] {strides = array<i32>} : memref<65536xf32, #tpu.memory_space<vmem>>, vector<16xf32>,
      tpu.vector_store %arg7[%swap3A_507], %broadcast_in_dim3A_5 {strides = array<i32>} : memref<65536xf32, #tpu.memory_space<vmem>>, vector<16xf32>,
      %mul3A_509 = arith.constant 512 : i32
      %mul3A_510 = arith.muli %scan3A_358, %mul3A_509 : i32
      %add3A_511 = arith.constant 400 : i32
      %add3A_512 = arith.addi %mul3A_510, %add3A_511 : i32
      %swap3A_513 = arith.index_cast %add3A_512 : i32 to index
      %swap3A_514 = tpu.vector_load %arg7[%swap3A_513] {strides = array<i32>} : memref<65536xf32, #tpu.memory_space<vmem>>, vector<16xf32>,
      tpu.vector_store %arg7[%swap3A_513], %broadcast_in_dim3A_5 {strides = array<i32>} : memref<65536xf32, #tpu.memory_space<vmem>>, vector<16xf32>,
      %mul3A_515 = arith.constant 512 : i32
      %mul3A_516 = arith.muli %scan3A_358, %mul3A_515 : i32
      %add3A_517 = arith.constant 416 : i32
      %add3A_518 = arith.addi %mul3A_516, %add3A_517 : i32
      %swap3A_519 = arith.index_cast %add3A_518 : i32 to index
      %swap3A_520 = tpu.vector_load %arg7[%swap3A_519] {strides = array<i32>} : memref<65536xf32, #tpu.memory_space<vmem>>, vector<16xf32>,
      tpu.vector_store %arg7[%swap3A_519], %broadcast_in_dim3A_5 {strides = array<i32>} : memref<65536xf32, #tpu.memory_space<vmem>>, vector<16xf32>,
      %mul3A_521 = arith.constant 512 : i32
      %mul3A_522 = arith.muli %scan3A_358, %mul3A_521 : i32
      %add3A_523 = arith.constant 432 : i32
      %add3A_524 = arith.addi %mul3A_522, %add3A_523 : i32
      %swap3A_525 = arith.index_cast %add3A_524 : i32 to index
      %swap3A_526 = tpu.vector_load %arg7[%swap3A_525] {strides = array<i32>} : memref<65536xf32, #tpu.memory_space<vmem>>, vector<16xf32>,
      tpu.vector_store %arg7[%swap3A_525], %broadcast_in_dim3A_5 {strides = array<i32>} : memref<65536xf32, #tpu.memory_space<vmem>>, vector<16xf32>,
      %mul3A_527 = arith.constant 512 : i32
      %mul3A_528 = arith.muli %scan3A_358, %mul3A_527 : i32
      %add3A_529 = arith.constant 448 : i32
      %add3A_530 = arith.addi %mul3A_528, %add3A_529 : i32
      %swap3A_531 = arith.index_cast %add3A_530 : i32 to index
      %swap3A_532 = tpu.vector_load %arg7[%swap3A_531] {strides = array<i32>} : memref<65536xf32, #tpu.memory_space<vmem>>, vector<16xf32>,
      tpu.vector_store %arg7[%swap3A_531], %broadcast_in_dim3A_5 {strides = array<i32>} : memref<65536xf32, #tpu.memory_space<vmem>>, vector<16xf32>,
      %mul3A_533 = arith.constant 512 : i32
      %mul3A_534 = arith.muli %scan3A_358, %mul3A_533 : i32
      %add3A_535 = arith.constant 464 : i32
      %add3A_536 = arith.addi %mul3A_534, %add3A_535 : i32
      %swap3A_537 = arith.index_cast %add3A_536 : i32 to index
      %swap3A_538 = tpu.vector_load %arg7[%swap3A_537] {strides = array<i32>} : memref<65536xf32, #tpu.memory_space<vmem>>, vector<16xf32>,
      tpu.vector_store %arg7[%swap3A_537], %broadcast_in_dim3A_5 {strides = array<i32>} : memref<65536xf32, #tpu.memory_space<vmem>>, vector<16xf32>,
      %mul3A_539 = arith.constant 512 : i32
      %mul3A_540 = arith.muli %scan3A_358, %mul3A_539 : i32
      %add3A_541 = arith.constant 480 : i32
      %add3A_542 = arith.addi %mul3A_540, %add3A_541 : i32
      %swap3A_543 = arith.index_cast %add3A_542 : i32 to index
      %swap3A_544 = tpu.vector_load %arg7[%swap3A_543] {strides = array<i32>} : memref<65536xf32, #tpu.memory_space<vmem>>, vector<16xf32>,
      tpu.vector_store %arg7[%swap3A_543], %broadcast_in_dim3A_5 {strides = array<i32>} : memref<65536xf32, #tpu.memory_space<vmem>>, vector<16xf32>,
      %mul3A_545 = arith.constant 512 : i32
      %mul3A_546 = arith.muli %scan3A_358, %mul3A_545 : i32
      %add3A_547 = arith.constant 496 : i32
      %add3A_548 = arith.addi %mul3A_546, %add3A_547 : i32
      %swap3A_549 = arith.index_cast %add3A_548 : i32 to index
      %swap3A_550 = tpu.vector_load %arg7[%swap3A_549] {strides = array<i32>} : memref<65536xf32, #tpu.memory_space<vmem>>, vector<16xf32>,
      tpu.vector_store %arg7[%swap3A_549], %broadcast_in_dim3A_5 {strides = array<i32>} : memref<65536xf32, #tpu.memory_space<vmem>>, vector<16xf32>,
      %scan3A_551 = arith.constant 0 : i32
      scf.yield %scan3A_551 : i32
    }
    %scan3A_11 = arith.constant 128 : i32
    %mul3A_12 = arith.constant 7500 : i32
    %mul3A_13 = arith.muli %shift_right_arithmetic3A_4, %mul3A_12 : i32
    %shift_right_arithmetic3A_14 = arith.constant 3 : i32
    %shift_right_arithmetic3A_15 = arith.shrsi %mul3A_13, %shift_right_arithmetic3A_14 : i32
    %add3A_16 = arith.constant 1 : i32
    %add3A_17 = arith.addi %shift_right_arithmetic3A_4, %add3A_16 : i32
    %mul3A_18 = arith.constant 7500 : i32
    %mul3A_19 = arith.muli %add3A_17, %mul3A_18 : i32
    %shift_right_arithmetic3A_20 = arith.constant 3 : i32
    %shift_right_arithmetic3A_21 = arith.shrsi %mul3A_19, %shift_right_arithmetic3A_20 : i32
    %min3A = arith.constant 6250 : i32
    %min3A_22 = arith.minsi %shift_right_arithmetic3A_15, %min3A : i32
    %min3A_23 = arith.constant 6250 : i32
    %min3A_24 = arith.minsi %shift_right_arithmetic3A_21, %min3A_23 : i32
    %max3A = arith.constant 6250 : i32
    %max3A_25 = arith.maxsi %shift_right_arithmetic3A_15, %max3A : i32
    %add3A_26 = arith.constant 625 : i32
    %add3A_27 = arith.addi %max3A_25, %add3A_26 : i32
    %max3A_28 = arith.constant 6250 : i32
    %max3A_29 = arith.maxsi %shift_right_arithmetic3A_21, %max3A_28 : i32
    %add3A_30 = arith.constant 625 : i32
    %add3A_31 = arith.addi %max3A_29, %add3A_30 : i32
    %mul3A_32 = arith.constant 625 : i32
    %mul3A_33 = arith.muli %shift_right_arithmetic3A_4, %mul3A_32 : i32
    %shift_right_arithmetic3A_34 = arith.constant 3 : i32
    %shift_right_arithmetic3A_35 = arith.shrsi %mul3A_33, %shift_right_arithmetic3A_34 : i32
    %add3A_36 = arith.constant 6250 : i32
    %add3A_37 = arith.addi %add3A_36, %shift_right_arithmetic3A_35 : i32
    %add3A_38 = arith.constant 1 : i32
    %add3A_39 = arith.addi %shift_right_arithmetic3A_4, %add3A_38 : i32
    %mul3A_40 = arith.constant 625 : i32
    %mul3A_41 = arith.muli %add3A_39, %mul3A_40 : i32
    %shift_right_arithmetic3A_42 = arith.constant 3 : i32
    %shift_right_arithmetic3A_43 = arith.shrsi %mul3A_41, %shift_right_arithmetic3A_42 : i32
    %add3A_44 = arith.constant 6250 : i32
    %add3A_45 = arith.addi %add3A_44, %shift_right_arithmetic3A_43 : i32
    %jit3A = arith.constant 512 : i32
    %div3A = arith.divsi %min3A_22, %jit3A : i32
    %sign3A = arith.constant 0 : i32
    %sign3A_46 = arith.cmpi sgt, %min3A_22, %sign3A : i32
    %sign3A_47 = arith.extui %sign3A_46 : i1 to i32
    %sign3A_48 = arith.constant 0 : i32
    %sign3A_49 = arith.cmpi slt, %min3A_22, %sign3A_48 : i32
    %sign3A_50 = arith.extui %sign3A_49 : i1 to i32
    %sign3A_51 = arith.subi %sign3A_47, %sign3A_50 : i32
    %sign3A_52 = arith.constant 0 : i32
    %sign3A_53 = arith.cmpi sgt, %jit3A, %sign3A_52 : i32
    %sign3A_54 = arith.extui %sign3A_53 : i1 to i32
    %sign3A_55 = arith.constant 0 : i32
    %sign3A_56 = arith.cmpi slt, %jit3A, %sign3A_55 : i32
    %sign3A_57 = arith.extui %sign3A_56 : i1 to i32
    %sign3A_58 = arith.subi %sign3A_54, %sign3A_57 : i32
    %ne3A = arith.cmpi ne, %sign3A_51, %sign3A_58 : i32
    %rem3A = arith.remsi %min3A_22, %jit3A : i32
    %ne3A_59 = arith.constant 0 : i32
    %ne3A_60 = arith.cmpi ne, %rem3A, %ne3A_59 : i32
    %and3A_61 = arith.andi %ne3A, %ne3A_60 : i1
    %sub3A = arith.constant 1 : i32
    %sub3A_62 = arith.subi %div3A, %sub3A : i32
    %select_n3A = arith.select %and3A_61, %sub3A_62, %div3A : i32
    %add3A_63 = arith.constant 512 : i32
    %add3A_64 = arith.addi %min3A_24, %add3A_63 : i32
    %sub3A_65 = arith.constant 1 : i32
    %sub3A_66 = arith.subi %add3A_64, %sub3A_65 : i32
    %jit3A_67 = arith.constant 512 : i32
    %div3A_68 = arith.divsi %sub3A_66, %jit3A_67 : i32
    %sign3A_69 = arith.constant 0 : i32
    %sign3A_70 = arith.cmpi sgt, %sub3A_66, %sign3A_69 : i32
    %sign3A_71 = arith.extui %sign3A_70 : i1 to i32
    %sign3A_72 = arith.constant 0 : i32
    %sign3A_73 = arith.cmpi slt, %sub3A_66, %sign3A_72 : i32
    %sign3A_74 = arith.extui %sign3A_73 : i1 to i32
    %sign3A_75 = arith.subi %sign3A_71, %sign3A_74 : i32
    %sign3A_76 = arith.constant 0 : i32
    %sign3A_77 = arith.cmpi sgt, %jit3A_67, %sign3A_76 : i32
    %sign3A_78 = arith.extui %sign3A_77 : i1 to i32
    %sign3A_79 = arith.constant 0 : i32
    %sign3A_80 = arith.cmpi slt, %jit3A_67, %sign3A_79 : i32
    %sign3A_81 = arith.extui %sign3A_80 : i1 to i32
    %sign3A_82 = arith.subi %sign3A_78, %sign3A_81 : i32
    %ne3A_83 = arith.cmpi ne, %sign3A_75, %sign3A_82 : i32
    %rem3A_84 = arith.remsi %sub3A_66, %jit3A_67 : i32
    %ne3A_85 = arith.constant 0 : i32
    %ne3A_86 = arith.cmpi ne, %rem3A_84, %ne3A_85 : i32
    %and3A_87 = arith.andi %ne3A_83, %ne3A_86 : i1
    %sub3A_88 = arith.constant 1 : i32
    %sub3A_89 = arith.subi %div3A_68, %sub3A_88 : i32
    %select_n3A_90 = arith.select %and3A_87, %sub3A_89, %div3A_68 : i32
    %while3A = arith.constant 0 : i32
    %while3A_91 = arith.subi %select_n3A_90, %select_n3A : i32
    %while3A_92 = arith.addi %select_n3A, %while3A_91 : i32
    %while3A_93 = arith.constant 1 : i32
    %while3A_94 = arith.divsi %while3A_91, %while3A_93 : i32
    %while3A_95 = arith.muli %while3A_94, %while3A_93 : i32
    %while3A_96 = arith.addi %select_n3A, %while3A_95 : i32
    %while3A_97 = arith.constant 1 : i32
    %while3A_98 = scf.for %while3A_358 = %select_n3A to %while3A_96 step %while3A_97 iter_args(%while3A_359 = %while3A) -> (i32)  : i32 {
      %mul3A_360 = arith.constant 8192 : i32
      %mul3A_361 = arith.muli %while3A_358, %mul3A_360 : i32
      %mul3A_362 = arith.constant 8192 : i32
      %mul3A_363 = arith.muli %while3A_358, %mul3A_362 : i32
      %add3A_364 = arith.constant 129992 : i32
      %add3A_365 = arith.addi %add3A_364, %mul3A_363 : i32
      %lt3A = arith.constant 15 : i32
      %lt3A_366 = arith.cmpi slt, %while3A_358, %lt3A : i32
      %convert_element_type3A = arith.extui %lt3A_366 : i1 to i32
      %cond3A = arith.constant 0 : i32
      %cond3A_367 = arith.cmpi ne, %convert_element_type3A, %cond3A : i32
      scf.if %cond3A_367 {
        %dma_start3A_394 = tpu.memref_slice %arg2[%mul3A_361] : memref<260000xf32, #tpu.memory_space<hbm>> -> memref<8192xf32, #tpu.memory_space<hbm>>
        %dma_start3A_395 = tpu.memref_slice %arg2[%mul3A_361] : memref<260000xf32, #tpu.memory_space<hbm>> -> memref<8192xf32, #tpu.memory_space<hbm>>
        tpu.enqueue_dma source(%dma_start3A_395 : memref<8192xf32, #tpu.memory_space<hbm>>) target(%arg8 : memref<8192xf32, #tpu.memory_space<vmem>>) target_semaphore(%arg15 : memref<!tpu.dma_semaphore, #tpu.memory_space<semaphore_mem>>)
        %dma_start3A_396 = tpu.memref_slice %arg2[%add3A_365] : memref<260000xf32, #tpu.memory_space<hbm>> -> memref<8208xf32, #tpu.memory_space<hbm>>
        %dma_start3A_397 = tpu.memref_slice %arg2[%add3A_365] : memref<260000xf32, #tpu.memory_space<hbm>> -> memref<8208xf32, #tpu.memory_space<hbm>>
        tpu.enqueue_dma source(%dma_start3A_397 : memref<8208xf32, #tpu.memory_space<hbm>>) target(%arg9 : memref<8208xf32, #tpu.memory_space<vmem>>) target_semaphore(%arg15 : memref<!tpu.dma_semaphore, #tpu.memory_space<semaphore_mem>>)
        %dma_start3A_398 = tpu.memref_slice %arg3[%mul3A_361] : memref<130000xf32, #tpu.memory_space<hbm>> -> memref<8192xf32, #tpu.memory_space<hbm>>
        %dma_start3A_399 = tpu.memref_slice %arg3[%mul3A_361] : memref<130000xf32, #tpu.memory_space<hbm>> -> memref<8192xf32, #tpu.memory_space<hbm>>
        tpu.enqueue_dma source(%dma_start3A_399 : memref<8192xf32, #tpu.memory_space<hbm>>) target(%arg10 : memref<8192xf32, #tpu.memory_space<vmem>>) target_semaphore(%arg15 : memref<!tpu.dma_semaphore, #tpu.memory_space<semaphore_mem>>)
        %dma_start3A_400 = tpu.memref_slice %arg4[%mul3A_361] : memref<130000xf32, #tpu.memory_space<hbm>> -> memref<8192xf32, #tpu.memory_space<hbm>>
        %dma_start3A_401 = tpu.memref_slice %arg4[%mul3A_361] : memref<130000xf32, #tpu.memory_space<hbm>> -> memref<8192xf32, #tpu.memory_space<hbm>>
        tpu.enqueue_dma source(%dma_start3A_401 : memref<8192xf32, #tpu.memory_space<hbm>>) target(%arg11 : memref<8192xf32, #tpu.memory_space<vmem>>) target_semaphore(%arg15 : memref<!tpu.dma_semaphore, #tpu.memory_space<semaphore_mem>>)
        %dma_wait3A_402 = tpu.memref_slice %arg2[%mul3A_361] : memref<260000xf32, #tpu.memory_space<hbm>> -> memref<8192xf32, #tpu.memory_space<hbm>>
        %dma_wait3A_403 = tpu.memref_slice %arg2[%mul3A_361] : memref<260000xf32, #tpu.memory_space<hbm>> -> memref<8192xf32, #tpu.memory_space<hbm>>
        tpu.wait_dma2 semaphore(%arg15 : memref<!tpu.dma_semaphore, #tpu.memory_space<semaphore_mem>>) src(%dma_wait3A_403 : memref<8192xf32, #tpu.memory_space<hbm>>) dst(%arg8 : memref<8192xf32, #tpu.memory_space<vmem>>)
        %dma_wait3A_404 = tpu.memref_slice %arg2[%add3A_365] : memref<260000xf32, #tpu.memory_space<hbm>> -> memref<8208xf32, #tpu.memory_space<hbm>>
        %dma_wait3A_405 = tpu.memref_slice %arg2[%add3A_365] : memref<260000xf32, #tpu.memory_space<hbm>> -> memref<8208xf32, #tpu.memory_space<hbm>>
        tpu.wait_dma2 semaphore(%arg15 : memref<!tpu.dma_semaphore, #tpu.memory_space<semaphore_mem>>) src(%dma_wait3A_405 : memref<8208xf32, #tpu.memory_space<hbm>>) dst(%arg9 : memref<8208xf32, #tpu.memory_space<vmem>>)
        %dma_wait3A_406 = tpu.memref_slice %arg3[%mul3A_361] : memref<130000xf32, #tpu.memory_space<hbm>> -> memref<8192xf32, #tpu.memory_space<hbm>>
        %dma_wait3A_407 = tpu.memref_slice %arg3[%mul3A_361] : memref<130000xf32, #tpu.memory_space<hbm>> -> memref<8192xf32, #tpu.memory_space<hbm>>
        tpu.wait_dma2 semaphore(%arg15 : memref<!tpu.dma_semaphore, #tpu.memory_space<semaphore_mem>>) src(%dma_wait3A_407 : memref<8192xf32, #tpu.memory_space<hbm>>) dst(%arg10 : memref<8192xf32, #tpu.memory_space<vmem>>)
        %dma_wait3A_408 = tpu.memref_slice %arg4[%mul3A_361] : memref<130000xf32, #tpu.memory_space<hbm>> -> memref<8192xf32, #tpu.memory_space<hbm>>
        %dma_wait3A_409 = tpu.memref_slice %arg4[%mul3A_361] : memref<130000xf32, #tpu.memory_space<hbm>> -> memref<8192xf32, #tpu.memory_space<hbm>>
        tpu.wait_dma2 semaphore(%arg15 : memref<!tpu.dma_semaphore, #tpu.memory_space<semaphore_mem>>) src(%dma_wait3A_409 : memref<8192xf32, #tpu.memory_space<hbm>>) dst(%arg11 : memref<8192xf32, #tpu.memory_space<vmem>>)
      } else {
      }
      %eq3A = arith.constant 15 : i32
      %eq3A_368 = arith.cmpi eq, %while3A_358, %eq3A : i32
      %convert_element_type3A_369 = arith.extui %eq3A_368 : i1 to i32
      %cond3A_370 = arith.constant 0 : i32
      %cond3A_371 = arith.cmpi ne, %convert_element_type3A_369, %cond3A_370 : i32
      scf.if %cond3A_371 {
        %dma_start3A_394 = arith.constant 0 : i32
        %dma_start3A_395 = tpu.memref_slice %arg8[%dma_start3A_394] : memref<8192xf32, #tpu.memory_space<vmem>> -> memref<7120xf32, #tpu.memory_space<vmem>>
        %dma_start3A_396 = tpu.memref_slice %arg2[%mul3A_361] : memref<260000xf32, #tpu.memory_space<hbm>> -> memref<7120xf32, #tpu.memory_space<hbm>>
        %dma_start3A_397 = arith.constant 0 : i32
        %dma_start3A_398 = tpu.memref_slice %arg8[%dma_start3A_397] : memref<8192xf32, #tpu.memory_space<vmem>> -> memref<7120xf32, #tpu.memory_space<vmem>>
        %dma_start3A_399 = tpu.memref_slice %arg2[%mul3A_361] : memref<260000xf32, #tpu.memory_space<hbm>> -> memref<7120xf32, #tpu.memory_space<hbm>>
        tpu.enqueue_dma source(%dma_start3A_399 : memref<7120xf32, #tpu.memory_space<hbm>>) target(%dma_start3A_398 : memref<7120xf32, #tpu.memory_space<vmem>>) target_semaphore(%arg15 : memref<!tpu.dma_semaphore, #tpu.memory_space<semaphore_mem>>)
        %dma_start3A_400 = arith.constant 0 : i32
        %dma_start3A_401 = tpu.memref_slice %arg9[%dma_start3A_400] : memref<8208xf32, #tpu.memory_space<vmem>> -> memref<7128xf32, #tpu.memory_space<vmem>>
        %dma_start3A_402 = tpu.memref_slice %arg2[%add3A_365] : memref<260000xf32, #tpu.memory_space<hbm>> -> memref<7128xf32, #tpu.memory_space<hbm>>
        %dma_start3A_403 = arith.constant 0 : i32
        %dma_start3A_404 = tpu.memref_slice %arg9[%dma_start3A_403] : memref<8208xf32, #tpu.memory_space<vmem>> -> memref<7128xf32, #tpu.memory_space<vmem>>
        %dma_start3A_405 = tpu.memref_slice %arg2[%add3A_365] : memref<260000xf32, #tpu.memory_space<hbm>> -> memref<7128xf32, #tpu.memory_space<hbm>>
        tpu.enqueue_dma source(%dma_start3A_405 : memref<7128xf32, #tpu.memory_space<hbm>>) target(%dma_start3A_404 : memref<7128xf32, #tpu.memory_space<vmem>>) target_semaphore(%arg15 : memref<!tpu.dma_semaphore, #tpu.memory_space<semaphore_mem>>)
        %dma_start3A_406 = arith.constant 0 : i32
        %dma_start3A_407 = tpu.memref_slice %arg10[%dma_start3A_406] : memref<8192xf32, #tpu.memory_space<vmem>> -> memref<7120xf32, #tpu.memory_space<vmem>>
        %dma_start3A_408 = tpu.memref_slice %arg3[%mul3A_361] : memref<130000xf32, #tpu.memory_space<hbm>> -> memref<7120xf32, #tpu.memory_space<hbm>>
        %dma_start3A_409 = arith.constant 0 : i32
        %dma_start3A_410 = tpu.memref_slice %arg10[%dma_start3A_409] : memref<8192xf32, #tpu.memory_space<vmem>> -> memref<7120xf32, #tpu.memory_space<vmem>>
        %dma_start3A_411 = tpu.memref_slice %arg3[%mul3A_361] : memref<130000xf32, #tpu.memory_space<hbm>> -> memref<7120xf32, #tpu.memory_space<hbm>>
        tpu.enqueue_dma source(%dma_start3A_411 : memref<7120xf32, #tpu.memory_space<hbm>>) target(%dma_start3A_410 : memref<7120xf32, #tpu.memory_space<vmem>>) target_semaphore(%arg15 : memref<!tpu.dma_semaphore, #tpu.memory_space<semaphore_mem>>)
        %dma_start3A_412 = arith.constant 0 : i32
        %dma_start3A_413 = tpu.memref_slice %arg11[%dma_start3A_412] : memref<8192xf32, #tpu.memory_space<vmem>> -> memref<7120xf32, #tpu.memory_space<vmem>>
        %dma_start3A_414 = tpu.memref_slice %arg4[%mul3A_361] : memref<130000xf32, #tpu.memory_space<hbm>> -> memref<7120xf32, #tpu.memory_space<hbm>>
        %dma_start3A_415 = arith.constant 0 : i32
        %dma_start3A_416 = tpu.memref_slice %arg11[%dma_start3A_415] : memref<8192xf32, #tpu.memory_space<vmem>> -> memref<7120xf32, #tpu.memory_space<vmem>>
        %dma_start3A_417 = tpu.memref_slice %arg4[%mul3A_361] : memref<130000xf32, #tpu.memory_space<hbm>> -> memref<7120xf32, #tpu.memory_space<hbm>>
        tpu.enqueue_dma source(%dma_start3A_417 : memref<7120xf32, #tpu.memory_space<hbm>>) target(%dma_start3A_416 : memref<7120xf32, #tpu.memory_space<vmem>>) target_semaphore(%arg15 : memref<!tpu.dma_semaphore, #tpu.memory_space<semaphore_mem>>)
        %dma_wait3A_418 = arith.constant 0 : i32
        %dma_wait3A_419 = tpu.memref_slice %arg8[%dma_wait3A_418] : memref<8192xf32, #tpu.memory_space<vmem>> -> memref<7120xf32, #tpu.memory_space<vmem>>
        %dma_wait3A_420 = tpu.memref_slice %arg2[%mul3A_361] : memref<260000xf32, #tpu.memory_space<hbm>> -> memref<7120xf32, #tpu.memory_space<hbm>>
        %dma_wait3A_421 = arith.constant 0 : i32
        %dma_wait3A_422 = tpu.memref_slice %arg8[%dma_wait3A_421] : memref<8192xf32, #tpu.memory_space<vmem>> -> memref<7120xf32, #tpu.memory_space<vmem>>
        %dma_wait3A_423 = tpu.memref_slice %arg2[%mul3A_361] : memref<260000xf32, #tpu.memory_space<hbm>> -> memref<7120xf32, #tpu.memory_space<hbm>>
        tpu.wait_dma2 semaphore(%arg15 : memref<!tpu.dma_semaphore, #tpu.memory_space<semaphore_mem>>) src(%dma_wait3A_423 : memref<7120xf32, #tpu.memory_space<hbm>>) dst(%dma_wait3A_422 : memref<7120xf32, #tpu.memory_space<vmem>>)
        %dma_wait3A_424 = arith.constant 0 : i32
        %dma_wait3A_425 = tpu.memref_slice %arg9[%dma_wait3A_424] : memref<8208xf32, #tpu.memory_space<vmem>> -> memref<7128xf32, #tpu.memory_space<vmem>>
        %dma_wait3A_426 = tpu.memref_slice %arg2[%add3A_365] : memref<260000xf32, #tpu.memory_space<hbm>> -> memref<7128xf32, #tpu.memory_space<hbm>>
        %dma_wait3A_427 = arith.constant 0 : i32
        %dma_wait3A_428 = tpu.memref_slice %arg9[%dma_wait3A_427] : memref<8208xf32, #tpu.memory_space<vmem>> -> memref<7128xf32, #tpu.memory_space<vmem>>
        %dma_wait3A_429 = tpu.memref_slice %arg2[%add3A_365] : memref<260000xf32, #tpu.memory_space<hbm>> -> memref<7128xf32, #tpu.memory_space<hbm>>
        tpu.wait_dma2 semaphore(%arg15 : memref<!tpu.dma_semaphore, #tpu.memory_space<semaphore_mem>>) src(%dma_wait3A_429 : memref<7128xf32, #tpu.memory_space<hbm>>) dst(%dma_wait3A_428 : memref<7128xf32, #tpu.memory_space<vmem>>)
        %dma_wait3A_430 = arith.constant 0 : i32
        %dma_wait3A_431 = tpu.memref_slice %arg10[%dma_wait3A_430] : memref<8192xf32, #tpu.memory_space<vmem>> -> memref<7120xf32, #tpu.memory_space<vmem>>
        %dma_wait3A_432 = tpu.memref_slice %arg3[%mul3A_361] : memref<130000xf32, #tpu.memory_space<hbm>> -> memref<7120xf32, #tpu.memory_space<hbm>>
        %dma_wait3A_433 = arith.constant 0 : i32
        %dma_wait3A_434 = tpu.memref_slice %arg10[%dma_wait3A_433] : memref<8192xf32, #tpu.memory_space<vmem>> -> memref<7120xf32, #tpu.memory_space<vmem>>
        %dma_wait3A_435 = tpu.memref_slice %arg3[%mul3A_361] : memref<130000xf32, #tpu.memory_space<hbm>> -> memref<7120xf32, #tpu.memory_space<hbm>>
        tpu.wait_dma2 semaphore(%arg15 : memref<!tpu.dma_semaphore, #tpu.memory_space<semaphore_mem>>) src(%dma_wait3A_435 : memref<7120xf32, #tpu.memory_space<hbm>>) dst(%dma_wait3A_434 : memref<7120xf32, #tpu.memory_space<vmem>>)
        %dma_wait3A_436 = arith.constant 0 : i32
        %dma_wait3A_437 = tpu.memref_slice %arg11[%dma_wait3A_436] : memref<8192xf32, #tpu.memory_space<vmem>> -> memref<7120xf32, #tpu.memory_space<vmem>>
        %dma_wait3A_438 = tpu.memref_slice %arg4[%mul3A_361] : memref<130000xf32, #tpu.memory_space<hbm>> -> memref<7120xf32, #tpu.memory_space<hbm>>
        %dma_wait3A_439 = arith.constant 0 : i32
        %dma_wait3A_440 = tpu.memref_slice %arg11[%dma_wait3A_439] : memref<8192xf32, #tpu.memory_space<vmem>> -> memref<7120xf32, #tpu.memory_space<vmem>>
        %dma_wait3A_441 = tpu.memref_slice %arg4[%mul3A_361] : memref<130000xf32, #tpu.memory_space<hbm>> -> memref<7120xf32, #tpu.memory_space<hbm>>
        tpu.wait_dma2 semaphore(%arg15 : memref<!tpu.dma_semaphore, #tpu.memory_space<semaphore_mem>>) src(%dma_wait3A_441 : memref<7120xf32, #tpu.memory_space<hbm>>) dst(%dma_wait3A_440 : memref<7120xf32, #tpu.memory_space<vmem>>)
      } else {
      }
      %mul3A_372 = arith.constant 512 : i32
      %mul3A_373 = arith.muli %while3A_358, %mul3A_372 : i32
      %sub3A_374 = arith.subi %min3A_22, %mul3A_373 : i32
      %jit3A_375 = arith.constant 0 : i32
      %jit3A_376 = arith.constant 512 : i32
      %max3A_377 = arith.maxsi %jit3A_375, %sub3A_374 : i32
      %min3A_378 = arith.minsi %jit3A_376, %max3A_377 : i32
      %sub3A_379 = arith.subi %min3A_24, %mul3A_373 : i32
      %jit3A_380 = arith.constant 0 : i32
      %jit3A_381 = arith.constant 512 : i32
      %max3A_382 = arith.maxsi %jit3A_380, %sub3A_379 : i32
      %min3A_383 = arith.minsi %jit3A_381, %max3A_382 : i32
      %while3A_384 = arith.constant 0 : i32
      %while3A_385 = arith.subi %min3A_383, %min3A_378 : i32
      %while3A_386 = arith.addi %min3A_378, %while3A_385 : i32
      %while3A_387 = arith.constant 1 : i32
      %while3A_388 = arith.divsi %while3A_385, %while3A_387 : i32
      %while3A_389 = arith.muli %while3A_388, %while3A_387 : i32
      %while3A_390 = arith.addi %min3A_378, %while3A_389 : i32
      %while3A_391 = arith.constant 1 : i32
      scf.for %while3A_394 = %min3A_378 to %while3A_390 step %while3A_391  : i32 {
        %mul3A_395 = arith.constant 16 : i32
        %mul3A_396 = arith.muli %while3A_394, %mul3A_395 : i32
        %get3A = arith.index_cast %mul3A_396 : i32 to index
        %get3A_397 = tpu.vector_load %arg8[%get3A] {strides = array<i32>} : memref<8192xf32, #tpu.memory_space<vmem>>, vector<16xf32>,
        %mul3A_398 = arith.constant 16 : i32
        %mul3A_399 = arith.muli %while3A_394, %mul3A_398 : i32
        %add3A_400 = arith.constant 8 : i32
        %add3A_401 = arith.addi %mul3A_399, %add3A_400 : i32
        %get3A_402 = arith.index_cast %add3A_401 : i32 to index
        %get3A_403 = tpu.vector_load %arg9[%get3A_402] {strides = array<i32>} : memref<8208xf32, #tpu.memory_space<vmem>>, vector<16xf32>,
        %get3A_404 = arith.index_cast %mul3A_396 : i32 to index
        %get3A_405 = tpu.vector_load %arg10[%get3A_404] {strides = array<i32>} : memref<8192xf32, #tpu.memory_space<vmem>>, vector<16xf32>,
        %get3A_406 = arith.index_cast %mul3A_396 : i32 to index
        %get3A_407 = tpu.vector_load %arg11[%get3A_406] {strides = array<i32>} : memref<8192xf32, #tpu.memory_space<vmem>>, vector<16xf32>,
        %max3A_408 = arith.constant 1.41421354 : f32
        %max3A_409 = vector.broadcast %max3A_408 : f32 to vector<16xf32>
        %max3A_410 = arith.maximumf %get3A_405, %max3A_409 : vector<16xf32>
        %max3A_411 = arith.constant 1.41421354 : f32
        %max3A_412 = vector.broadcast %max3A_411 : f32 to vector<16xf32>
        %max3A_413 = arith.maximumf %get3A_407, %max3A_412 : vector<16xf32>
        %sub3A_414 = arith.subf %get3A_405, %max3A_410 : vector<16xf32>
        %mul3A_415 = arith.constant 5.000000e-01 : f32
        %mul3A_416 = vector.broadcast %mul3A_415 : f32 to vector<16xf32>
        %mul3A_417 = arith.mulf %sub3A_414, %mul3A_416 : vector<16xf32>
        %add3A_418 = arith.addf %get3A_397, %mul3A_417 : vector<16xf32>
        %sub3A_419 = arith.subf %get3A_407, %max3A_413 : vector<16xf32>
        %mul3A_420 = arith.constant 5.000000e-01 : f32
        %mul3A_421 = vector.broadcast %mul3A_420 : f32 to vector<16xf32>
        %mul3A_422 = arith.mulf %sub3A_419, %mul3A_421 : vector<16xf32>
        %add3A_423 = arith.addf %get3A_403, %mul3A_422 : vector<16xf32>
        %mul3A_424 = arith.mulf %get3A_405, %get3A_407 : vector<16xf32>
        %mul3A_425 = arith.mulf %max3A_410, %max3A_413 : vector<16xf32>
        %div3A_426 = arith.divf %mul3A_424, %mul3A_425 : vector<16xf32>
        %add3A_427 = arith.constant 1.000000e+00 : f32
        %add3A_428 = vector.broadcast %add3A_427 : f32 to vector<16xf32>
        %add3A_429 = arith.addf %add3A_418, %add3A_428 : vector<16xf32>
        %convert_element_type3A_430 = arith.fptosi %add3A_429 : vector<16xf32> to vector<16xi32>
        %sub3A_431 = arith.constant 1 : i32
        %sub3A_432 = vector.broadcast %sub3A_431 : i32 to vector<16xi32>
        %sub3A_433 = arith.subi %convert_element_type3A_430, %sub3A_432 : vector<16xi32>
        %add3A_434 = arith.constant 1.000000e+00 : f32
        %add3A_435 = vector.broadcast %add3A_434 : f32 to vector<16xf32>
        %add3A_436 = arith.addf %add3A_423, %add3A_435 : vector<16xf32>
        %convert_element_type3A_437 = arith.fptosi %add3A_436 : vector<16xf32> to vector<16xi32>
        %sub3A_438 = arith.constant 1 : i32
        %sub3A_439 = vector.broadcast %sub3A_438 : i32 to vector<16xi32>
        %sub3A_440 = arith.subi %convert_element_type3A_437, %sub3A_439 : vector<16xi32>
        %convert_element_type3A_441 = arith.sitofp %sub3A_433 : vector<16xi32> to vector<16xf32>
        %convert_element_type3A_442 = arith.sitofp %sub3A_440 : vector<16xi32> to vector<16xf32>
        %sub3A_443 = arith.subf %add3A_418, %convert_element_type3A_441 : vector<16xf32>
        %add3A_444 = arith.addf %sub3A_443, %max3A_410 : vector<16xf32>
        %sub3A_445 = arith.subf %add3A_423, %convert_element_type3A_442 : vector<16xf32>
        %add3A_446 = arith.addf %sub3A_445, %max3A_413 : vector<16xf32>
        %min3A_447 = arith.constant 1.000000e+00 : f32
        %min3A_448 = vector.broadcast %min3A_447 : f32 to vector<16xf32>
        %min3A_449 = arith.minimumf %add3A_444, %min3A_448 : vector<16xf32>
        %sub3A_450 = arith.subf %min3A_449, %sub3A_443 : vector<16xf32>
        %sub3A_451 = arith.constant 1.000000e+00 : f32
        %sub3A_452 = vector.broadcast %sub3A_451 : f32 to vector<16xf32>
        %sub3A_453 = arith.subf %add3A_444, %sub3A_452 : vector<16xf32>
        %min3A_454 = arith.constant 1.000000e+00 : f32
        %min3A_455 = vector.broadcast %min3A_454 : f32 to vector<16xf32>
        %min3A_456 = arith.minimumf %sub3A_453, %min3A_455 : vector<16xf32>
        %max3A_457 = arith.constant 0.000000e+00 : f32
        %max3A_458 = vector.broadcast %max3A_457 : f32 to vector<16xf32>
        %max3A_459 = arith.maximumf %min3A_456, %max3A_458 : vector<16xf32>
        %sub3A_460 = arith.constant 2.000000e+00 : f32
        %sub3A_461 = vector.broadcast %sub3A_460 : f32 to vector<16xf32>
        %sub3A_462 = arith.subf %add3A_444, %sub3A_461 : vector<16xf32>
        %min3A_463 = arith.constant 1.000000e+00 : f32
        %min3A_464 = vector.broadcast %min3A_463 : f32 to vector<16xf32>
        %min3A_465 = arith.minimumf %sub3A_462, %min3A_464 : vector<16xf32>
        %max3A_466 = arith.constant 0.000000e+00 : f32
        %max3A_467 = vector.broadcast %max3A_466 : f32 to vector<16xf32>
        %max3A_468 = arith.maximumf %min3A_465, %max3A_467 : vector<16xf32>
        %min3A_469 = arith.constant 1.000000e+00 : f32
        %min3A_470 = vector.broadcast %min3A_469 : f32 to vector<16xf32>
        %min3A_471 = arith.minimumf %add3A_446, %min3A_470 : vector<16xf32>
        %sub3A_472 = arith.subf %min3A_471, %sub3A_445 : vector<16xf32>
        %sub3A_473 = arith.constant 1.000000e+00 : f32
        %sub3A_474 = vector.broadcast %sub3A_473 : f32 to vector<16xf32>
        %sub3A_475 = arith.subf %add3A_446, %sub3A_474 : vector<16xf32>
        %min3A_476 = arith.constant 1.000000e+00 : f32
        %min3A_477 = vector.broadcast %min3A_476 : f32 to vector<16xf32>
        %min3A_478 = arith.minimumf %sub3A_475, %min3A_477 : vector<16xf32>
        %max3A_479 = arith.constant 0.000000e+00 : f32
        %max3A_480 = vector.broadcast %max3A_479 : f32 to vector<16xf32>
        %max3A_481 = arith.maximumf %min3A_478, %max3A_480 : vector<16xf32>
        %sub3A_482 = arith.constant 2.000000e+00 : f32
        %sub3A_483 = vector.broadcast %sub3A_482 : f32 to vector<16xf32>
        %sub3A_484 = arith.subf %add3A_446, %sub3A_483 : vector<16xf32>
        %min3A_485 = arith.constant 1.000000e+00 : f32
        %min3A_486 = vector.broadcast %min3A_485 : f32 to vector<16xf32>
        %min3A_487 = arith.minimumf %sub3A_484, %min3A_486 : vector<16xf32>
        %max3A_488 = arith.constant 0.000000e+00 : f32
        %max3A_489 = vector.broadcast %max3A_488 : f32 to vector<16xf32>
        %max3A_490 = arith.maximumf %min3A_487, %max3A_489 : vector<16xf32>
        %shift_left3A = arith.constant 7 : i32
        %shift_left3A_491 = arith.shli %add3A, %shift_left3A : i32
        %sub3A_492 = vector.broadcast %shift_left3A_491 : i32 to vector<16xi32>
        %sub3A_493 = arith.subi %sub3A_433, %sub3A_492 : vector<16xi32>
        %mul3A_494 = arith.mulf %div3A_426, %sub3A_450 : vector<16xf32>
        %mul3A_495 = arith.mulf %div3A_426, %max3A_459 : vector<16xf32>
        %mul3A_496 = arith.mulf %div3A_426, %max3A_468 : vector<16xf32>
        %add3A_497 = arith.constant 0 : i32
        %add3A_498 = vector.broadcast %add3A_497 : i32 to vector<16xi32>
        %add3A_499 = arith.addi %sub3A_493, %add3A_498 : vector<16xi32>
        %add3A_500 = arith.constant 1 : i32
        %add3A_501 = vector.broadcast %add3A_500 : i32 to vector<16xi32>
        %add3A_502 = arith.addi %sub3A_493, %add3A_501 : vector<16xi32>
        %add3A_503 = arith.constant 2 : i32
        %add3A_504 = vector.broadcast %add3A_503 : i32 to vector<16xi32>
        %add3A_505 = arith.addi %sub3A_493, %add3A_504 : vector<16xi32>
        %bitcast_convert_type3A = tpu.bitcast %add3A_499 : vector<16xi32> -> vector<16xi32>
        %lt3A_506 = arith.constant 128 : i32
        %lt3A_507 = vector.broadcast %lt3A_506 : i32 to vector<16xi32>
        %lt3A_508 = arith.cmpi ult, %bitcast_convert_type3A, %lt3A_507 : vector<16xi32>
        %bitcast_convert_type3A_509 = tpu.bitcast %add3A_502 : vector<16xi32> -> vector<16xi32>
        %lt3A_510 = arith.constant 128 : i32
        %lt3A_511 = vector.broadcast %lt3A_510 : i32 to vector<16xi32>
        %lt3A_512 = arith.cmpi ult, %bitcast_convert_type3A_509, %lt3A_511 : vector<16xi32>
        %bitcast_convert_type3A_513 = tpu.bitcast %add3A_505 : vector<16xi32> -> vector<16xi32>
        %lt3A_514 = arith.constant 128 : i32
        %lt3A_515 = vector.broadcast %lt3A_514 : i32 to vector<16xi32>
        %lt3A_516 = arith.cmpi ult, %bitcast_convert_type3A_513, %lt3A_515 : vector<16xi32>
        %ge3A = arith.constant 0 : i32
        %ge3A_517 = vector.broadcast %ge3A : i32 to vector<16xi32>
        %ge3A_518 = arith.cmpi sge, %sub3A_440, %ge3A_517 : vector<16xi32>
        %jit3A_519 = arith.constant 0.000000e+00 : f32
        %broadcast_in_dim3A_520 = vector.broadcast %jit3A_519 : f32 to vector<16xf32>
        %select_n3A_521 = arith.select %ge3A_518, %sub3A_472, %broadcast_in_dim3A_520 : vector<16xi1>, vector<16xf32>
        %and3A_522 = arith.constant 511 : i32
        %and3A_523 = vector.broadcast %and3A_522 : i32 to vector<16xi32>
        %and3A_524 = arith.andi %sub3A_440, %and3A_523 : vector<16xi32>
        %add3A_525 = arith.constant 1 : i32
        %add3A_526 = vector.broadcast %add3A_525 : i32 to vector<16xi32>
        %add3A_527 = arith.addi %sub3A_440, %add3A_526 : vector<16xi32>
        %add3A_528 = arith.constant 2 : i32
        %add3A_529 = vector.broadcast %add3A_528 : i32 to vector<16xi32>
        %add3A_530 = arith.addi %sub3A_440, %add3A_529 : vector<16xi32>
        %shift_left3A_531 = arith.constant 9 : i32
        %shift_left3A_532 = vector.broadcast %shift_left3A_531 : i32 to vector<16xi32>
        %shift_left3A_533 = arith.shli %add3A_499, %shift_left3A_532 : vector<16xi32>
        %shift_left3A_534 = arith.constant 9 : i32
        %shift_left3A_535 = vector.broadcast %shift_left3A_534 : i32 to vector<16xi32>
        %shift_left3A_536 = arith.shli %add3A_502, %shift_left3A_535 : vector<16xi32>
        %shift_left3A_537 = arith.constant 9 : i32
        %shift_left3A_538 = vector.broadcast %shift_left3A_537 : i32 to vector<16xi32>
        %shift_left3A_539 = arith.shli %add3A_505, %shift_left3A_538 : vector<16xi32>
        %add3A_540 = arith.addi %shift_left3A_533, %and3A_524 : vector<16xi32>
        %mul3A_541 = arith.mulf %mul3A_494, %select_n3A_521 : vector<16xf32>
        tpu.vector_store_idx %arg7[%add3A_540], %mul3A_541 masked %lt3A_508 {add = true} : memref<65536xf32, #tpu.memory_space<vmem>>[vector<16xi32>], vector<16xf32>, vector<16xi1>
        %add3A_542 = arith.addi %shift_left3A_533, %add3A_527 : vector<16xi32>
        %mul3A_543 = arith.mulf %mul3A_494, %max3A_481 : vector<16xf32>
        tpu.vector_store_idx %arg7[%add3A_542], %mul3A_543 masked %lt3A_508 {add = true} : memref<65536xf32, #tpu.memory_space<vmem>>[vector<16xi32>], vector<16xf32>, vector<16xi1>
        %add3A_544 = arith.addi %shift_left3A_533, %add3A_530 : vector<16xi32>
        %mul3A_545 = arith.mulf %mul3A_494, %max3A_490 : vector<16xf32>
        tpu.vector_store_idx %arg7[%add3A_544], %mul3A_545 masked %lt3A_508 {add = true} : memref<65536xf32, #tpu.memory_space<vmem>>[vector<16xi32>], vector<16xf32>, vector<16xi1>
        %add3A_546 = arith.addi %shift_left3A_536, %and3A_524 : vector<16xi32>
        %mul3A_547 = arith.mulf %mul3A_495, %select_n3A_521 : vector<16xf32>
        tpu.vector_store_idx %arg7[%add3A_546], %mul3A_547 masked %lt3A_512 {add = true} : memref<65536xf32, #tpu.memory_space<vmem>>[vector<16xi32>], vector<16xf32>, vector<16xi1>
        %add3A_548 = arith.addi %shift_left3A_536, %add3A_527 : vector<16xi32>
        %mul3A_549 = arith.mulf %mul3A_495, %max3A_481 : vector<16xf32>
        tpu.vector_store_idx %arg7[%add3A_548], %mul3A_549 masked %lt3A_512 {add = true} : memref<65536xf32, #tpu.memory_space<vmem>>[vector<16xi32>], vector<16xf32>, vector<16xi1>
        %add3A_550 = arith.addi %shift_left3A_536, %add3A_530 : vector<16xi32>
        %mul3A_551 = arith.mulf %mul3A_495, %max3A_490 : vector<16xf32>
        tpu.vector_store_idx %arg7[%add3A_550], %mul3A_551 masked %lt3A_512 {add = true} : memref<65536xf32, #tpu.memory_space<vmem>>[vector<16xi32>], vector<16xf32>, vector<16xi1>
        %add3A_552 = arith.addi %shift_left3A_539, %and3A_524 : vector<16xi32>
        %mul3A_553 = arith.mulf %mul3A_496, %select_n3A_521 : vector<16xf32>
        tpu.vector_store_idx %arg7[%add3A_552], %mul3A_553 masked %lt3A_516 {add = true} : memref<65536xf32, #tpu.memory_space<vmem>>[vector<16xi32>], vector<16xf32>, vector<16xi1>
        %add3A_554 = arith.addi %shift_left3A_539, %add3A_527 : vector<16xi32>
        %mul3A_555 = arith.mulf %mul3A_496, %max3A_481 : vector<16xf32>
        tpu.vector_store_idx %arg7[%add3A_554], %mul3A_555 masked %lt3A_516 {add = true} : memref<65536xf32, #tpu.memory_space<vmem>>[vector<16xi32>], vector<16xf32>, vector<16xi1>
        %add3A_556 = arith.addi %shift_left3A_539, %add3A_530 : vector<16xi32>
        %mul3A_557 = arith.mulf %mul3A_496, %max3A_490 : vector<16xf32>
        tpu.vector_store_idx %arg7[%add3A_556], %mul3A_557 masked %lt3A_516 {add = true} : memref<65536xf32, #tpu.memory_space<vmem>>[vector<16xi32>], vector<16xf32>, vector<16xi1>
      }
      %while3A_392 = arith.constant 1 : i32
      scf.for %while3A_394 = %while3A_390 to %while3A_386 step %while3A_392  : i32 {
        %mul3A_395 = arith.constant 16 : i32
        %mul3A_396 = arith.muli %while3A_394, %mul3A_395 : i32
        %get3A = arith.index_cast %mul3A_396 : i32 to index
        %get3A_397 = tpu.vector_load %arg8[%get3A] {strides = array<i32>} : memref<8192xf32, #tpu.memory_space<vmem>>, vector<16xf32>,
        %mul3A_398 = arith.constant 16 : i32
        %mul3A_399 = arith.muli %while3A_394, %mul3A_398 : i32
        %add3A_400 = arith.constant 8 : i32
        %add3A_401 = arith.addi %mul3A_399, %add3A_400 : i32
        %get3A_402 = arith.index_cast %add3A_401 : i32 to index
        %get3A_403 = tpu.vector_load %arg9[%get3A_402] {strides = array<i32>} : memref<8208xf32, #tpu.memory_space<vmem>>, vector<16xf32>,
        %get3A_404 = arith.index_cast %mul3A_396 : i32 to index
        %get3A_405 = tpu.vector_load %arg10[%get3A_404] {strides = array<i32>} : memref<8192xf32, #tpu.memory_space<vmem>>, vector<16xf32>,
        %get3A_406 = arith.index_cast %mul3A_396 : i32 to index
        %get3A_407 = tpu.vector_load %arg11[%get3A_406] {strides = array<i32>} : memref<8192xf32, #tpu.memory_space<vmem>>, vector<16xf32>,
        %max3A_408 = arith.constant 1.41421354 : f32
        %max3A_409 = vector.broadcast %max3A_408 : f32 to vector<16xf32>
        %max3A_410 = arith.maximumf %get3A_405, %max3A_409 : vector<16xf32>
        %max3A_411 = arith.constant 1.41421354 : f32
        %max3A_412 = vector.broadcast %max3A_411 : f32 to vector<16xf32>
        %max3A_413 = arith.maximumf %get3A_407, %max3A_412 : vector<16xf32>
        %sub3A_414 = arith.subf %get3A_405, %max3A_410 : vector<16xf32>
        %mul3A_415 = arith.constant 5.000000e-01 : f32
        %mul3A_416 = vector.broadcast %mul3A_415 : f32 to vector<16xf32>
        %mul3A_417 = arith.mulf %sub3A_414, %mul3A_416 : vector<16xf32>
        %add3A_418 = arith.addf %get3A_397, %mul3A_417 : vector<16xf32>
        %sub3A_419 = arith.subf %get3A_407, %max3A_413 : vector<16xf32>
        %mul3A_420 = arith.constant 5.000000e-01 : f32
        %mul3A_421 = vector.broadcast %mul3A_420 : f32 to vector<16xf32>
        %mul3A_422 = arith.mulf %sub3A_419, %mul3A_421 : vector<16xf32>
        %add3A_423 = arith.addf %get3A_403, %mul3A_422 : vector<16xf32>
        %mul3A_424 = arith.mulf %get3A_405, %get3A_407 : vector<16xf32>
        %mul3A_425 = arith.mulf %max3A_410, %max3A_413 : vector<16xf32>
        %div3A_426 = arith.divf %mul3A_424, %mul3A_425 : vector<16xf32>
        %add3A_427 = arith.constant 1.000000e+00 : f32
        %add3A_428 = vector.broadcast %add3A_427 : f32 to vector<16xf32>
        %add3A_429 = arith.addf %add3A_418, %add3A_428 : vector<16xf32>
        %convert_element_type3A_430 = arith.fptosi %add3A_429 : vector<16xf32> to vector<16xi32>
        %sub3A_431 = arith.constant 1 : i32
        %sub3A_432 = vector.broadcast %sub3A_431 : i32 to vector<16xi32>
        %sub3A_433 = arith.subi %convert_element_type3A_430, %sub3A_432 : vector<16xi32>
        %add3A_434 = arith.constant 1.000000e+00 : f32
        %add3A_435 = vector.broadcast %add3A_434 : f32 to vector<16xf32>
        %add3A_436 = arith.addf %add3A_423, %add3A_435 : vector<16xf32>
        %convert_element_type3A_437 = arith.fptosi %add3A_436 : vector<16xf32> to vector<16xi32>
        %sub3A_438 = arith.constant 1 : i32
        %sub3A_439 = vector.broadcast %sub3A_438 : i32 to vector<16xi32>
        %sub3A_440 = arith.subi %convert_element_type3A_437, %sub3A_439 : vector<16xi32>
        %convert_element_type3A_441 = arith.sitofp %sub3A_433 : vector<16xi32> to vector<16xf32>
        %convert_element_type3A_442 = arith.sitofp %sub3A_440 : vector<16xi32> to vector<16xf32>
        %sub3A_443 = arith.subf %add3A_418, %convert_element_type3A_441 : vector<16xf32>
        %add3A_444 = arith.addf %sub3A_443, %max3A_410 : vector<16xf32>
        %sub3A_445 = arith.subf %add3A_423, %convert_element_type3A_442 : vector<16xf32>
        %add3A_446 = arith.addf %sub3A_445, %max3A_413 : vector<16xf32>
        %min3A_447 = arith.constant 1.000000e+00 : f32
        %min3A_448 = vector.broadcast %min3A_447 : f32 to vector<16xf32>
        %min3A_449 = arith.minimumf %add3A_444, %min3A_448 : vector<16xf32>
        %sub3A_450 = arith.subf %min3A_449, %sub3A_443 : vector<16xf32>
        %sub3A_451 = arith.constant 1.000000e+00 : f32
        %sub3A_452 = vector.broadcast %sub3A_451 : f32 to vector<16xf32>
        %sub3A_453 = arith.subf %add3A_444, %sub3A_452 : vector<16xf32>
        %min3A_454 = arith.constant 1.000000e+00 : f32
        %min3A_455 = vector.broadcast %min3A_454 : f32 to vector<16xf32>
        %min3A_456 = arith.minimumf %sub3A_453, %min3A_455 : vector<16xf32>
        %max3A_457 = arith.constant 0.000000e+00 : f32
        %max3A_458 = vector.broadcast %max3A_457 : f32 to vector<16xf32>
        %max3A_459 = arith.maximumf %min3A_456, %max3A_458 : vector<16xf32>
        %sub3A_460 = arith.constant 2.000000e+00 : f32
        %sub3A_461 = vector.broadcast %sub3A_460 : f32 to vector<16xf32>
        %sub3A_462 = arith.subf %add3A_444, %sub3A_461 : vector<16xf32>
        %min3A_463 = arith.constant 1.000000e+00 : f32
        %min3A_464 = vector.broadcast %min3A_463 : f32 to vector<16xf32>
        %min3A_465 = arith.minimumf %sub3A_462, %min3A_464 : vector<16xf32>
        %max3A_466 = arith.constant 0.000000e+00 : f32
        %max3A_467 = vector.broadcast %max3A_466 : f32 to vector<16xf32>
        %max3A_468 = arith.maximumf %min3A_465, %max3A_467 : vector<16xf32>
        %min3A_469 = arith.constant 1.000000e+00 : f32
        %min3A_470 = vector.broadcast %min3A_469 : f32 to vector<16xf32>
        %min3A_471 = arith.minimumf %add3A_446, %min3A_470 : vector<16xf32>
        %sub3A_472 = arith.subf %min3A_471, %sub3A_445 : vector<16xf32>
        %sub3A_473 = arith.constant 1.000000e+00 : f32
        %sub3A_474 = vector.broadcast %sub3A_473 : f32 to vector<16xf32>
        %sub3A_475 = arith.subf %add3A_446, %sub3A_474 : vector<16xf32>
        %min3A_476 = arith.constant 1.000000e+00 : f32
        %min3A_477 = vector.broadcast %min3A_476 : f32 to vector<16xf32>
        %min3A_478 = arith.minimumf %sub3A_475, %min3A_477 : vector<16xf32>
        %max3A_479 = arith.constant 0.000000e+00 : f32
        %max3A_480 = vector.broadcast %max3A_479 : f32 to vector<16xf32>
        %max3A_481 = arith.maximumf %min3A_478, %max3A_480 : vector<16xf32>
        %sub3A_482 = arith.constant 2.000000e+00 : f32
        %sub3A_483 = vector.broadcast %sub3A_482 : f32 to vector<16xf32>
        %sub3A_484 = arith.subf %add3A_446, %sub3A_483 : vector<16xf32>
        %min3A_485 = arith.constant 1.000000e+00 : f32
        %min3A_486 = vector.broadcast %min3A_485 : f32 to vector<16xf32>
        %min3A_487 = arith.minimumf %sub3A_484, %min3A_486 : vector<16xf32>
        %max3A_488 = arith.constant 0.000000e+00 : f32
        %max3A_489 = vector.broadcast %max3A_488 : f32 to vector<16xf32>
        %max3A_490 = arith.maximumf %min3A_487, %max3A_489 : vector<16xf32>
        %shift_left3A = arith.constant 7 : i32
        %shift_left3A_491 = arith.shli %add3A, %shift_left3A : i32
        %sub3A_492 = vector.broadcast %shift_left3A_491 : i32 to vector<16xi32>
        %sub3A_493 = arith.subi %sub3A_433, %sub3A_492 : vector<16xi32>
        %mul3A_494 = arith.mulf %div3A_426, %sub3A_450 : vector<16xf32>
        %mul3A_495 = arith.mulf %div3A_426, %max3A_459 : vector<16xf32>
        %mul3A_496 = arith.mulf %div3A_426, %max3A_468 : vector<16xf32>
        %add3A_497 = arith.constant 0 : i32
        %add3A_498 = vector.broadcast %add3A_497 : i32 to vector<16xi32>
        %add3A_499 = arith.addi %sub3A_493, %add3A_498 : vector<16xi32>
        %add3A_500 = arith.constant 1 : i32
        %add3A_501 = vector.broadcast %add3A_500 : i32 to vector<16xi32>
        %add3A_502 = arith.addi %sub3A_493, %add3A_501 : vector<16xi32>
        %add3A_503 = arith.constant 2 : i32
        %add3A_504 = vector.broadcast %add3A_503 : i32 to vector<16xi32>
        %add3A_505 = arith.addi %sub3A_493, %add3A_504 : vector<16xi32>
        %bitcast_convert_type3A = tpu.bitcast %add3A_499 : vector<16xi32> -> vector<16xi32>
        %lt3A_506 = arith.constant 128 : i32
        %lt3A_507 = vector.broadcast %lt3A_506 : i32 to vector<16xi32>
        %lt3A_508 = arith.cmpi ult, %bitcast_convert_type3A, %lt3A_507 : vector<16xi32>
        %bitcast_convert_type3A_509 = tpu.bitcast %add3A_502 : vector<16xi32> -> vector<16xi32>
        %lt3A_510 = arith.constant 128 : i32
        %lt3A_511 = vector.broadcast %lt3A_510 : i32 to vector<16xi32>
        %lt3A_512 = arith.cmpi ult, %bitcast_convert_type3A_509, %lt3A_511 : vector<16xi32>
        %bitcast_convert_type3A_513 = tpu.bitcast %add3A_505 : vector<16xi32> -> vector<16xi32>
        %lt3A_514 = arith.constant 128 : i32
        %lt3A_515 = vector.broadcast %lt3A_514 : i32 to vector<16xi32>
        %lt3A_516 = arith.cmpi ult, %bitcast_convert_type3A_513, %lt3A_515 : vector<16xi32>
        %ge3A = arith.constant 0 : i32
        %ge3A_517 = vector.broadcast %ge3A : i32 to vector<16xi32>
        %ge3A_518 = arith.cmpi sge, %sub3A_440, %ge3A_517 : vector<16xi32>
        %jit3A_519 = arith.constant 0.000000e+00 : f32
        %broadcast_in_dim3A_520 = vector.broadcast %jit3A_519 : f32 to vector<16xf32>
        %select_n3A_521 = arith.select %ge3A_518, %sub3A_472, %broadcast_in_dim3A_520 : vector<16xi1>, vector<16xf32>
        %and3A_522 = arith.constant 511 : i32
        %and3A_523 = vector.broadcast %and3A_522 : i32 to vector<16xi32>
        %and3A_524 = arith.andi %sub3A_440, %and3A_523 : vector<16xi32>
        %add3A_525 = arith.constant 1 : i32
        %add3A_526 = vector.broadcast %add3A_525 : i32 to vector<16xi32>
        %add3A_527 = arith.addi %sub3A_440, %add3A_526 : vector<16xi32>
        %add3A_528 = arith.constant 2 : i32
        %add3A_529 = vector.broadcast %add3A_528 : i32 to vector<16xi32>
        %add3A_530 = arith.addi %sub3A_440, %add3A_529 : vector<16xi32>
        %shift_left3A_531 = arith.constant 9 : i32
        %shift_left3A_532 = vector.broadcast %shift_left3A_531 : i32 to vector<16xi32>
        %shift_left3A_533 = arith.shli %add3A_499, %shift_left3A_532 : vector<16xi32>
        %shift_left3A_534 = arith.constant 9 : i32
        %shift_left3A_535 = vector.broadcast %shift_left3A_534 : i32 to vector<16xi32>
        %shift_left3A_536 = arith.shli %add3A_502, %shift_left3A_535 : vector<16xi32>
        %shift_left3A_537 = arith.constant 9 : i32
        %shift_left3A_538 = vector.broadcast %shift_left3A_537 : i32 to vector<16xi32>
        %shift_left3A_539 = arith.shli %add3A_505, %shift_left3A_538 : vector<16xi32>
        %add3A_540 = arith.addi %shift_left3A_533, %and3A_524 : vector<16xi32>
        %mul3A_541 = arith.mulf %mul3A_494, %select_n3A_521 : vector<16xf32>
        tpu.vector_store_idx %arg7[%add3A_540], %mul3A_541 masked %lt3A_508 {add = true} : memref<65536xf32, #tpu.memory_space<vmem>>[vector<16xi32>], vector<16xf32>, vector<16xi1>
        %add3A_542 = arith.addi %shift_left3A_533, %add3A_527 : vector<16xi32>
        %mul3A_543 = arith.mulf %mul3A_494, %max3A_481 : vector<16xf32>
        tpu.vector_store_idx %arg7[%add3A_542], %mul3A_543 masked %lt3A_508 {add = true} : memref<65536xf32, #tpu.memory_space<vmem>>[vector<16xi32>], vector<16xf32>, vector<16xi1>
        %add3A_544 = arith.addi %shift_left3A_533, %add3A_530 : vector<16xi32>
        %mul3A_545 = arith.mulf %mul3A_494, %max3A_490 : vector<16xf32>
        tpu.vector_store_idx %arg7[%add3A_544], %mul3A_545 masked %lt3A_508 {add = true} : memref<65536xf32, #tpu.memory_space<vmem>>[vector<16xi32>], vector<16xf32>, vector<16xi1>
        %add3A_546 = arith.addi %shift_left3A_536, %and3A_524 : vector<16xi32>
        %mul3A_547 = arith.mulf %mul3A_495, %select_n3A_521 : vector<16xf32>
        tpu.vector_store_idx %arg7[%add3A_546], %mul3A_547 masked %lt3A_512 {add = true} : memref<65536xf32, #tpu.memory_space<vmem>>[vector<16xi32>], vector<16xf32>, vector<16xi1>
        %add3A_548 = arith.addi %shift_left3A_536, %add3A_527 : vector<16xi32>
        %mul3A_549 = arith.mulf %mul3A_495, %max3A_481 : vector<16xf32>
        tpu.vector_store_idx %arg7[%add3A_548], %mul3A_549 masked %lt3A_512 {add = true} : memref<65536xf32, #tpu.memory_space<vmem>>[vector<16xi32>], vector<16xf32>, vector<16xi1>
        %add3A_550 = arith.addi %shift_left3A_536, %add3A_530 : vector<16xi32>
        %mul3A_551 = arith.mulf %mul3A_495, %max3A_490 : vector<16xf32>
        tpu.vector_store_idx %arg7[%add3A_550], %mul3A_551 masked %lt3A_512 {add = true} : memref<65536xf32, #tpu.memory_space<vmem>>[vector<16xi32>], vector<16xf32>, vector<16xi1>
        %add3A_552 = arith.addi %shift_left3A_539, %and3A_524 : vector<16xi32>
        %mul3A_553 = arith.mulf %mul3A_496, %select_n3A_521 : vector<16xf32>
        tpu.vector_store_idx %arg7[%add3A_552], %mul3A_553 masked %lt3A_516 {add = true} : memref<65536xf32, #tpu.memory_space<vmem>>[vector<16xi32>], vector<16xf32>, vector<16xi1>
        %add3A_554 = arith.addi %shift_left3A_539, %add3A_527 : vector<16xi32>
        %mul3A_555 = arith.mulf %mul3A_496, %max3A_481 : vector<16xf32>
        tpu.vector_store_idx %arg7[%add3A_554], %mul3A_555 masked %lt3A_516 {add = true} : memref<65536xf32, #tpu.memory_space<vmem>>[vector<16xi32>], vector<16xf32>, vector<16xi1>
        %add3A_556 = arith.addi %shift_left3A_539, %add3A_530 : vector<16xi32>
        %mul3A_557 = arith.mulf %mul3A_496, %max3A_490 : vector<16xf32>
        tpu.vector_store_idx %arg7[%add3A_556], %mul3A_557 masked %lt3A_516 {add = true} : memref<65536xf32, #tpu.memory_space<vmem>>[vector<16xi32>], vector<16xf32>, vector<16xi1>
      }
      %while3A_393 = arith.constant 0 : i32
      scf.yield %while3A_393 : i32
    }
    %while3A_99 = arith.constant 1 : i32
    %while3A_100 = scf.for %while3A_358 = %while3A_96 to %while3A_92 step %while3A_99 iter_args(%while3A_359 = %while3A_98) -> (i32)  : i32 {
      %mul3A_360 = arith.constant 8192 : i32
      %mul3A_361 = arith.muli %while3A_358, %mul3A_360 : i32
      %mul3A_362 = arith.constant 8192 : i32
      %mul3A_363 = arith.muli %while3A_358, %mul3A_362 : i32
      %add3A_364 = arith.constant 129992 : i32
      %add3A_365 = arith.addi %add3A_364, %mul3A_363 : i32
      %lt3A = arith.constant 15 : i32
      %lt3A_366 = arith.cmpi slt, %while3A_358, %lt3A : i32
      %convert_element_type3A = arith.extui %lt3A_366 : i1 to i32
      %cond3A = arith.constant 0 : i32
      %cond3A_367 = arith.cmpi ne, %convert_element_type3A, %cond3A : i32
      scf.if %cond3A_367 {
        %dma_start3A_394 = tpu.memref_slice %arg2[%mul3A_361] : memref<260000xf32, #tpu.memory_space<hbm>> -> memref<8192xf32, #tpu.memory_space<hbm>>
        %dma_start3A_395 = tpu.memref_slice %arg2[%mul3A_361] : memref<260000xf32, #tpu.memory_space<hbm>> -> memref<8192xf32, #tpu.memory_space<hbm>>
        tpu.enqueue_dma source(%dma_start3A_395 : memref<8192xf32, #tpu.memory_space<hbm>>) target(%arg8 : memref<8192xf32, #tpu.memory_space<vmem>>) target_semaphore(%arg15 : memref<!tpu.dma_semaphore, #tpu.memory_space<semaphore_mem>>)
        %dma_start3A_396 = tpu.memref_slice %arg2[%add3A_365] : memref<260000xf32, #tpu.memory_space<hbm>> -> memref<8208xf32, #tpu.memory_space<hbm>>
        %dma_start3A_397 = tpu.memref_slice %arg2[%add3A_365] : memref<260000xf32, #tpu.memory_space<hbm>> -> memref<8208xf32, #tpu.memory_space<hbm>>
        tpu.enqueue_dma source(%dma_start3A_397 : memref<8208xf32, #tpu.memory_space<hbm>>) target(%arg9 : memref<8208xf32, #tpu.memory_space<vmem>>) target_semaphore(%arg15 : memref<!tpu.dma_semaphore, #tpu.memory_space<semaphore_mem>>)
        %dma_start3A_398 = tpu.memref_slice %arg3[%mul3A_361] : memref<130000xf32, #tpu.memory_space<hbm>> -> memref<8192xf32, #tpu.memory_space<hbm>>
        %dma_start3A_399 = tpu.memref_slice %arg3[%mul3A_361] : memref<130000xf32, #tpu.memory_space<hbm>> -> memref<8192xf32, #tpu.memory_space<hbm>>
        tpu.enqueue_dma source(%dma_start3A_399 : memref<8192xf32, #tpu.memory_space<hbm>>) target(%arg10 : memref<8192xf32, #tpu.memory_space<vmem>>) target_semaphore(%arg15 : memref<!tpu.dma_semaphore, #tpu.memory_space<semaphore_mem>>)
        %dma_start3A_400 = tpu.memref_slice %arg4[%mul3A_361] : memref<130000xf32, #tpu.memory_space<hbm>> -> memref<8192xf32, #tpu.memory_space<hbm>>
        %dma_start3A_401 = tpu.memref_slice %arg4[%mul3A_361] : memref<130000xf32, #tpu.memory_space<hbm>> -> memref<8192xf32, #tpu.memory_space<hbm>>
        tpu.enqueue_dma source(%dma_start3A_401 : memref<8192xf32, #tpu.memory_space<hbm>>) target(%arg11 : memref<8192xf32, #tpu.memory_space<vmem>>) target_semaphore(%arg15 : memref<!tpu.dma_semaphore, #tpu.memory_space<semaphore_mem>>)
        %dma_wait3A_402 = tpu.memref_slice %arg2[%mul3A_361] : memref<260000xf32, #tpu.memory_space<hbm>> -> memref<8192xf32, #tpu.memory_space<hbm>>
        %dma_wait3A_403 = tpu.memref_slice %arg2[%mul3A_361] : memref<260000xf32, #tpu.memory_space<hbm>> -> memref<8192xf32, #tpu.memory_space<hbm>>
        tpu.wait_dma2 semaphore(%arg15 : memref<!tpu.dma_semaphore, #tpu.memory_space<semaphore_mem>>) src(%dma_wait3A_403 : memref<8192xf32, #tpu.memory_space<hbm>>) dst(%arg8 : memref<8192xf32, #tpu.memory_space<vmem>>)
        %dma_wait3A_404 = tpu.memref_slice %arg2[%add3A_365] : memref<260000xf32, #tpu.memory_space<hbm>> -> memref<8208xf32, #tpu.memory_space<hbm>>
        %dma_wait3A_405 = tpu.memref_slice %arg2[%add3A_365] : memref<260000xf32, #tpu.memory_space<hbm>> -> memref<8208xf32, #tpu.memory_space<hbm>>
        tpu.wait_dma2 semaphore(%arg15 : memref<!tpu.dma_semaphore, #tpu.memory_space<semaphore_mem>>) src(%dma_wait3A_405 : memref<8208xf32, #tpu.memory_space<hbm>>) dst(%arg9 : memref<8208xf32, #tpu.memory_space<vmem>>)
        %dma_wait3A_406 = tpu.memref_slice %arg3[%mul3A_361] : memref<130000xf32, #tpu.memory_space<hbm>> -> memref<8192xf32, #tpu.memory_space<hbm>>
        %dma_wait3A_407 = tpu.memref_slice %arg3[%mul3A_361] : memref<130000xf32, #tpu.memory_space<hbm>> -> memref<8192xf32, #tpu.memory_space<hbm>>
        tpu.wait_dma2 semaphore(%arg15 : memref<!tpu.dma_semaphore, #tpu.memory_space<semaphore_mem>>) src(%dma_wait3A_407 : memref<8192xf32, #tpu.memory_space<hbm>>) dst(%arg10 : memref<8192xf32, #tpu.memory_space<vmem>>)
        %dma_wait3A_408 = tpu.memref_slice %arg4[%mul3A_361] : memref<130000xf32, #tpu.memory_space<hbm>> -> memref<8192xf32, #tpu.memory_space<hbm>>
        %dma_wait3A_409 = tpu.memref_slice %arg4[%mul3A_361] : memref<130000xf32, #tpu.memory_space<hbm>> -> memref<8192xf32, #tpu.memory_space<hbm>>
        tpu.wait_dma2 semaphore(%arg15 : memref<!tpu.dma_semaphore, #tpu.memory_space<semaphore_mem>>) src(%dma_wait3A_409 : memref<8192xf32, #tpu.memory_space<hbm>>) dst(%arg11 : memref<8192xf32, #tpu.memory_space<vmem>>)
      } else {
      }
      %eq3A = arith.constant 15 : i32
      %eq3A_368 = arith.cmpi eq, %while3A_358, %eq3A : i32
      %convert_element_type3A_369 = arith.extui %eq3A_368 : i1 to i32
      %cond3A_370 = arith.constant 0 : i32
      %cond3A_371 = arith.cmpi ne, %convert_element_type3A_369, %cond3A_370 : i32
      scf.if %cond3A_371 {
        %dma_start3A_394 = arith.constant 0 : i32
        %dma_start3A_395 = tpu.memref_slice %arg8[%dma_start3A_394] : memref<8192xf32, #tpu.memory_space<vmem>> -> memref<7120xf32, #tpu.memory_space<vmem>>
        %dma_start3A_396 = tpu.memref_slice %arg2[%mul3A_361] : memref<260000xf32, #tpu.memory_space<hbm>> -> memref<7120xf32, #tpu.memory_space<hbm>>
        %dma_start3A_397 = arith.constant 0 : i32
        %dma_start3A_398 = tpu.memref_slice %arg8[%dma_start3A_397] : memref<8192xf32, #tpu.memory_space<vmem>> -> memref<7120xf32, #tpu.memory_space<vmem>>
        %dma_start3A_399 = tpu.memref_slice %arg2[%mul3A_361] : memref<260000xf32, #tpu.memory_space<hbm>> -> memref<7120xf32, #tpu.memory_space<hbm>>
        tpu.enqueue_dma source(%dma_start3A_399 : memref<7120xf32, #tpu.memory_space<hbm>>) target(%dma_start3A_398 : memref<7120xf32, #tpu.memory_space<vmem>>) target_semaphore(%arg15 : memref<!tpu.dma_semaphore, #tpu.memory_space<semaphore_mem>>)
        %dma_start3A_400 = arith.constant 0 : i32
        %dma_start3A_401 = tpu.memref_slice %arg9[%dma_start3A_400] : memref<8208xf32, #tpu.memory_space<vmem>> -> memref<7128xf32, #tpu.memory_space<vmem>>
        %dma_start3A_402 = tpu.memref_slice %arg2[%add3A_365] : memref<260000xf32, #tpu.memory_space<hbm>> -> memref<7128xf32, #tpu.memory_space<hbm>>
        %dma_start3A_403 = arith.constant 0 : i32
        %dma_start3A_404 = tpu.memref_slice %arg9[%dma_start3A_403] : memref<8208xf32, #tpu.memory_space<vmem>> -> memref<7128xf32, #tpu.memory_space<vmem>>
        %dma_start3A_405 = tpu.memref_slice %arg2[%add3A_365] : memref<260000xf32, #tpu.memory_space<hbm>> -> memref<7128xf32, #tpu.memory_space<hbm>>
        tpu.enqueue_dma source(%dma_start3A_405 : memref<7128xf32, #tpu.memory_space<hbm>>) target(%dma_start3A_404 : memref<7128xf32, #tpu.memory_space<vmem>>) target_semaphore(%arg15 : memref<!tpu.dma_semaphore, #tpu.memory_space<semaphore_mem>>)
        %dma_start3A_406 = arith.constant 0 : i32
        %dma_start3A_407 = tpu.memref_slice %arg10[%dma_start3A_406] : memref<8192xf32, #tpu.memory_space<vmem>> -> memref<7120xf32, #tpu.memory_space<vmem>>
        %dma_start3A_408 = tpu.memref_slice %arg3[%mul3A_361] : memref<130000xf32, #tpu.memory_space<hbm>> -> memref<7120xf32, #tpu.memory_space<hbm>>
        %dma_start3A_409 = arith.constant 0 : i32
        %dma_start3A_410 = tpu.memref_slice %arg10[%dma_start3A_409] : memref<8192xf32, #tpu.memory_space<vmem>> -> memref<7120xf32, #tpu.memory_space<vmem>>
        %dma_start3A_411 = tpu.memref_slice %arg3[%mul3A_361] : memref<130000xf32, #tpu.memory_space<hbm>> -> memref<7120xf32, #tpu.memory_space<hbm>>
        tpu.enqueue_dma source(%dma_start3A_411 : memref<7120xf32, #tpu.memory_space<hbm>>) target(%dma_start3A_410 : memref<7120xf32, #tpu.memory_space<vmem>>) target_semaphore(%arg15 : memref<!tpu.dma_semaphore, #tpu.memory_space<semaphore_mem>>)
        %dma_start3A_412 = arith.constant 0 : i32
        %dma_start3A_413 = tpu.memref_slice %arg11[%dma_start3A_412] : memref<8192xf32, #tpu.memory_space<vmem>> -> memref<7120xf32, #tpu.memory_space<vmem>>
        %dma_start3A_414 = tpu.memref_slice %arg4[%mul3A_361] : memref<130000xf32, #tpu.memory_space<hbm>> -> memref<7120xf32, #tpu.memory_space<hbm>>
        %dma_start3A_415 = arith.constant 0 : i32
        %dma_start3A_416 = tpu.memref_slice %arg11[%dma_start3A_415] : memref<8192xf32, #tpu.memory_space<vmem>> -> memref<7120xf32, #tpu.memory_space<vmem>>
        %dma_start3A_417 = tpu.memref_slice %arg4[%mul3A_361] : memref<130000xf32, #tpu.memory_space<hbm>> -> memref<7120xf32, #tpu.memory_space<hbm>>
        tpu.enqueue_dma source(%dma_start3A_417 : memref<7120xf32, #tpu.memory_space<hbm>>) target(%dma_start3A_416 : memref<7120xf32, #tpu.memory_space<vmem>>) target_semaphore(%arg15 : memref<!tpu.dma_semaphore, #tpu.memory_space<semaphore_mem>>)
        %dma_wait3A_418 = arith.constant 0 : i32
        %dma_wait3A_419 = tpu.memref_slice %arg8[%dma_wait3A_418] : memref<8192xf32, #tpu.memory_space<vmem>> -> memref<7120xf32, #tpu.memory_space<vmem>>
        %dma_wait3A_420 = tpu.memref_slice %arg2[%mul3A_361] : memref<260000xf32, #tpu.memory_space<hbm>> -> memref<7120xf32, #tpu.memory_space<hbm>>
        %dma_wait3A_421 = arith.constant 0 : i32
        %dma_wait3A_422 = tpu.memref_slice %arg8[%dma_wait3A_421] : memref<8192xf32, #tpu.memory_space<vmem>> -> memref<7120xf32, #tpu.memory_space<vmem>>
        %dma_wait3A_423 = tpu.memref_slice %arg2[%mul3A_361] : memref<260000xf32, #tpu.memory_space<hbm>> -> memref<7120xf32, #tpu.memory_space<hbm>>
        tpu.wait_dma2 semaphore(%arg15 : memref<!tpu.dma_semaphore, #tpu.memory_space<semaphore_mem>>) src(%dma_wait3A_423 : memref<7120xf32, #tpu.memory_space<hbm>>) dst(%dma_wait3A_422 : memref<7120xf32, #tpu.memory_space<vmem>>)
        %dma_wait3A_424 = arith.constant 0 : i32
        %dma_wait3A_425 = tpu.memref_slice %arg9[%dma_wait3A_424] : memref<8208xf32, #tpu.memory_space<vmem>> -> memref<7128xf32, #tpu.memory_space<vmem>>
        %dma_wait3A_426 = tpu.memref_slice %arg2[%add3A_365] : memref<260000xf32, #tpu.memory_space<hbm>> -> memref<7128xf32, #tpu.memory_space<hbm>>
        %dma_wait3A_427 = arith.constant 0 : i32
        %dma_wait3A_428 = tpu.memref_slice %arg9[%dma_wait3A_427] : memref<8208xf32, #tpu.memory_space<vmem>> -> memref<7128xf32, #tpu.memory_space<vmem>>
        %dma_wait3A_429 = tpu.memref_slice %arg2[%add3A_365] : memref<260000xf32, #tpu.memory_space<hbm>> -> memref<7128xf32, #tpu.memory_space<hbm>>
        tpu.wait_dma2 semaphore(%arg15 : memref<!tpu.dma_semaphore, #tpu.memory_space<semaphore_mem>>) src(%dma_wait3A_429 : memref<7128xf32, #tpu.memory_space<hbm>>) dst(%dma_wait3A_428 : memref<7128xf32, #tpu.memory_space<vmem>>)
        %dma_wait3A_430 = arith.constant 0 : i32
        %dma_wait3A_431 = tpu.memref_slice %arg10[%dma_wait3A_430] : memref<8192xf32, #tpu.memory_space<vmem>> -> memref<7120xf32, #tpu.memory_space<vmem>>
        %dma_wait3A_432 = tpu.memref_slice %arg3[%mul3A_361] : memref<130000xf32, #tpu.memory_space<hbm>> -> memref<7120xf32, #tpu.memory_space<hbm>>
        %dma_wait3A_433 = arith.constant 0 : i32
        %dma_wait3A_434 = tpu.memref_slice %arg10[%dma_wait3A_433] : memref<8192xf32, #tpu.memory_space<vmem>> -> memref<7120xf32, #tpu.memory_space<vmem>>
        %dma_wait3A_435 = tpu.memref_slice %arg3[%mul3A_361] : memref<130000xf32, #tpu.memory_space<hbm>> -> memref<7120xf32, #tpu.memory_space<hbm>>
        tpu.wait_dma2 semaphore(%arg15 : memref<!tpu.dma_semaphore, #tpu.memory_space<semaphore_mem>>) src(%dma_wait3A_435 : memref<7120xf32, #tpu.memory_space<hbm>>) dst(%dma_wait3A_434 : memref<7120xf32, #tpu.memory_space<vmem>>)
        %dma_wait3A_436 = arith.constant 0 : i32
        %dma_wait3A_437 = tpu.memref_slice %arg11[%dma_wait3A_436] : memref<8192xf32, #tpu.memory_space<vmem>> -> memref<7120xf32, #tpu.memory_space<vmem>>
        %dma_wait3A_438 = tpu.memref_slice %arg4[%mul3A_361] : memref<130000xf32, #tpu.memory_space<hbm>> -> memref<7120xf32, #tpu.memory_space<hbm>>
        %dma_wait3A_439 = arith.constant 0 : i32
        %dma_wait3A_440 = tpu.memref_slice %arg11[%dma_wait3A_439] : memref<8192xf32, #tpu.memory_space<vmem>> -> memref<7120xf32, #tpu.memory_space<vmem>>
        %dma_wait3A_441 = tpu.memref_slice %arg4[%mul3A_361] : memref<130000xf32, #tpu.memory_space<hbm>> -> memref<7120xf32, #tpu.memory_space<hbm>>
        tpu.wait_dma2 semaphore(%arg15 : memref<!tpu.dma_semaphore, #tpu.memory_space<semaphore_mem>>) src(%dma_wait3A_441 : memref<7120xf32, #tpu.memory_space<hbm>>) dst(%dma_wait3A_440 : memref<7120xf32, #tpu.memory_space<vmem>>)
      } else {
      }
      %mul3A_372 = arith.constant 512 : i32
      %mul3A_373 = arith.muli %while3A_358, %mul3A_372 : i32
      %sub3A_374 = arith.subi %min3A_22, %mul3A_373 : i32
      %jit3A_375 = arith.constant 0 : i32
      %jit3A_376 = arith.constant 512 : i32
      %max3A_377 = arith.maxsi %jit3A_375, %sub3A_374 : i32
      %min3A_378 = arith.minsi %jit3A_376, %max3A_377 : i32
      %sub3A_379 = arith.subi %min3A_24, %mul3A_373 : i32
      %jit3A_380 = arith.constant 0 : i32
      %jit3A_381 = arith.constant 512 : i32
      %max3A_382 = arith.maxsi %jit3A_380, %sub3A_379 : i32
      %min3A_383 = arith.minsi %jit3A_381, %max3A_382 : i32
      %while3A_384 = arith.constant 0 : i32
      %while3A_385 = arith.subi %min3A_383, %min3A_378 : i32
      %while3A_386 = arith.addi %min3A_378, %while3A_385 : i32
      %while3A_387 = arith.constant 1 : i32
      %while3A_388 = arith.divsi %while3A_385, %while3A_387 : i32
      %while3A_389 = arith.muli %while3A_388, %while3A_387 : i32
      %while3A_390 = arith.addi %min3A_378, %while3A_389 : i32
      %while3A_391 = arith.constant 1 : i32
      scf.for %while3A_394 = %min3A_378 to %while3A_390 step %while3A_391  : i32 {
        %mul3A_395 = arith.constant 16 : i32
        %mul3A_396 = arith.muli %while3A_394, %mul3A_395 : i32
        %get3A = arith.index_cast %mul3A_396 : i32 to index
        %get3A_397 = tpu.vector_load %arg8[%get3A] {strides = array<i32>} : memref<8192xf32, #tpu.memory_space<vmem>>, vector<16xf32>,
        %mul3A_398 = arith.constant 16 : i32
        %mul3A_399 = arith.muli %while3A_394, %mul3A_398 : i32
        %add3A_400 = arith.constant 8 : i32
        %add3A_401 = arith.addi %mul3A_399, %add3A_400 : i32
        %get3A_402 = arith.index_cast %add3A_401 : i32 to index
        %get3A_403 = tpu.vector_load %arg9[%get3A_402] {strides = array<i32>} : memref<8208xf32, #tpu.memory_space<vmem>>, vector<16xf32>,
        %get3A_404 = arith.index_cast %mul3A_396 : i32 to index
        %get3A_405 = tpu.vector_load %arg10[%get3A_404] {strides = array<i32>} : memref<8192xf32, #tpu.memory_space<vmem>>, vector<16xf32>,
        %get3A_406 = arith.index_cast %mul3A_396 : i32 to index
        %get3A_407 = tpu.vector_load %arg11[%get3A_406] {strides = array<i32>} : memref<8192xf32, #tpu.memory_space<vmem>>, vector<16xf32>,
        %max3A_408 = arith.constant 1.41421354 : f32
        %max3A_409 = vector.broadcast %max3A_408 : f32 to vector<16xf32>
        %max3A_410 = arith.maximumf %get3A_405, %max3A_409 : vector<16xf32>
        %max3A_411 = arith.constant 1.41421354 : f32
        %max3A_412 = vector.broadcast %max3A_411 : f32 to vector<16xf32>
        %max3A_413 = arith.maximumf %get3A_407, %max3A_412 : vector<16xf32>
        %sub3A_414 = arith.subf %get3A_405, %max3A_410 : vector<16xf32>
        %mul3A_415 = arith.constant 5.000000e-01 : f32
        %mul3A_416 = vector.broadcast %mul3A_415 : f32 to vector<16xf32>
        %mul3A_417 = arith.mulf %sub3A_414, %mul3A_416 : vector<16xf32>
        %add3A_418 = arith.addf %get3A_397, %mul3A_417 : vector<16xf32>
        %sub3A_419 = arith.subf %get3A_407, %max3A_413 : vector<16xf32>
        %mul3A_420 = arith.constant 5.000000e-01 : f32
        %mul3A_421 = vector.broadcast %mul3A_420 : f32 to vector<16xf32>
        %mul3A_422 = arith.mulf %sub3A_419, %mul3A_421 : vector<16xf32>
        %add3A_423 = arith.addf %get3A_403, %mul3A_422 : vector<16xf32>
        %mul3A_424 = arith.mulf %get3A_405, %get3A_407 : vector<16xf32>
        %mul3A_425 = arith.mulf %max3A_410, %max3A_413 : vector<16xf32>
        %div3A_426 = arith.divf %mul3A_424, %mul3A_425 : vector<16xf32>
        %add3A_427 = arith.constant 1.000000e+00 : f32
        %add3A_428 = vector.broadcast %add3A_427 : f32 to vector<16xf32>
        %add3A_429 = arith.addf %add3A_418, %add3A_428 : vector<16xf32>
        %convert_element_type3A_430 = arith.fptosi %add3A_429 : vector<16xf32> to vector<16xi32>
        %sub3A_431 = arith.constant 1 : i32
        %sub3A_432 = vector.broadcast %sub3A_431 : i32 to vector<16xi32>
        %sub3A_433 = arith.subi %convert_element_type3A_430, %sub3A_432 : vector<16xi32>
        %add3A_434 = arith.constant 1.000000e+00 : f32
        %add3A_435 = vector.broadcast %add3A_434 : f32 to vector<16xf32>
        %add3A_436 = arith.addf %add3A_423, %add3A_435 : vector<16xf32>
        %convert_element_type3A_437 = arith.fptosi %add3A_436 : vector<16xf32> to vector<16xi32>
        %sub3A_438 = arith.constant 1 : i32
        %sub3A_439 = vector.broadcast %sub3A_438 : i32 to vector<16xi32>
        %sub3A_440 = arith.subi %convert_element_type3A_437, %sub3A_439 : vector<16xi32>
        %convert_element_type3A_441 = arith.sitofp %sub3A_433 : vector<16xi32> to vector<16xf32>
        %convert_element_type3A_442 = arith.sitofp %sub3A_440 : vector<16xi32> to vector<16xf32>
        %sub3A_443 = arith.subf %add3A_418, %convert_element_type3A_441 : vector<16xf32>
        %add3A_444 = arith.addf %sub3A_443, %max3A_410 : vector<16xf32>
        %sub3A_445 = arith.subf %add3A_423, %convert_element_type3A_442 : vector<16xf32>
        %add3A_446 = arith.addf %sub3A_445, %max3A_413 : vector<16xf32>
        %min3A_447 = arith.constant 1.000000e+00 : f32
        %min3A_448 = vector.broadcast %min3A_447 : f32 to vector<16xf32>
        %min3A_449 = arith.minimumf %add3A_444, %min3A_448 : vector<16xf32>
        %sub3A_450 = arith.subf %min3A_449, %sub3A_443 : vector<16xf32>
        %sub3A_451 = arith.constant 1.000000e+00 : f32
        %sub3A_452 = vector.broadcast %sub3A_451 : f32 to vector<16xf32>
        %sub3A_453 = arith.subf %add3A_444, %sub3A_452 : vector<16xf32>
        %min3A_454 = arith.constant 1.000000e+00 : f32
        %min3A_455 = vector.broadcast %min3A_454 : f32 to vector<16xf32>
        %min3A_456 = arith.minimumf %sub3A_453, %min3A_455 : vector<16xf32>
        %max3A_457 = arith.constant 0.000000e+00 : f32
        %max3A_458 = vector.broadcast %max3A_457 : f32 to vector<16xf32>
        %max3A_459 = arith.maximumf %min3A_456, %max3A_458 : vector<16xf32>
        %sub3A_460 = arith.constant 2.000000e+00 : f32
        %sub3A_461 = vector.broadcast %sub3A_460 : f32 to vector<16xf32>
        %sub3A_462 = arith.subf %add3A_444, %sub3A_461 : vector<16xf32>
        %min3A_463 = arith.constant 1.000000e+00 : f32
        %min3A_464 = vector.broadcast %min3A_463 : f32 to vector<16xf32>
        %min3A_465 = arith.minimumf %sub3A_462, %min3A_464 : vector<16xf32>
        %max3A_466 = arith.constant 0.000000e+00 : f32
        %max3A_467 = vector.broadcast %max3A_466 : f32 to vector<16xf32>
        %max3A_468 = arith.maximumf %min3A_465, %max3A_467 : vector<16xf32>
        %min3A_469 = arith.constant 1.000000e+00 : f32
        %min3A_470 = vector.broadcast %min3A_469 : f32 to vector<16xf32>
        %min3A_471 = arith.minimumf %add3A_446, %min3A_470 : vector<16xf32>
        %sub3A_472 = arith.subf %min3A_471, %sub3A_445 : vector<16xf32>
        %sub3A_473 = arith.constant 1.000000e+00 : f32
        %sub3A_474 = vector.broadcast %sub3A_473 : f32 to vector<16xf32>
        %sub3A_475 = arith.subf %add3A_446, %sub3A_474 : vector<16xf32>
        %min3A_476 = arith.constant 1.000000e+00 : f32
        %min3A_477 = vector.broadcast %min3A_476 : f32 to vector<16xf32>
        %min3A_478 = arith.minimumf %sub3A_475, %min3A_477 : vector<16xf32>
        %max3A_479 = arith.constant 0.000000e+00 : f32
        %max3A_480 = vector.broadcast %max3A_479 : f32 to vector<16xf32>
        %max3A_481 = arith.maximumf %min3A_478, %max3A_480 : vector<16xf32>
        %sub3A_482 = arith.constant 2.000000e+00 : f32
        %sub3A_483 = vector.broadcast %sub3A_482 : f32 to vector<16xf32>
        %sub3A_484 = arith.subf %add3A_446, %sub3A_483 : vector<16xf32>
        %min3A_485 = arith.constant 1.000000e+00 : f32
        %min3A_486 = vector.broadcast %min3A_485 : f32 to vector<16xf32>
        %min3A_487 = arith.minimumf %sub3A_484, %min3A_486 : vector<16xf32>
        %max3A_488 = arith.constant 0.000000e+00 : f32
        %max3A_489 = vector.broadcast %max3A_488 : f32 to vector<16xf32>
        %max3A_490 = arith.maximumf %min3A_487, %max3A_489 : vector<16xf32>
        %shift_left3A = arith.constant 7 : i32
        %shift_left3A_491 = arith.shli %add3A, %shift_left3A : i32
        %sub3A_492 = vector.broadcast %shift_left3A_491 : i32 to vector<16xi32>
        %sub3A_493 = arith.subi %sub3A_433, %sub3A_492 : vector<16xi32>
        %mul3A_494 = arith.mulf %div3A_426, %sub3A_450 : vector<16xf32>
        %mul3A_495 = arith.mulf %div3A_426, %max3A_459 : vector<16xf32>
        %mul3A_496 = arith.mulf %div3A_426, %max3A_468 : vector<16xf32>
        %add3A_497 = arith.constant 0 : i32
        %add3A_498 = vector.broadcast %add3A_497 : i32 to vector<16xi32>
        %add3A_499 = arith.addi %sub3A_493, %add3A_498 : vector<16xi32>
        %add3A_500 = arith.constant 1 : i32
        %add3A_501 = vector.broadcast %add3A_500 : i32 to vector<16xi32>
        %add3A_502 = arith.addi %sub3A_493, %add3A_501 : vector<16xi32>
        %add3A_503 = arith.constant 2 : i32
        %add3A_504 = vector.broadcast %add3A_503 : i32 to vector<16xi32>
        %add3A_505 = arith.addi %sub3A_493, %add3A_504 : vector<16xi32>
        %bitcast_convert_type3A = tpu.bitcast %add3A_499 : vector<16xi32> -> vector<16xi32>
        %lt3A_506 = arith.constant 128 : i32
        %lt3A_507 = vector.broadcast %lt3A_506 : i32 to vector<16xi32>
        %lt3A_508 = arith.cmpi ult, %bitcast_convert_type3A, %lt3A_507 : vector<16xi32>
        %bitcast_convert_type3A_509 = tpu.bitcast %add3A_502 : vector<16xi32> -> vector<16xi32>
        %lt3A_510 = arith.constant 128 : i32
        %lt3A_511 = vector.broadcast %lt3A_510 : i32 to vector<16xi32>
        %lt3A_512 = arith.cmpi ult, %bitcast_convert_type3A_509, %lt3A_511 : vector<16xi32>
        %bitcast_convert_type3A_513 = tpu.bitcast %add3A_505 : vector<16xi32> -> vector<16xi32>
        %lt3A_514 = arith.constant 128 : i32
        %lt3A_515 = vector.broadcast %lt3A_514 : i32 to vector<16xi32>
        %lt3A_516 = arith.cmpi ult, %bitcast_convert_type3A_513, %lt3A_515 : vector<16xi32>
        %ge3A = arith.constant 0 : i32
        %ge3A_517 = vector.broadcast %ge3A : i32 to vector<16xi32>
        %ge3A_518 = arith.cmpi sge, %sub3A_440, %ge3A_517 : vector<16xi32>
        %jit3A_519 = arith.constant 0.000000e+00 : f32
        %broadcast_in_dim3A_520 = vector.broadcast %jit3A_519 : f32 to vector<16xf32>
        %select_n3A_521 = arith.select %ge3A_518, %sub3A_472, %broadcast_in_dim3A_520 : vector<16xi1>, vector<16xf32>
        %and3A_522 = arith.constant 511 : i32
        %and3A_523 = vector.broadcast %and3A_522 : i32 to vector<16xi32>
        %and3A_524 = arith.andi %sub3A_440, %and3A_523 : vector<16xi32>
        %add3A_525 = arith.constant 1 : i32
        %add3A_526 = vector.broadcast %add3A_525 : i32 to vector<16xi32>
        %add3A_527 = arith.addi %sub3A_440, %add3A_526 : vector<16xi32>
        %add3A_528 = arith.constant 2 : i32
        %add3A_529 = vector.broadcast %add3A_528 : i32 to vector<16xi32>
        %add3A_530 = arith.addi %sub3A_440, %add3A_529 : vector<16xi32>
        %shift_left3A_531 = arith.constant 9 : i32
        %shift_left3A_532 = vector.broadcast %shift_left3A_531 : i32 to vector<16xi32>
        %shift_left3A_533 = arith.shli %add3A_499, %shift_left3A_532 : vector<16xi32>
        %shift_left3A_534 = arith.constant 9 : i32
        %shift_left3A_535 = vector.broadcast %shift_left3A_534 : i32 to vector<16xi32>
        %shift_left3A_536 = arith.shli %add3A_502, %shift_left3A_535 : vector<16xi32>
        %shift_left3A_537 = arith.constant 9 : i32
        %shift_left3A_538 = vector.broadcast %shift_left3A_537 : i32 to vector<16xi32>
        %shift_left3A_539 = arith.shli %add3A_505, %shift_left3A_538 : vector<16xi32>
        %add3A_540 = arith.addi %shift_left3A_533, %and3A_524 : vector<16xi32>
        %mul3A_541 = arith.mulf %mul3A_494, %select_n3A_521 : vector<16xf32>
        tpu.vector_store_idx %arg7[%add3A_540], %mul3A_541 masked %lt3A_508 {add = true} : memref<65536xf32, #tpu.memory_space<vmem>>[vector<16xi32>], vector<16xf32>, vector<16xi1>
        %add3A_542 = arith.addi %shift_left3A_533, %add3A_527 : vector<16xi32>
        %mul3A_543 = arith.mulf %mul3A_494, %max3A_481 : vector<16xf32>
        tpu.vector_store_idx %arg7[%add3A_542], %mul3A_543 masked %lt3A_508 {add = true} : memref<65536xf32, #tpu.memory_space<vmem>>[vector<16xi32>], vector<16xf32>, vector<16xi1>
        %add3A_544 = arith.addi %shift_left3A_533, %add3A_530 : vector<16xi32>
        %mul3A_545 = arith.mulf %mul3A_494, %max3A_490 : vector<16xf32>
        tpu.vector_store_idx %arg7[%add3A_544], %mul3A_545 masked %lt3A_508 {add = true} : memref<65536xf32, #tpu.memory_space<vmem>>[vector<16xi32>], vector<16xf32>, vector<16xi1>
        %add3A_546 = arith.addi %shift_left3A_536, %and3A_524 : vector<16xi32>
        %mul3A_547 = arith.mulf %mul3A_495, %select_n3A_521 : vector<16xf32>
        tpu.vector_store_idx %arg7[%add3A_546], %mul3A_547 masked %lt3A_512 {add = true} : memref<65536xf32, #tpu.memory_space<vmem>>[vector<16xi32>], vector<16xf32>, vector<16xi1>
        %add3A_548 = arith.addi %shift_left3A_536, %add3A_527 : vector<16xi32>
        %mul3A_549 = arith.mulf %mul3A_495, %max3A_481 : vector<16xf32>
        tpu.vector_store_idx %arg7[%add3A_548], %mul3A_549 masked %lt3A_512 {add = true} : memref<65536xf32, #tpu.memory_space<vmem>>[vector<16xi32>], vector<16xf32>, vector<16xi1>
        %add3A_550 = arith.addi %shift_left3A_536, %add3A_530 : vector<16xi32>
        %mul3A_551 = arith.mulf %mul3A_495, %max3A_490 : vector<16xf32>
        tpu.vector_store_idx %arg7[%add3A_550], %mul3A_551 masked %lt3A_512 {add = true} : memref<65536xf32, #tpu.memory_space<vmem>>[vector<16xi32>], vector<16xf32>, vector<16xi1>
        %add3A_552 = arith.addi %shift_left3A_539, %and3A_524 : vector<16xi32>
        %mul3A_553 = arith.mulf %mul3A_496, %select_n3A_521 : vector<16xf32>
        tpu.vector_store_idx %arg7[%add3A_552], %mul3A_553 masked %lt3A_516 {add = true} : memref<65536xf32, #tpu.memory_space<vmem>>[vector<16xi32>], vector<16xf32>, vector<16xi1>
        %add3A_554 = arith.addi %shift_left3A_539, %add3A_527 : vector<16xi32>
        %mul3A_555 = arith.mulf %mul3A_496, %max3A_481 : vector<16xf32>
        tpu.vector_store_idx %arg7[%add3A_554], %mul3A_555 masked %lt3A_516 {add = true} : memref<65536xf32, #tpu.memory_space<vmem>>[vector<16xi32>], vector<16xf32>, vector<16xi1>
        %add3A_556 = arith.addi %shift_left3A_539, %add3A_530 : vector<16xi32>
        %mul3A_557 = arith.mulf %mul3A_496, %max3A_490 : vector<16xf32>
        tpu.vector_store_idx %arg7[%add3A_556], %mul3A_557 masked %lt3A_516 {add = true} : memref<65536xf32, #tpu.memory_space<vmem>>[vector<16xi32>], vector<16xf32>, vector<16xi1>
      }
      %while3A_392 = arith.constant 1 : i32
      scf.for %while3A_394 = %while3A_390 to %while3A_386 step %while3A_392  : i32 {
        %mul3A_395 = arith.constant 16 : i32
        %mul3A_396 = arith.muli %while3A_394, %mul3A_395 : i32
        %get3A = arith.index_cast %mul3A_396 : i32 to index
        %get3A_397 = tpu.vector_load %arg8[%get3A] {strides = array<i32>} : memref<8192xf32, #tpu.memory_space<vmem>>, vector<16xf32>,
        %mul3A_398 = arith.constant 16 : i32
        %mul3A_399 = arith.muli %while3A_394, %mul3A_398 : i32
        %add3A_400 = arith.constant 8 : i32
        %add3A_401 = arith.addi %mul3A_399, %add3A_400 : i32
        %get3A_402 = arith.index_cast %add3A_401 : i32 to index
        %get3A_403 = tpu.vector_load %arg9[%get3A_402] {strides = array<i32>} : memref<8208xf32, #tpu.memory_space<vmem>>, vector<16xf32>,
        %get3A_404 = arith.index_cast %mul3A_396 : i32 to index
        %get3A_405 = tpu.vector_load %arg10[%get3A_404] {strides = array<i32>} : memref<8192xf32, #tpu.memory_space<vmem>>, vector<16xf32>,
        %get3A_406 = arith.index_cast %mul3A_396 : i32 to index
        %get3A_407 = tpu.vector_load %arg11[%get3A_406] {strides = array<i32>} : memref<8192xf32, #tpu.memory_space<vmem>>, vector<16xf32>,
        %max3A_408 = arith.constant 1.41421354 : f32
        %max3A_409 = vector.broadcast %max3A_408 : f32 to vector<16xf32>
        %max3A_410 = arith.maximumf %get3A_405, %max3A_409 : vector<16xf32>
        %max3A_411 = arith.constant 1.41421354 : f32
        %max3A_412 = vector.broadcast %max3A_411 : f32 to vector<16xf32>
        %max3A_413 = arith.maximumf %get3A_407, %max3A_412 : vector<16xf32>
        %sub3A_414 = arith.subf %get3A_405, %max3A_410 : vector<16xf32>
        %mul3A_415 = arith.constant 5.000000e-01 : f32
        %mul3A_416 = vector.broadcast %mul3A_415 : f32 to vector<16xf32>
        %mul3A_417 = arith.mulf %sub3A_414, %mul3A_416 : vector<16xf32>
        %add3A_418 = arith.addf %get3A_397, %mul3A_417 : vector<16xf32>
        %sub3A_419 = arith.subf %get3A_407, %max3A_413 : vector<16xf32>
        %mul3A_420 = arith.constant 5.000000e-01 : f32
        %mul3A_421 = vector.broadcast %mul3A_420 : f32 to vector<16xf32>
        %mul3A_422 = arith.mulf %sub3A_419, %mul3A_421 : vector<16xf32>
        %add3A_423 = arith.addf %get3A_403, %mul3A_422 : vector<16xf32>
        %mul3A_424 = arith.mulf %get3A_405, %get3A_407 : vector<16xf32>
        %mul3A_425 = arith.mulf %max3A_410, %max3A_413 : vector<16xf32>
        %div3A_426 = arith.divf %mul3A_424, %mul3A_425 : vector<16xf32>
        %add3A_427 = arith.constant 1.000000e+00 : f32
        %add3A_428 = vector.broadcast %add3A_427 : f32 to vector<16xf32>
        %add3A_429 = arith.addf %add3A_418, %add3A_428 : vector<16xf32>
        %convert_element_type3A_430 = arith.fptosi %add3A_429 : vector<16xf32> to vector<16xi32>
        %sub3A_431 = arith.constant 1 : i32
        %sub3A_432 = vector.broadcast %sub3A_431 : i32 to vector<16xi32>
        %sub3A_433 = arith.subi %convert_element_type3A_430, %sub3A_432 : vector<16xi32>
        %add3A_434 = arith.constant 1.000000e+00 : f32
        %add3A_435 = vector.broadcast %add3A_434 : f32 to vector<16xf32>
        %add3A_436 = arith.addf %add3A_423, %add3A_435 : vector<16xf32>
        %convert_element_type3A_437 = arith.fptosi %add3A_436 : vector<16xf32> to vector<16xi32>
        %sub3A_438 = arith.constant 1 : i32
        %sub3A_439 = vector.broadcast %sub3A_438 : i32 to vector<16xi32>
        %sub3A_440 = arith.subi %convert_element_type3A_437, %sub3A_439 : vector<16xi32>
        %convert_element_type3A_441 = arith.sitofp %sub3A_433 : vector<16xi32> to vector<16xf32>
        %convert_element_type3A_442 = arith.sitofp %sub3A_440 : vector<16xi32> to vector<16xf32>
        %sub3A_443 = arith.subf %add3A_418, %convert_element_type3A_441 : vector<16xf32>
        %add3A_444 = arith.addf %sub3A_443, %max3A_410 : vector<16xf32>
        %sub3A_445 = arith.subf %add3A_423, %convert_element_type3A_442 : vector<16xf32>
        %add3A_446 = arith.addf %sub3A_445, %max3A_413 : vector<16xf32>
        %min3A_447 = arith.constant 1.000000e+00 : f32
        %min3A_448 = vector.broadcast %min3A_447 : f32 to vector<16xf32>
        %min3A_449 = arith.minimumf %add3A_444, %min3A_448 : vector<16xf32>
        %sub3A_450 = arith.subf %min3A_449, %sub3A_443 : vector<16xf32>
        %sub3A_451 = arith.constant 1.000000e+00 : f32
        %sub3A_452 = vector.broadcast %sub3A_451 : f32 to vector<16xf32>
        %sub3A_453 = arith.subf %add3A_444, %sub3A_452 : vector<16xf32>
        %min3A_454 = arith.constant 1.000000e+00 : f32
        %min3A_455 = vector.broadcast %min3A_454 : f32 to vector<16xf32>
        %min3A_456 = arith.minimumf %sub3A_453, %min3A_455 : vector<16xf32>
        %max3A_457 = arith.constant 0.000000e+00 : f32
        %max3A_458 = vector.broadcast %max3A_457 : f32 to vector<16xf32>
        %max3A_459 = arith.maximumf %min3A_456, %max3A_458 : vector<16xf32>
        %sub3A_460 = arith.constant 2.000000e+00 : f32
        %sub3A_461 = vector.broadcast %sub3A_460 : f32 to vector<16xf32>
        %sub3A_462 = arith.subf %add3A_444, %sub3A_461 : vector<16xf32>
        %min3A_463 = arith.constant 1.000000e+00 : f32
        %min3A_464 = vector.broadcast %min3A_463 : f32 to vector<16xf32>
        %min3A_465 = arith.minimumf %sub3A_462, %min3A_464 : vector<16xf32>
        %max3A_466 = arith.constant 0.000000e+00 : f32
        %max3A_467 = vector.broadcast %max3A_466 : f32 to vector<16xf32>
        %max3A_468 = arith.maximumf %min3A_465, %max3A_467 : vector<16xf32>
        %min3A_469 = arith.constant 1.000000e+00 : f32
        %min3A_470 = vector.broadcast %min3A_469 : f32 to vector<16xf32>
        %min3A_471 = arith.minimumf %add3A_446, %min3A_470 : vector<16xf32>
        %sub3A_472 = arith.subf %min3A_471, %sub3A_445 : vector<16xf32>
        %sub3A_473 = arith.constant 1.000000e+00 : f32
        %sub3A_474 = vector.broadcast %sub3A_473 : f32 to vector<16xf32>
        %sub3A_475 = arith.subf %add3A_446, %sub3A_474 : vector<16xf32>
        %min3A_476 = arith.constant 1.000000e+00 : f32
        %min3A_477 = vector.broadcast %min3A_476 : f32 to vector<16xf32>
        %min3A_478 = arith.minimumf %sub3A_475, %min3A_477 : vector<16xf32>
        %max3A_479 = arith.constant 0.000000e+00 : f32
        %max3A_480 = vector.broadcast %max3A_479 : f32 to vector<16xf32>
        %max3A_481 = arith.maximumf %min3A_478, %max3A_480 : vector<16xf32>
        %sub3A_482 = arith.constant 2.000000e+00 : f32
        %sub3A_483 = vector.broadcast %sub3A_482 : f32 to vector<16xf32>
        %sub3A_484 = arith.subf %add3A_446, %sub3A_483 : vector<16xf32>
        %min3A_485 = arith.constant 1.000000e+00 : f32
        %min3A_486 = vector.broadcast %min3A_485 : f32 to vector<16xf32>
        %min3A_487 = arith.minimumf %sub3A_484, %min3A_486 : vector<16xf32>
        %max3A_488 = arith.constant 0.000000e+00 : f32
        %max3A_489 = vector.broadcast %max3A_488 : f32 to vector<16xf32>
        %max3A_490 = arith.maximumf %min3A_487, %max3A_489 : vector<16xf32>
        %shift_left3A = arith.constant 7 : i32
        %shift_left3A_491 = arith.shli %add3A, %shift_left3A : i32
        %sub3A_492 = vector.broadcast %shift_left3A_491 : i32 to vector<16xi32>
        %sub3A_493 = arith.subi %sub3A_433, %sub3A_492 : vector<16xi32>
        %mul3A_494 = arith.mulf %div3A_426, %sub3A_450 : vector<16xf32>
        %mul3A_495 = arith.mulf %div3A_426, %max3A_459 : vector<16xf32>
        %mul3A_496 = arith.mulf %div3A_426, %max3A_468 : vector<16xf32>
        %add3A_497 = arith.constant 0 : i32
        %add3A_498 = vector.broadcast %add3A_497 : i32 to vector<16xi32>
        %add3A_499 = arith.addi %sub3A_493, %add3A_498 : vector<16xi32>
        %add3A_500 = arith.constant 1 : i32
        %add3A_501 = vector.broadcast %add3A_500 : i32 to vector<16xi32>
        %add3A_502 = arith.addi %sub3A_493, %add3A_501 : vector<16xi32>
        %add3A_503 = arith.constant 2 : i32
        %add3A_504 = vector.broadcast %add3A_503 : i32 to vector<16xi32>
        %add3A_505 = arith.addi %sub3A_493, %add3A_504 : vector<16xi32>
        %bitcast_convert_type3A = tpu.bitcast %add3A_499 : vector<16xi32> -> vector<16xi32>
        %lt3A_506 = arith.constant 128 : i32
        %lt3A_507 = vector.broadcast %lt3A_506 : i32 to vector<16xi32>
        %lt3A_508 = arith.cmpi ult, %bitcast_convert_type3A, %lt3A_507 : vector<16xi32>
        %bitcast_convert_type3A_509 = tpu.bitcast %add3A_502 : vector<16xi32> -> vector<16xi32>
        %lt3A_510 = arith.constant 128 : i32
        %lt3A_511 = vector.broadcast %lt3A_510 : i32 to vector<16xi32>
        %lt3A_512 = arith.cmpi ult, %bitcast_convert_type3A_509, %lt3A_511 : vector<16xi32>
        %bitcast_convert_type3A_513 = tpu.bitcast %add3A_505 : vector<16xi32> -> vector<16xi32>
        %lt3A_514 = arith.constant 128 : i32
        %lt3A_515 = vector.broadcast %lt3A_514 : i32 to vector<16xi32>
        %lt3A_516 = arith.cmpi ult, %bitcast_convert_type3A_513, %lt3A_515 : vector<16xi32>
        %ge3A = arith.constant 0 : i32
        %ge3A_517 = vector.broadcast %ge3A : i32 to vector<16xi32>
        %ge3A_518 = arith.cmpi sge, %sub3A_440, %ge3A_517 : vector<16xi32>
        %jit3A_519 = arith.constant 0.000000e+00 : f32
        %broadcast_in_dim3A_520 = vector.broadcast %jit3A_519 : f32 to vector<16xf32>
        %select_n3A_521 = arith.select %ge3A_518, %sub3A_472, %broadcast_in_dim3A_520 : vector<16xi1>, vector<16xf32>
        %and3A_522 = arith.constant 511 : i32
        %and3A_523 = vector.broadcast %and3A_522 : i32 to vector<16xi32>
        %and3A_524 = arith.andi %sub3A_440, %and3A_523 : vector<16xi32>
        %add3A_525 = arith.constant 1 : i32
        %add3A_526 = vector.broadcast %add3A_525 : i32 to vector<16xi32>
        %add3A_527 = arith.addi %sub3A_440, %add3A_526 : vector<16xi32>
        %add3A_528 = arith.constant 2 : i32
        %add3A_529 = vector.broadcast %add3A_528 : i32 to vector<16xi32>
        %add3A_530 = arith.addi %sub3A_440, %add3A_529 : vector<16xi32>
        %shift_left3A_531 = arith.constant 9 : i32
        %shift_left3A_532 = vector.broadcast %shift_left3A_531 : i32 to vector<16xi32>
        %shift_left3A_533 = arith.shli %add3A_499, %shift_left3A_532 : vector<16xi32>
        %shift_left3A_534 = arith.constant 9 : i32
        %shift_left3A_535 = vector.broadcast %shift_left3A_534 : i32 to vector<16xi32>
        %shift_left3A_536 = arith.shli %add3A_502, %shift_left3A_535 : vector<16xi32>
        %shift_left3A_537 = arith.constant 9 : i32
        %shift_left3A_538 = vector.broadcast %shift_left3A_537 : i32 to vector<16xi32>
        %shift_left3A_539 = arith.shli %add3A_505, %shift_left3A_538 : vector<16xi32>
        %add3A_540 = arith.addi %shift_left3A_533, %and3A_524 : vector<16xi32>
        %mul3A_541 = arith.mulf %mul3A_494, %select_n3A_521 : vector<16xf32>
        tpu.vector_store_idx %arg7[%add3A_540], %mul3A_541 masked %lt3A_508 {add = true} : memref<65536xf32, #tpu.memory_space<vmem>>[vector<16xi32>], vector<16xf32>, vector<16xi1>
        %add3A_542 = arith.addi %shift_left3A_533, %add3A_527 : vector<16xi32>
        %mul3A_543 = arith.mulf %mul3A_494, %max3A_481 : vector<16xf32>
        tpu.vector_store_idx %arg7[%add3A_542], %mul3A_543 masked %lt3A_508 {add = true} : memref<65536xf32, #tpu.memory_space<vmem>>[vector<16xi32>], vector<16xf32>, vector<16xi1>
        %add3A_544 = arith.addi %shift_left3A_533, %add3A_530 : vector<16xi32>
        %mul3A_545 = arith.mulf %mul3A_494, %max3A_490 : vector<16xf32>
        tpu.vector_store_idx %arg7[%add3A_544], %mul3A_545 masked %lt3A_508 {add = true} : memref<65536xf32, #tpu.memory_space<vmem>>[vector<16xi32>], vector<16xf32>, vector<16xi1>
        %add3A_546 = arith.addi %shift_left3A_536, %and3A_524 : vector<16xi32>
        %mul3A_547 = arith.mulf %mul3A_495, %select_n3A_521 : vector<16xf32>
        tpu.vector_store_idx %arg7[%add3A_546], %mul3A_547 masked %lt3A_512 {add = true} : memref<65536xf32, #tpu.memory_space<vmem>>[vector<16xi32>], vector<16xf32>, vector<16xi1>
        %add3A_548 = arith.addi %shift_left3A_536, %add3A_527 : vector<16xi32>
        %mul3A_549 = arith.mulf %mul3A_495, %max3A_481 : vector<16xf32>
        tpu.vector_store_idx %arg7[%add3A_548], %mul3A_549 masked %lt3A_512 {add = true} : memref<65536xf32, #tpu.memory_space<vmem>>[vector<16xi32>], vector<16xf32>, vector<16xi1>
        %add3A_550 = arith.addi %shift_left3A_536, %add3A_530 : vector<16xi32>
        %mul3A_551 = arith.mulf %mul3A_495, %max3A_490 : vector<16xf32>
        tpu.vector_store_idx %arg7[%add3A_550], %mul3A_551 masked %lt3A_512 {add = true} : memref<65536xf32, #tpu.memory_space<vmem>>[vector<16xi32>], vector<16xf32>, vector<16xi1>
        %add3A_552 = arith.addi %shift_left3A_539, %and3A_524 : vector<16xi32>
        %mul3A_553 = arith.mulf %mul3A_496, %select_n3A_521 : vector<16xf32>
        tpu.vector_store_idx %arg7[%add3A_552], %mul3A_553 masked %lt3A_516 {add = true} : memref<65536xf32, #tpu.memory_space<vmem>>[vector<16xi32>], vector<16xf32>, vector<16xi1>
        %add3A_554 = arith.addi %shift_left3A_539, %add3A_527 : vector<16xi32>
        %mul3A_555 = arith.mulf %mul3A_496, %max3A_481 : vector<16xf32>
        tpu.vector_store_idx %arg7[%add3A_554], %mul3A_555 masked %lt3A_516 {add = true} : memref<65536xf32, #tpu.memory_space<vmem>>[vector<16xi32>], vector<16xf32>, vector<16xi1>
        %add3A_556 = arith.addi %shift_left3A_539, %add3A_530 : vector<16xi32>
        %mul3A_557 = arith.mulf %mul3A_496, %max3A_490 : vector<16xf32>
        tpu.vector_store_idx %arg7[%add3A_556], %mul3A_557 masked %lt3A_516 {add = true} : memref<65536xf32, #tpu.memory_space<vmem>>[vector<16xi32>], vector<16xf32>, vector<16xi1>
      }
      %while3A_393 = arith.constant 0 : i32
      scf.yield %while3A_393 : i32
    }
    %jit3A_101 = arith.constant 512 : i32
    %div3A_102 = arith.divsi %add3A_27, %jit3A_101 : i32
    %sign3A_103 = arith.constant 0 : i32
    %sign3A_104 = arith.cmpi sgt, %add3A_27, %sign3A_103 : i32
    %sign3A_105 = arith.extui %sign3A_104 : i1 to i32
    %sign3A_106 = arith.constant 0 : i32
    %sign3A_107 = arith.cmpi slt, %add3A_27, %sign3A_106 : i32
    %sign3A_108 = arith.extui %sign3A_107 : i1 to i32
    %sign3A_109 = arith.subi %sign3A_105, %sign3A_108 : i32
    %sign3A_110 = arith.constant 0 : i32
    %sign3A_111 = arith.cmpi sgt, %jit3A_101, %sign3A_110 : i32
    %sign3A_112 = arith.extui %sign3A_111 : i1 to i32
    %sign3A_113 = arith.constant 0 : i32
    %sign3A_114 = arith.cmpi slt, %jit3A_101, %sign3A_113 : i32
    %sign3A_115 = arith.extui %sign3A_114 : i1 to i32
    %sign3A_116 = arith.subi %sign3A_112, %sign3A_115 : i32
    %ne3A_117 = arith.cmpi ne, %sign3A_109, %sign3A_116 : i32
    %rem3A_118 = arith.remsi %add3A_27, %jit3A_101 : i32
    %ne3A_119 = arith.constant 0 : i32
    %ne3A_120 = arith.cmpi ne, %rem3A_118, %ne3A_119 : i32
    %and3A_121 = arith.andi %ne3A_117, %ne3A_120 : i1
    %sub3A_122 = arith.constant 1 : i32
    %sub3A_123 = arith.subi %div3A_102, %sub3A_122 : i32
    %select_n3A_124 = arith.select %and3A_121, %sub3A_123, %div3A_102 : i32
    %add3A_125 = arith.constant 512 : i32
    %add3A_126 = arith.addi %add3A_31, %add3A_125 : i32
    %sub3A_127 = arith.constant 1 : i32
    %sub3A_128 = arith.subi %add3A_126, %sub3A_127 : i32
    %jit3A_129 = arith.constant 512 : i32
    %div3A_130 = arith.divsi %sub3A_128, %jit3A_129 : i32
    %sign3A_131 = arith.constant 0 : i32
    %sign3A_132 = arith.cmpi sgt, %sub3A_128, %sign3A_131 : i32
    %sign3A_133 = arith.extui %sign3A_132 : i1 to i32
    %sign3A_134 = arith.constant 0 : i32
    %sign3A_135 = arith.cmpi slt, %sub3A_128, %sign3A_134 : i32
    %sign3A_136 = arith.extui %sign3A_135 : i1 to i32
    %sign3A_137 = arith.subi %sign3A_133, %sign3A_136 : i32
    %sign3A_138 = arith.constant 0 : i32
    %sign3A_139 = arith.cmpi sgt, %jit3A_129, %sign3A_138 : i32
    %sign3A_140 = arith.extui %sign3A_139 : i1 to i32
    %sign3A_141 = arith.constant 0 : i32
    %sign3A_142 = arith.cmpi slt, %jit3A_129, %sign3A_141 : i32
    %sign3A_143 = arith.extui %sign3A_142 : i1 to i32
    %sign3A_144 = arith.subi %sign3A_140, %sign3A_143 : i32
    %ne3A_145 = arith.cmpi ne, %sign3A_137, %sign3A_144 : i32
    %rem3A_146 = arith.remsi %sub3A_128, %jit3A_129 : i32
    %ne3A_147 = arith.constant 0 : i32
    %ne3A_148 = arith.cmpi ne, %rem3A_146, %ne3A_147 : i32
    %and3A_149 = arith.andi %ne3A_145, %ne3A_148 : i1
    %sub3A_150 = arith.constant 1 : i32
    %sub3A_151 = arith.subi %div3A_130, %sub3A_150 : i32
    %select_n3A_152 = arith.select %and3A_149, %sub3A_151, %div3A_130 : i32
    %while3A_153 = arith.constant 0 : i32
    %while3A_154 = arith.subi %select_n3A_152, %select_n3A_124 : i32
    %while3A_155 = arith.addi %select_n3A_124, %while3A_154 : i32
    %while3A_156 = arith.constant 1 : i32
    %while3A_157 = arith.divsi %while3A_154, %while3A_156 : i32
    %while3A_158 = arith.muli %while3A_157, %while3A_156 : i32
    %while3A_159 = arith.addi %select_n3A_124, %while3A_158 : i32
    %while3A_160 = arith.constant 1 : i32
    %while3A_161 = scf.for %while3A_358 = %select_n3A_124 to %while3A_159 step %while3A_160 iter_args(%while3A_359 = %while3A_153) -> (i32)  : i32 {
      %mul3A_360 = arith.constant 8192 : i32
      %mul3A_361 = arith.muli %while3A_358, %mul3A_360 : i32
      %mul3A_362 = arith.constant 8192 : i32
      %mul3A_363 = arith.muli %while3A_358, %mul3A_362 : i32
      %add3A_364 = arith.constant 129992 : i32
      %add3A_365 = arith.addi %add3A_364, %mul3A_363 : i32
      %lt3A = arith.constant 15 : i32
      %lt3A_366 = arith.cmpi slt, %while3A_358, %lt3A : i32
      %convert_element_type3A = arith.extui %lt3A_366 : i1 to i32
      %cond3A = arith.constant 0 : i32
      %cond3A_367 = arith.cmpi ne, %convert_element_type3A, %cond3A : i32
      scf.if %cond3A_367 {
        %dma_start3A_394 = tpu.memref_slice %arg2[%mul3A_361] : memref<260000xf32, #tpu.memory_space<hbm>> -> memref<8192xf32, #tpu.memory_space<hbm>>
        %dma_start3A_395 = tpu.memref_slice %arg2[%mul3A_361] : memref<260000xf32, #tpu.memory_space<hbm>> -> memref<8192xf32, #tpu.memory_space<hbm>>
        tpu.enqueue_dma source(%dma_start3A_395 : memref<8192xf32, #tpu.memory_space<hbm>>) target(%arg8 : memref<8192xf32, #tpu.memory_space<vmem>>) target_semaphore(%arg15 : memref<!tpu.dma_semaphore, #tpu.memory_space<semaphore_mem>>)
        %dma_start3A_396 = tpu.memref_slice %arg2[%add3A_365] : memref<260000xf32, #tpu.memory_space<hbm>> -> memref<8208xf32, #tpu.memory_space<hbm>>
        %dma_start3A_397 = tpu.memref_slice %arg2[%add3A_365] : memref<260000xf32, #tpu.memory_space<hbm>> -> memref<8208xf32, #tpu.memory_space<hbm>>
        tpu.enqueue_dma source(%dma_start3A_397 : memref<8208xf32, #tpu.memory_space<hbm>>) target(%arg9 : memref<8208xf32, #tpu.memory_space<vmem>>) target_semaphore(%arg15 : memref<!tpu.dma_semaphore, #tpu.memory_space<semaphore_mem>>)
        %dma_start3A_398 = tpu.memref_slice %arg3[%mul3A_361] : memref<130000xf32, #tpu.memory_space<hbm>> -> memref<8192xf32, #tpu.memory_space<hbm>>
        %dma_start3A_399 = tpu.memref_slice %arg3[%mul3A_361] : memref<130000xf32, #tpu.memory_space<hbm>> -> memref<8192xf32, #tpu.memory_space<hbm>>
        tpu.enqueue_dma source(%dma_start3A_399 : memref<8192xf32, #tpu.memory_space<hbm>>) target(%arg10 : memref<8192xf32, #tpu.memory_space<vmem>>) target_semaphore(%arg15 : memref<!tpu.dma_semaphore, #tpu.memory_space<semaphore_mem>>)
        %dma_start3A_400 = tpu.memref_slice %arg4[%mul3A_361] : memref<130000xf32, #tpu.memory_space<hbm>> -> memref<8192xf32, #tpu.memory_space<hbm>>
        %dma_start3A_401 = tpu.memref_slice %arg4[%mul3A_361] : memref<130000xf32, #tpu.memory_space<hbm>> -> memref<8192xf32, #tpu.memory_space<hbm>>
        tpu.enqueue_dma source(%dma_start3A_401 : memref<8192xf32, #tpu.memory_space<hbm>>) target(%arg11 : memref<8192xf32, #tpu.memory_space<vmem>>) target_semaphore(%arg15 : memref<!tpu.dma_semaphore, #tpu.memory_space<semaphore_mem>>)
        %dma_wait3A_402 = tpu.memref_slice %arg2[%mul3A_361] : memref<260000xf32, #tpu.memory_space<hbm>> -> memref<8192xf32, #tpu.memory_space<hbm>>
        %dma_wait3A_403 = tpu.memref_slice %arg2[%mul3A_361] : memref<260000xf32, #tpu.memory_space<hbm>> -> memref<8192xf32, #tpu.memory_space<hbm>>
        tpu.wait_dma2 semaphore(%arg15 : memref<!tpu.dma_semaphore, #tpu.memory_space<semaphore_mem>>) src(%dma_wait3A_403 : memref<8192xf32, #tpu.memory_space<hbm>>) dst(%arg8 : memref<8192xf32, #tpu.memory_space<vmem>>)
        %dma_wait3A_404 = tpu.memref_slice %arg2[%add3A_365] : memref<260000xf32, #tpu.memory_space<hbm>> -> memref<8208xf32, #tpu.memory_space<hbm>>
        %dma_wait3A_405 = tpu.memref_slice %arg2[%add3A_365] : memref<260000xf32, #tpu.memory_space<hbm>> -> memref<8208xf32, #tpu.memory_space<hbm>>
        tpu.wait_dma2 semaphore(%arg15 : memref<!tpu.dma_semaphore, #tpu.memory_space<semaphore_mem>>) src(%dma_wait3A_405 : memref<8208xf32, #tpu.memory_space<hbm>>) dst(%arg9 : memref<8208xf32, #tpu.memory_space<vmem>>)
        %dma_wait3A_406 = tpu.memref_slice %arg3[%mul3A_361] : memref<130000xf32, #tpu.memory_space<hbm>> -> memref<8192xf32, #tpu.memory_space<hbm>>
        %dma_wait3A_407 = tpu.memref_slice %arg3[%mul3A_361] : memref<130000xf32, #tpu.memory_space<hbm>> -> memref<8192xf32, #tpu.memory_space<hbm>>
        tpu.wait_dma2 semaphore(%arg15 : memref<!tpu.dma_semaphore, #tpu.memory_space<semaphore_mem>>) src(%dma_wait3A_407 : memref<8192xf32, #tpu.memory_space<hbm>>) dst(%arg10 : memref<8192xf32, #tpu.memory_space<vmem>>)
        %dma_wait3A_408 = tpu.memref_slice %arg4[%mul3A_361] : memref<130000xf32, #tpu.memory_space<hbm>> -> memref<8192xf32, #tpu.memory_space<hbm>>
        %dma_wait3A_409 = tpu.memref_slice %arg4[%mul3A_361] : memref<130000xf32, #tpu.memory_space<hbm>> -> memref<8192xf32, #tpu.memory_space<hbm>>
        tpu.wait_dma2 semaphore(%arg15 : memref<!tpu.dma_semaphore, #tpu.memory_space<semaphore_mem>>) src(%dma_wait3A_409 : memref<8192xf32, #tpu.memory_space<hbm>>) dst(%arg11 : memref<8192xf32, #tpu.memory_space<vmem>>)
      } else {
      }
      %eq3A = arith.constant 15 : i32
      %eq3A_368 = arith.cmpi eq, %while3A_358, %eq3A : i32
      %convert_element_type3A_369 = arith.extui %eq3A_368 : i1 to i32
      %cond3A_370 = arith.constant 0 : i32
      %cond3A_371 = arith.cmpi ne, %convert_element_type3A_369, %cond3A_370 : i32
      scf.if %cond3A_371 {
        %dma_start3A_394 = arith.constant 0 : i32
        %dma_start3A_395 = tpu.memref_slice %arg8[%dma_start3A_394] : memref<8192xf32, #tpu.memory_space<vmem>> -> memref<7120xf32, #tpu.memory_space<vmem>>
        %dma_start3A_396 = tpu.memref_slice %arg2[%mul3A_361] : memref<260000xf32, #tpu.memory_space<hbm>> -> memref<7120xf32, #tpu.memory_space<hbm>>
        %dma_start3A_397 = arith.constant 0 : i32
        %dma_start3A_398 = tpu.memref_slice %arg8[%dma_start3A_397] : memref<8192xf32, #tpu.memory_space<vmem>> -> memref<7120xf32, #tpu.memory_space<vmem>>
        %dma_start3A_399 = tpu.memref_slice %arg2[%mul3A_361] : memref<260000xf32, #tpu.memory_space<hbm>> -> memref<7120xf32, #tpu.memory_space<hbm>>
        tpu.enqueue_dma source(%dma_start3A_399 : memref<7120xf32, #tpu.memory_space<hbm>>) target(%dma_start3A_398 : memref<7120xf32, #tpu.memory_space<vmem>>) target_semaphore(%arg15 : memref<!tpu.dma_semaphore, #tpu.memory_space<semaphore_mem>>)
        %dma_start3A_400 = arith.constant 0 : i32
        %dma_start3A_401 = tpu.memref_slice %arg9[%dma_start3A_400] : memref<8208xf32, #tpu.memory_space<vmem>> -> memref<7128xf32, #tpu.memory_space<vmem>>
        %dma_start3A_402 = tpu.memref_slice %arg2[%add3A_365] : memref<260000xf32, #tpu.memory_space<hbm>> -> memref<7128xf32, #tpu.memory_space<hbm>>
        %dma_start3A_403 = arith.constant 0 : i32
        %dma_start3A_404 = tpu.memref_slice %arg9[%dma_start3A_403] : memref<8208xf32, #tpu.memory_space<vmem>> -> memref<7128xf32, #tpu.memory_space<vmem>>
        %dma_start3A_405 = tpu.memref_slice %arg2[%add3A_365] : memref<260000xf32, #tpu.memory_space<hbm>> -> memref<7128xf32, #tpu.memory_space<hbm>>
        tpu.enqueue_dma source(%dma_start3A_405 : memref<7128xf32, #tpu.memory_space<hbm>>) target(%dma_start3A_404 : memref<7128xf32, #tpu.memory_space<vmem>>) target_semaphore(%arg15 : memref<!tpu.dma_semaphore, #tpu.memory_space<semaphore_mem>>)
        %dma_start3A_406 = arith.constant 0 : i32
        %dma_start3A_407 = tpu.memref_slice %arg10[%dma_start3A_406] : memref<8192xf32, #tpu.memory_space<vmem>> -> memref<7120xf32, #tpu.memory_space<vmem>>
        %dma_start3A_408 = tpu.memref_slice %arg3[%mul3A_361] : memref<130000xf32, #tpu.memory_space<hbm>> -> memref<7120xf32, #tpu.memory_space<hbm>>
        %dma_start3A_409 = arith.constant 0 : i32
        %dma_start3A_410 = tpu.memref_slice %arg10[%dma_start3A_409] : memref<8192xf32, #tpu.memory_space<vmem>> -> memref<7120xf32, #tpu.memory_space<vmem>>
        %dma_start3A_411 = tpu.memref_slice %arg3[%mul3A_361] : memref<130000xf32, #tpu.memory_space<hbm>> -> memref<7120xf32, #tpu.memory_space<hbm>>
        tpu.enqueue_dma source(%dma_start3A_411 : memref<7120xf32, #tpu.memory_space<hbm>>) target(%dma_start3A_410 : memref<7120xf32, #tpu.memory_space<vmem>>) target_semaphore(%arg15 : memref<!tpu.dma_semaphore, #tpu.memory_space<semaphore_mem>>)
        %dma_start3A_412 = arith.constant 0 : i32
        %dma_start3A_413 = tpu.memref_slice %arg11[%dma_start3A_412] : memref<8192xf32, #tpu.memory_space<vmem>> -> memref<7120xf32, #tpu.memory_space<vmem>>
        %dma_start3A_414 = tpu.memref_slice %arg4[%mul3A_361] : memref<130000xf32, #tpu.memory_space<hbm>> -> memref<7120xf32, #tpu.memory_space<hbm>>
        %dma_start3A_415 = arith.constant 0 : i32
        %dma_start3A_416 = tpu.memref_slice %arg11[%dma_start3A_415] : memref<8192xf32, #tpu.memory_space<vmem>> -> memref<7120xf32, #tpu.memory_space<vmem>>
        %dma_start3A_417 = tpu.memref_slice %arg4[%mul3A_361] : memref<130000xf32, #tpu.memory_space<hbm>> -> memref<7120xf32, #tpu.memory_space<hbm>>
        tpu.enqueue_dma source(%dma_start3A_417 : memref<7120xf32, #tpu.memory_space<hbm>>) target(%dma_start3A_416 : memref<7120xf32, #tpu.memory_space<vmem>>) target_semaphore(%arg15 : memref<!tpu.dma_semaphore, #tpu.memory_space<semaphore_mem>>)
        %dma_wait3A_418 = arith.constant 0 : i32
        %dma_wait3A_419 = tpu.memref_slice %arg8[%dma_wait3A_418] : memref<8192xf32, #tpu.memory_space<vmem>> -> memref<7120xf32, #tpu.memory_space<vmem>>
        %dma_wait3A_420 = tpu.memref_slice %arg2[%mul3A_361] : memref<260000xf32, #tpu.memory_space<hbm>> -> memref<7120xf32, #tpu.memory_space<hbm>>
        %dma_wait3A_421 = arith.constant 0 : i32
        %dma_wait3A_422 = tpu.memref_slice %arg8[%dma_wait3A_421] : memref<8192xf32, #tpu.memory_space<vmem>> -> memref<7120xf32, #tpu.memory_space<vmem>>
        %dma_wait3A_423 = tpu.memref_slice %arg2[%mul3A_361] : memref<260000xf32, #tpu.memory_space<hbm>> -> memref<7120xf32, #tpu.memory_space<hbm>>
        tpu.wait_dma2 semaphore(%arg15 : memref<!tpu.dma_semaphore, #tpu.memory_space<semaphore_mem>>) src(%dma_wait3A_423 : memref<7120xf32, #tpu.memory_space<hbm>>) dst(%dma_wait3A_422 : memref<7120xf32, #tpu.memory_space<vmem>>)
        %dma_wait3A_424 = arith.constant 0 : i32
        %dma_wait3A_425 = tpu.memref_slice %arg9[%dma_wait3A_424] : memref<8208xf32, #tpu.memory_space<vmem>> -> memref<7128xf32, #tpu.memory_space<vmem>>
        %dma_wait3A_426 = tpu.memref_slice %arg2[%add3A_365] : memref<260000xf32, #tpu.memory_space<hbm>> -> memref<7128xf32, #tpu.memory_space<hbm>>
        %dma_wait3A_427 = arith.constant 0 : i32
        %dma_wait3A_428 = tpu.memref_slice %arg9[%dma_wait3A_427] : memref<8208xf32, #tpu.memory_space<vmem>> -> memref<7128xf32, #tpu.memory_space<vmem>>
        %dma_wait3A_429 = tpu.memref_slice %arg2[%add3A_365] : memref<260000xf32, #tpu.memory_space<hbm>> -> memref<7128xf32, #tpu.memory_space<hbm>>
        tpu.wait_dma2 semaphore(%arg15 : memref<!tpu.dma_semaphore, #tpu.memory_space<semaphore_mem>>) src(%dma_wait3A_429 : memref<7128xf32, #tpu.memory_space<hbm>>) dst(%dma_wait3A_428 : memref<7128xf32, #tpu.memory_space<vmem>>)
        %dma_wait3A_430 = arith.constant 0 : i32
        %dma_wait3A_431 = tpu.memref_slice %arg10[%dma_wait3A_430] : memref<8192xf32, #tpu.memory_space<vmem>> -> memref<7120xf32, #tpu.memory_space<vmem>>
        %dma_wait3A_432 = tpu.memref_slice %arg3[%mul3A_361] : memref<130000xf32, #tpu.memory_space<hbm>> -> memref<7120xf32, #tpu.memory_space<hbm>>
        %dma_wait3A_433 = arith.constant 0 : i32
        %dma_wait3A_434 = tpu.memref_slice %arg10[%dma_wait3A_433] : memref<8192xf32, #tpu.memory_space<vmem>> -> memref<7120xf32, #tpu.memory_space<vmem>>
        %dma_wait3A_435 = tpu.memref_slice %arg3[%mul3A_361] : memref<130000xf32, #tpu.memory_space<hbm>> -> memref<7120xf32, #tpu.memory_space<hbm>>
        tpu.wait_dma2 semaphore(%arg15 : memref<!tpu.dma_semaphore, #tpu.memory_space<semaphore_mem>>) src(%dma_wait3A_435 : memref<7120xf32, #tpu.memory_space<hbm>>) dst(%dma_wait3A_434 : memref<7120xf32, #tpu.memory_space<vmem>>)
        %dma_wait3A_436 = arith.constant 0 : i32
        %dma_wait3A_437 = tpu.memref_slice %arg11[%dma_wait3A_436] : memref<8192xf32, #tpu.memory_space<vmem>> -> memref<7120xf32, #tpu.memory_space<vmem>>
        %dma_wait3A_438 = tpu.memref_slice %arg4[%mul3A_361] : memref<130000xf32, #tpu.memory_space<hbm>> -> memref<7120xf32, #tpu.memory_space<hbm>>
        %dma_wait3A_439 = arith.constant 0 : i32
        %dma_wait3A_440 = tpu.memref_slice %arg11[%dma_wait3A_439] : memref<8192xf32, #tpu.memory_space<vmem>> -> memref<7120xf32, #tpu.memory_space<vmem>>
        %dma_wait3A_441 = tpu.memref_slice %arg4[%mul3A_361] : memref<130000xf32, #tpu.memory_space<hbm>> -> memref<7120xf32, #tpu.memory_space<hbm>>
        tpu.wait_dma2 semaphore(%arg15 : memref<!tpu.dma_semaphore, #tpu.memory_space<semaphore_mem>>) src(%dma_wait3A_441 : memref<7120xf32, #tpu.memory_space<hbm>>) dst(%dma_wait3A_440 : memref<7120xf32, #tpu.memory_space<vmem>>)
      } else {
      }
      %mul3A_372 = arith.constant 512 : i32
      %mul3A_373 = arith.muli %while3A_358, %mul3A_372 : i32
      %sub3A_374 = arith.subi %add3A_27, %mul3A_373 : i32
      %jit3A_375 = arith.constant 0 : i32
      %jit3A_376 = arith.constant 512 : i32
      %max3A_377 = arith.maxsi %jit3A_375, %sub3A_374 : i32
      %min3A_378 = arith.minsi %jit3A_376, %max3A_377 : i32
      %sub3A_379 = arith.subi %add3A_31, %mul3A_373 : i32
      %jit3A_380 = arith.constant 0 : i32
      %jit3A_381 = arith.constant 512 : i32
      %max3A_382 = arith.maxsi %jit3A_380, %sub3A_379 : i32
      %min3A_383 = arith.minsi %jit3A_381, %max3A_382 : i32
      %while3A_384 = arith.constant 0 : i32
      %while3A_385 = arith.subi %min3A_383, %min3A_378 : i32
      %while3A_386 = arith.addi %min3A_378, %while3A_385 : i32
      %while3A_387 = arith.constant 1 : i32
      %while3A_388 = arith.divsi %while3A_385, %while3A_387 : i32
      %while3A_389 = arith.muli %while3A_388, %while3A_387 : i32
      %while3A_390 = arith.addi %min3A_378, %while3A_389 : i32
      %while3A_391 = arith.constant 1 : i32
      scf.for %while3A_394 = %min3A_378 to %while3A_390 step %while3A_391  : i32 {
        %mul3A_395 = arith.constant 16 : i32
        %mul3A_396 = arith.muli %while3A_394, %mul3A_395 : i32
        %get3A = arith.index_cast %mul3A_396 : i32 to index
        %get3A_397 = tpu.vector_load %arg8[%get3A] {strides = array<i32>} : memref<8192xf32, #tpu.memory_space<vmem>>, vector<16xf32>,
        %mul3A_398 = arith.constant 16 : i32
        %mul3A_399 = arith.muli %while3A_394, %mul3A_398 : i32
        %add3A_400 = arith.constant 8 : i32
        %add3A_401 = arith.addi %mul3A_399, %add3A_400 : i32
        %get3A_402 = arith.index_cast %add3A_401 : i32 to index
        %get3A_403 = tpu.vector_load %arg9[%get3A_402] {strides = array<i32>} : memref<8208xf32, #tpu.memory_space<vmem>>, vector<16xf32>,
        %get3A_404 = arith.index_cast %mul3A_396 : i32 to index
        %get3A_405 = tpu.vector_load %arg10[%get3A_404] {strides = array<i32>} : memref<8192xf32, #tpu.memory_space<vmem>>, vector<16xf32>,
        %get3A_406 = arith.index_cast %mul3A_396 : i32 to index
        %get3A_407 = tpu.vector_load %arg11[%get3A_406] {strides = array<i32>} : memref<8192xf32, #tpu.memory_space<vmem>>, vector<16xf32>,
        %max3A_408 = arith.constant 1.41421354 : f32
        %max3A_409 = vector.broadcast %max3A_408 : f32 to vector<16xf32>
        %max3A_410 = arith.maximumf %get3A_405, %max3A_409 : vector<16xf32>
        %max3A_411 = arith.constant 1.41421354 : f32
        %max3A_412 = vector.broadcast %max3A_411 : f32 to vector<16xf32>
        %max3A_413 = arith.maximumf %get3A_407, %max3A_412 : vector<16xf32>
        %sub3A_414 = arith.subf %get3A_405, %max3A_410 : vector<16xf32>
        %mul3A_415 = arith.constant 5.000000e-01 : f32
        %mul3A_416 = vector.broadcast %mul3A_415 : f32 to vector<16xf32>
        %mul3A_417 = arith.mulf %sub3A_414, %mul3A_416 : vector<16xf32>
        %add3A_418 = arith.addf %get3A_397, %mul3A_417 : vector<16xf32>
        %sub3A_419 = arith.subf %get3A_407, %max3A_413 : vector<16xf32>
        %mul3A_420 = arith.constant 5.000000e-01 : f32
        %mul3A_421 = vector.broadcast %mul3A_420 : f32 to vector<16xf32>
        %mul3A_422 = arith.mulf %sub3A_419, %mul3A_421 : vector<16xf32>
        %add3A_423 = arith.addf %get3A_403, %mul3A_422 : vector<16xf32>
        %mul3A_424 = arith.mulf %get3A_405, %get3A_407 : vector<16xf32>
        %mul3A_425 = arith.mulf %max3A_410, %max3A_413 : vector<16xf32>
        %div3A_426 = arith.divf %mul3A_424, %mul3A_425 : vector<16xf32>
        %add3A_427 = arith.constant 1.000000e+00 : f32
        %add3A_428 = vector.broadcast %add3A_427 : f32 to vector<16xf32>
        %add3A_429 = arith.addf %add3A_418, %add3A_428 : vector<16xf32>
        %convert_element_type3A_430 = arith.fptosi %add3A_429 : vector<16xf32> to vector<16xi32>
        %sub3A_431 = arith.constant 1 : i32
        %sub3A_432 = vector.broadcast %sub3A_431 : i32 to vector<16xi32>
        %sub3A_433 = arith.subi %convert_element_type3A_430, %sub3A_432 : vector<16xi32>
        %add3A_434 = arith.constant 1.000000e+00 : f32
        %add3A_435 = vector.broadcast %add3A_434 : f32 to vector<16xf32>
        %add3A_436 = arith.addf %add3A_423, %add3A_435 : vector<16xf32>
        %convert_element_type3A_437 = arith.fptosi %add3A_436 : vector<16xf32> to vector<16xi32>
        %sub3A_438 = arith.constant 1 : i32
        %sub3A_439 = vector.broadcast %sub3A_438 : i32 to vector<16xi32>
        %sub3A_440 = arith.subi %convert_element_type3A_437, %sub3A_439 : vector<16xi32>
        %convert_element_type3A_441 = arith.sitofp %sub3A_433 : vector<16xi32> to vector<16xf32>
        %convert_element_type3A_442 = arith.sitofp %sub3A_440 : vector<16xi32> to vector<16xf32>
        %sub3A_443 = arith.subf %add3A_418, %convert_element_type3A_441 : vector<16xf32>
        %add3A_444 = arith.addf %sub3A_443, %max3A_410 : vector<16xf32>
        %sub3A_445 = arith.subf %add3A_423, %convert_element_type3A_442 : vector<16xf32>
        %add3A_446 = arith.addf %sub3A_445, %max3A_413 : vector<16xf32>
        %min3A_447 = arith.constant 1.000000e+00 : f32
        %min3A_448 = vector.broadcast %min3A_447 : f32 to vector<16xf32>
        %min3A_449 = arith.minimumf %add3A_444, %min3A_448 : vector<16xf32>
        %sub3A_450 = arith.subf %min3A_449, %sub3A_443 : vector<16xf32>
        %sub3A_451 = arith.constant 1.000000e+00 : f32
        %sub3A_452 = vector.broadcast %sub3A_451 : f32 to vector<16xf32>
        %sub3A_453 = arith.subf %add3A_444, %sub3A_452 : vector<16xf32>
        %min3A_454 = arith.constant 1.000000e+00 : f32
        %min3A_455 = vector.broadcast %min3A_454 : f32 to vector<16xf32>
        %min3A_456 = arith.minimumf %sub3A_453, %min3A_455 : vector<16xf32>
        %max3A_457 = arith.constant 0.000000e+00 : f32
        %max3A_458 = vector.broadcast %max3A_457 : f32 to vector<16xf32>
        %max3A_459 = arith.maximumf %min3A_456, %max3A_458 : vector<16xf32>
        %sub3A_460 = arith.constant 2.000000e+00 : f32
        %sub3A_461 = vector.broadcast %sub3A_460 : f32 to vector<16xf32>
        %sub3A_462 = arith.subf %add3A_444, %sub3A_461 : vector<16xf32>
        %min3A_463 = arith.constant 1.000000e+00 : f32
        %min3A_464 = vector.broadcast %min3A_463 : f32 to vector<16xf32>
        %min3A_465 = arith.minimumf %sub3A_462, %min3A_464 : vector<16xf32>
        %max3A_466 = arith.constant 0.000000e+00 : f32
        %max3A_467 = vector.broadcast %max3A_466 : f32 to vector<16xf32>
        %max3A_468 = arith.maximumf %min3A_465, %max3A_467 : vector<16xf32>
        %min3A_469 = arith.constant 1.000000e+00 : f32
        %min3A_470 = vector.broadcast %min3A_469 : f32 to vector<16xf32>
        %min3A_471 = arith.minimumf %add3A_446, %min3A_470 : vector<16xf32>
        %sub3A_472 = arith.subf %min3A_471, %sub3A_445 : vector<16xf32>
        %sub3A_473 = arith.constant 1.000000e+00 : f32
        %sub3A_474 = vector.broadcast %sub3A_473 : f32 to vector<16xf32>
        %sub3A_475 = arith.subf %add3A_446, %sub3A_474 : vector<16xf32>
        %min3A_476 = arith.constant 1.000000e+00 : f32
        %min3A_477 = vector.broadcast %min3A_476 : f32 to vector<16xf32>
        %min3A_478 = arith.minimumf %sub3A_475, %min3A_477 : vector<16xf32>
        %max3A_479 = arith.constant 0.000000e+00 : f32
        %max3A_480 = vector.broadcast %max3A_479 : f32 to vector<16xf32>
        %max3A_481 = arith.maximumf %min3A_478, %max3A_480 : vector<16xf32>
        %sub3A_482 = arith.constant 2.000000e+00 : f32
        %sub3A_483 = vector.broadcast %sub3A_482 : f32 to vector<16xf32>
        %sub3A_484 = arith.subf %add3A_446, %sub3A_483 : vector<16xf32>
        %min3A_485 = arith.constant 1.000000e+00 : f32
        %min3A_486 = vector.broadcast %min3A_485 : f32 to vector<16xf32>
        %min3A_487 = arith.minimumf %sub3A_484, %min3A_486 : vector<16xf32>
        %max3A_488 = arith.constant 0.000000e+00 : f32
        %max3A_489 = vector.broadcast %max3A_488 : f32 to vector<16xf32>
        %max3A_490 = arith.maximumf %min3A_487, %max3A_489 : vector<16xf32>
        %shift_left3A = arith.constant 7 : i32
        %shift_left3A_491 = arith.shli %add3A, %shift_left3A : i32
        %sub3A_492 = vector.broadcast %shift_left3A_491 : i32 to vector<16xi32>
        %sub3A_493 = arith.subi %sub3A_433, %sub3A_492 : vector<16xi32>
        %mul3A_494 = arith.mulf %div3A_426, %sub3A_450 : vector<16xf32>
        %mul3A_495 = arith.mulf %div3A_426, %max3A_459 : vector<16xf32>
        %mul3A_496 = arith.mulf %div3A_426, %max3A_468 : vector<16xf32>
        %add3A_497 = arith.constant 0 : i32
        %add3A_498 = vector.broadcast %add3A_497 : i32 to vector<16xi32>
        %add3A_499 = arith.addi %sub3A_493, %add3A_498 : vector<16xi32>
        %add3A_500 = arith.constant 1 : i32
        %add3A_501 = vector.broadcast %add3A_500 : i32 to vector<16xi32>
        %add3A_502 = arith.addi %sub3A_493, %add3A_501 : vector<16xi32>
        %add3A_503 = arith.constant 2 : i32
        %add3A_504 = vector.broadcast %add3A_503 : i32 to vector<16xi32>
        %add3A_505 = arith.addi %sub3A_493, %add3A_504 : vector<16xi32>
        %bitcast_convert_type3A = tpu.bitcast %add3A_499 : vector<16xi32> -> vector<16xi32>
        %lt3A_506 = arith.constant 128 : i32
        %lt3A_507 = vector.broadcast %lt3A_506 : i32 to vector<16xi32>
        %lt3A_508 = arith.cmpi ult, %bitcast_convert_type3A, %lt3A_507 : vector<16xi32>
        %bitcast_convert_type3A_509 = tpu.bitcast %add3A_502 : vector<16xi32> -> vector<16xi32>
        %lt3A_510 = arith.constant 128 : i32
        %lt3A_511 = vector.broadcast %lt3A_510 : i32 to vector<16xi32>
        %lt3A_512 = arith.cmpi ult, %bitcast_convert_type3A_509, %lt3A_511 : vector<16xi32>
        %bitcast_convert_type3A_513 = tpu.bitcast %add3A_505 : vector<16xi32> -> vector<16xi32>
        %lt3A_514 = arith.constant 128 : i32
        %lt3A_515 = vector.broadcast %lt3A_514 : i32 to vector<16xi32>
        %lt3A_516 = arith.cmpi ult, %bitcast_convert_type3A_513, %lt3A_515 : vector<16xi32>
        %ge3A = arith.constant 0 : i32
        %ge3A_517 = vector.broadcast %ge3A : i32 to vector<16xi32>
        %ge3A_518 = arith.cmpi sge, %sub3A_440, %ge3A_517 : vector<16xi32>
        %jit3A_519 = arith.constant 0.000000e+00 : f32
        %broadcast_in_dim3A_520 = vector.broadcast %jit3A_519 : f32 to vector<16xf32>
        %select_n3A_521 = arith.select %ge3A_518, %sub3A_472, %broadcast_in_dim3A_520 : vector<16xi1>, vector<16xf32>
        %and3A_522 = arith.constant 511 : i32
        %and3A_523 = vector.broadcast %and3A_522 : i32 to vector<16xi32>
        %and3A_524 = arith.andi %sub3A_440, %and3A_523 : vector<16xi32>
        %add3A_525 = arith.constant 1 : i32
        %add3A_526 = vector.broadcast %add3A_525 : i32 to vector<16xi32>
        %add3A_527 = arith.addi %sub3A_440, %add3A_526 : vector<16xi32>
        %add3A_528 = arith.constant 2 : i32
        %add3A_529 = vector.broadcast %add3A_528 : i32 to vector<16xi32>
        %add3A_530 = arith.addi %sub3A_440, %add3A_529 : vector<16xi32>
        %shift_left3A_531 = arith.constant 9 : i32
        %shift_left3A_532 = vector.broadcast %shift_left3A_531 : i32 to vector<16xi32>
        %shift_left3A_533 = arith.shli %add3A_499, %shift_left3A_532 : vector<16xi32>
        %shift_left3A_534 = arith.constant 9 : i32
        %shift_left3A_535 = vector.broadcast %shift_left3A_534 : i32 to vector<16xi32>
        %shift_left3A_536 = arith.shli %add3A_502, %shift_left3A_535 : vector<16xi32>
        %shift_left3A_537 = arith.constant 9 : i32
        %shift_left3A_538 = vector.broadcast %shift_left3A_537 : i32 to vector<16xi32>
        %shift_left3A_539 = arith.shli %add3A_505, %shift_left3A_538 : vector<16xi32>
        %add3A_540 = arith.addi %shift_left3A_533, %and3A_524 : vector<16xi32>
        %mul3A_541 = arith.mulf %mul3A_494, %select_n3A_521 : vector<16xf32>
        tpu.vector_store_idx %arg7[%add3A_540], %mul3A_541 masked %lt3A_508 {add = true} : memref<65536xf32, #tpu.memory_space<vmem>>[vector<16xi32>], vector<16xf32>, vector<16xi1>
        %add3A_542 = arith.addi %shift_left3A_533, %add3A_527 : vector<16xi32>
        %mul3A_543 = arith.mulf %mul3A_494, %max3A_481 : vector<16xf32>
        tpu.vector_store_idx %arg7[%add3A_542], %mul3A_543 masked %lt3A_508 {add = true} : memref<65536xf32, #tpu.memory_space<vmem>>[vector<16xi32>], vector<16xf32>, vector<16xi1>
        %add3A_544 = arith.addi %shift_left3A_533, %add3A_530 : vector<16xi32>
        %mul3A_545 = arith.mulf %mul3A_494, %max3A_490 : vector<16xf32>
        tpu.vector_store_idx %arg7[%add3A_544], %mul3A_545 masked %lt3A_508 {add = true} : memref<65536xf32, #tpu.memory_space<vmem>>[vector<16xi32>], vector<16xf32>, vector<16xi1>
        %add3A_546 = arith.addi %shift_left3A_536, %and3A_524 : vector<16xi32>
        %mul3A_547 = arith.mulf %mul3A_495, %select_n3A_521 : vector<16xf32>
        tpu.vector_store_idx %arg7[%add3A_546], %mul3A_547 masked %lt3A_512 {add = true} : memref<65536xf32, #tpu.memory_space<vmem>>[vector<16xi32>], vector<16xf32>, vector<16xi1>
        %add3A_548 = arith.addi %shift_left3A_536, %add3A_527 : vector<16xi32>
        %mul3A_549 = arith.mulf %mul3A_495, %max3A_481 : vector<16xf32>
        tpu.vector_store_idx %arg7[%add3A_548], %mul3A_549 masked %lt3A_512 {add = true} : memref<65536xf32, #tpu.memory_space<vmem>>[vector<16xi32>], vector<16xf32>, vector<16xi1>
        %add3A_550 = arith.addi %shift_left3A_536, %add3A_530 : vector<16xi32>
        %mul3A_551 = arith.mulf %mul3A_495, %max3A_490 : vector<16xf32>
        tpu.vector_store_idx %arg7[%add3A_550], %mul3A_551 masked %lt3A_512 {add = true} : memref<65536xf32, #tpu.memory_space<vmem>>[vector<16xi32>], vector<16xf32>, vector<16xi1>
        %add3A_552 = arith.addi %shift_left3A_539, %and3A_524 : vector<16xi32>
        %mul3A_553 = arith.mulf %mul3A_496, %select_n3A_521 : vector<16xf32>
        tpu.vector_store_idx %arg7[%add3A_552], %mul3A_553 masked %lt3A_516 {add = true} : memref<65536xf32, #tpu.memory_space<vmem>>[vector<16xi32>], vector<16xf32>, vector<16xi1>
        %add3A_554 = arith.addi %shift_left3A_539, %add3A_527 : vector<16xi32>
        %mul3A_555 = arith.mulf %mul3A_496, %max3A_481 : vector<16xf32>
        tpu.vector_store_idx %arg7[%add3A_554], %mul3A_555 masked %lt3A_516 {add = true} : memref<65536xf32, #tpu.memory_space<vmem>>[vector<16xi32>], vector<16xf32>, vector<16xi1>
        %add3A_556 = arith.addi %shift_left3A_539, %add3A_530 : vector<16xi32>
        %mul3A_557 = arith.mulf %mul3A_496, %max3A_490 : vector<16xf32>
        tpu.vector_store_idx %arg7[%add3A_556], %mul3A_557 masked %lt3A_516 {add = true} : memref<65536xf32, #tpu.memory_space<vmem>>[vector<16xi32>], vector<16xf32>, vector<16xi1>
      }
      %while3A_392 = arith.constant 1 : i32
      scf.for %while3A_394 = %while3A_390 to %while3A_386 step %while3A_392  : i32 {
        %mul3A_395 = arith.constant 16 : i32
        %mul3A_396 = arith.muli %while3A_394, %mul3A_395 : i32
        %get3A = arith.index_cast %mul3A_396 : i32 to index
        %get3A_397 = tpu.vector_load %arg8[%get3A] {strides = array<i32>} : memref<8192xf32, #tpu.memory_space<vmem>>, vector<16xf32>,
        %mul3A_398 = arith.constant 16 : i32
        %mul3A_399 = arith.muli %while3A_394, %mul3A_398 : i32
        %add3A_400 = arith.constant 8 : i32
        %add3A_401 = arith.addi %mul3A_399, %add3A_400 : i32
        %get3A_402 = arith.index_cast %add3A_401 : i32 to index
        %get3A_403 = tpu.vector_load %arg9[%get3A_402] {strides = array<i32>} : memref<8208xf32, #tpu.memory_space<vmem>>, vector<16xf32>,
        %get3A_404 = arith.index_cast %mul3A_396 : i32 to index
        %get3A_405 = tpu.vector_load %arg10[%get3A_404] {strides = array<i32>} : memref<8192xf32, #tpu.memory_space<vmem>>, vector<16xf32>,
        %get3A_406 = arith.index_cast %mul3A_396 : i32 to index
        %get3A_407 = tpu.vector_load %arg11[%get3A_406] {strides = array<i32>} : memref<8192xf32, #tpu.memory_space<vmem>>, vector<16xf32>,
        %max3A_408 = arith.constant 1.41421354 : f32
        %max3A_409 = vector.broadcast %max3A_408 : f32 to vector<16xf32>
        %max3A_410 = arith.maximumf %get3A_405, %max3A_409 : vector<16xf32>
        %max3A_411 = arith.constant 1.41421354 : f32
        %max3A_412 = vector.broadcast %max3A_411 : f32 to vector<16xf32>
        %max3A_413 = arith.maximumf %get3A_407, %max3A_412 : vector<16xf32>
        %sub3A_414 = arith.subf %get3A_405, %max3A_410 : vector<16xf32>
        %mul3A_415 = arith.constant 5.000000e-01 : f32
        %mul3A_416 = vector.broadcast %mul3A_415 : f32 to vector<16xf32>
        %mul3A_417 = arith.mulf %sub3A_414, %mul3A_416 : vector<16xf32>
        %add3A_418 = arith.addf %get3A_397, %mul3A_417 : vector<16xf32>
        %sub3A_419 = arith.subf %get3A_407, %max3A_413 : vector<16xf32>
        %mul3A_420 = arith.constant 5.000000e-01 : f32
        %mul3A_421 = vector.broadcast %mul3A_420 : f32 to vector<16xf32>
        %mul3A_422 = arith.mulf %sub3A_419, %mul3A_421 : vector<16xf32>
        %add3A_423 = arith.addf %get3A_403, %mul3A_422 : vector<16xf32>
        %mul3A_424 = arith.mulf %get3A_405, %get3A_407 : vector<16xf32>
        %mul3A_425 = arith.mulf %max3A_410, %max3A_413 : vector<16xf32>
        %div3A_426 = arith.divf %mul3A_424, %mul3A_425 : vector<16xf32>
        %add3A_427 = arith.constant 1.000000e+00 : f32
        %add3A_428 = vector.broadcast %add3A_427 : f32 to vector<16xf32>
        %add3A_429 = arith.addf %add3A_418, %add3A_428 : vector<16xf32>
        %convert_element_type3A_430 = arith.fptosi %add3A_429 : vector<16xf32> to vector<16xi32>
        %sub3A_431 = arith.constant 1 : i32
        %sub3A_432 = vector.broadcast %sub3A_431 : i32 to vector<16xi32>
        %sub3A_433 = arith.subi %convert_element_type3A_430, %sub3A_432 : vector<16xi32>
        %add3A_434 = arith.constant 1.000000e+00 : f32
        %add3A_435 = vector.broadcast %add3A_434 : f32 to vector<16xf32>
        %add3A_436 = arith.addf %add3A_423, %add3A_435 : vector<16xf32>
        %convert_element_type3A_437 = arith.fptosi %add3A_436 : vector<16xf32> to vector<16xi32>
        %sub3A_438 = arith.constant 1 : i32
        %sub3A_439 = vector.broadcast %sub3A_438 : i32 to vector<16xi32>
        %sub3A_440 = arith.subi %convert_element_type3A_437, %sub3A_439 : vector<16xi32>
        %convert_element_type3A_441 = arith.sitofp %sub3A_433 : vector<16xi32> to vector<16xf32>
        %convert_element_type3A_442 = arith.sitofp %sub3A_440 : vector<16xi32> to vector<16xf32>
        %sub3A_443 = arith.subf %add3A_418, %convert_element_type3A_441 : vector<16xf32>
        %add3A_444 = arith.addf %sub3A_443, %max3A_410 : vector<16xf32>
        %sub3A_445 = arith.subf %add3A_423, %convert_element_type3A_442 : vector<16xf32>
        %add3A_446 = arith.addf %sub3A_445, %max3A_413 : vector<16xf32>
        %min3A_447 = arith.constant 1.000000e+00 : f32
        %min3A_448 = vector.broadcast %min3A_447 : f32 to vector<16xf32>
        %min3A_449 = arith.minimumf %add3A_444, %min3A_448 : vector<16xf32>
        %sub3A_450 = arith.subf %min3A_449, %sub3A_443 : vector<16xf32>
        %sub3A_451 = arith.constant 1.000000e+00 : f32
        %sub3A_452 = vector.broadcast %sub3A_451 : f32 to vector<16xf32>
        %sub3A_453 = arith.subf %add3A_444, %sub3A_452 : vector<16xf32>
        %min3A_454 = arith.constant 1.000000e+00 : f32
        %min3A_455 = vector.broadcast %min3A_454 : f32 to vector<16xf32>
        %min3A_456 = arith.minimumf %sub3A_453, %min3A_455 : vector<16xf32>
        %max3A_457 = arith.constant 0.000000e+00 : f32
        %max3A_458 = vector.broadcast %max3A_457 : f32 to vector<16xf32>
        %max3A_459 = arith.maximumf %min3A_456, %max3A_458 : vector<16xf32>
        %sub3A_460 = arith.constant 2.000000e+00 : f32
        %sub3A_461 = vector.broadcast %sub3A_460 : f32 to vector<16xf32>
        %sub3A_462 = arith.subf %add3A_444, %sub3A_461 : vector<16xf32>
        %min3A_463 = arith.constant 1.000000e+00 : f32
        %min3A_464 = vector.broadcast %min3A_463 : f32 to vector<16xf32>
        %min3A_465 = arith.minimumf %sub3A_462, %min3A_464 : vector<16xf32>
        %max3A_466 = arith.constant 0.000000e+00 : f32
        %max3A_467 = vector.broadcast %max3A_466 : f32 to vector<16xf32>
        %max3A_468 = arith.maximumf %min3A_465, %max3A_467 : vector<16xf32>
        %min3A_469 = arith.constant 1.000000e+00 : f32
        %min3A_470 = vector.broadcast %min3A_469 : f32 to vector<16xf32>
        %min3A_471 = arith.minimumf %add3A_446, %min3A_470 : vector<16xf32>
        %sub3A_472 = arith.subf %min3A_471, %sub3A_445 : vector<16xf32>
        %sub3A_473 = arith.constant 1.000000e+00 : f32
        %sub3A_474 = vector.broadcast %sub3A_473 : f32 to vector<16xf32>
        %sub3A_475 = arith.subf %add3A_446, %sub3A_474 : vector<16xf32>
        %min3A_476 = arith.constant 1.000000e+00 : f32
        %min3A_477 = vector.broadcast %min3A_476 : f32 to vector<16xf32>
        %min3A_478 = arith.minimumf %sub3A_475, %min3A_477 : vector<16xf32>
        %max3A_479 = arith.constant 0.000000e+00 : f32
        %max3A_480 = vector.broadcast %max3A_479 : f32 to vector<16xf32>
        %max3A_481 = arith.maximumf %min3A_478, %max3A_480 : vector<16xf32>
        %sub3A_482 = arith.constant 2.000000e+00 : f32
        %sub3A_483 = vector.broadcast %sub3A_482 : f32 to vector<16xf32>
        %sub3A_484 = arith.subf %add3A_446, %sub3A_483 : vector<16xf32>
        %min3A_485 = arith.constant 1.000000e+00 : f32
        %min3A_486 = vector.broadcast %min3A_485 : f32 to vector<16xf32>
        %min3A_487 = arith.minimumf %sub3A_484, %min3A_486 : vector<16xf32>
        %max3A_488 = arith.constant 0.000000e+00 : f32
        %max3A_489 = vector.broadcast %max3A_488 : f32 to vector<16xf32>
        %max3A_490 = arith.maximumf %min3A_487, %max3A_489 : vector<16xf32>
        %shift_left3A = arith.constant 7 : i32
        %shift_left3A_491 = arith.shli %add3A, %shift_left3A : i32
        %sub3A_492 = vector.broadcast %shift_left3A_491 : i32 to vector<16xi32>
        %sub3A_493 = arith.subi %sub3A_433, %sub3A_492 : vector<16xi32>
        %mul3A_494 = arith.mulf %div3A_426, %sub3A_450 : vector<16xf32>
        %mul3A_495 = arith.mulf %div3A_426, %max3A_459 : vector<16xf32>
        %mul3A_496 = arith.mulf %div3A_426, %max3A_468 : vector<16xf32>
        %add3A_497 = arith.constant 0 : i32
        %add3A_498 = vector.broadcast %add3A_497 : i32 to vector<16xi32>
        %add3A_499 = arith.addi %sub3A_493, %add3A_498 : vector<16xi32>
        %add3A_500 = arith.constant 1 : i32
        %add3A_501 = vector.broadcast %add3A_500 : i32 to vector<16xi32>
        %add3A_502 = arith.addi %sub3A_493, %add3A_501 : vector<16xi32>
        %add3A_503 = arith.constant 2 : i32
        %add3A_504 = vector.broadcast %add3A_503 : i32 to vector<16xi32>
        %add3A_505 = arith.addi %sub3A_493, %add3A_504 : vector<16xi32>
        %bitcast_convert_type3A = tpu.bitcast %add3A_499 : vector<16xi32> -> vector<16xi32>
        %lt3A_506 = arith.constant 128 : i32
        %lt3A_507 = vector.broadcast %lt3A_506 : i32 to vector<16xi32>
        %lt3A_508 = arith.cmpi ult, %bitcast_convert_type3A, %lt3A_507 : vector<16xi32>
        %bitcast_convert_type3A_509 = tpu.bitcast %add3A_502 : vector<16xi32> -> vector<16xi32>
        %lt3A_510 = arith.constant 128 : i32
        %lt3A_511 = vector.broadcast %lt3A_510 : i32 to vector<16xi32>
        %lt3A_512 = arith.cmpi ult, %bitcast_convert_type3A_509, %lt3A_511 : vector<16xi32>
        %bitcast_convert_type3A_513 = tpu.bitcast %add3A_505 : vector<16xi32> -> vector<16xi32>
        %lt3A_514 = arith.constant 128 : i32
        %lt3A_515 = vector.broadcast %lt3A_514 : i32 to vector<16xi32>
        %lt3A_516 = arith.cmpi ult, %bitcast_convert_type3A_513, %lt3A_515 : vector<16xi32>
        %ge3A = arith.constant 0 : i32
        %ge3A_517 = vector.broadcast %ge3A : i32 to vector<16xi32>
        %ge3A_518 = arith.cmpi sge, %sub3A_440, %ge3A_517 : vector<16xi32>
        %jit3A_519 = arith.constant 0.000000e+00 : f32
        %broadcast_in_dim3A_520 = vector.broadcast %jit3A_519 : f32 to vector<16xf32>
        %select_n3A_521 = arith.select %ge3A_518, %sub3A_472, %broadcast_in_dim3A_520 : vector<16xi1>, vector<16xf32>
        %and3A_522 = arith.constant 511 : i32
        %and3A_523 = vector.broadcast %and3A_522 : i32 to vector<16xi32>
        %and3A_524 = arith.andi %sub3A_440, %and3A_523 : vector<16xi32>
        %add3A_525 = arith.constant 1 : i32
        %add3A_526 = vector.broadcast %add3A_525 : i32 to vector<16xi32>
        %add3A_527 = arith.addi %sub3A_440, %add3A_526 : vector<16xi32>
        %add3A_528 = arith.constant 2 : i32
        %add3A_529 = vector.broadcast %add3A_528 : i32 to vector<16xi32>
        %add3A_530 = arith.addi %sub3A_440, %add3A_529 : vector<16xi32>
        %shift_left3A_531 = arith.constant 9 : i32
        %shift_left3A_532 = vector.broadcast %shift_left3A_531 : i32 to vector<16xi32>
        %shift_left3A_533 = arith.shli %add3A_499, %shift_left3A_532 : vector<16xi32>
        %shift_left3A_534 = arith.constant 9 : i32
        %shift_left3A_535 = vector.broadcast %shift_left3A_534 : i32 to vector<16xi32>
        %shift_left3A_536 = arith.shli %add3A_502, %shift_left3A_535 : vector<16xi32>
        %shift_left3A_537 = arith.constant 9 : i32
        %shift_left3A_538 = vector.broadcast %shift_left3A_537 : i32 to vector<16xi32>
        %shift_left3A_539 = arith.shli %add3A_505, %shift_left3A_538 : vector<16xi32>
        %add3A_540 = arith.addi %shift_left3A_533, %and3A_524 : vector<16xi32>
        %mul3A_541 = arith.mulf %mul3A_494, %select_n3A_521 : vector<16xf32>
        tpu.vector_store_idx %arg7[%add3A_540], %mul3A_541 masked %lt3A_508 {add = true} : memref<65536xf32, #tpu.memory_space<vmem>>[vector<16xi32>], vector<16xf32>, vector<16xi1>
        %add3A_542 = arith.addi %shift_left3A_533, %add3A_527 : vector<16xi32>
        %mul3A_543 = arith.mulf %mul3A_494, %max3A_481 : vector<16xf32>
        tpu.vector_store_idx %arg7[%add3A_542], %mul3A_543 masked %lt3A_508 {add = true} : memref<65536xf32, #tpu.memory_space<vmem>>[vector<16xi32>], vector<16xf32>, vector<16xi1>
        %add3A_544 = arith.addi %shift_left3A_533, %add3A_530 : vector<16xi32>
        %mul3A_545 = arith.mulf %mul3A_494, %max3A_490 : vector<16xf32>
        tpu.vector_store_idx %arg7[%add3A_544], %mul3A_545 masked %lt3A_508 {add = true} : memref<65536xf32, #tpu.memory_space<vmem>>[vector<16xi32>], vector<16xf32>, vector<16xi1>
        %add3A_546 = arith.addi %shift_left3A_536, %and3A_524 : vector<16xi32>
        %mul3A_547 = arith.mulf %mul3A_495, %select_n3A_521 : vector<16xf32>
        tpu.vector_store_idx %arg7[%add3A_546], %mul3A_547 masked %lt3A_512 {add = true} : memref<65536xf32, #tpu.memory_space<vmem>>[vector<16xi32>], vector<16xf32>, vector<16xi1>
        %add3A_548 = arith.addi %shift_left3A_536, %add3A_527 : vector<16xi32>
        %mul3A_549 = arith.mulf %mul3A_495, %max3A_481 : vector<16xf32>
        tpu.vector_store_idx %arg7[%add3A_548], %mul3A_549 masked %lt3A_512 {add = true} : memref<65536xf32, #tpu.memory_space<vmem>>[vector<16xi32>], vector<16xf32>, vector<16xi1>
        %add3A_550 = arith.addi %shift_left3A_536, %add3A_530 : vector<16xi32>
        %mul3A_551 = arith.mulf %mul3A_495, %max3A_490 : vector<16xf32>
        tpu.vector_store_idx %arg7[%add3A_550], %mul3A_551 masked %lt3A_512 {add = true} : memref<65536xf32, #tpu.memory_space<vmem>>[vector<16xi32>], vector<16xf32>, vector<16xi1>
        %add3A_552 = arith.addi %shift_left3A_539, %and3A_524 : vector<16xi32>
        %mul3A_553 = arith.mulf %mul3A_496, %select_n3A_521 : vector<16xf32>
        tpu.vector_store_idx %arg7[%add3A_552], %mul3A_553 masked %lt3A_516 {add = true} : memref<65536xf32, #tpu.memory_space<vmem>>[vector<16xi32>], vector<16xf32>, vector<16xi1>
        %add3A_554 = arith.addi %shift_left3A_539, %add3A_527 : vector<16xi32>
        %mul3A_555 = arith.mulf %mul3A_496, %max3A_481 : vector<16xf32>
        tpu.vector_store_idx %arg7[%add3A_554], %mul3A_555 masked %lt3A_516 {add = true} : memref<65536xf32, #tpu.memory_space<vmem>>[vector<16xi32>], vector<16xf32>, vector<16xi1>
        %add3A_556 = arith.addi %shift_left3A_539, %add3A_530 : vector<16xi32>
        %mul3A_557 = arith.mulf %mul3A_496, %max3A_490 : vector<16xf32>
        tpu.vector_store_idx %arg7[%add3A_556], %mul3A_557 masked %lt3A_516 {add = true} : memref<65536xf32, #tpu.memory_space<vmem>>[vector<16xi32>], vector<16xf32>, vector<16xi1>
      }
      %while3A_393 = arith.constant 0 : i32
      scf.yield %while3A_393 : i32
    }
    %while3A_162 = arith.constant 1 : i32
    %while3A_163 = scf.for %while3A_358 = %while3A_159 to %while3A_155 step %while3A_162 iter_args(%while3A_359 = %while3A_161) -> (i32)  : i32 {
      %mul3A_360 = arith.constant 8192 : i32
      %mul3A_361 = arith.muli %while3A_358, %mul3A_360 : i32
      %mul3A_362 = arith.constant 8192 : i32
      %mul3A_363 = arith.muli %while3A_358, %mul3A_362 : i32
      %add3A_364 = arith.constant 129992 : i32
      %add3A_365 = arith.addi %add3A_364, %mul3A_363 : i32
      %lt3A = arith.constant 15 : i32
      %lt3A_366 = arith.cmpi slt, %while3A_358, %lt3A : i32
      %convert_element_type3A = arith.extui %lt3A_366 : i1 to i32
      %cond3A = arith.constant 0 : i32
      %cond3A_367 = arith.cmpi ne, %convert_element_type3A, %cond3A : i32
      scf.if %cond3A_367 {
        %dma_start3A_394 = tpu.memref_slice %arg2[%mul3A_361] : memref<260000xf32, #tpu.memory_space<hbm>> -> memref<8192xf32, #tpu.memory_space<hbm>>
        %dma_start3A_395 = tpu.memref_slice %arg2[%mul3A_361] : memref<260000xf32, #tpu.memory_space<hbm>> -> memref<8192xf32, #tpu.memory_space<hbm>>
        tpu.enqueue_dma source(%dma_start3A_395 : memref<8192xf32, #tpu.memory_space<hbm>>) target(%arg8 : memref<8192xf32, #tpu.memory_space<vmem>>) target_semaphore(%arg15 : memref<!tpu.dma_semaphore, #tpu.memory_space<semaphore_mem>>)
        %dma_start3A_396 = tpu.memref_slice %arg2[%add3A_365] : memref<260000xf32, #tpu.memory_space<hbm>> -> memref<8208xf32, #tpu.memory_space<hbm>>
        %dma_start3A_397 = tpu.memref_slice %arg2[%add3A_365] : memref<260000xf32, #tpu.memory_space<hbm>> -> memref<8208xf32, #tpu.memory_space<hbm>>
        tpu.enqueue_dma source(%dma_start3A_397 : memref<8208xf32, #tpu.memory_space<hbm>>) target(%arg9 : memref<8208xf32, #tpu.memory_space<vmem>>) target_semaphore(%arg15 : memref<!tpu.dma_semaphore, #tpu.memory_space<semaphore_mem>>)
        %dma_start3A_398 = tpu.memref_slice %arg3[%mul3A_361] : memref<130000xf32, #tpu.memory_space<hbm>> -> memref<8192xf32, #tpu.memory_space<hbm>>
        %dma_start3A_399 = tpu.memref_slice %arg3[%mul3A_361] : memref<130000xf32, #tpu.memory_space<hbm>> -> memref<8192xf32, #tpu.memory_space<hbm>>
        tpu.enqueue_dma source(%dma_start3A_399 : memref<8192xf32, #tpu.memory_space<hbm>>) target(%arg10 : memref<8192xf32, #tpu.memory_space<vmem>>) target_semaphore(%arg15 : memref<!tpu.dma_semaphore, #tpu.memory_space<semaphore_mem>>)
        %dma_start3A_400 = tpu.memref_slice %arg4[%mul3A_361] : memref<130000xf32, #tpu.memory_space<hbm>> -> memref<8192xf32, #tpu.memory_space<hbm>>
        %dma_start3A_401 = tpu.memref_slice %arg4[%mul3A_361] : memref<130000xf32, #tpu.memory_space<hbm>> -> memref<8192xf32, #tpu.memory_space<hbm>>
        tpu.enqueue_dma source(%dma_start3A_401 : memref<8192xf32, #tpu.memory_space<hbm>>) target(%arg11 : memref<8192xf32, #tpu.memory_space<vmem>>) target_semaphore(%arg15 : memref<!tpu.dma_semaphore, #tpu.memory_space<semaphore_mem>>)
        %dma_wait3A_402 = tpu.memref_slice %arg2[%mul3A_361] : memref<260000xf32, #tpu.memory_space<hbm>> -> memref<8192xf32, #tpu.memory_space<hbm>>
        %dma_wait3A_403 = tpu.memref_slice %arg2[%mul3A_361] : memref<260000xf32, #tpu.memory_space<hbm>> -> memref<8192xf32, #tpu.memory_space<hbm>>
        tpu.wait_dma2 semaphore(%arg15 : memref<!tpu.dma_semaphore, #tpu.memory_space<semaphore_mem>>) src(%dma_wait3A_403 : memref<8192xf32, #tpu.memory_space<hbm>>) dst(%arg8 : memref<8192xf32, #tpu.memory_space<vmem>>)
        %dma_wait3A_404 = tpu.memref_slice %arg2[%add3A_365] : memref<260000xf32, #tpu.memory_space<hbm>> -> memref<8208xf32, #tpu.memory_space<hbm>>
        %dma_wait3A_405 = tpu.memref_slice %arg2[%add3A_365] : memref<260000xf32, #tpu.memory_space<hbm>> -> memref<8208xf32, #tpu.memory_space<hbm>>
        tpu.wait_dma2 semaphore(%arg15 : memref<!tpu.dma_semaphore, #tpu.memory_space<semaphore_mem>>) src(%dma_wait3A_405 : memref<8208xf32, #tpu.memory_space<hbm>>) dst(%arg9 : memref<8208xf32, #tpu.memory_space<vmem>>)
        %dma_wait3A_406 = tpu.memref_slice %arg3[%mul3A_361] : memref<130000xf32, #tpu.memory_space<hbm>> -> memref<8192xf32, #tpu.memory_space<hbm>>
        %dma_wait3A_407 = tpu.memref_slice %arg3[%mul3A_361] : memref<130000xf32, #tpu.memory_space<hbm>> -> memref<8192xf32, #tpu.memory_space<hbm>>
        tpu.wait_dma2 semaphore(%arg15 : memref<!tpu.dma_semaphore, #tpu.memory_space<semaphore_mem>>) src(%dma_wait3A_407 : memref<8192xf32, #tpu.memory_space<hbm>>) dst(%arg10 : memref<8192xf32, #tpu.memory_space<vmem>>)
        %dma_wait3A_408 = tpu.memref_slice %arg4[%mul3A_361] : memref<130000xf32, #tpu.memory_space<hbm>> -> memref<8192xf32, #tpu.memory_space<hbm>>
        %dma_wait3A_409 = tpu.memref_slice %arg4[%mul3A_361] : memref<130000xf32, #tpu.memory_space<hbm>> -> memref<8192xf32, #tpu.memory_space<hbm>>
        tpu.wait_dma2 semaphore(%arg15 : memref<!tpu.dma_semaphore, #tpu.memory_space<semaphore_mem>>) src(%dma_wait3A_409 : memref<8192xf32, #tpu.memory_space<hbm>>) dst(%arg11 : memref<8192xf32, #tpu.memory_space<vmem>>)
      } else {
      }
      %eq3A = arith.constant 15 : i32
      %eq3A_368 = arith.cmpi eq, %while3A_358, %eq3A : i32
      %convert_element_type3A_369 = arith.extui %eq3A_368 : i1 to i32
      %cond3A_370 = arith.constant 0 : i32
      %cond3A_371 = arith.cmpi ne, %convert_element_type3A_369, %cond3A_370 : i32
      scf.if %cond3A_371 {
        %dma_start3A_394 = arith.constant 0 : i32
        %dma_start3A_395 = tpu.memref_slice %arg8[%dma_start3A_394] : memref<8192xf32, #tpu.memory_space<vmem>> -> memref<7120xf32, #tpu.memory_space<vmem>>
        %dma_start3A_396 = tpu.memref_slice %arg2[%mul3A_361] : memref<260000xf32, #tpu.memory_space<hbm>> -> memref<7120xf32, #tpu.memory_space<hbm>>
        %dma_start3A_397 = arith.constant 0 : i32
        %dma_start3A_398 = tpu.memref_slice %arg8[%dma_start3A_397] : memref<8192xf32, #tpu.memory_space<vmem>> -> memref<7120xf32, #tpu.memory_space<vmem>>
        %dma_start3A_399 = tpu.memref_slice %arg2[%mul3A_361] : memref<260000xf32, #tpu.memory_space<hbm>> -> memref<7120xf32, #tpu.memory_space<hbm>>
        tpu.enqueue_dma source(%dma_start3A_399 : memref<7120xf32, #tpu.memory_space<hbm>>) target(%dma_start3A_398 : memref<7120xf32, #tpu.memory_space<vmem>>) target_semaphore(%arg15 : memref<!tpu.dma_semaphore, #tpu.memory_space<semaphore_mem>>)
        %dma_start3A_400 = arith.constant 0 : i32
        %dma_start3A_401 = tpu.memref_slice %arg9[%dma_start3A_400] : memref<8208xf32, #tpu.memory_space<vmem>> -> memref<7128xf32, #tpu.memory_space<vmem>>
        %dma_start3A_402 = tpu.memref_slice %arg2[%add3A_365] : memref<260000xf32, #tpu.memory_space<hbm>> -> memref<7128xf32, #tpu.memory_space<hbm>>
        %dma_start3A_403 = arith.constant 0 : i32
        %dma_start3A_404 = tpu.memref_slice %arg9[%dma_start3A_403] : memref<8208xf32, #tpu.memory_space<vmem>> -> memref<7128xf32, #tpu.memory_space<vmem>>
        %dma_start3A_405 = tpu.memref_slice %arg2[%add3A_365] : memref<260000xf32, #tpu.memory_space<hbm>> -> memref<7128xf32, #tpu.memory_space<hbm>>
        tpu.enqueue_dma source(%dma_start3A_405 : memref<7128xf32, #tpu.memory_space<hbm>>) target(%dma_start3A_404 : memref<7128xf32, #tpu.memory_space<vmem>>) target_semaphore(%arg15 : memref<!tpu.dma_semaphore, #tpu.memory_space<semaphore_mem>>)
        %dma_start3A_406 = arith.constant 0 : i32
        %dma_start3A_407 = tpu.memref_slice %arg10[%dma_start3A_406] : memref<8192xf32, #tpu.memory_space<vmem>> -> memref<7120xf32, #tpu.memory_space<vmem>>
        %dma_start3A_408 = tpu.memref_slice %arg3[%mul3A_361] : memref<130000xf32, #tpu.memory_space<hbm>> -> memref<7120xf32, #tpu.memory_space<hbm>>
        %dma_start3A_409 = arith.constant 0 : i32
        %dma_start3A_410 = tpu.memref_slice %arg10[%dma_start3A_409] : memref<8192xf32, #tpu.memory_space<vmem>> -> memref<7120xf32, #tpu.memory_space<vmem>>
        %dma_start3A_411 = tpu.memref_slice %arg3[%mul3A_361] : memref<130000xf32, #tpu.memory_space<hbm>> -> memref<7120xf32, #tpu.memory_space<hbm>>
        tpu.enqueue_dma source(%dma_start3A_411 : memref<7120xf32, #tpu.memory_space<hbm>>) target(%dma_start3A_410 : memref<7120xf32, #tpu.memory_space<vmem>>) target_semaphore(%arg15 : memref<!tpu.dma_semaphore, #tpu.memory_space<semaphore_mem>>)
        %dma_start3A_412 = arith.constant 0 : i32
        %dma_start3A_413 = tpu.memref_slice %arg11[%dma_start3A_412] : memref<8192xf32, #tpu.memory_space<vmem>> -> memref<7120xf32, #tpu.memory_space<vmem>>
        %dma_start3A_414 = tpu.memref_slice %arg4[%mul3A_361] : memref<130000xf32, #tpu.memory_space<hbm>> -> memref<7120xf32, #tpu.memory_space<hbm>>
        %dma_start3A_415 = arith.constant 0 : i32
        %dma_start3A_416 = tpu.memref_slice %arg11[%dma_start3A_415] : memref<8192xf32, #tpu.memory_space<vmem>> -> memref<7120xf32, #tpu.memory_space<vmem>>
        %dma_start3A_417 = tpu.memref_slice %arg4[%mul3A_361] : memref<130000xf32, #tpu.memory_space<hbm>> -> memref<7120xf32, #tpu.memory_space<hbm>>
        tpu.enqueue_dma source(%dma_start3A_417 : memref<7120xf32, #tpu.memory_space<hbm>>) target(%dma_start3A_416 : memref<7120xf32, #tpu.memory_space<vmem>>) target_semaphore(%arg15 : memref<!tpu.dma_semaphore, #tpu.memory_space<semaphore_mem>>)
        %dma_wait3A_418 = arith.constant 0 : i32
        %dma_wait3A_419 = tpu.memref_slice %arg8[%dma_wait3A_418] : memref<8192xf32, #tpu.memory_space<vmem>> -> memref<7120xf32, #tpu.memory_space<vmem>>
        %dma_wait3A_420 = tpu.memref_slice %arg2[%mul3A_361] : memref<260000xf32, #tpu.memory_space<hbm>> -> memref<7120xf32, #tpu.memory_space<hbm>>
        %dma_wait3A_421 = arith.constant 0 : i32
        %dma_wait3A_422 = tpu.memref_slice %arg8[%dma_wait3A_421] : memref<8192xf32, #tpu.memory_space<vmem>> -> memref<7120xf32, #tpu.memory_space<vmem>>
        %dma_wait3A_423 = tpu.memref_slice %arg2[%mul3A_361] : memref<260000xf32, #tpu.memory_space<hbm>> -> memref<7120xf32, #tpu.memory_space<hbm>>
        tpu.wait_dma2 semaphore(%arg15 : memref<!tpu.dma_semaphore, #tpu.memory_space<semaphore_mem>>) src(%dma_wait3A_423 : memref<7120xf32, #tpu.memory_space<hbm>>) dst(%dma_wait3A_422 : memref<7120xf32, #tpu.memory_space<vmem>>)
        %dma_wait3A_424 = arith.constant 0 : i32
        %dma_wait3A_425 = tpu.memref_slice %arg9[%dma_wait3A_424] : memref<8208xf32, #tpu.memory_space<vmem>> -> memref<7128xf32, #tpu.memory_space<vmem>>
        %dma_wait3A_426 = tpu.memref_slice %arg2[%add3A_365] : memref<260000xf32, #tpu.memory_space<hbm>> -> memref<7128xf32, #tpu.memory_space<hbm>>
        %dma_wait3A_427 = arith.constant 0 : i32
        %dma_wait3A_428 = tpu.memref_slice %arg9[%dma_wait3A_427] : memref<8208xf32, #tpu.memory_space<vmem>> -> memref<7128xf32, #tpu.memory_space<vmem>>
        %dma_wait3A_429 = tpu.memref_slice %arg2[%add3A_365] : memref<260000xf32, #tpu.memory_space<hbm>> -> memref<7128xf32, #tpu.memory_space<hbm>>
        tpu.wait_dma2 semaphore(%arg15 : memref<!tpu.dma_semaphore, #tpu.memory_space<semaphore_mem>>) src(%dma_wait3A_429 : memref<7128xf32, #tpu.memory_space<hbm>>) dst(%dma_wait3A_428 : memref<7128xf32, #tpu.memory_space<vmem>>)
        %dma_wait3A_430 = arith.constant 0 : i32
        %dma_wait3A_431 = tpu.memref_slice %arg10[%dma_wait3A_430] : memref<8192xf32, #tpu.memory_space<vmem>> -> memref<7120xf32, #tpu.memory_space<vmem>>
        %dma_wait3A_432 = tpu.memref_slice %arg3[%mul3A_361] : memref<130000xf32, #tpu.memory_space<hbm>> -> memref<7120xf32, #tpu.memory_space<hbm>>
        %dma_wait3A_433 = arith.constant 0 : i32
        %dma_wait3A_434 = tpu.memref_slice %arg10[%dma_wait3A_433] : memref<8192xf32, #tpu.memory_space<vmem>> -> memref<7120xf32, #tpu.memory_space<vmem>>
        %dma_wait3A_435 = tpu.memref_slice %arg3[%mul3A_361] : memref<130000xf32, #tpu.memory_space<hbm>> -> memref<7120xf32, #tpu.memory_space<hbm>>
        tpu.wait_dma2 semaphore(%arg15 : memref<!tpu.dma_semaphore, #tpu.memory_space<semaphore_mem>>) src(%dma_wait3A_435 : memref<7120xf32, #tpu.memory_space<hbm>>) dst(%dma_wait3A_434 : memref<7120xf32, #tpu.memory_space<vmem>>)
        %dma_wait3A_436 = arith.constant 0 : i32
        %dma_wait3A_437 = tpu.memref_slice %arg11[%dma_wait3A_436] : memref<8192xf32, #tpu.memory_space<vmem>> -> memref<7120xf32, #tpu.memory_space<vmem>>
        %dma_wait3A_438 = tpu.memref_slice %arg4[%mul3A_361] : memref<130000xf32, #tpu.memory_space<hbm>> -> memref<7120xf32, #tpu.memory_space<hbm>>
        %dma_wait3A_439 = arith.constant 0 : i32
        %dma_wait3A_440 = tpu.memref_slice %arg11[%dma_wait3A_439] : memref<8192xf32, #tpu.memory_space<vmem>> -> memref<7120xf32, #tpu.memory_space<vmem>>
        %dma_wait3A_441 = tpu.memref_slice %arg4[%mul3A_361] : memref<130000xf32, #tpu.memory_space<hbm>> -> memref<7120xf32, #tpu.memory_space<hbm>>
        tpu.wait_dma2 semaphore(%arg15 : memref<!tpu.dma_semaphore, #tpu.memory_space<semaphore_mem>>) src(%dma_wait3A_441 : memref<7120xf32, #tpu.memory_space<hbm>>) dst(%dma_wait3A_440 : memref<7120xf32, #tpu.memory_space<vmem>>)
      } else {
      }
      %mul3A_372 = arith.constant 512 : i32
      %mul3A_373 = arith.muli %while3A_358, %mul3A_372 : i32
      %sub3A_374 = arith.subi %add3A_27, %mul3A_373 : i32
      %jit3A_375 = arith.constant 0 : i32
      %jit3A_376 = arith.constant 512 : i32
      %max3A_377 = arith.maxsi %jit3A_375, %sub3A_374 : i32
      %min3A_378 = arith.minsi %jit3A_376, %max3A_377 : i32
      %sub3A_379 = arith.subi %add3A_31, %mul3A_373 : i32
      %jit3A_380 = arith.constant 0 : i32
      %jit3A_381 = arith.constant 512 : i32
      %max3A_382 = arith.maxsi %jit3A_380, %sub3A_379 : i32
      %min3A_383 = arith.minsi %jit3A_381, %max3A_382 : i32
      %while3A_384 = arith.constant 0 : i32
      %while3A_385 = arith.subi %min3A_383, %min3A_378 : i32
      %while3A_386 = arith.addi %min3A_378, %while3A_385 : i32
      %while3A_387 = arith.constant 1 : i32
      %while3A_388 = arith.divsi %while3A_385, %while3A_387 : i32
      %while3A_389 = arith.muli %while3A_388, %while3A_387 : i32
      %while3A_390 = arith.addi %min3A_378, %while3A_389 : i32
      %while3A_391 = arith.constant 1 : i32
      scf.for %while3A_394 = %min3A_378 to %while3A_390 step %while3A_391  : i32 {
        %mul3A_395 = arith.constant 16 : i32
        %mul3A_396 = arith.muli %while3A_394, %mul3A_395 : i32
        %get3A = arith.index_cast %mul3A_396 : i32 to index
        %get3A_397 = tpu.vector_load %arg8[%get3A] {strides = array<i32>} : memref<8192xf32, #tpu.memory_space<vmem>>, vector<16xf32>,
        %mul3A_398 = arith.constant 16 : i32
        %mul3A_399 = arith.muli %while3A_394, %mul3A_398 : i32
        %add3A_400 = arith.constant 8 : i32
        %add3A_401 = arith.addi %mul3A_399, %add3A_400 : i32
        %get3A_402 = arith.index_cast %add3A_401 : i32 to index
        %get3A_403 = tpu.vector_load %arg9[%get3A_402] {strides = array<i32>} : memref<8208xf32, #tpu.memory_space<vmem>>, vector<16xf32>,
        %get3A_404 = arith.index_cast %mul3A_396 : i32 to index
        %get3A_405 = tpu.vector_load %arg10[%get3A_404] {strides = array<i32>} : memref<8192xf32, #tpu.memory_space<vmem>>, vector<16xf32>,
        %get3A_406 = arith.index_cast %mul3A_396 : i32 to index
        %get3A_407 = tpu.vector_load %arg11[%get3A_406] {strides = array<i32>} : memref<8192xf32, #tpu.memory_space<vmem>>, vector<16xf32>,
        %max3A_408 = arith.constant 1.41421354 : f32
        %max3A_409 = vector.broadcast %max3A_408 : f32 to vector<16xf32>
        %max3A_410 = arith.maximumf %get3A_405, %max3A_409 : vector<16xf32>
        %max3A_411 = arith.constant 1.41421354 : f32
        %max3A_412 = vector.broadcast %max3A_411 : f32 to vector<16xf32>
        %max3A_413 = arith.maximumf %get3A_407, %max3A_412 : vector<16xf32>
        %sub3A_414 = arith.subf %get3A_405, %max3A_410 : vector<16xf32>
        %mul3A_415 = arith.constant 5.000000e-01 : f32
        %mul3A_416 = vector.broadcast %mul3A_415 : f32 to vector<16xf32>
        %mul3A_417 = arith.mulf %sub3A_414, %mul3A_416 : vector<16xf32>
        %add3A_418 = arith.addf %get3A_397, %mul3A_417 : vector<16xf32>
        %sub3A_419 = arith.subf %get3A_407, %max3A_413 : vector<16xf32>
        %mul3A_420 = arith.constant 5.000000e-01 : f32
        %mul3A_421 = vector.broadcast %mul3A_420 : f32 to vector<16xf32>
        %mul3A_422 = arith.mulf %sub3A_419, %mul3A_421 : vector<16xf32>
        %add3A_423 = arith.addf %get3A_403, %mul3A_422 : vector<16xf32>
        %mul3A_424 = arith.mulf %get3A_405, %get3A_407 : vector<16xf32>
        %mul3A_425 = arith.mulf %max3A_410, %max3A_413 : vector<16xf32>
        %div3A_426 = arith.divf %mul3A_424, %mul3A_425 : vector<16xf32>
        %add3A_427 = arith.constant 1.000000e+00 : f32
        %add3A_428 = vector.broadcast %add3A_427 : f32 to vector<16xf32>
        %add3A_429 = arith.addf %add3A_418, %add3A_428 : vector<16xf32>
        %convert_element_type3A_430 = arith.fptosi %add3A_429 : vector<16xf32> to vector<16xi32>
        %sub3A_431 = arith.constant 1 : i32
        %sub3A_432 = vector.broadcast %sub3A_431 : i32 to vector<16xi32>
        %sub3A_433 = arith.subi %convert_element_type3A_430, %sub3A_432 : vector<16xi32>
        %add3A_434 = arith.constant 1.000000e+00 : f32
        %add3A_435 = vector.broadcast %add3A_434 : f32 to vector<16xf32>
        %add3A_436 = arith.addf %add3A_423, %add3A_435 : vector<16xf32>
        %convert_element_type3A_437 = arith.fptosi %add3A_436 : vector<16xf32> to vector<16xi32>
        %sub3A_438 = arith.constant 1 : i32
        %sub3A_439 = vector.broadcast %sub3A_438 : i32 to vector<16xi32>
        %sub3A_440 = arith.subi %convert_element_type3A_437, %sub3A_439 : vector<16xi32>
        %convert_element_type3A_441 = arith.sitofp %sub3A_433 : vector<16xi32> to vector<16xf32>
        %convert_element_type3A_442 = arith.sitofp %sub3A_440 : vector<16xi32> to vector<16xf32>
        %sub3A_443 = arith.subf %add3A_418, %convert_element_type3A_441 : vector<16xf32>
        %add3A_444 = arith.addf %sub3A_443, %max3A_410 : vector<16xf32>
        %sub3A_445 = arith.subf %add3A_423, %convert_element_type3A_442 : vector<16xf32>
        %add3A_446 = arith.addf %sub3A_445, %max3A_413 : vector<16xf32>
        %min3A_447 = arith.constant 1.000000e+00 : f32
        %min3A_448 = vector.broadcast %min3A_447 : f32 to vector<16xf32>
        %min3A_449 = arith.minimumf %add3A_444, %min3A_448 : vector<16xf32>
        %sub3A_450 = arith.subf %min3A_449, %sub3A_443 : vector<16xf32>
        %sub3A_451 = arith.constant 1.000000e+00 : f32
        %sub3A_452 = vector.broadcast %sub3A_451 : f32 to vector<16xf32>
        %sub3A_453 = arith.subf %add3A_444, %sub3A_452 : vector<16xf32>
        %min3A_454 = arith.constant 1.000000e+00 : f32
        %min3A_455 = vector.broadcast %min3A_454 : f32 to vector<16xf32>
        %min3A_456 = arith.minimumf %sub3A_453, %min3A_455 : vector<16xf32>
        %max3A_457 = arith.constant 0.000000e+00 : f32
        %max3A_458 = vector.broadcast %max3A_457 : f32 to vector<16xf32>
        %max3A_459 = arith.maximumf %min3A_456, %max3A_458 : vector<16xf32>
        %sub3A_460 = arith.constant 2.000000e+00 : f32
        %sub3A_461 = vector.broadcast %sub3A_460 : f32 to vector<16xf32>
        %sub3A_462 = arith.subf %add3A_444, %sub3A_461 : vector<16xf32>
        %min3A_463 = arith.constant 1.000000e+00 : f32
        %min3A_464 = vector.broadcast %min3A_463 : f32 to vector<16xf32>
        %min3A_465 = arith.minimumf %sub3A_462, %min3A_464 : vector<16xf32>
        %max3A_466 = arith.constant 0.000000e+00 : f32
        %max3A_467 = vector.broadcast %max3A_466 : f32 to vector<16xf32>
        %max3A_468 = arith.maximumf %min3A_465, %max3A_467 : vector<16xf32>
        %min3A_469 = arith.constant 1.000000e+00 : f32
        %min3A_470 = vector.broadcast %min3A_469 : f32 to vector<16xf32>
        %min3A_471 = arith.minimumf %add3A_446, %min3A_470 : vector<16xf32>
        %sub3A_472 = arith.subf %min3A_471, %sub3A_445 : vector<16xf32>
        %sub3A_473 = arith.constant 1.000000e+00 : f32
        %sub3A_474 = vector.broadcast %sub3A_473 : f32 to vector<16xf32>
        %sub3A_475 = arith.subf %add3A_446, %sub3A_474 : vector<16xf32>
        %min3A_476 = arith.constant 1.000000e+00 : f32
        %min3A_477 = vector.broadcast %min3A_476 : f32 to vector<16xf32>
        %min3A_478 = arith.minimumf %sub3A_475, %min3A_477 : vector<16xf32>
        %max3A_479 = arith.constant 0.000000e+00 : f32
        %max3A_480 = vector.broadcast %max3A_479 : f32 to vector<16xf32>
        %max3A_481 = arith.maximumf %min3A_478, %max3A_480 : vector<16xf32>
        %sub3A_482 = arith.constant 2.000000e+00 : f32
        %sub3A_483 = vector.broadcast %sub3A_482 : f32 to vector<16xf32>
        %sub3A_484 = arith.subf %add3A_446, %sub3A_483 : vector<16xf32>
        %min3A_485 = arith.constant 1.000000e+00 : f32
        %min3A_486 = vector.broadcast %min3A_485 : f32 to vector<16xf32>
        %min3A_487 = arith.minimumf %sub3A_484, %min3A_486 : vector<16xf32>
        %max3A_488 = arith.constant 0.000000e+00 : f32
        %max3A_489 = vector.broadcast %max3A_488 : f32 to vector<16xf32>
        %max3A_490 = arith.maximumf %min3A_487, %max3A_489 : vector<16xf32>
        %shift_left3A = arith.constant 7 : i32
        %shift_left3A_491 = arith.shli %add3A, %shift_left3A : i32
        %sub3A_492 = vector.broadcast %shift_left3A_491 : i32 to vector<16xi32>
        %sub3A_493 = arith.subi %sub3A_433, %sub3A_492 : vector<16xi32>
        %mul3A_494 = arith.mulf %div3A_426, %sub3A_450 : vector<16xf32>
        %mul3A_495 = arith.mulf %div3A_426, %max3A_459 : vector<16xf32>
        %mul3A_496 = arith.mulf %div3A_426, %max3A_468 : vector<16xf32>
        %add3A_497 = arith.constant 0 : i32
        %add3A_498 = vector.broadcast %add3A_497 : i32 to vector<16xi32>
        %add3A_499 = arith.addi %sub3A_493, %add3A_498 : vector<16xi32>
        %add3A_500 = arith.constant 1 : i32
        %add3A_501 = vector.broadcast %add3A_500 : i32 to vector<16xi32>
        %add3A_502 = arith.addi %sub3A_493, %add3A_501 : vector<16xi32>
        %add3A_503 = arith.constant 2 : i32
        %add3A_504 = vector.broadcast %add3A_503 : i32 to vector<16xi32>
        %add3A_505 = arith.addi %sub3A_493, %add3A_504 : vector<16xi32>
        %bitcast_convert_type3A = tpu.bitcast %add3A_499 : vector<16xi32> -> vector<16xi32>
        %lt3A_506 = arith.constant 128 : i32
        %lt3A_507 = vector.broadcast %lt3A_506 : i32 to vector<16xi32>
        %lt3A_508 = arith.cmpi ult, %bitcast_convert_type3A, %lt3A_507 : vector<16xi32>
        %bitcast_convert_type3A_509 = tpu.bitcast %add3A_502 : vector<16xi32> -> vector<16xi32>
        %lt3A_510 = arith.constant 128 : i32
        %lt3A_511 = vector.broadcast %lt3A_510 : i32 to vector<16xi32>
        %lt3A_512 = arith.cmpi ult, %bitcast_convert_type3A_509, %lt3A_511 : vector<16xi32>
        %bitcast_convert_type3A_513 = tpu.bitcast %add3A_505 : vector<16xi32> -> vector<16xi32>
        %lt3A_514 = arith.constant 128 : i32
        %lt3A_515 = vector.broadcast %lt3A_514 : i32 to vector<16xi32>
        %lt3A_516 = arith.cmpi ult, %bitcast_convert_type3A_513, %lt3A_515 : vector<16xi32>
        %ge3A = arith.constant 0 : i32
        %ge3A_517 = vector.broadcast %ge3A : i32 to vector<16xi32>
        %ge3A_518 = arith.cmpi sge, %sub3A_440, %ge3A_517 : vector<16xi32>
        %jit3A_519 = arith.constant 0.000000e+00 : f32
        %broadcast_in_dim3A_520 = vector.broadcast %jit3A_519 : f32 to vector<16xf32>
        %select_n3A_521 = arith.select %ge3A_518, %sub3A_472, %broadcast_in_dim3A_520 : vector<16xi1>, vector<16xf32>
        %and3A_522 = arith.constant 511 : i32
        %and3A_523 = vector.broadcast %and3A_522 : i32 to vector<16xi32>
        %and3A_524 = arith.andi %sub3A_440, %and3A_523 : vector<16xi32>
        %add3A_525 = arith.constant 1 : i32
        %add3A_526 = vector.broadcast %add3A_525 : i32 to vector<16xi32>
        %add3A_527 = arith.addi %sub3A_440, %add3A_526 : vector<16xi32>
        %add3A_528 = arith.constant 2 : i32
        %add3A_529 = vector.broadcast %add3A_528 : i32 to vector<16xi32>
        %add3A_530 = arith.addi %sub3A_440, %add3A_529 : vector<16xi32>
        %shift_left3A_531 = arith.constant 9 : i32
        %shift_left3A_532 = vector.broadcast %shift_left3A_531 : i32 to vector<16xi32>
        %shift_left3A_533 = arith.shli %add3A_499, %shift_left3A_532 : vector<16xi32>
        %shift_left3A_534 = arith.constant 9 : i32
        %shift_left3A_535 = vector.broadcast %shift_left3A_534 : i32 to vector<16xi32>
        %shift_left3A_536 = arith.shli %add3A_502, %shift_left3A_535 : vector<16xi32>
        %shift_left3A_537 = arith.constant 9 : i32
        %shift_left3A_538 = vector.broadcast %shift_left3A_537 : i32 to vector<16xi32>
        %shift_left3A_539 = arith.shli %add3A_505, %shift_left3A_538 : vector<16xi32>
        %add3A_540 = arith.addi %shift_left3A_533, %and3A_524 : vector<16xi32>
        %mul3A_541 = arith.mulf %mul3A_494, %select_n3A_521 : vector<16xf32>
        tpu.vector_store_idx %arg7[%add3A_540], %mul3A_541 masked %lt3A_508 {add = true} : memref<65536xf32, #tpu.memory_space<vmem>>[vector<16xi32>], vector<16xf32>, vector<16xi1>
        %add3A_542 = arith.addi %shift_left3A_533, %add3A_527 : vector<16xi32>
        %mul3A_543 = arith.mulf %mul3A_494, %max3A_481 : vector<16xf32>
        tpu.vector_store_idx %arg7[%add3A_542], %mul3A_543 masked %lt3A_508 {add = true} : memref<65536xf32, #tpu.memory_space<vmem>>[vector<16xi32>], vector<16xf32>, vector<16xi1>
        %add3A_544 = arith.addi %shift_left3A_533, %add3A_530 : vector<16xi32>
        %mul3A_545 = arith.mulf %mul3A_494, %max3A_490 : vector<16xf32>
        tpu.vector_store_idx %arg7[%add3A_544], %mul3A_545 masked %lt3A_508 {add = true} : memref<65536xf32, #tpu.memory_space<vmem>>[vector<16xi32>], vector<16xf32>, vector<16xi1>
        %add3A_546 = arith.addi %shift_left3A_536, %and3A_524 : vector<16xi32>
        %mul3A_547 = arith.mulf %mul3A_495, %select_n3A_521 : vector<16xf32>
        tpu.vector_store_idx %arg7[%add3A_546], %mul3A_547 masked %lt3A_512 {add = true} : memref<65536xf32, #tpu.memory_space<vmem>>[vector<16xi32>], vector<16xf32>, vector<16xi1>
        %add3A_548 = arith.addi %shift_left3A_536, %add3A_527 : vector<16xi32>
        %mul3A_549 = arith.mulf %mul3A_495, %max3A_481 : vector<16xf32>
        tpu.vector_store_idx %arg7[%add3A_548], %mul3A_549 masked %lt3A_512 {add = true} : memref<65536xf32, #tpu.memory_space<vmem>>[vector<16xi32>], vector<16xf32>, vector<16xi1>
        %add3A_550 = arith.addi %shift_left3A_536, %add3A_530 : vector<16xi32>
        %mul3A_551 = arith.mulf %mul3A_495, %max3A_490 : vector<16xf32>
        tpu.vector_store_idx %arg7[%add3A_550], %mul3A_551 masked %lt3A_512 {add = true} : memref<65536xf32, #tpu.memory_space<vmem>>[vector<16xi32>], vector<16xf32>, vector<16xi1>
        %add3A_552 = arith.addi %shift_left3A_539, %and3A_524 : vector<16xi32>
        %mul3A_553 = arith.mulf %mul3A_496, %select_n3A_521 : vector<16xf32>
        tpu.vector_store_idx %arg7[%add3A_552], %mul3A_553 masked %lt3A_516 {add = true} : memref<65536xf32, #tpu.memory_space<vmem>>[vector<16xi32>], vector<16xf32>, vector<16xi1>
        %add3A_554 = arith.addi %shift_left3A_539, %add3A_527 : vector<16xi32>
        %mul3A_555 = arith.mulf %mul3A_496, %max3A_481 : vector<16xf32>
        tpu.vector_store_idx %arg7[%add3A_554], %mul3A_555 masked %lt3A_516 {add = true} : memref<65536xf32, #tpu.memory_space<vmem>>[vector<16xi32>], vector<16xf32>, vector<16xi1>
        %add3A_556 = arith.addi %shift_left3A_539, %add3A_530 : vector<16xi32>
        %mul3A_557 = arith.mulf %mul3A_496, %max3A_490 : vector<16xf32>
        tpu.vector_store_idx %arg7[%add3A_556], %mul3A_557 masked %lt3A_516 {add = true} : memref<65536xf32, #tpu.memory_space<vmem>>[vector<16xi32>], vector<16xf32>, vector<16xi1>
      }
      %while3A_392 = arith.constant 1 : i32
      scf.for %while3A_394 = %while3A_390 to %while3A_386 step %while3A_392  : i32 {
        %mul3A_395 = arith.constant 16 : i32
        %mul3A_396 = arith.muli %while3A_394, %mul3A_395 : i32
        %get3A = arith.index_cast %mul3A_396 : i32 to index
        %get3A_397 = tpu.vector_load %arg8[%get3A] {strides = array<i32>} : memref<8192xf32, #tpu.memory_space<vmem>>, vector<16xf32>,
        %mul3A_398 = arith.constant 16 : i32
        %mul3A_399 = arith.muli %while3A_394, %mul3A_398 : i32
        %add3A_400 = arith.constant 8 : i32
        %add3A_401 = arith.addi %mul3A_399, %add3A_400 : i32
        %get3A_402 = arith.index_cast %add3A_401 : i32 to index
        %get3A_403 = tpu.vector_load %arg9[%get3A_402] {strides = array<i32>} : memref<8208xf32, #tpu.memory_space<vmem>>, vector<16xf32>,
        %get3A_404 = arith.index_cast %mul3A_396 : i32 to index
        %get3A_405 = tpu.vector_load %arg10[%get3A_404] {strides = array<i32>} : memref<8192xf32, #tpu.memory_space<vmem>>, vector<16xf32>,
        %get3A_406 = arith.index_cast %mul3A_396 : i32 to index
        %get3A_407 = tpu.vector_load %arg11[%get3A_406] {strides = array<i32>} : memref<8192xf32, #tpu.memory_space<vmem>>, vector<16xf32>,
        %max3A_408 = arith.constant 1.41421354 : f32
        %max3A_409 = vector.broadcast %max3A_408 : f32 to vector<16xf32>
        %max3A_410 = arith.maximumf %get3A_405, %max3A_409 : vector<16xf32>
        %max3A_411 = arith.constant 1.41421354 : f32
        %max3A_412 = vector.broadcast %max3A_411 : f32 to vector<16xf32>
        %max3A_413 = arith.maximumf %get3A_407, %max3A_412 : vector<16xf32>
        %sub3A_414 = arith.subf %get3A_405, %max3A_410 : vector<16xf32>
        %mul3A_415 = arith.constant 5.000000e-01 : f32
        %mul3A_416 = vector.broadcast %mul3A_415 : f32 to vector<16xf32>
        %mul3A_417 = arith.mulf %sub3A_414, %mul3A_416 : vector<16xf32>
        %add3A_418 = arith.addf %get3A_397, %mul3A_417 : vector<16xf32>
        %sub3A_419 = arith.subf %get3A_407, %max3A_413 : vector<16xf32>
        %mul3A_420 = arith.constant 5.000000e-01 : f32
        %mul3A_421 = vector.broadcast %mul3A_420 : f32 to vector<16xf32>
        %mul3A_422 = arith.mulf %sub3A_419, %mul3A_421 : vector<16xf32>
        %add3A_423 = arith.addf %get3A_403, %mul3A_422 : vector<16xf32>
        %mul3A_424 = arith.mulf %get3A_405, %get3A_407 : vector<16xf32>
        %mul3A_425 = arith.mulf %max3A_410, %max3A_413 : vector<16xf32>
        %div3A_426 = arith.divf %mul3A_424, %mul3A_425 : vector<16xf32>
        %add3A_427 = arith.constant 1.000000e+00 : f32
        %add3A_428 = vector.broadcast %add3A_427 : f32 to vector<16xf32>
        %add3A_429 = arith.addf %add3A_418, %add3A_428 : vector<16xf32>
        %convert_element_type3A_430 = arith.fptosi %add3A_429 : vector<16xf32> to vector<16xi32>
        %sub3A_431 = arith.constant 1 : i32
        %sub3A_432 = vector.broadcast %sub3A_431 : i32 to vector<16xi32>
        %sub3A_433 = arith.subi %convert_element_type3A_430, %sub3A_432 : vector<16xi32>
        %add3A_434 = arith.constant 1.000000e+00 : f32
        %add3A_435 = vector.broadcast %add3A_434 : f32 to vector<16xf32>
        %add3A_436 = arith.addf %add3A_423, %add3A_435 : vector<16xf32>
        %convert_element_type3A_437 = arith.fptosi %add3A_436 : vector<16xf32> to vector<16xi32>
        %sub3A_438 = arith.constant 1 : i32
        %sub3A_439 = vector.broadcast %sub3A_438 : i32 to vector<16xi32>
        %sub3A_440 = arith.subi %convert_element_type3A_437, %sub3A_439 : vector<16xi32>
        %convert_element_type3A_441 = arith.sitofp %sub3A_433 : vector<16xi32> to vector<16xf32>
        %convert_element_type3A_442 = arith.sitofp %sub3A_440 : vector<16xi32> to vector<16xf32>
        %sub3A_443 = arith.subf %add3A_418, %convert_element_type3A_441 : vector<16xf32>
        %add3A_444 = arith.addf %sub3A_443, %max3A_410 : vector<16xf32>
        %sub3A_445 = arith.subf %add3A_423, %convert_element_type3A_442 : vector<16xf32>
        %add3A_446 = arith.addf %sub3A_445, %max3A_413 : vector<16xf32>
        %min3A_447 = arith.constant 1.000000e+00 : f32
        %min3A_448 = vector.broadcast %min3A_447 : f32 to vector<16xf32>
        %min3A_449 = arith.minimumf %add3A_444, %min3A_448 : vector<16xf32>
        %sub3A_450 = arith.subf %min3A_449, %sub3A_443 : vector<16xf32>
        %sub3A_451 = arith.constant 1.000000e+00 : f32
        %sub3A_452 = vector.broadcast %sub3A_451 : f32 to vector<16xf32>
        %sub3A_453 = arith.subf %add3A_444, %sub3A_452 : vector<16xf32>
        %min3A_454 = arith.constant 1.000000e+00 : f32
        %min3A_455 = vector.broadcast %min3A_454 : f32 to vector<16xf32>
        %min3A_456 = arith.minimumf %sub3A_453, %min3A_455 : vector<16xf32>
        %max3A_457 = arith.constant 0.000000e+00 : f32
        %max3A_458 = vector.broadcast %max3A_457 : f32 to vector<16xf32>
        %max3A_459 = arith.maximumf %min3A_456, %max3A_458 : vector<16xf32>
        %sub3A_460 = arith.constant 2.000000e+00 : f32
        %sub3A_461 = vector.broadcast %sub3A_460 : f32 to vector<16xf32>
        %sub3A_462 = arith.subf %add3A_444, %sub3A_461 : vector<16xf32>
        %min3A_463 = arith.constant 1.000000e+00 : f32
        %min3A_464 = vector.broadcast %min3A_463 : f32 to vector<16xf32>
        %min3A_465 = arith.minimumf %sub3A_462, %min3A_464 : vector<16xf32>
        %max3A_466 = arith.constant 0.000000e+00 : f32
        %max3A_467 = vector.broadcast %max3A_466 : f32 to vector<16xf32>
        %max3A_468 = arith.maximumf %min3A_465, %max3A_467 : vector<16xf32>
        %min3A_469 = arith.constant 1.000000e+00 : f32
        %min3A_470 = vector.broadcast %min3A_469 : f32 to vector<16xf32>
        %min3A_471 = arith.minimumf %add3A_446, %min3A_470 : vector<16xf32>
        %sub3A_472 = arith.subf %min3A_471, %sub3A_445 : vector<16xf32>
        %sub3A_473 = arith.constant 1.000000e+00 : f32
        %sub3A_474 = vector.broadcast %sub3A_473 : f32 to vector<16xf32>
        %sub3A_475 = arith.subf %add3A_446, %sub3A_474 : vector<16xf32>
        %min3A_476 = arith.constant 1.000000e+00 : f32
        %min3A_477 = vector.broadcast %min3A_476 : f32 to vector<16xf32>
        %min3A_478 = arith.minimumf %sub3A_475, %min3A_477 : vector<16xf32>
        %max3A_479 = arith.constant 0.000000e+00 : f32
        %max3A_480 = vector.broadcast %max3A_479 : f32 to vector<16xf32>
        %max3A_481 = arith.maximumf %min3A_478, %max3A_480 : vector<16xf32>
        %sub3A_482 = arith.constant 2.000000e+00 : f32
        %sub3A_483 = vector.broadcast %sub3A_482 : f32 to vector<16xf32>
        %sub3A_484 = arith.subf %add3A_446, %sub3A_483 : vector<16xf32>
        %min3A_485 = arith.constant 1.000000e+00 : f32
        %min3A_486 = vector.broadcast %min3A_485 : f32 to vector<16xf32>
        %min3A_487 = arith.minimumf %sub3A_484, %min3A_486 : vector<16xf32>
        %max3A_488 = arith.constant 0.000000e+00 : f32
        %max3A_489 = vector.broadcast %max3A_488 : f32 to vector<16xf32>
        %max3A_490 = arith.maximumf %min3A_487, %max3A_489 : vector<16xf32>
        %shift_left3A = arith.constant 7 : i32
        %shift_left3A_491 = arith.shli %add3A, %shift_left3A : i32
        %sub3A_492 = vector.broadcast %shift_left3A_491 : i32 to vector<16xi32>
        %sub3A_493 = arith.subi %sub3A_433, %sub3A_492 : vector<16xi32>
        %mul3A_494 = arith.mulf %div3A_426, %sub3A_450 : vector<16xf32>
        %mul3A_495 = arith.mulf %div3A_426, %max3A_459 : vector<16xf32>
        %mul3A_496 = arith.mulf %div3A_426, %max3A_468 : vector<16xf32>
        %add3A_497 = arith.constant 0 : i32
        %add3A_498 = vector.broadcast %add3A_497 : i32 to vector<16xi32>
        %add3A_499 = arith.addi %sub3A_493, %add3A_498 : vector<16xi32>
        %add3A_500 = arith.constant 1 : i32
        %add3A_501 = vector.broadcast %add3A_500 : i32 to vector<16xi32>
        %add3A_502 = arith.addi %sub3A_493, %add3A_501 : vector<16xi32>
        %add3A_503 = arith.constant 2 : i32
        %add3A_504 = vector.broadcast %add3A_503 : i32 to vector<16xi32>
        %add3A_505 = arith.addi %sub3A_493, %add3A_504 : vector<16xi32>
        %bitcast_convert_type3A = tpu.bitcast %add3A_499 : vector<16xi32> -> vector<16xi32>
        %lt3A_506 = arith.constant 128 : i32
        %lt3A_507 = vector.broadcast %lt3A_506 : i32 to vector<16xi32>
        %lt3A_508 = arith.cmpi ult, %bitcast_convert_type3A, %lt3A_507 : vector<16xi32>
        %bitcast_convert_type3A_509 = tpu.bitcast %add3A_502 : vector<16xi32> -> vector<16xi32>
        %lt3A_510 = arith.constant 128 : i32
        %lt3A_511 = vector.broadcast %lt3A_510 : i32 to vector<16xi32>
        %lt3A_512 = arith.cmpi ult, %bitcast_convert_type3A_509, %lt3A_511 : vector<16xi32>
        %bitcast_convert_type3A_513 = tpu.bitcast %add3A_505 : vector<16xi32> -> vector<16xi32>
        %lt3A_514 = arith.constant 128 : i32
        %lt3A_515 = vector.broadcast %lt3A_514 : i32 to vector<16xi32>
        %lt3A_516 = arith.cmpi ult, %bitcast_convert_type3A_513, %lt3A_515 : vector<16xi32>
        %ge3A = arith.constant 0 : i32
        %ge3A_517 = vector.broadcast %ge3A : i32 to vector<16xi32>
        %ge3A_518 = arith.cmpi sge, %sub3A_440, %ge3A_517 : vector<16xi32>
        %jit3A_519 = arith.constant 0.000000e+00 : f32
        %broadcast_in_dim3A_520 = vector.broadcast %jit3A_519 : f32 to vector<16xf32>
        %select_n3A_521 = arith.select %ge3A_518, %sub3A_472, %broadcast_in_dim3A_520 : vector<16xi1>, vector<16xf32>
        %and3A_522 = arith.constant 511 : i32
        %and3A_523 = vector.broadcast %and3A_522 : i32 to vector<16xi32>
        %and3A_524 = arith.andi %sub3A_440, %and3A_523 : vector<16xi32>
        %add3A_525 = arith.constant 1 : i32
        %add3A_526 = vector.broadcast %add3A_525 : i32 to vector<16xi32>
        %add3A_527 = arith.addi %sub3A_440, %add3A_526 : vector<16xi32>
        %add3A_528 = arith.constant 2 : i32
        %add3A_529 = vector.broadcast %add3A_528 : i32 to vector<16xi32>
        %add3A_530 = arith.addi %sub3A_440, %add3A_529 : vector<16xi32>
        %shift_left3A_531 = arith.constant 9 : i32
        %shift_left3A_532 = vector.broadcast %shift_left3A_531 : i32 to vector<16xi32>
        %shift_left3A_533 = arith.shli %add3A_499, %shift_left3A_532 : vector<16xi32>
        %shift_left3A_534 = arith.constant 9 : i32
        %shift_left3A_535 = vector.broadcast %shift_left3A_534 : i32 to vector<16xi32>
        %shift_left3A_536 = arith.shli %add3A_502, %shift_left3A_535 : vector<16xi32>
        %shift_left3A_537 = arith.constant 9 : i32
        %shift_left3A_538 = vector.broadcast %shift_left3A_537 : i32 to vector<16xi32>
        %shift_left3A_539 = arith.shli %add3A_505, %shift_left3A_538 : vector<16xi32>
        %add3A_540 = arith.addi %shift_left3A_533, %and3A_524 : vector<16xi32>
        %mul3A_541 = arith.mulf %mul3A_494, %select_n3A_521 : vector<16xf32>
        tpu.vector_store_idx %arg7[%add3A_540], %mul3A_541 masked %lt3A_508 {add = true} : memref<65536xf32, #tpu.memory_space<vmem>>[vector<16xi32>], vector<16xf32>, vector<16xi1>
        %add3A_542 = arith.addi %shift_left3A_533, %add3A_527 : vector<16xi32>
        %mul3A_543 = arith.mulf %mul3A_494, %max3A_481 : vector<16xf32>
        tpu.vector_store_idx %arg7[%add3A_542], %mul3A_543 masked %lt3A_508 {add = true} : memref<65536xf32, #tpu.memory_space<vmem>>[vector<16xi32>], vector<16xf32>, vector<16xi1>
        %add3A_544 = arith.addi %shift_left3A_533, %add3A_530 : vector<16xi32>
        %mul3A_545 = arith.mulf %mul3A_494, %max3A_490 : vector<16xf32>
        tpu.vector_store_idx %arg7[%add3A_544], %mul3A_545 masked %lt3A_508 {add = true} : memref<65536xf32, #tpu.memory_space<vmem>>[vector<16xi32>], vector<16xf32>, vector<16xi1>
        %add3A_546 = arith.addi %shift_left3A_536, %and3A_524 : vector<16xi32>
        %mul3A_547 = arith.mulf %mul3A_495, %select_n3A_521 : vector<16xf32>
        tpu.vector_store_idx %arg7[%add3A_546], %mul3A_547 masked %lt3A_512 {add = true} : memref<65536xf32, #tpu.memory_space<vmem>>[vector<16xi32>], vector<16xf32>, vector<16xi1>
        %add3A_548 = arith.addi %shift_left3A_536, %add3A_527 : vector<16xi32>
        %mul3A_549 = arith.mulf %mul3A_495, %max3A_481 : vector<16xf32>
        tpu.vector_store_idx %arg7[%add3A_548], %mul3A_549 masked %lt3A_512 {add = true} : memref<65536xf32, #tpu.memory_space<vmem>>[vector<16xi32>], vector<16xf32>, vector<16xi1>
        %add3A_550 = arith.addi %shift_left3A_536, %add3A_530 : vector<16xi32>
        %mul3A_551 = arith.mulf %mul3A_495, %max3A_490 : vector<16xf32>
        tpu.vector_store_idx %arg7[%add3A_550], %mul3A_551 masked %lt3A_512 {add = true} : memref<65536xf32, #tpu.memory_space<vmem>>[vector<16xi32>], vector<16xf32>, vector<16xi1>
        %add3A_552 = arith.addi %shift_left3A_539, %and3A_524 : vector<16xi32>
        %mul3A_553 = arith.mulf %mul3A_496, %select_n3A_521 : vector<16xf32>
        tpu.vector_store_idx %arg7[%add3A_552], %mul3A_553 masked %lt3A_516 {add = true} : memref<65536xf32, #tpu.memory_space<vmem>>[vector<16xi32>], vector<16xf32>, vector<16xi1>
        %add3A_554 = arith.addi %shift_left3A_539, %add3A_527 : vector<16xi32>
        %mul3A_555 = arith.mulf %mul3A_496, %max3A_481 : vector<16xf32>
        tpu.vector_store_idx %arg7[%add3A_554], %mul3A_555 masked %lt3A_516 {add = true} : memref<65536xf32, #tpu.memory_space<vmem>>[vector<16xi32>], vector<16xf32>, vector<16xi1>
        %add3A_556 = arith.addi %shift_left3A_539, %add3A_530 : vector<16xi32>
        %mul3A_557 = arith.mulf %mul3A_496, %max3A_490 : vector<16xf32>
        tpu.vector_store_idx %arg7[%add3A_556], %mul3A_557 masked %lt3A_516 {add = true} : memref<65536xf32, #tpu.memory_space<vmem>>[vector<16xi32>], vector<16xf32>, vector<16xi1>
      }
      %while3A_393 = arith.constant 0 : i32
      scf.yield %while3A_393 : i32
    }
    %jit3A_164 = arith.constant 512 : i32
    %div3A_165 = arith.divsi %add3A_37, %jit3A_164 : i32
    %sign3A_166 = arith.constant 0 : i32
    %sign3A_167 = arith.cmpi sgt, %add3A_37, %sign3A_166 : i32
    %sign3A_168 = arith.extui %sign3A_167 : i1 to i32
    %sign3A_169 = arith.constant 0 : i32
    %sign3A_170 = arith.cmpi slt, %add3A_37, %sign3A_169 : i32
    %sign3A_171 = arith.extui %sign3A_170 : i1 to i32
    %sign3A_172 = arith.subi %sign3A_168, %sign3A_171 : i32
    %sign3A_173 = arith.constant 0 : i32
    %sign3A_174 = arith.cmpi sgt, %jit3A_164, %sign3A_173 : i32
    %sign3A_175 = arith.extui %sign3A_174 : i1 to i32
    %sign3A_176 = arith.constant 0 : i32
    %sign3A_177 = arith.cmpi slt, %jit3A_164, %sign3A_176 : i32
    %sign3A_178 = arith.extui %sign3A_177 : i1 to i32
    %sign3A_179 = arith.subi %sign3A_175, %sign3A_178 : i32
    %ne3A_180 = arith.cmpi ne, %sign3A_172, %sign3A_179 : i32
    %rem3A_181 = arith.remsi %add3A_37, %jit3A_164 : i32
    %ne3A_182 = arith.constant 0 : i32
    %ne3A_183 = arith.cmpi ne, %rem3A_181, %ne3A_182 : i32
    %and3A_184 = arith.andi %ne3A_180, %ne3A_183 : i1
    %sub3A_185 = arith.constant 1 : i32
    %sub3A_186 = arith.subi %div3A_165, %sub3A_185 : i32
    %select_n3A_187 = arith.select %and3A_184, %sub3A_186, %div3A_165 : i32
    %add3A_188 = arith.constant 512 : i32
    %add3A_189 = arith.addi %add3A_45, %add3A_188 : i32
    %sub3A_190 = arith.constant 1 : i32
    %sub3A_191 = arith.subi %add3A_189, %sub3A_190 : i32
    %jit3A_192 = arith.constant 512 : i32
    %div3A_193 = arith.divsi %sub3A_191, %jit3A_192 : i32
    %sign3A_194 = arith.constant 0 : i32
    %sign3A_195 = arith.cmpi sgt, %sub3A_191, %sign3A_194 : i32
    %sign3A_196 = arith.extui %sign3A_195 : i1 to i32
    %sign3A_197 = arith.constant 0 : i32
    %sign3A_198 = arith.cmpi slt, %sub3A_191, %sign3A_197 : i32
    %sign3A_199 = arith.extui %sign3A_198 : i1 to i32
    %sign3A_200 = arith.subi %sign3A_196, %sign3A_199 : i32
    %sign3A_201 = arith.constant 0 : i32
    %sign3A_202 = arith.cmpi sgt, %jit3A_192, %sign3A_201 : i32
    %sign3A_203 = arith.extui %sign3A_202 : i1 to i32
    %sign3A_204 = arith.constant 0 : i32
    %sign3A_205 = arith.cmpi slt, %jit3A_192, %sign3A_204 : i32
    %sign3A_206 = arith.extui %sign3A_205 : i1 to i32
    %sign3A_207 = arith.subi %sign3A_203, %sign3A_206 : i32
    %ne3A_208 = arith.cmpi ne, %sign3A_200, %sign3A_207 : i32
    %rem3A_209 = arith.remsi %sub3A_191, %jit3A_192 : i32
    %ne3A_210 = arith.constant 0 : i32
    %ne3A_211 = arith.cmpi ne, %rem3A_209, %ne3A_210 : i32
    %and3A_212 = arith.andi %ne3A_208, %ne3A_211 : i1
    %sub3A_213 = arith.constant 1 : i32
    %sub3A_214 = arith.subi %div3A_193, %sub3A_213 : i32
    %select_n3A_215 = arith.select %and3A_212, %sub3A_214, %div3A_193 : i32
    %while3A_216 = arith.constant 0 : i32
    %while3A_217 = arith.subi %select_n3A_215, %select_n3A_187 : i32
    %while3A_218 = arith.addi %select_n3A_187, %while3A_217 : i32
    %while3A_219 = arith.constant 1 : i32
    %while3A_220 = arith.divsi %while3A_217, %while3A_219 : i32
    %while3A_221 = arith.muli %while3A_220, %while3A_219 : i32
    %while3A_222 = arith.addi %select_n3A_187, %while3A_221 : i32
    %while3A_223 = arith.constant 1 : i32
    %while3A_224 = scf.for %while3A_358 = %select_n3A_187 to %while3A_222 step %while3A_223 iter_args(%while3A_359 = %while3A_216) -> (i32)  : i32 {
      %mul3A_360 = arith.constant 8192 : i32
      %mul3A_361 = arith.muli %while3A_358, %mul3A_360 : i32
      %mul3A_362 = arith.constant 8192 : i32
      %mul3A_363 = arith.muli %while3A_358, %mul3A_362 : i32
      %add3A_364 = arith.constant 129992 : i32
      %add3A_365 = arith.addi %add3A_364, %mul3A_363 : i32
      %lt3A = arith.constant 15 : i32
      %lt3A_366 = arith.cmpi slt, %while3A_358, %lt3A : i32
      %convert_element_type3A = arith.extui %lt3A_366 : i1 to i32
      %cond3A = arith.constant 0 : i32
      %cond3A_367 = arith.cmpi ne, %convert_element_type3A, %cond3A : i32
      scf.if %cond3A_367 {
        %dma_start3A_394 = tpu.memref_slice %arg2[%mul3A_361] : memref<260000xf32, #tpu.memory_space<hbm>> -> memref<8192xf32, #tpu.memory_space<hbm>>
        %dma_start3A_395 = tpu.memref_slice %arg2[%mul3A_361] : memref<260000xf32, #tpu.memory_space<hbm>> -> memref<8192xf32, #tpu.memory_space<hbm>>
        tpu.enqueue_dma source(%dma_start3A_395 : memref<8192xf32, #tpu.memory_space<hbm>>) target(%arg8 : memref<8192xf32, #tpu.memory_space<vmem>>) target_semaphore(%arg15 : memref<!tpu.dma_semaphore, #tpu.memory_space<semaphore_mem>>)
        %dma_start3A_396 = tpu.memref_slice %arg2[%add3A_365] : memref<260000xf32, #tpu.memory_space<hbm>> -> memref<8208xf32, #tpu.memory_space<hbm>>
        %dma_start3A_397 = tpu.memref_slice %arg2[%add3A_365] : memref<260000xf32, #tpu.memory_space<hbm>> -> memref<8208xf32, #tpu.memory_space<hbm>>
        tpu.enqueue_dma source(%dma_start3A_397 : memref<8208xf32, #tpu.memory_space<hbm>>) target(%arg9 : memref<8208xf32, #tpu.memory_space<vmem>>) target_semaphore(%arg15 : memref<!tpu.dma_semaphore, #tpu.memory_space<semaphore_mem>>)
        %dma_start3A_398 = tpu.memref_slice %arg3[%mul3A_361] : memref<130000xf32, #tpu.memory_space<hbm>> -> memref<8192xf32, #tpu.memory_space<hbm>>
        %dma_start3A_399 = tpu.memref_slice %arg3[%mul3A_361] : memref<130000xf32, #tpu.memory_space<hbm>> -> memref<8192xf32, #tpu.memory_space<hbm>>
        tpu.enqueue_dma source(%dma_start3A_399 : memref<8192xf32, #tpu.memory_space<hbm>>) target(%arg10 : memref<8192xf32, #tpu.memory_space<vmem>>) target_semaphore(%arg15 : memref<!tpu.dma_semaphore, #tpu.memory_space<semaphore_mem>>)
        %dma_start3A_400 = tpu.memref_slice %arg4[%mul3A_361] : memref<130000xf32, #tpu.memory_space<hbm>> -> memref<8192xf32, #tpu.memory_space<hbm>>
        %dma_start3A_401 = tpu.memref_slice %arg4[%mul3A_361] : memref<130000xf32, #tpu.memory_space<hbm>> -> memref<8192xf32, #tpu.memory_space<hbm>>
        tpu.enqueue_dma source(%dma_start3A_401 : memref<8192xf32, #tpu.memory_space<hbm>>) target(%arg11 : memref<8192xf32, #tpu.memory_space<vmem>>) target_semaphore(%arg15 : memref<!tpu.dma_semaphore, #tpu.memory_space<semaphore_mem>>)
        %dma_wait3A_402 = tpu.memref_slice %arg2[%mul3A_361] : memref<260000xf32, #tpu.memory_space<hbm>> -> memref<8192xf32, #tpu.memory_space<hbm>>
        %dma_wait3A_403 = tpu.memref_slice %arg2[%mul3A_361] : memref<260000xf32, #tpu.memory_space<hbm>> -> memref<8192xf32, #tpu.memory_space<hbm>>
        tpu.wait_dma2 semaphore(%arg15 : memref<!tpu.dma_semaphore, #tpu.memory_space<semaphore_mem>>) src(%dma_wait3A_403 : memref<8192xf32, #tpu.memory_space<hbm>>) dst(%arg8 : memref<8192xf32, #tpu.memory_space<vmem>>)
        %dma_wait3A_404 = tpu.memref_slice %arg2[%add3A_365] : memref<260000xf32, #tpu.memory_space<hbm>> -> memref<8208xf32, #tpu.memory_space<hbm>>
        %dma_wait3A_405 = tpu.memref_slice %arg2[%add3A_365] : memref<260000xf32, #tpu.memory_space<hbm>> -> memref<8208xf32, #tpu.memory_space<hbm>>
        tpu.wait_dma2 semaphore(%arg15 : memref<!tpu.dma_semaphore, #tpu.memory_space<semaphore_mem>>) src(%dma_wait3A_405 : memref<8208xf32, #tpu.memory_space<hbm>>) dst(%arg9 : memref<8208xf32, #tpu.memory_space<vmem>>)
        %dma_wait3A_406 = tpu.memref_slice %arg3[%mul3A_361] : memref<130000xf32, #tpu.memory_space<hbm>> -> memref<8192xf32, #tpu.memory_space<hbm>>
        %dma_wait3A_407 = tpu.memref_slice %arg3[%mul3A_361] : memref<130000xf32, #tpu.memory_space<hbm>> -> memref<8192xf32, #tpu.memory_space<hbm>>
        tpu.wait_dma2 semaphore(%arg15 : memref<!tpu.dma_semaphore, #tpu.memory_space<semaphore_mem>>) src(%dma_wait3A_407 : memref<8192xf32, #tpu.memory_space<hbm>>) dst(%arg10 : memref<8192xf32, #tpu.memory_space<vmem>>)
        %dma_wait3A_408 = tpu.memref_slice %arg4[%mul3A_361] : memref<130000xf32, #tpu.memory_space<hbm>> -> memref<8192xf32, #tpu.memory_space<hbm>>
        %dma_wait3A_409 = tpu.memref_slice %arg4[%mul3A_361] : memref<130000xf32, #tpu.memory_space<hbm>> -> memref<8192xf32, #tpu.memory_space<hbm>>
        tpu.wait_dma2 semaphore(%arg15 : memref<!tpu.dma_semaphore, #tpu.memory_space<semaphore_mem>>) src(%dma_wait3A_409 : memref<8192xf32, #tpu.memory_space<hbm>>) dst(%arg11 : memref<8192xf32, #tpu.memory_space<vmem>>)
      } else {
      }
      %eq3A = arith.constant 15 : i32
      %eq3A_368 = arith.cmpi eq, %while3A_358, %eq3A : i32
      %convert_element_type3A_369 = arith.extui %eq3A_368 : i1 to i32
      %cond3A_370 = arith.constant 0 : i32
      %cond3A_371 = arith.cmpi ne, %convert_element_type3A_369, %cond3A_370 : i32
      scf.if %cond3A_371 {
        %dma_start3A_394 = arith.constant 0 : i32
        %dma_start3A_395 = tpu.memref_slice %arg8[%dma_start3A_394] : memref<8192xf32, #tpu.memory_space<vmem>> -> memref<7120xf32, #tpu.memory_space<vmem>>
        %dma_start3A_396 = tpu.memref_slice %arg2[%mul3A_361] : memref<260000xf32, #tpu.memory_space<hbm>> -> memref<7120xf32, #tpu.memory_space<hbm>>
        %dma_start3A_397 = arith.constant 0 : i32
        %dma_start3A_398 = tpu.memref_slice %arg8[%dma_start3A_397] : memref<8192xf32, #tpu.memory_space<vmem>> -> memref<7120xf32, #tpu.memory_space<vmem>>
        %dma_start3A_399 = tpu.memref_slice %arg2[%mul3A_361] : memref<260000xf32, #tpu.memory_space<hbm>> -> memref<7120xf32, #tpu.memory_space<hbm>>
        tpu.enqueue_dma source(%dma_start3A_399 : memref<7120xf32, #tpu.memory_space<hbm>>) target(%dma_start3A_398 : memref<7120xf32, #tpu.memory_space<vmem>>) target_semaphore(%arg15 : memref<!tpu.dma_semaphore, #tpu.memory_space<semaphore_mem>>)
        %dma_start3A_400 = arith.constant 0 : i32
        %dma_start3A_401 = tpu.memref_slice %arg9[%dma_start3A_400] : memref<8208xf32, #tpu.memory_space<vmem>> -> memref<7128xf32, #tpu.memory_space<vmem>>
        %dma_start3A_402 = tpu.memref_slice %arg2[%add3A_365] : memref<260000xf32, #tpu.memory_space<hbm>> -> memref<7128xf32, #tpu.memory_space<hbm>>
        %dma_start3A_403 = arith.constant 0 : i32
        %dma_start3A_404 = tpu.memref_slice %arg9[%dma_start3A_403] : memref<8208xf32, #tpu.memory_space<vmem>> -> memref<7128xf32, #tpu.memory_space<vmem>>
        %dma_start3A_405 = tpu.memref_slice %arg2[%add3A_365] : memref<260000xf32, #tpu.memory_space<hbm>> -> memref<7128xf32, #tpu.memory_space<hbm>>
        tpu.enqueue_dma source(%dma_start3A_405 : memref<7128xf32, #tpu.memory_space<hbm>>) target(%dma_start3A_404 : memref<7128xf32, #tpu.memory_space<vmem>>) target_semaphore(%arg15 : memref<!tpu.dma_semaphore, #tpu.memory_space<semaphore_mem>>)
        %dma_start3A_406 = arith.constant 0 : i32
        %dma_start3A_407 = tpu.memref_slice %arg10[%dma_start3A_406] : memref<8192xf32, #tpu.memory_space<vmem>> -> memref<7120xf32, #tpu.memory_space<vmem>>
        %dma_start3A_408 = tpu.memref_slice %arg3[%mul3A_361] : memref<130000xf32, #tpu.memory_space<hbm>> -> memref<7120xf32, #tpu.memory_space<hbm>>
        %dma_start3A_409 = arith.constant 0 : i32
        %dma_start3A_410 = tpu.memref_slice %arg10[%dma_start3A_409] : memref<8192xf32, #tpu.memory_space<vmem>> -> memref<7120xf32, #tpu.memory_space<vmem>>
        %dma_start3A_411 = tpu.memref_slice %arg3[%mul3A_361] : memref<130000xf32, #tpu.memory_space<hbm>> -> memref<7120xf32, #tpu.memory_space<hbm>>
        tpu.enqueue_dma source(%dma_start3A_411 : memref<7120xf32, #tpu.memory_space<hbm>>) target(%dma_start3A_410 : memref<7120xf32, #tpu.memory_space<vmem>>) target_semaphore(%arg15 : memref<!tpu.dma_semaphore, #tpu.memory_space<semaphore_mem>>)
        %dma_start3A_412 = arith.constant 0 : i32
        %dma_start3A_413 = tpu.memref_slice %arg11[%dma_start3A_412] : memref<8192xf32, #tpu.memory_space<vmem>> -> memref<7120xf32, #tpu.memory_space<vmem>>
        %dma_start3A_414 = tpu.memref_slice %arg4[%mul3A_361] : memref<130000xf32, #tpu.memory_space<hbm>> -> memref<7120xf32, #tpu.memory_space<hbm>>
        %dma_start3A_415 = arith.constant 0 : i32
        %dma_start3A_416 = tpu.memref_slice %arg11[%dma_start3A_415] : memref<8192xf32, #tpu.memory_space<vmem>> -> memref<7120xf32, #tpu.memory_space<vmem>>
        %dma_start3A_417 = tpu.memref_slice %arg4[%mul3A_361] : memref<130000xf32, #tpu.memory_space<hbm>> -> memref<7120xf32, #tpu.memory_space<hbm>>
        tpu.enqueue_dma source(%dma_start3A_417 : memref<7120xf32, #tpu.memory_space<hbm>>) target(%dma_start3A_416 : memref<7120xf32, #tpu.memory_space<vmem>>) target_semaphore(%arg15 : memref<!tpu.dma_semaphore, #tpu.memory_space<semaphore_mem>>)
        %dma_wait3A_418 = arith.constant 0 : i32
        %dma_wait3A_419 = tpu.memref_slice %arg8[%dma_wait3A_418] : memref<8192xf32, #tpu.memory_space<vmem>> -> memref<7120xf32, #tpu.memory_space<vmem>>
        %dma_wait3A_420 = tpu.memref_slice %arg2[%mul3A_361] : memref<260000xf32, #tpu.memory_space<hbm>> -> memref<7120xf32, #tpu.memory_space<hbm>>
        %dma_wait3A_421 = arith.constant 0 : i32
        %dma_wait3A_422 = tpu.memref_slice %arg8[%dma_wait3A_421] : memref<8192xf32, #tpu.memory_space<vmem>> -> memref<7120xf32, #tpu.memory_space<vmem>>
        %dma_wait3A_423 = tpu.memref_slice %arg2[%mul3A_361] : memref<260000xf32, #tpu.memory_space<hbm>> -> memref<7120xf32, #tpu.memory_space<hbm>>
        tpu.wait_dma2 semaphore(%arg15 : memref<!tpu.dma_semaphore, #tpu.memory_space<semaphore_mem>>) src(%dma_wait3A_423 : memref<7120xf32, #tpu.memory_space<hbm>>) dst(%dma_wait3A_422 : memref<7120xf32, #tpu.memory_space<vmem>>)
        %dma_wait3A_424 = arith.constant 0 : i32
        %dma_wait3A_425 = tpu.memref_slice %arg9[%dma_wait3A_424] : memref<8208xf32, #tpu.memory_space<vmem>> -> memref<7128xf32, #tpu.memory_space<vmem>>
        %dma_wait3A_426 = tpu.memref_slice %arg2[%add3A_365] : memref<260000xf32, #tpu.memory_space<hbm>> -> memref<7128xf32, #tpu.memory_space<hbm>>
        %dma_wait3A_427 = arith.constant 0 : i32
        %dma_wait3A_428 = tpu.memref_slice %arg9[%dma_wait3A_427] : memref<8208xf32, #tpu.memory_space<vmem>> -> memref<7128xf32, #tpu.memory_space<vmem>>
        %dma_wait3A_429 = tpu.memref_slice %arg2[%add3A_365] : memref<260000xf32, #tpu.memory_space<hbm>> -> memref<7128xf32, #tpu.memory_space<hbm>>
        tpu.wait_dma2 semaphore(%arg15 : memref<!tpu.dma_semaphore, #tpu.memory_space<semaphore_mem>>) src(%dma_wait3A_429 : memref<7128xf32, #tpu.memory_space<hbm>>) dst(%dma_wait3A_428 : memref<7128xf32, #tpu.memory_space<vmem>>)
        %dma_wait3A_430 = arith.constant 0 : i32
        %dma_wait3A_431 = tpu.memref_slice %arg10[%dma_wait3A_430] : memref<8192xf32, #tpu.memory_space<vmem>> -> memref<7120xf32, #tpu.memory_space<vmem>>
        %dma_wait3A_432 = tpu.memref_slice %arg3[%mul3A_361] : memref<130000xf32, #tpu.memory_space<hbm>> -> memref<7120xf32, #tpu.memory_space<hbm>>
        %dma_wait3A_433 = arith.constant 0 : i32
        %dma_wait3A_434 = tpu.memref_slice %arg10[%dma_wait3A_433] : memref<8192xf32, #tpu.memory_space<vmem>> -> memref<7120xf32, #tpu.memory_space<vmem>>
        %dma_wait3A_435 = tpu.memref_slice %arg3[%mul3A_361] : memref<130000xf32, #tpu.memory_space<hbm>> -> memref<7120xf32, #tpu.memory_space<hbm>>
        tpu.wait_dma2 semaphore(%arg15 : memref<!tpu.dma_semaphore, #tpu.memory_space<semaphore_mem>>) src(%dma_wait3A_435 : memref<7120xf32, #tpu.memory_space<hbm>>) dst(%dma_wait3A_434 : memref<7120xf32, #tpu.memory_space<vmem>>)
        %dma_wait3A_436 = arith.constant 0 : i32
        %dma_wait3A_437 = tpu.memref_slice %arg11[%dma_wait3A_436] : memref<8192xf32, #tpu.memory_space<vmem>> -> memref<7120xf32, #tpu.memory_space<vmem>>
        %dma_wait3A_438 = tpu.memref_slice %arg4[%mul3A_361] : memref<130000xf32, #tpu.memory_space<hbm>> -> memref<7120xf32, #tpu.memory_space<hbm>>
        %dma_wait3A_439 = arith.constant 0 : i32
        %dma_wait3A_440 = tpu.memref_slice %arg11[%dma_wait3A_439] : memref<8192xf32, #tpu.memory_space<vmem>> -> memref<7120xf32, #tpu.memory_space<vmem>>
        %dma_wait3A_441 = tpu.memref_slice %arg4[%mul3A_361] : memref<130000xf32, #tpu.memory_space<hbm>> -> memref<7120xf32, #tpu.memory_space<hbm>>
        tpu.wait_dma2 semaphore(%arg15 : memref<!tpu.dma_semaphore, #tpu.memory_space<semaphore_mem>>) src(%dma_wait3A_441 : memref<7120xf32, #tpu.memory_space<hbm>>) dst(%dma_wait3A_440 : memref<7120xf32, #tpu.memory_space<vmem>>)
      } else {
      }
      %mul3A_372 = arith.constant 512 : i32
      %mul3A_373 = arith.muli %while3A_358, %mul3A_372 : i32
      %sub3A_374 = arith.subi %add3A_37, %mul3A_373 : i32
      %jit3A_375 = arith.constant 0 : i32
      %jit3A_376 = arith.constant 512 : i32
      %max3A_377 = arith.maxsi %jit3A_375, %sub3A_374 : i32
      %min3A_378 = arith.minsi %jit3A_376, %max3A_377 : i32
      %sub3A_379 = arith.subi %add3A_45, %mul3A_373 : i32
      %jit3A_380 = arith.constant 0 : i32
      %jit3A_381 = arith.constant 512 : i32
      %max3A_382 = arith.maxsi %jit3A_380, %sub3A_379 : i32
      %min3A_383 = arith.minsi %jit3A_381, %max3A_382 : i32
      %while3A_384 = arith.constant 0 : i32
      %while3A_385 = arith.subi %min3A_383, %min3A_378 : i32
      %while3A_386 = arith.addi %min3A_378, %while3A_385 : i32
      %while3A_387 = arith.constant 1 : i32
      %while3A_388 = arith.divsi %while3A_385, %while3A_387 : i32
      %while3A_389 = arith.muli %while3A_388, %while3A_387 : i32
      %while3A_390 = arith.addi %min3A_378, %while3A_389 : i32
      %while3A_391 = arith.constant 1 : i32
      scf.for %while3A_394 = %min3A_378 to %while3A_390 step %while3A_391  : i32 {
        %mul3A_395 = arith.constant 16 : i32
        %mul3A_396 = arith.muli %while3A_394, %mul3A_395 : i32
        %get3A = arith.index_cast %mul3A_396 : i32 to index
        %get3A_397 = tpu.vector_load %arg8[%get3A] {strides = array<i32>} : memref<8192xf32, #tpu.memory_space<vmem>>, vector<16xf32>,
        %mul3A_398 = arith.constant 16 : i32
        %mul3A_399 = arith.muli %while3A_394, %mul3A_398 : i32
        %add3A_400 = arith.constant 8 : i32
        %add3A_401 = arith.addi %mul3A_399, %add3A_400 : i32
        %get3A_402 = arith.index_cast %add3A_401 : i32 to index
        %get3A_403 = tpu.vector_load %arg9[%get3A_402] {strides = array<i32>} : memref<8208xf32, #tpu.memory_space<vmem>>, vector<16xf32>,
        %get3A_404 = arith.index_cast %mul3A_396 : i32 to index
        %get3A_405 = tpu.vector_load %arg10[%get3A_404] {strides = array<i32>} : memref<8192xf32, #tpu.memory_space<vmem>>, vector<16xf32>,
        %get3A_406 = arith.index_cast %mul3A_396 : i32 to index
        %get3A_407 = tpu.vector_load %arg11[%get3A_406] {strides = array<i32>} : memref<8192xf32, #tpu.memory_space<vmem>>, vector<16xf32>,
        %broadcast_in_dim3A_408 = arith.constant 0.899999976 : f32
        %broadcast_in_dim3A_409 = vector.broadcast %broadcast_in_dim3A_408 : f32 to vector<16xf32>
        %convert_element_type3A_410 = arith.fptosi %get3A_397 : vector<16xf32> to vector<16xi32>
        %convert_element_type3A_411 = arith.fptosi %get3A_403 : vector<16xf32> to vector<16xi32>
        %convert_element_type3A_412 = arith.sitofp %convert_element_type3A_410 : vector<16xi32> to vector<16xf32>
        %convert_element_type3A_413 = arith.sitofp %convert_element_type3A_411 : vector<16xi32> to vector<16xf32>
        %sub3A_414 = arith.subf %get3A_397, %convert_element_type3A_412 : vector<16xf32>
        %add3A_415 = arith.addf %sub3A_414, %get3A_405 : vector<16xf32>
        %sub3A_416 = arith.subf %get3A_403, %convert_element_type3A_413 : vector<16xf32>
        %add3A_417 = arith.addf %sub3A_416, %get3A_407 : vector<16xf32>
        %min3A_418 = arith.constant 1.000000e+00 : f32
        %min3A_419 = vector.broadcast %min3A_418 : f32 to vector<16xf32>
        %min3A_420 = arith.minimumf %add3A_415, %min3A_419 : vector<16xf32>
        %sub3A_421 = arith.subf %min3A_420, %sub3A_414 : vector<16xf32>
        %sub3A_422 = arith.constant 1.000000e+00 : f32
        %sub3A_423 = vector.broadcast %sub3A_422 : f32 to vector<16xf32>
        %sub3A_424 = arith.subf %add3A_415, %sub3A_423 : vector<16xf32>
        %min3A_425 = arith.constant 1.000000e+00 : f32
        %min3A_426 = vector.broadcast %min3A_425 : f32 to vector<16xf32>
        %min3A_427 = arith.minimumf %sub3A_424, %min3A_426 : vector<16xf32>
        %max3A_428 = arith.constant 0.000000e+00 : f32
        %max3A_429 = vector.broadcast %max3A_428 : f32 to vector<16xf32>
        %max3A_430 = arith.maximumf %min3A_427, %max3A_429 : vector<16xf32>
        %sub3A_431 = arith.constant 2.000000e+00 : f32
        %sub3A_432 = vector.broadcast %sub3A_431 : f32 to vector<16xf32>
        %sub3A_433 = arith.subf %add3A_415, %sub3A_432 : vector<16xf32>
        %min3A_434 = arith.constant 1.000000e+00 : f32
        %min3A_435 = vector.broadcast %min3A_434 : f32 to vector<16xf32>
        %min3A_436 = arith.minimumf %sub3A_433, %min3A_435 : vector<16xf32>
        %max3A_437 = arith.constant 0.000000e+00 : f32
        %max3A_438 = vector.broadcast %max3A_437 : f32 to vector<16xf32>
        %max3A_439 = arith.maximumf %min3A_436, %max3A_438 : vector<16xf32>
        %sub3A_440 = arith.constant 3.000000e+00 : f32
        %sub3A_441 = vector.broadcast %sub3A_440 : f32 to vector<16xf32>
        %sub3A_442 = arith.subf %add3A_415, %sub3A_441 : vector<16xf32>
        %min3A_443 = arith.constant 1.000000e+00 : f32
        %min3A_444 = vector.broadcast %min3A_443 : f32 to vector<16xf32>
        %min3A_445 = arith.minimumf %sub3A_442, %min3A_444 : vector<16xf32>
        %max3A_446 = arith.constant 0.000000e+00 : f32
        %max3A_447 = vector.broadcast %max3A_446 : f32 to vector<16xf32>
        %max3A_448 = arith.maximumf %min3A_445, %max3A_447 : vector<16xf32>
        %sub3A_449 = arith.constant 4.000000e+00 : f32
        %sub3A_450 = vector.broadcast %sub3A_449 : f32 to vector<16xf32>
        %sub3A_451 = arith.subf %add3A_415, %sub3A_450 : vector<16xf32>
        %min3A_452 = arith.constant 1.000000e+00 : f32
        %min3A_453 = vector.broadcast %min3A_452 : f32 to vector<16xf32>
        %min3A_454 = arith.minimumf %sub3A_451, %min3A_453 : vector<16xf32>
        %max3A_455 = arith.constant 0.000000e+00 : f32
        %max3A_456 = vector.broadcast %max3A_455 : f32 to vector<16xf32>
        %max3A_457 = arith.maximumf %min3A_454, %max3A_456 : vector<16xf32>
        %min3A_458 = arith.constant 1.000000e+00 : f32
        %min3A_459 = vector.broadcast %min3A_458 : f32 to vector<16xf32>
        %min3A_460 = arith.minimumf %add3A_417, %min3A_459 : vector<16xf32>
        %sub3A_461 = arith.subf %min3A_460, %sub3A_416 : vector<16xf32>
        %sub3A_462 = arith.constant 1.000000e+00 : f32
        %sub3A_463 = vector.broadcast %sub3A_462 : f32 to vector<16xf32>
        %sub3A_464 = arith.subf %add3A_417, %sub3A_463 : vector<16xf32>
        %min3A_465 = arith.constant 1.000000e+00 : f32
        %min3A_466 = vector.broadcast %min3A_465 : f32 to vector<16xf32>
        %min3A_467 = arith.minimumf %sub3A_464, %min3A_466 : vector<16xf32>
        %max3A_468 = arith.constant 0.000000e+00 : f32
        %max3A_469 = vector.broadcast %max3A_468 : f32 to vector<16xf32>
        %max3A_470 = arith.maximumf %min3A_467, %max3A_469 : vector<16xf32>
        %sub3A_471 = arith.constant 2.000000e+00 : f32
        %sub3A_472 = vector.broadcast %sub3A_471 : f32 to vector<16xf32>
        %sub3A_473 = arith.subf %add3A_417, %sub3A_472 : vector<16xf32>
        %min3A_474 = arith.constant 1.000000e+00 : f32
        %min3A_475 = vector.broadcast %min3A_474 : f32 to vector<16xf32>
        %min3A_476 = arith.minimumf %sub3A_473, %min3A_475 : vector<16xf32>
        %max3A_477 = arith.constant 0.000000e+00 : f32
        %max3A_478 = vector.broadcast %max3A_477 : f32 to vector<16xf32>
        %max3A_479 = arith.maximumf %min3A_476, %max3A_478 : vector<16xf32>
        %sub3A_480 = arith.constant 3.000000e+00 : f32
        %sub3A_481 = vector.broadcast %sub3A_480 : f32 to vector<16xf32>
        %sub3A_482 = arith.subf %add3A_417, %sub3A_481 : vector<16xf32>
        %min3A_483 = arith.constant 1.000000e+00 : f32
        %min3A_484 = vector.broadcast %min3A_483 : f32 to vector<16xf32>
        %min3A_485 = arith.minimumf %sub3A_482, %min3A_484 : vector<16xf32>
        %max3A_486 = arith.constant 0.000000e+00 : f32
        %max3A_487 = vector.broadcast %max3A_486 : f32 to vector<16xf32>
        %max3A_488 = arith.maximumf %min3A_485, %max3A_487 : vector<16xf32>
        %sub3A_489 = arith.constant 4.000000e+00 : f32
        %sub3A_490 = vector.broadcast %sub3A_489 : f32 to vector<16xf32>
        %sub3A_491 = arith.subf %add3A_417, %sub3A_490 : vector<16xf32>
        %min3A_492 = arith.constant 1.000000e+00 : f32
        %min3A_493 = vector.broadcast %min3A_492 : f32 to vector<16xf32>
        %min3A_494 = arith.minimumf %sub3A_491, %min3A_493 : vector<16xf32>
        %max3A_495 = arith.constant 0.000000e+00 : f32
        %max3A_496 = vector.broadcast %max3A_495 : f32 to vector<16xf32>
        %max3A_497 = arith.maximumf %min3A_494, %max3A_496 : vector<16xf32>
        %shift_left3A = arith.constant 7 : i32
        %shift_left3A_498 = arith.shli %add3A, %shift_left3A : i32
        %sub3A_499 = vector.broadcast %shift_left3A_498 : i32 to vector<16xi32>
        %sub3A_500 = arith.subi %convert_element_type3A_410, %sub3A_499 : vector<16xi32>
        %mul3A_501 = arith.mulf %broadcast_in_dim3A_409, %sub3A_421 : vector<16xf32>
        %mul3A_502 = arith.mulf %broadcast_in_dim3A_409, %max3A_430 : vector<16xf32>
        %mul3A_503 = arith.mulf %broadcast_in_dim3A_409, %max3A_439 : vector<16xf32>
        %mul3A_504 = arith.mulf %broadcast_in_dim3A_409, %max3A_448 : vector<16xf32>
        %mul3A_505 = arith.mulf %broadcast_in_dim3A_409, %max3A_457 : vector<16xf32>
        %add3A_506 = arith.constant 0 : i32
        %add3A_507 = vector.broadcast %add3A_506 : i32 to vector<16xi32>
        %add3A_508 = arith.addi %sub3A_500, %add3A_507 : vector<16xi32>
        %add3A_509 = arith.constant 1 : i32
        %add3A_510 = vector.broadcast %add3A_509 : i32 to vector<16xi32>
        %add3A_511 = arith.addi %sub3A_500, %add3A_510 : vector<16xi32>
        %add3A_512 = arith.constant 2 : i32
        %add3A_513 = vector.broadcast %add3A_512 : i32 to vector<16xi32>
        %add3A_514 = arith.addi %sub3A_500, %add3A_513 : vector<16xi32>
        %add3A_515 = arith.constant 3 : i32
        %add3A_516 = vector.broadcast %add3A_515 : i32 to vector<16xi32>
        %add3A_517 = arith.addi %sub3A_500, %add3A_516 : vector<16xi32>
        %add3A_518 = arith.constant 4 : i32
        %add3A_519 = vector.broadcast %add3A_518 : i32 to vector<16xi32>
        %add3A_520 = arith.addi %sub3A_500, %add3A_519 : vector<16xi32>
        %bitcast_convert_type3A = tpu.bitcast %add3A_508 : vector<16xi32> -> vector<16xi32>
        %lt3A_521 = arith.constant 128 : i32
        %lt3A_522 = vector.broadcast %lt3A_521 : i32 to vector<16xi32>
        %lt3A_523 = arith.cmpi ult, %bitcast_convert_type3A, %lt3A_522 : vector<16xi32>
        %bitcast_convert_type3A_524 = tpu.bitcast %add3A_511 : vector<16xi32> -> vector<16xi32>
        %lt3A_525 = arith.constant 128 : i32
        %lt3A_526 = vector.broadcast %lt3A_525 : i32 to vector<16xi32>
        %lt3A_527 = arith.cmpi ult, %bitcast_convert_type3A_524, %lt3A_526 : vector<16xi32>
        %bitcast_convert_type3A_528 = tpu.bitcast %add3A_514 : vector<16xi32> -> vector<16xi32>
        %lt3A_529 = arith.constant 128 : i32
        %lt3A_530 = vector.broadcast %lt3A_529 : i32 to vector<16xi32>
        %lt3A_531 = arith.cmpi ult, %bitcast_convert_type3A_528, %lt3A_530 : vector<16xi32>
        %bitcast_convert_type3A_532 = tpu.bitcast %add3A_517 : vector<16xi32> -> vector<16xi32>
        %lt3A_533 = arith.constant 128 : i32
        %lt3A_534 = vector.broadcast %lt3A_533 : i32 to vector<16xi32>
        %lt3A_535 = arith.cmpi ult, %bitcast_convert_type3A_532, %lt3A_534 : vector<16xi32>
        %bitcast_convert_type3A_536 = tpu.bitcast %add3A_520 : vector<16xi32> -> vector<16xi32>
        %lt3A_537 = arith.constant 128 : i32
        %lt3A_538 = vector.broadcast %lt3A_537 : i32 to vector<16xi32>
        %lt3A_539 = arith.cmpi ult, %bitcast_convert_type3A_536, %lt3A_538 : vector<16xi32>
        %ge3A = arith.constant 0 : i32
        %ge3A_540 = vector.broadcast %ge3A : i32 to vector<16xi32>
        %ge3A_541 = arith.cmpi sge, %convert_element_type3A_411, %ge3A_540 : vector<16xi32>
        %jit3A_542 = arith.constant 0.000000e+00 : f32
        %broadcast_in_dim3A_543 = vector.broadcast %jit3A_542 : f32 to vector<16xf32>
        %select_n3A_544 = arith.select %ge3A_541, %sub3A_461, %broadcast_in_dim3A_543 : vector<16xi1>, vector<16xf32>
        %and3A_545 = arith.constant 511 : i32
        %and3A_546 = vector.broadcast %and3A_545 : i32 to vector<16xi32>
        %and3A_547 = arith.andi %convert_element_type3A_411, %and3A_546 : vector<16xi32>
        %add3A_548 = arith.constant 1 : i32
        %add3A_549 = vector.broadcast %add3A_548 : i32 to vector<16xi32>
        %add3A_550 = arith.addi %convert_element_type3A_411, %add3A_549 : vector<16xi32>
        %add3A_551 = arith.constant 2 : i32
        %add3A_552 = vector.broadcast %add3A_551 : i32 to vector<16xi32>
        %add3A_553 = arith.addi %convert_element_type3A_411, %add3A_552 : vector<16xi32>
        %add3A_554 = arith.constant 3 : i32
        %add3A_555 = vector.broadcast %add3A_554 : i32 to vector<16xi32>
        %add3A_556 = arith.addi %convert_element_type3A_411, %add3A_555 : vector<16xi32>
        %add3A_557 = arith.constant 4 : i32
        %add3A_558 = vector.broadcast %add3A_557 : i32 to vector<16xi32>
        %add3A_559 = arith.addi %convert_element_type3A_411, %add3A_558 : vector<16xi32>
        %shift_left3A_560 = arith.constant 9 : i32
        %shift_left3A_561 = vector.broadcast %shift_left3A_560 : i32 to vector<16xi32>
        %shift_left3A_562 = arith.shli %add3A_508, %shift_left3A_561 : vector<16xi32>
        %shift_left3A_563 = arith.constant 9 : i32
        %shift_left3A_564 = vector.broadcast %shift_left3A_563 : i32 to vector<16xi32>
        %shift_left3A_565 = arith.shli %add3A_511, %shift_left3A_564 : vector<16xi32>
        %shift_left3A_566 = arith.constant 9 : i32
        %shift_left3A_567 = vector.broadcast %shift_left3A_566 : i32 to vector<16xi32>
        %shift_left3A_568 = arith.shli %add3A_514, %shift_left3A_567 : vector<16xi32>
        %shift_left3A_569 = arith.constant 9 : i32
        %shift_left3A_570 = vector.broadcast %shift_left3A_569 : i32 to vector<16xi32>
        %shift_left3A_571 = arith.shli %add3A_517, %shift_left3A_570 : vector<16xi32>
        %shift_left3A_572 = arith.constant 9 : i32
        %shift_left3A_573 = vector.broadcast %shift_left3A_572 : i32 to vector<16xi32>
        %shift_left3A_574 = arith.shli %add3A_520, %shift_left3A_573 : vector<16xi32>
        %add3A_575 = arith.addi %shift_left3A_562, %and3A_547 : vector<16xi32>
        %mul3A_576 = arith.mulf %mul3A_501, %select_n3A_544 : vector<16xf32>
        tpu.vector_store_idx %arg7[%add3A_575], %mul3A_576 masked %lt3A_523 {add = true} : memref<65536xf32, #tpu.memory_space<vmem>>[vector<16xi32>], vector<16xf32>, vector<16xi1>
        %add3A_577 = arith.addi %shift_left3A_562, %add3A_550 : vector<16xi32>
        %mul3A_578 = arith.mulf %mul3A_501, %max3A_470 : vector<16xf32>
        tpu.vector_store_idx %arg7[%add3A_577], %mul3A_578 masked %lt3A_523 {add = true} : memref<65536xf32, #tpu.memory_space<vmem>>[vector<16xi32>], vector<16xf32>, vector<16xi1>
        %add3A_579 = arith.addi %shift_left3A_562, %add3A_553 : vector<16xi32>
        %mul3A_580 = arith.mulf %mul3A_501, %max3A_479 : vector<16xf32>
        tpu.vector_store_idx %arg7[%add3A_579], %mul3A_580 masked %lt3A_523 {add = true} : memref<65536xf32, #tpu.memory_space<vmem>>[vector<16xi32>], vector<16xf32>, vector<16xi1>
        %add3A_581 = arith.addi %shift_left3A_562, %add3A_556 : vector<16xi32>
        %mul3A_582 = arith.mulf %mul3A_501, %max3A_488 : vector<16xf32>
        tpu.vector_store_idx %arg7[%add3A_581], %mul3A_582 masked %lt3A_523 {add = true} : memref<65536xf32, #tpu.memory_space<vmem>>[vector<16xi32>], vector<16xf32>, vector<16xi1>
        %add3A_583 = arith.addi %shift_left3A_562, %add3A_559 : vector<16xi32>
        %mul3A_584 = arith.mulf %mul3A_501, %max3A_497 : vector<16xf32>
        tpu.vector_store_idx %arg7[%add3A_583], %mul3A_584 masked %lt3A_523 {add = true} : memref<65536xf32, #tpu.memory_space<vmem>>[vector<16xi32>], vector<16xf32>, vector<16xi1>
        %add3A_585 = arith.addi %shift_left3A_565, %and3A_547 : vector<16xi32>
        %mul3A_586 = arith.mulf %mul3A_502, %select_n3A_544 : vector<16xf32>
        tpu.vector_store_idx %arg7[%add3A_585], %mul3A_586 masked %lt3A_527 {add = true} : memref<65536xf32, #tpu.memory_space<vmem>>[vector<16xi32>], vector<16xf32>, vector<16xi1>
        %add3A_587 = arith.addi %shift_left3A_565, %add3A_550 : vector<16xi32>
        %mul3A_588 = arith.mulf %mul3A_502, %max3A_470 : vector<16xf32>
        tpu.vector_store_idx %arg7[%add3A_587], %mul3A_588 masked %lt3A_527 {add = true} : memref<65536xf32, #tpu.memory_space<vmem>>[vector<16xi32>], vector<16xf32>, vector<16xi1>
        %add3A_589 = arith.addi %shift_left3A_565, %add3A_553 : vector<16xi32>
        %mul3A_590 = arith.mulf %mul3A_502, %max3A_479 : vector<16xf32>
        tpu.vector_store_idx %arg7[%add3A_589], %mul3A_590 masked %lt3A_527 {add = true} : memref<65536xf32, #tpu.memory_space<vmem>>[vector<16xi32>], vector<16xf32>, vector<16xi1>
        %add3A_591 = arith.addi %shift_left3A_565, %add3A_556 : vector<16xi32>
        %mul3A_592 = arith.mulf %mul3A_502, %max3A_488 : vector<16xf32>
        tpu.vector_store_idx %arg7[%add3A_591], %mul3A_592 masked %lt3A_527 {add = true} : memref<65536xf32, #tpu.memory_space<vmem>>[vector<16xi32>], vector<16xf32>, vector<16xi1>
        %add3A_593 = arith.addi %shift_left3A_565, %add3A_559 : vector<16xi32>
        %mul3A_594 = arith.mulf %mul3A_502, %max3A_497 : vector<16xf32>
        tpu.vector_store_idx %arg7[%add3A_593], %mul3A_594 masked %lt3A_527 {add = true} : memref<65536xf32, #tpu.memory_space<vmem>>[vector<16xi32>], vector<16xf32>, vector<16xi1>
        %add3A_595 = arith.addi %shift_left3A_568, %and3A_547 : vector<16xi32>
        %mul3A_596 = arith.mulf %mul3A_503, %select_n3A_544 : vector<16xf32>
        tpu.vector_store_idx %arg7[%add3A_595], %mul3A_596 masked %lt3A_531 {add = true} : memref<65536xf32, #tpu.memory_space<vmem>>[vector<16xi32>], vector<16xf32>, vector<16xi1>
        %add3A_597 = arith.addi %shift_left3A_568, %add3A_550 : vector<16xi32>
        %mul3A_598 = arith.mulf %mul3A_503, %max3A_470 : vector<16xf32>
        tpu.vector_store_idx %arg7[%add3A_597], %mul3A_598 masked %lt3A_531 {add = true} : memref<65536xf32, #tpu.memory_space<vmem>>[vector<16xi32>], vector<16xf32>, vector<16xi1>
        %add3A_599 = arith.addi %shift_left3A_568, %add3A_553 : vector<16xi32>
        %mul3A_600 = arith.mulf %mul3A_503, %max3A_479 : vector<16xf32>
        tpu.vector_store_idx %arg7[%add3A_599], %mul3A_600 masked %lt3A_531 {add = true} : memref<65536xf32, #tpu.memory_space<vmem>>[vector<16xi32>], vector<16xf32>, vector<16xi1>
        %add3A_601 = arith.addi %shift_left3A_568, %add3A_556 : vector<16xi32>
        %mul3A_602 = arith.mulf %mul3A_503, %max3A_488 : vector<16xf32>
        tpu.vector_store_idx %arg7[%add3A_601], %mul3A_602 masked %lt3A_531 {add = true} : memref<65536xf32, #tpu.memory_space<vmem>>[vector<16xi32>], vector<16xf32>, vector<16xi1>
        %add3A_603 = arith.addi %shift_left3A_568, %add3A_559 : vector<16xi32>
        %mul3A_604 = arith.mulf %mul3A_503, %max3A_497 : vector<16xf32>
        tpu.vector_store_idx %arg7[%add3A_603], %mul3A_604 masked %lt3A_531 {add = true} : memref<65536xf32, #tpu.memory_space<vmem>>[vector<16xi32>], vector<16xf32>, vector<16xi1>
        %add3A_605 = arith.addi %shift_left3A_571, %and3A_547 : vector<16xi32>
        %mul3A_606 = arith.mulf %mul3A_504, %select_n3A_544 : vector<16xf32>
        tpu.vector_store_idx %arg7[%add3A_605], %mul3A_606 masked %lt3A_535 {add = true} : memref<65536xf32, #tpu.memory_space<vmem>>[vector<16xi32>], vector<16xf32>, vector<16xi1>
        %add3A_607 = arith.addi %shift_left3A_571, %add3A_550 : vector<16xi32>
        %mul3A_608 = arith.mulf %mul3A_504, %max3A_470 : vector<16xf32>
        tpu.vector_store_idx %arg7[%add3A_607], %mul3A_608 masked %lt3A_535 {add = true} : memref<65536xf32, #tpu.memory_space<vmem>>[vector<16xi32>], vector<16xf32>, vector<16xi1>
        %add3A_609 = arith.addi %shift_left3A_571, %add3A_553 : vector<16xi32>
        %mul3A_610 = arith.mulf %mul3A_504, %max3A_479 : vector<16xf32>
        tpu.vector_store_idx %arg7[%add3A_609], %mul3A_610 masked %lt3A_535 {add = true} : memref<65536xf32, #tpu.memory_space<vmem>>[vector<16xi32>], vector<16xf32>, vector<16xi1>
        %add3A_611 = arith.addi %shift_left3A_571, %add3A_556 : vector<16xi32>
        %mul3A_612 = arith.mulf %mul3A_504, %max3A_488 : vector<16xf32>
        tpu.vector_store_idx %arg7[%add3A_611], %mul3A_612 masked %lt3A_535 {add = true} : memref<65536xf32, #tpu.memory_space<vmem>>[vector<16xi32>], vector<16xf32>, vector<16xi1>
        %add3A_613 = arith.addi %shift_left3A_571, %add3A_559 : vector<16xi32>
        %mul3A_614 = arith.mulf %mul3A_504, %max3A_497 : vector<16xf32>
        tpu.vector_store_idx %arg7[%add3A_613], %mul3A_614 masked %lt3A_535 {add = true} : memref<65536xf32, #tpu.memory_space<vmem>>[vector<16xi32>], vector<16xf32>, vector<16xi1>
        %add3A_615 = arith.addi %shift_left3A_574, %and3A_547 : vector<16xi32>
        %mul3A_616 = arith.mulf %mul3A_505, %select_n3A_544 : vector<16xf32>
        tpu.vector_store_idx %arg7[%add3A_615], %mul3A_616 masked %lt3A_539 {add = true} : memref<65536xf32, #tpu.memory_space<vmem>>[vector<16xi32>], vector<16xf32>, vector<16xi1>
        %add3A_617 = arith.addi %shift_left3A_574, %add3A_550 : vector<16xi32>
        %mul3A_618 = arith.mulf %mul3A_505, %max3A_470 : vector<16xf32>
        tpu.vector_store_idx %arg7[%add3A_617], %mul3A_618 masked %lt3A_539 {add = true} : memref<65536xf32, #tpu.memory_space<vmem>>[vector<16xi32>], vector<16xf32>, vector<16xi1>
        %add3A_619 = arith.addi %shift_left3A_574, %add3A_553 : vector<16xi32>
        %mul3A_620 = arith.mulf %mul3A_505, %max3A_479 : vector<16xf32>
        tpu.vector_store_idx %arg7[%add3A_619], %mul3A_620 masked %lt3A_539 {add = true} : memref<65536xf32, #tpu.memory_space<vmem>>[vector<16xi32>], vector<16xf32>, vector<16xi1>
        %add3A_621 = arith.addi %shift_left3A_574, %add3A_556 : vector<16xi32>
        %mul3A_622 = arith.mulf %mul3A_505, %max3A_488 : vector<16xf32>
        tpu.vector_store_idx %arg7[%add3A_621], %mul3A_622 masked %lt3A_539 {add = true} : memref<65536xf32, #tpu.memory_space<vmem>>[vector<16xi32>], vector<16xf32>, vector<16xi1>
        %add3A_623 = arith.addi %shift_left3A_574, %add3A_559 : vector<16xi32>
        %mul3A_624 = arith.mulf %mul3A_505, %max3A_497 : vector<16xf32>
        tpu.vector_store_idx %arg7[%add3A_623], %mul3A_624 masked %lt3A_539 {add = true} : memref<65536xf32, #tpu.memory_space<vmem>>[vector<16xi32>], vector<16xf32>, vector<16xi1>
      }
      %while3A_392 = arith.constant 1 : i32
      scf.for %while3A_394 = %while3A_390 to %while3A_386 step %while3A_392  : i32 {
        %mul3A_395 = arith.constant 16 : i32
        %mul3A_396 = arith.muli %while3A_394, %mul3A_395 : i32
        %get3A = arith.index_cast %mul3A_396 : i32 to index
        %get3A_397 = tpu.vector_load %arg8[%get3A] {strides = array<i32>} : memref<8192xf32, #tpu.memory_space<vmem>>, vector<16xf32>,
        %mul3A_398 = arith.constant 16 : i32
        %mul3A_399 = arith.muli %while3A_394, %mul3A_398 : i32
        %add3A_400 = arith.constant 8 : i32
        %add3A_401 = arith.addi %mul3A_399, %add3A_400 : i32
        %get3A_402 = arith.index_cast %add3A_401 : i32 to index
        %get3A_403 = tpu.vector_load %arg9[%get3A_402] {strides = array<i32>} : memref<8208xf32, #tpu.memory_space<vmem>>, vector<16xf32>,
        %get3A_404 = arith.index_cast %mul3A_396 : i32 to index
        %get3A_405 = tpu.vector_load %arg10[%get3A_404] {strides = array<i32>} : memref<8192xf32, #tpu.memory_space<vmem>>, vector<16xf32>,
        %get3A_406 = arith.index_cast %mul3A_396 : i32 to index
        %get3A_407 = tpu.vector_load %arg11[%get3A_406] {strides = array<i32>} : memref<8192xf32, #tpu.memory_space<vmem>>, vector<16xf32>,
        %broadcast_in_dim3A_408 = arith.constant 0.899999976 : f32
        %broadcast_in_dim3A_409 = vector.broadcast %broadcast_in_dim3A_408 : f32 to vector<16xf32>
        %convert_element_type3A_410 = arith.fptosi %get3A_397 : vector<16xf32> to vector<16xi32>
        %convert_element_type3A_411 = arith.fptosi %get3A_403 : vector<16xf32> to vector<16xi32>
        %convert_element_type3A_412 = arith.sitofp %convert_element_type3A_410 : vector<16xi32> to vector<16xf32>
        %convert_element_type3A_413 = arith.sitofp %convert_element_type3A_411 : vector<16xi32> to vector<16xf32>
        %sub3A_414 = arith.subf %get3A_397, %convert_element_type3A_412 : vector<16xf32>
        %add3A_415 = arith.addf %sub3A_414, %get3A_405 : vector<16xf32>
        %sub3A_416 = arith.subf %get3A_403, %convert_element_type3A_413 : vector<16xf32>
        %add3A_417 = arith.addf %sub3A_416, %get3A_407 : vector<16xf32>
        %min3A_418 = arith.constant 1.000000e+00 : f32
        %min3A_419 = vector.broadcast %min3A_418 : f32 to vector<16xf32>
        %min3A_420 = arith.minimumf %add3A_415, %min3A_419 : vector<16xf32>
        %sub3A_421 = arith.subf %min3A_420, %sub3A_414 : vector<16xf32>
        %sub3A_422 = arith.constant 1.000000e+00 : f32
        %sub3A_423 = vector.broadcast %sub3A_422 : f32 to vector<16xf32>
        %sub3A_424 = arith.subf %add3A_415, %sub3A_423 : vector<16xf32>
        %min3A_425 = arith.constant 1.000000e+00 : f32
        %min3A_426 = vector.broadcast %min3A_425 : f32 to vector<16xf32>
        %min3A_427 = arith.minimumf %sub3A_424, %min3A_426 : vector<16xf32>
        %max3A_428 = arith.constant 0.000000e+00 : f32
        %max3A_429 = vector.broadcast %max3A_428 : f32 to vector<16xf32>
        %max3A_430 = arith.maximumf %min3A_427, %max3A_429 : vector<16xf32>
        %sub3A_431 = arith.constant 2.000000e+00 : f32
        %sub3A_432 = vector.broadcast %sub3A_431 : f32 to vector<16xf32>
        %sub3A_433 = arith.subf %add3A_415, %sub3A_432 : vector<16xf32>
        %min3A_434 = arith.constant 1.000000e+00 : f32
        %min3A_435 = vector.broadcast %min3A_434 : f32 to vector<16xf32>
        %min3A_436 = arith.minimumf %sub3A_433, %min3A_435 : vector<16xf32>
        %max3A_437 = arith.constant 0.000000e+00 : f32
        %max3A_438 = vector.broadcast %max3A_437 : f32 to vector<16xf32>
        %max3A_439 = arith.maximumf %min3A_436, %max3A_438 : vector<16xf32>
        %sub3A_440 = arith.constant 3.000000e+00 : f32
        %sub3A_441 = vector.broadcast %sub3A_440 : f32 to vector<16xf32>
        %sub3A_442 = arith.subf %add3A_415, %sub3A_441 : vector<16xf32>
        %min3A_443 = arith.constant 1.000000e+00 : f32
        %min3A_444 = vector.broadcast %min3A_443 : f32 to vector<16xf32>
        %min3A_445 = arith.minimumf %sub3A_442, %min3A_444 : vector<16xf32>
        %max3A_446 = arith.constant 0.000000e+00 : f32
        %max3A_447 = vector.broadcast %max3A_446 : f32 to vector<16xf32>
        %max3A_448 = arith.maximumf %min3A_445, %max3A_447 : vector<16xf32>
        %sub3A_449 = arith.constant 4.000000e+00 : f32
        %sub3A_450 = vector.broadcast %sub3A_449 : f32 to vector<16xf32>
        %sub3A_451 = arith.subf %add3A_415, %sub3A_450 : vector<16xf32>
        %min3A_452 = arith.constant 1.000000e+00 : f32
        %min3A_453 = vector.broadcast %min3A_452 : f32 to vector<16xf32>
        %min3A_454 = arith.minimumf %sub3A_451, %min3A_453 : vector<16xf32>
        %max3A_455 = arith.constant 0.000000e+00 : f32
        %max3A_456 = vector.broadcast %max3A_455 : f32 to vector<16xf32>
        %max3A_457 = arith.maximumf %min3A_454, %max3A_456 : vector<16xf32>
        %min3A_458 = arith.constant 1.000000e+00 : f32
        %min3A_459 = vector.broadcast %min3A_458 : f32 to vector<16xf32>
        %min3A_460 = arith.minimumf %add3A_417, %min3A_459 : vector<16xf32>
        %sub3A_461 = arith.subf %min3A_460, %sub3A_416 : vector<16xf32>
        %sub3A_462 = arith.constant 1.000000e+00 : f32
        %sub3A_463 = vector.broadcast %sub3A_462 : f32 to vector<16xf32>
        %sub3A_464 = arith.subf %add3A_417, %sub3A_463 : vector<16xf32>
        %min3A_465 = arith.constant 1.000000e+00 : f32
        %min3A_466 = vector.broadcast %min3A_465 : f32 to vector<16xf32>
        %min3A_467 = arith.minimumf %sub3A_464, %min3A_466 : vector<16xf32>
        %max3A_468 = arith.constant 0.000000e+00 : f32
        %max3A_469 = vector.broadcast %max3A_468 : f32 to vector<16xf32>
        %max3A_470 = arith.maximumf %min3A_467, %max3A_469 : vector<16xf32>
        %sub3A_471 = arith.constant 2.000000e+00 : f32
        %sub3A_472 = vector.broadcast %sub3A_471 : f32 to vector<16xf32>
        %sub3A_473 = arith.subf %add3A_417, %sub3A_472 : vector<16xf32>
        %min3A_474 = arith.constant 1.000000e+00 : f32
        %min3A_475 = vector.broadcast %min3A_474 : f32 to vector<16xf32>
        %min3A_476 = arith.minimumf %sub3A_473, %min3A_475 : vector<16xf32>
        %max3A_477 = arith.constant 0.000000e+00 : f32
        %max3A_478 = vector.broadcast %max3A_477 : f32 to vector<16xf32>
        %max3A_479 = arith.maximumf %min3A_476, %max3A_478 : vector<16xf32>
        %sub3A_480 = arith.constant 3.000000e+00 : f32
        %sub3A_481 = vector.broadcast %sub3A_480 : f32 to vector<16xf32>
        %sub3A_482 = arith.subf %add3A_417, %sub3A_481 : vector<16xf32>
        %min3A_483 = arith.constant 1.000000e+00 : f32
        %min3A_484 = vector.broadcast %min3A_483 : f32 to vector<16xf32>
        %min3A_485 = arith.minimumf %sub3A_482, %min3A_484 : vector<16xf32>
        %max3A_486 = arith.constant 0.000000e+00 : f32
        %max3A_487 = vector.broadcast %max3A_486 : f32 to vector<16xf32>
        %max3A_488 = arith.maximumf %min3A_485, %max3A_487 : vector<16xf32>
        %sub3A_489 = arith.constant 4.000000e+00 : f32
        %sub3A_490 = vector.broadcast %sub3A_489 : f32 to vector<16xf32>
        %sub3A_491 = arith.subf %add3A_417, %sub3A_490 : vector<16xf32>
        %min3A_492 = arith.constant 1.000000e+00 : f32
        %min3A_493 = vector.broadcast %min3A_492 : f32 to vector<16xf32>
        %min3A_494 = arith.minimumf %sub3A_491, %min3A_493 : vector<16xf32>
        %max3A_495 = arith.constant 0.000000e+00 : f32
        %max3A_496 = vector.broadcast %max3A_495 : f32 to vector<16xf32>
        %max3A_497 = arith.maximumf %min3A_494, %max3A_496 : vector<16xf32>
        %shift_left3A = arith.constant 7 : i32
        %shift_left3A_498 = arith.shli %add3A, %shift_left3A : i32
        %sub3A_499 = vector.broadcast %shift_left3A_498 : i32 to vector<16xi32>
        %sub3A_500 = arith.subi %convert_element_type3A_410, %sub3A_499 : vector<16xi32>
        %mul3A_501 = arith.mulf %broadcast_in_dim3A_409, %sub3A_421 : vector<16xf32>
        %mul3A_502 = arith.mulf %broadcast_in_dim3A_409, %max3A_430 : vector<16xf32>
        %mul3A_503 = arith.mulf %broadcast_in_dim3A_409, %max3A_439 : vector<16xf32>
        %mul3A_504 = arith.mulf %broadcast_in_dim3A_409, %max3A_448 : vector<16xf32>
        %mul3A_505 = arith.mulf %broadcast_in_dim3A_409, %max3A_457 : vector<16xf32>
        %add3A_506 = arith.constant 0 : i32
        %add3A_507 = vector.broadcast %add3A_506 : i32 to vector<16xi32>
        %add3A_508 = arith.addi %sub3A_500, %add3A_507 : vector<16xi32>
        %add3A_509 = arith.constant 1 : i32
        %add3A_510 = vector.broadcast %add3A_509 : i32 to vector<16xi32>
        %add3A_511 = arith.addi %sub3A_500, %add3A_510 : vector<16xi32>
        %add3A_512 = arith.constant 2 : i32
        %add3A_513 = vector.broadcast %add3A_512 : i32 to vector<16xi32>
        %add3A_514 = arith.addi %sub3A_500, %add3A_513 : vector<16xi32>
        %add3A_515 = arith.constant 3 : i32
        %add3A_516 = vector.broadcast %add3A_515 : i32 to vector<16xi32>
        %add3A_517 = arith.addi %sub3A_500, %add3A_516 : vector<16xi32>
        %add3A_518 = arith.constant 4 : i32
        %add3A_519 = vector.broadcast %add3A_518 : i32 to vector<16xi32>
        %add3A_520 = arith.addi %sub3A_500, %add3A_519 : vector<16xi32>
        %bitcast_convert_type3A = tpu.bitcast %add3A_508 : vector<16xi32> -> vector<16xi32>
        %lt3A_521 = arith.constant 128 : i32
        %lt3A_522 = vector.broadcast %lt3A_521 : i32 to vector<16xi32>
        %lt3A_523 = arith.cmpi ult, %bitcast_convert_type3A, %lt3A_522 : vector<16xi32>
        %bitcast_convert_type3A_524 = tpu.bitcast %add3A_511 : vector<16xi32> -> vector<16xi32>
        %lt3A_525 = arith.constant 128 : i32
        %lt3A_526 = vector.broadcast %lt3A_525 : i32 to vector<16xi32>
        %lt3A_527 = arith.cmpi ult, %bitcast_convert_type3A_524, %lt3A_526 : vector<16xi32>
        %bitcast_convert_type3A_528 = tpu.bitcast %add3A_514 : vector<16xi32> -> vector<16xi32>
        %lt3A_529 = arith.constant 128 : i32
        %lt3A_530 = vector.broadcast %lt3A_529 : i32 to vector<16xi32>
        %lt3A_531 = arith.cmpi ult, %bitcast_convert_type3A_528, %lt3A_530 : vector<16xi32>
        %bitcast_convert_type3A_532 = tpu.bitcast %add3A_517 : vector<16xi32> -> vector<16xi32>
        %lt3A_533 = arith.constant 128 : i32
        %lt3A_534 = vector.broadcast %lt3A_533 : i32 to vector<16xi32>
        %lt3A_535 = arith.cmpi ult, %bitcast_convert_type3A_532, %lt3A_534 : vector<16xi32>
        %bitcast_convert_type3A_536 = tpu.bitcast %add3A_520 : vector<16xi32> -> vector<16xi32>
        %lt3A_537 = arith.constant 128 : i32
        %lt3A_538 = vector.broadcast %lt3A_537 : i32 to vector<16xi32>
        %lt3A_539 = arith.cmpi ult, %bitcast_convert_type3A_536, %lt3A_538 : vector<16xi32>
        %ge3A = arith.constant 0 : i32
        %ge3A_540 = vector.broadcast %ge3A : i32 to vector<16xi32>
        %ge3A_541 = arith.cmpi sge, %convert_element_type3A_411, %ge3A_540 : vector<16xi32>
        %jit3A_542 = arith.constant 0.000000e+00 : f32
        %broadcast_in_dim3A_543 = vector.broadcast %jit3A_542 : f32 to vector<16xf32>
        %select_n3A_544 = arith.select %ge3A_541, %sub3A_461, %broadcast_in_dim3A_543 : vector<16xi1>, vector<16xf32>
        %and3A_545 = arith.constant 511 : i32
        %and3A_546 = vector.broadcast %and3A_545 : i32 to vector<16xi32>
        %and3A_547 = arith.andi %convert_element_type3A_411, %and3A_546 : vector<16xi32>
        %add3A_548 = arith.constant 1 : i32
        %add3A_549 = vector.broadcast %add3A_548 : i32 to vector<16xi32>
        %add3A_550 = arith.addi %convert_element_type3A_411, %add3A_549 : vector<16xi32>
        %add3A_551 = arith.constant 2 : i32
        %add3A_552 = vector.broadcast %add3A_551 : i32 to vector<16xi32>
        %add3A_553 = arith.addi %convert_element_type3A_411, %add3A_552 : vector<16xi32>
        %add3A_554 = arith.constant 3 : i32
        %add3A_555 = vector.broadcast %add3A_554 : i32 to vector<16xi32>
        %add3A_556 = arith.addi %convert_element_type3A_411, %add3A_555 : vector<16xi32>
        %add3A_557 = arith.constant 4 : i32
        %add3A_558 = vector.broadcast %add3A_557 : i32 to vector<16xi32>
        %add3A_559 = arith.addi %convert_element_type3A_411, %add3A_558 : vector<16xi32>
        %shift_left3A_560 = arith.constant 9 : i32
        %shift_left3A_561 = vector.broadcast %shift_left3A_560 : i32 to vector<16xi32>
        %shift_left3A_562 = arith.shli %add3A_508, %shift_left3A_561 : vector<16xi32>
        %shift_left3A_563 = arith.constant 9 : i32
        %shift_left3A_564 = vector.broadcast %shift_left3A_563 : i32 to vector<16xi32>
        %shift_left3A_565 = arith.shli %add3A_511, %shift_left3A_564 : vector<16xi32>
        %shift_left3A_566 = arith.constant 9 : i32
        %shift_left3A_567 = vector.broadcast %shift_left3A_566 : i32 to vector<16xi32>
        %shift_left3A_568 = arith.shli %add3A_514, %shift_left3A_567 : vector<16xi32>
        %shift_left3A_569 = arith.constant 9 : i32
        %shift_left3A_570 = vector.broadcast %shift_left3A_569 : i32 to vector<16xi32>
        %shift_left3A_571 = arith.shli %add3A_517, %shift_left3A_570 : vector<16xi32>
        %shift_left3A_572 = arith.constant 9 : i32
        %shift_left3A_573 = vector.broadcast %shift_left3A_572 : i32 to vector<16xi32>
        %shift_left3A_574 = arith.shli %add3A_520, %shift_left3A_573 : vector<16xi32>
        %add3A_575 = arith.addi %shift_left3A_562, %and3A_547 : vector<16xi32>
        %mul3A_576 = arith.mulf %mul3A_501, %select_n3A_544 : vector<16xf32>
        tpu.vector_store_idx %arg7[%add3A_575], %mul3A_576 masked %lt3A_523 {add = true} : memref<65536xf32, #tpu.memory_space<vmem>>[vector<16xi32>], vector<16xf32>, vector<16xi1>
        %add3A_577 = arith.addi %shift_left3A_562, %add3A_550 : vector<16xi32>
        %mul3A_578 = arith.mulf %mul3A_501, %max3A_470 : vector<16xf32>
        tpu.vector_store_idx %arg7[%add3A_577], %mul3A_578 masked %lt3A_523 {add = true} : memref<65536xf32, #tpu.memory_space<vmem>>[vector<16xi32>], vector<16xf32>, vector<16xi1>
        %add3A_579 = arith.addi %shift_left3A_562, %add3A_553 : vector<16xi32>
        %mul3A_580 = arith.mulf %mul3A_501, %max3A_479 : vector<16xf32>
        tpu.vector_store_idx %arg7[%add3A_579], %mul3A_580 masked %lt3A_523 {add = true} : memref<65536xf32, #tpu.memory_space<vmem>>[vector<16xi32>], vector<16xf32>, vector<16xi1>
        %add3A_581 = arith.addi %shift_left3A_562, %add3A_556 : vector<16xi32>
        %mul3A_582 = arith.mulf %mul3A_501, %max3A_488 : vector<16xf32>
        tpu.vector_store_idx %arg7[%add3A_581], %mul3A_582 masked %lt3A_523 {add = true} : memref<65536xf32, #tpu.memory_space<vmem>>[vector<16xi32>], vector<16xf32>, vector<16xi1>
        %add3A_583 = arith.addi %shift_left3A_562, %add3A_559 : vector<16xi32>
        %mul3A_584 = arith.mulf %mul3A_501, %max3A_497 : vector<16xf32>
        tpu.vector_store_idx %arg7[%add3A_583], %mul3A_584 masked %lt3A_523 {add = true} : memref<65536xf32, #tpu.memory_space<vmem>>[vector<16xi32>], vector<16xf32>, vector<16xi1>
        %add3A_585 = arith.addi %shift_left3A_565, %and3A_547 : vector<16xi32>
        %mul3A_586 = arith.mulf %mul3A_502, %select_n3A_544 : vector<16xf32>
        tpu.vector_store_idx %arg7[%add3A_585], %mul3A_586 masked %lt3A_527 {add = true} : memref<65536xf32, #tpu.memory_space<vmem>>[vector<16xi32>], vector<16xf32>, vector<16xi1>
        %add3A_587 = arith.addi %shift_left3A_565, %add3A_550 : vector<16xi32>
        %mul3A_588 = arith.mulf %mul3A_502, %max3A_470 : vector<16xf32>
        tpu.vector_store_idx %arg7[%add3A_587], %mul3A_588 masked %lt3A_527 {add = true} : memref<65536xf32, #tpu.memory_space<vmem>>[vector<16xi32>], vector<16xf32>, vector<16xi1>
        %add3A_589 = arith.addi %shift_left3A_565, %add3A_553 : vector<16xi32>
        %mul3A_590 = arith.mulf %mul3A_502, %max3A_479 : vector<16xf32>
        tpu.vector_store_idx %arg7[%add3A_589], %mul3A_590 masked %lt3A_527 {add = true} : memref<65536xf32, #tpu.memory_space<vmem>>[vector<16xi32>], vector<16xf32>, vector<16xi1>
        %add3A_591 = arith.addi %shift_left3A_565, %add3A_556 : vector<16xi32>
        %mul3A_592 = arith.mulf %mul3A_502, %max3A_488 : vector<16xf32>
        tpu.vector_store_idx %arg7[%add3A_591], %mul3A_592 masked %lt3A_527 {add = true} : memref<65536xf32, #tpu.memory_space<vmem>>[vector<16xi32>], vector<16xf32>, vector<16xi1>
        %add3A_593 = arith.addi %shift_left3A_565, %add3A_559 : vector<16xi32>
        %mul3A_594 = arith.mulf %mul3A_502, %max3A_497 : vector<16xf32>
        tpu.vector_store_idx %arg7[%add3A_593], %mul3A_594 masked %lt3A_527 {add = true} : memref<65536xf32, #tpu.memory_space<vmem>>[vector<16xi32>], vector<16xf32>, vector<16xi1>
        %add3A_595 = arith.addi %shift_left3A_568, %and3A_547 : vector<16xi32>
        %mul3A_596 = arith.mulf %mul3A_503, %select_n3A_544 : vector<16xf32>
        tpu.vector_store_idx %arg7[%add3A_595], %mul3A_596 masked %lt3A_531 {add = true} : memref<65536xf32, #tpu.memory_space<vmem>>[vector<16xi32>], vector<16xf32>, vector<16xi1>
        %add3A_597 = arith.addi %shift_left3A_568, %add3A_550 : vector<16xi32>
        %mul3A_598 = arith.mulf %mul3A_503, %max3A_470 : vector<16xf32>
        tpu.vector_store_idx %arg7[%add3A_597], %mul3A_598 masked %lt3A_531 {add = true} : memref<65536xf32, #tpu.memory_space<vmem>>[vector<16xi32>], vector<16xf32>, vector<16xi1>
        %add3A_599 = arith.addi %shift_left3A_568, %add3A_553 : vector<16xi32>
        %mul3A_600 = arith.mulf %mul3A_503, %max3A_479 : vector<16xf32>
        tpu.vector_store_idx %arg7[%add3A_599], %mul3A_600 masked %lt3A_531 {add = true} : memref<65536xf32, #tpu.memory_space<vmem>>[vector<16xi32>], vector<16xf32>, vector<16xi1>
        %add3A_601 = arith.addi %shift_left3A_568, %add3A_556 : vector<16xi32>
        %mul3A_602 = arith.mulf %mul3A_503, %max3A_488 : vector<16xf32>
        tpu.vector_store_idx %arg7[%add3A_601], %mul3A_602 masked %lt3A_531 {add = true} : memref<65536xf32, #tpu.memory_space<vmem>>[vector<16xi32>], vector<16xf32>, vector<16xi1>
        %add3A_603 = arith.addi %shift_left3A_568, %add3A_559 : vector<16xi32>
        %mul3A_604 = arith.mulf %mul3A_503, %max3A_497 : vector<16xf32>
        tpu.vector_store_idx %arg7[%add3A_603], %mul3A_604 masked %lt3A_531 {add = true} : memref<65536xf32, #tpu.memory_space<vmem>>[vector<16xi32>], vector<16xf32>, vector<16xi1>
        %add3A_605 = arith.addi %shift_left3A_571, %and3A_547 : vector<16xi32>
        %mul3A_606 = arith.mulf %mul3A_504, %select_n3A_544 : vector<16xf32>
        tpu.vector_store_idx %arg7[%add3A_605], %mul3A_606 masked %lt3A_535 {add = true} : memref<65536xf32, #tpu.memory_space<vmem>>[vector<16xi32>], vector<16xf32>, vector<16xi1>
        %add3A_607 = arith.addi %shift_left3A_571, %add3A_550 : vector<16xi32>
        %mul3A_608 = arith.mulf %mul3A_504, %max3A_470 : vector<16xf32>
        tpu.vector_store_idx %arg7[%add3A_607], %mul3A_608 masked %lt3A_535 {add = true} : memref<65536xf32, #tpu.memory_space<vmem>>[vector<16xi32>], vector<16xf32>, vector<16xi1>
        %add3A_609 = arith.addi %shift_left3A_571, %add3A_553 : vector<16xi32>
        %mul3A_610 = arith.mulf %mul3A_504, %max3A_479 : vector<16xf32>
        tpu.vector_store_idx %arg7[%add3A_609], %mul3A_610 masked %lt3A_535 {add = true} : memref<65536xf32, #tpu.memory_space<vmem>>[vector<16xi32>], vector<16xf32>, vector<16xi1>
        %add3A_611 = arith.addi %shift_left3A_571, %add3A_556 : vector<16xi32>
        %mul3A_612 = arith.mulf %mul3A_504, %max3A_488 : vector<16xf32>
        tpu.vector_store_idx %arg7[%add3A_611], %mul3A_612 masked %lt3A_535 {add = true} : memref<65536xf32, #tpu.memory_space<vmem>>[vector<16xi32>], vector<16xf32>, vector<16xi1>
        %add3A_613 = arith.addi %shift_left3A_571, %add3A_559 : vector<16xi32>
        %mul3A_614 = arith.mulf %mul3A_504, %max3A_497 : vector<16xf32>
        tpu.vector_store_idx %arg7[%add3A_613], %mul3A_614 masked %lt3A_535 {add = true} : memref<65536xf32, #tpu.memory_space<vmem>>[vector<16xi32>], vector<16xf32>, vector<16xi1>
        %add3A_615 = arith.addi %shift_left3A_574, %and3A_547 : vector<16xi32>
        %mul3A_616 = arith.mulf %mul3A_505, %select_n3A_544 : vector<16xf32>
        tpu.vector_store_idx %arg7[%add3A_615], %mul3A_616 masked %lt3A_539 {add = true} : memref<65536xf32, #tpu.memory_space<vmem>>[vector<16xi32>], vector<16xf32>, vector<16xi1>
        %add3A_617 = arith.addi %shift_left3A_574, %add3A_550 : vector<16xi32>
        %mul3A_618 = arith.mulf %mul3A_505, %max3A_470 : vector<16xf32>
        tpu.vector_store_idx %arg7[%add3A_617], %mul3A_618 masked %lt3A_539 {add = true} : memref<65536xf32, #tpu.memory_space<vmem>>[vector<16xi32>], vector<16xf32>, vector<16xi1>
        %add3A_619 = arith.addi %shift_left3A_574, %add3A_553 : vector<16xi32>
        %mul3A_620 = arith.mulf %mul3A_505, %max3A_479 : vector<16xf32>
        tpu.vector_store_idx %arg7[%add3A_619], %mul3A_620 masked %lt3A_539 {add = true} : memref<65536xf32, #tpu.memory_space<vmem>>[vector<16xi32>], vector<16xf32>, vector<16xi1>
        %add3A_621 = arith.addi %shift_left3A_574, %add3A_556 : vector<16xi32>
        %mul3A_622 = arith.mulf %mul3A_505, %max3A_488 : vector<16xf32>
        tpu.vector_store_idx %arg7[%add3A_621], %mul3A_622 masked %lt3A_539 {add = true} : memref<65536xf32, #tpu.memory_space<vmem>>[vector<16xi32>], vector<16xf32>, vector<16xi1>
        %add3A_623 = arith.addi %shift_left3A_574, %add3A_559 : vector<16xi32>
        %mul3A_624 = arith.mulf %mul3A_505, %max3A_497 : vector<16xf32>
        tpu.vector_store_idx %arg7[%add3A_623], %mul3A_624 masked %lt3A_539 {add = true} : memref<65536xf32, #tpu.memory_space<vmem>>[vector<16xi32>], vector<16xf32>, vector<16xi1>
      }
      %while3A_393 = arith.constant 0 : i32
      scf.yield %while3A_393 : i32
    }
    %while3A_225 = arith.constant 1 : i32
    %while3A_226 = scf.for %while3A_358 = %while3A_222 to %while3A_218 step %while3A_225 iter_args(%while3A_359 = %while3A_224) -> (i32)  : i32 {
      %mul3A_360 = arith.constant 8192 : i32
      %mul3A_361 = arith.muli %while3A_358, %mul3A_360 : i32
      %mul3A_362 = arith.constant 8192 : i32
      %mul3A_363 = arith.muli %while3A_358, %mul3A_362 : i32
      %add3A_364 = arith.constant 129992 : i32
      %add3A_365 = arith.addi %add3A_364, %mul3A_363 : i32
      %lt3A = arith.constant 15 : i32
      %lt3A_366 = arith.cmpi slt, %while3A_358, %lt3A : i32
      %convert_element_type3A = arith.extui %lt3A_366 : i1 to i32
      %cond3A = arith.constant 0 : i32
      %cond3A_367 = arith.cmpi ne, %convert_element_type3A, %cond3A : i32
      scf.if %cond3A_367 {
        %dma_start3A_394 = tpu.memref_slice %arg2[%mul3A_361] : memref<260000xf32, #tpu.memory_space<hbm>> -> memref<8192xf32, #tpu.memory_space<hbm>>
        %dma_start3A_395 = tpu.memref_slice %arg2[%mul3A_361] : memref<260000xf32, #tpu.memory_space<hbm>> -> memref<8192xf32, #tpu.memory_space<hbm>>
        tpu.enqueue_dma source(%dma_start3A_395 : memref<8192xf32, #tpu.memory_space<hbm>>) target(%arg8 : memref<8192xf32, #tpu.memory_space<vmem>>) target_semaphore(%arg15 : memref<!tpu.dma_semaphore, #tpu.memory_space<semaphore_mem>>)
        %dma_start3A_396 = tpu.memref_slice %arg2[%add3A_365] : memref<260000xf32, #tpu.memory_space<hbm>> -> memref<8208xf32, #tpu.memory_space<hbm>>
        %dma_start3A_397 = tpu.memref_slice %arg2[%add3A_365] : memref<260000xf32, #tpu.memory_space<hbm>> -> memref<8208xf32, #tpu.memory_space<hbm>>
        tpu.enqueue_dma source(%dma_start3A_397 : memref<8208xf32, #tpu.memory_space<hbm>>) target(%arg9 : memref<8208xf32, #tpu.memory_space<vmem>>) target_semaphore(%arg15 : memref<!tpu.dma_semaphore, #tpu.memory_space<semaphore_mem>>)
        %dma_start3A_398 = tpu.memref_slice %arg3[%mul3A_361] : memref<130000xf32, #tpu.memory_space<hbm>> -> memref<8192xf32, #tpu.memory_space<hbm>>
        %dma_start3A_399 = tpu.memref_slice %arg3[%mul3A_361] : memref<130000xf32, #tpu.memory_space<hbm>> -> memref<8192xf32, #tpu.memory_space<hbm>>
        tpu.enqueue_dma source(%dma_start3A_399 : memref<8192xf32, #tpu.memory_space<hbm>>) target(%arg10 : memref<8192xf32, #tpu.memory_space<vmem>>) target_semaphore(%arg15 : memref<!tpu.dma_semaphore, #tpu.memory_space<semaphore_mem>>)
        %dma_start3A_400 = tpu.memref_slice %arg4[%mul3A_361] : memref<130000xf32, #tpu.memory_space<hbm>> -> memref<8192xf32, #tpu.memory_space<hbm>>
        %dma_start3A_401 = tpu.memref_slice %arg4[%mul3A_361] : memref<130000xf32, #tpu.memory_space<hbm>> -> memref<8192xf32, #tpu.memory_space<hbm>>
        tpu.enqueue_dma source(%dma_start3A_401 : memref<8192xf32, #tpu.memory_space<hbm>>) target(%arg11 : memref<8192xf32, #tpu.memory_space<vmem>>) target_semaphore(%arg15 : memref<!tpu.dma_semaphore, #tpu.memory_space<semaphore_mem>>)
        %dma_wait3A_402 = tpu.memref_slice %arg2[%mul3A_361] : memref<260000xf32, #tpu.memory_space<hbm>> -> memref<8192xf32, #tpu.memory_space<hbm>>
        %dma_wait3A_403 = tpu.memref_slice %arg2[%mul3A_361] : memref<260000xf32, #tpu.memory_space<hbm>> -> memref<8192xf32, #tpu.memory_space<hbm>>
        tpu.wait_dma2 semaphore(%arg15 : memref<!tpu.dma_semaphore, #tpu.memory_space<semaphore_mem>>) src(%dma_wait3A_403 : memref<8192xf32, #tpu.memory_space<hbm>>) dst(%arg8 : memref<8192xf32, #tpu.memory_space<vmem>>)
        %dma_wait3A_404 = tpu.memref_slice %arg2[%add3A_365] : memref<260000xf32, #tpu.memory_space<hbm>> -> memref<8208xf32, #tpu.memory_space<hbm>>
        %dma_wait3A_405 = tpu.memref_slice %arg2[%add3A_365] : memref<260000xf32, #tpu.memory_space<hbm>> -> memref<8208xf32, #tpu.memory_space<hbm>>
        tpu.wait_dma2 semaphore(%arg15 : memref<!tpu.dma_semaphore, #tpu.memory_space<semaphore_mem>>) src(%dma_wait3A_405 : memref<8208xf32, #tpu.memory_space<hbm>>) dst(%arg9 : memref<8208xf32, #tpu.memory_space<vmem>>)
        %dma_wait3A_406 = tpu.memref_slice %arg3[%mul3A_361] : memref<130000xf32, #tpu.memory_space<hbm>> -> memref<8192xf32, #tpu.memory_space<hbm>>
        %dma_wait3A_407 = tpu.memref_slice %arg3[%mul3A_361] : memref<130000xf32, #tpu.memory_space<hbm>> -> memref<8192xf32, #tpu.memory_space<hbm>>
        tpu.wait_dma2 semaphore(%arg15 : memref<!tpu.dma_semaphore, #tpu.memory_space<semaphore_mem>>) src(%dma_wait3A_407 : memref<8192xf32, #tpu.memory_space<hbm>>) dst(%arg10 : memref<8192xf32, #tpu.memory_space<vmem>>)
        %dma_wait3A_408 = tpu.memref_slice %arg4[%mul3A_361] : memref<130000xf32, #tpu.memory_space<hbm>> -> memref<8192xf32, #tpu.memory_space<hbm>>
        %dma_wait3A_409 = tpu.memref_slice %arg4[%mul3A_361] : memref<130000xf32, #tpu.memory_space<hbm>> -> memref<8192xf32, #tpu.memory_space<hbm>>
        tpu.wait_dma2 semaphore(%arg15 : memref<!tpu.dma_semaphore, #tpu.memory_space<semaphore_mem>>) src(%dma_wait3A_409 : memref<8192xf32, #tpu.memory_space<hbm>>) dst(%arg11 : memref<8192xf32, #tpu.memory_space<vmem>>)
      } else {
      }
      %eq3A = arith.constant 15 : i32
      %eq3A_368 = arith.cmpi eq, %while3A_358, %eq3A : i32
      %convert_element_type3A_369 = arith.extui %eq3A_368 : i1 to i32
      %cond3A_370 = arith.constant 0 : i32
      %cond3A_371 = arith.cmpi ne, %convert_element_type3A_369, %cond3A_370 : i32
      scf.if %cond3A_371 {
        %dma_start3A_394 = arith.constant 0 : i32
        %dma_start3A_395 = tpu.memref_slice %arg8[%dma_start3A_394] : memref<8192xf32, #tpu.memory_space<vmem>> -> memref<7120xf32, #tpu.memory_space<vmem>>
        %dma_start3A_396 = tpu.memref_slice %arg2[%mul3A_361] : memref<260000xf32, #tpu.memory_space<hbm>> -> memref<7120xf32, #tpu.memory_space<hbm>>
        %dma_start3A_397 = arith.constant 0 : i32
        %dma_start3A_398 = tpu.memref_slice %arg8[%dma_start3A_397] : memref<8192xf32, #tpu.memory_space<vmem>> -> memref<7120xf32, #tpu.memory_space<vmem>>
        %dma_start3A_399 = tpu.memref_slice %arg2[%mul3A_361] : memref<260000xf32, #tpu.memory_space<hbm>> -> memref<7120xf32, #tpu.memory_space<hbm>>
        tpu.enqueue_dma source(%dma_start3A_399 : memref<7120xf32, #tpu.memory_space<hbm>>) target(%dma_start3A_398 : memref<7120xf32, #tpu.memory_space<vmem>>) target_semaphore(%arg15 : memref<!tpu.dma_semaphore, #tpu.memory_space<semaphore_mem>>)
        %dma_start3A_400 = arith.constant 0 : i32
        %dma_start3A_401 = tpu.memref_slice %arg9[%dma_start3A_400] : memref<8208xf32, #tpu.memory_space<vmem>> -> memref<7128xf32, #tpu.memory_space<vmem>>
        %dma_start3A_402 = tpu.memref_slice %arg2[%add3A_365] : memref<260000xf32, #tpu.memory_space<hbm>> -> memref<7128xf32, #tpu.memory_space<hbm>>
        %dma_start3A_403 = arith.constant 0 : i32
        %dma_start3A_404 = tpu.memref_slice %arg9[%dma_start3A_403] : memref<8208xf32, #tpu.memory_space<vmem>> -> memref<7128xf32, #tpu.memory_space<vmem>>
        %dma_start3A_405 = tpu.memref_slice %arg2[%add3A_365] : memref<260000xf32, #tpu.memory_space<hbm>> -> memref<7128xf32, #tpu.memory_space<hbm>>
        tpu.enqueue_dma source(%dma_start3A_405 : memref<7128xf32, #tpu.memory_space<hbm>>) target(%dma_start3A_404 : memref<7128xf32, #tpu.memory_space<vmem>>) target_semaphore(%arg15 : memref<!tpu.dma_semaphore, #tpu.memory_space<semaphore_mem>>)
        %dma_start3A_406 = arith.constant 0 : i32
        %dma_start3A_407 = tpu.memref_slice %arg10[%dma_start3A_406] : memref<8192xf32, #tpu.memory_space<vmem>> -> memref<7120xf32, #tpu.memory_space<vmem>>
        %dma_start3A_408 = tpu.memref_slice %arg3[%mul3A_361] : memref<130000xf32, #tpu.memory_space<hbm>> -> memref<7120xf32, #tpu.memory_space<hbm>>
        %dma_start3A_409 = arith.constant 0 : i32
        %dma_start3A_410 = tpu.memref_slice %arg10[%dma_start3A_409] : memref<8192xf32, #tpu.memory_space<vmem>> -> memref<7120xf32, #tpu.memory_space<vmem>>
        %dma_start3A_411 = tpu.memref_slice %arg3[%mul3A_361] : memref<130000xf32, #tpu.memory_space<hbm>> -> memref<7120xf32, #tpu.memory_space<hbm>>
        tpu.enqueue_dma source(%dma_start3A_411 : memref<7120xf32, #tpu.memory_space<hbm>>) target(%dma_start3A_410 : memref<7120xf32, #tpu.memory_space<vmem>>) target_semaphore(%arg15 : memref<!tpu.dma_semaphore, #tpu.memory_space<semaphore_mem>>)
        %dma_start3A_412 = arith.constant 0 : i32
        %dma_start3A_413 = tpu.memref_slice %arg11[%dma_start3A_412] : memref<8192xf32, #tpu.memory_space<vmem>> -> memref<7120xf32, #tpu.memory_space<vmem>>
        %dma_start3A_414 = tpu.memref_slice %arg4[%mul3A_361] : memref<130000xf32, #tpu.memory_space<hbm>> -> memref<7120xf32, #tpu.memory_space<hbm>>
        %dma_start3A_415 = arith.constant 0 : i32
        %dma_start3A_416 = tpu.memref_slice %arg11[%dma_start3A_415] : memref<8192xf32, #tpu.memory_space<vmem>> -> memref<7120xf32, #tpu.memory_space<vmem>>
        %dma_start3A_417 = tpu.memref_slice %arg4[%mul3A_361] : memref<130000xf32, #tpu.memory_space<hbm>> -> memref<7120xf32, #tpu.memory_space<hbm>>
        tpu.enqueue_dma source(%dma_start3A_417 : memref<7120xf32, #tpu.memory_space<hbm>>) target(%dma_start3A_416 : memref<7120xf32, #tpu.memory_space<vmem>>) target_semaphore(%arg15 : memref<!tpu.dma_semaphore, #tpu.memory_space<semaphore_mem>>)
        %dma_wait3A_418 = arith.constant 0 : i32
        %dma_wait3A_419 = tpu.memref_slice %arg8[%dma_wait3A_418] : memref<8192xf32, #tpu.memory_space<vmem>> -> memref<7120xf32, #tpu.memory_space<vmem>>
        %dma_wait3A_420 = tpu.memref_slice %arg2[%mul3A_361] : memref<260000xf32, #tpu.memory_space<hbm>> -> memref<7120xf32, #tpu.memory_space<hbm>>
        %dma_wait3A_421 = arith.constant 0 : i32
        %dma_wait3A_422 = tpu.memref_slice %arg8[%dma_wait3A_421] : memref<8192xf32, #tpu.memory_space<vmem>> -> memref<7120xf32, #tpu.memory_space<vmem>>
        %dma_wait3A_423 = tpu.memref_slice %arg2[%mul3A_361] : memref<260000xf32, #tpu.memory_space<hbm>> -> memref<7120xf32, #tpu.memory_space<hbm>>
        tpu.wait_dma2 semaphore(%arg15 : memref<!tpu.dma_semaphore, #tpu.memory_space<semaphore_mem>>) src(%dma_wait3A_423 : memref<7120xf32, #tpu.memory_space<hbm>>) dst(%dma_wait3A_422 : memref<7120xf32, #tpu.memory_space<vmem>>)
        %dma_wait3A_424 = arith.constant 0 : i32
        %dma_wait3A_425 = tpu.memref_slice %arg9[%dma_wait3A_424] : memref<8208xf32, #tpu.memory_space<vmem>> -> memref<7128xf32, #tpu.memory_space<vmem>>
        %dma_wait3A_426 = tpu.memref_slice %arg2[%add3A_365] : memref<260000xf32, #tpu.memory_space<hbm>> -> memref<7128xf32, #tpu.memory_space<hbm>>
        %dma_wait3A_427 = arith.constant 0 : i32
        %dma_wait3A_428 = tpu.memref_slice %arg9[%dma_wait3A_427] : memref<8208xf32, #tpu.memory_space<vmem>> -> memref<7128xf32, #tpu.memory_space<vmem>>
        %dma_wait3A_429 = tpu.memref_slice %arg2[%add3A_365] : memref<260000xf32, #tpu.memory_space<hbm>> -> memref<7128xf32, #tpu.memory_space<hbm>>
        tpu.wait_dma2 semaphore(%arg15 : memref<!tpu.dma_semaphore, #tpu.memory_space<semaphore_mem>>) src(%dma_wait3A_429 : memref<7128xf32, #tpu.memory_space<hbm>>) dst(%dma_wait3A_428 : memref<7128xf32, #tpu.memory_space<vmem>>)
        %dma_wait3A_430 = arith.constant 0 : i32
        %dma_wait3A_431 = tpu.memref_slice %arg10[%dma_wait3A_430] : memref<8192xf32, #tpu.memory_space<vmem>> -> memref<7120xf32, #tpu.memory_space<vmem>>
        %dma_wait3A_432 = tpu.memref_slice %arg3[%mul3A_361] : memref<130000xf32, #tpu.memory_space<hbm>> -> memref<7120xf32, #tpu.memory_space<hbm>>
        %dma_wait3A_433 = arith.constant 0 : i32
        %dma_wait3A_434 = tpu.memref_slice %arg10[%dma_wait3A_433] : memref<8192xf32, #tpu.memory_space<vmem>> -> memref<7120xf32, #tpu.memory_space<vmem>>
        %dma_wait3A_435 = tpu.memref_slice %arg3[%mul3A_361] : memref<130000xf32, #tpu.memory_space<hbm>> -> memref<7120xf32, #tpu.memory_space<hbm>>
        tpu.wait_dma2 semaphore(%arg15 : memref<!tpu.dma_semaphore, #tpu.memory_space<semaphore_mem>>) src(%dma_wait3A_435 : memref<7120xf32, #tpu.memory_space<hbm>>) dst(%dma_wait3A_434 : memref<7120xf32, #tpu.memory_space<vmem>>)
        %dma_wait3A_436 = arith.constant 0 : i32
        %dma_wait3A_437 = tpu.memref_slice %arg11[%dma_wait3A_436] : memref<8192xf32, #tpu.memory_space<vmem>> -> memref<7120xf32, #tpu.memory_space<vmem>>
        %dma_wait3A_438 = tpu.memref_slice %arg4[%mul3A_361] : memref<130000xf32, #tpu.memory_space<hbm>> -> memref<7120xf32, #tpu.memory_space<hbm>>
        %dma_wait3A_439 = arith.constant 0 : i32
        %dma_wait3A_440 = tpu.memref_slice %arg11[%dma_wait3A_439] : memref<8192xf32, #tpu.memory_space<vmem>> -> memref<7120xf32, #tpu.memory_space<vmem>>
        %dma_wait3A_441 = tpu.memref_slice %arg4[%mul3A_361] : memref<130000xf32, #tpu.memory_space<hbm>> -> memref<7120xf32, #tpu.memory_space<hbm>>
        tpu.wait_dma2 semaphore(%arg15 : memref<!tpu.dma_semaphore, #tpu.memory_space<semaphore_mem>>) src(%dma_wait3A_441 : memref<7120xf32, #tpu.memory_space<hbm>>) dst(%dma_wait3A_440 : memref<7120xf32, #tpu.memory_space<vmem>>)
      } else {
      }
      %mul3A_372 = arith.constant 512 : i32
      %mul3A_373 = arith.muli %while3A_358, %mul3A_372 : i32
      %sub3A_374 = arith.subi %add3A_37, %mul3A_373 : i32
      %jit3A_375 = arith.constant 0 : i32
      %jit3A_376 = arith.constant 512 : i32
      %max3A_377 = arith.maxsi %jit3A_375, %sub3A_374 : i32
      %min3A_378 = arith.minsi %jit3A_376, %max3A_377 : i32
      %sub3A_379 = arith.subi %add3A_45, %mul3A_373 : i32
      %jit3A_380 = arith.constant 0 : i32
      %jit3A_381 = arith.constant 512 : i32
      %max3A_382 = arith.maxsi %jit3A_380, %sub3A_379 : i32
      %min3A_383 = arith.minsi %jit3A_381, %max3A_382 : i32
      %while3A_384 = arith.constant 0 : i32
      %while3A_385 = arith.subi %min3A_383, %min3A_378 : i32
      %while3A_386 = arith.addi %min3A_378, %while3A_385 : i32
      %while3A_387 = arith.constant 1 : i32
      %while3A_388 = arith.divsi %while3A_385, %while3A_387 : i32
      %while3A_389 = arith.muli %while3A_388, %while3A_387 : i32
      %while3A_390 = arith.addi %min3A_378, %while3A_389 : i32
      %while3A_391 = arith.constant 1 : i32
      scf.for %while3A_394 = %min3A_378 to %while3A_390 step %while3A_391  : i32 {
        %mul3A_395 = arith.constant 16 : i32
        %mul3A_396 = arith.muli %while3A_394, %mul3A_395 : i32
        %get3A = arith.index_cast %mul3A_396 : i32 to index
        %get3A_397 = tpu.vector_load %arg8[%get3A] {strides = array<i32>} : memref<8192xf32, #tpu.memory_space<vmem>>, vector<16xf32>,
        %mul3A_398 = arith.constant 16 : i32
        %mul3A_399 = arith.muli %while3A_394, %mul3A_398 : i32
        %add3A_400 = arith.constant 8 : i32
        %add3A_401 = arith.addi %mul3A_399, %add3A_400 : i32
        %get3A_402 = arith.index_cast %add3A_401 : i32 to index
        %get3A_403 = tpu.vector_load %arg9[%get3A_402] {strides = array<i32>} : memref<8208xf32, #tpu.memory_space<vmem>>, vector<16xf32>,
        %get3A_404 = arith.index_cast %mul3A_396 : i32 to index
        %get3A_405 = tpu.vector_load %arg10[%get3A_404] {strides = array<i32>} : memref<8192xf32, #tpu.memory_space<vmem>>, vector<16xf32>,
        %get3A_406 = arith.index_cast %mul3A_396 : i32 to index
        %get3A_407 = tpu.vector_load %arg11[%get3A_406] {strides = array<i32>} : memref<8192xf32, #tpu.memory_space<vmem>>, vector<16xf32>,
        %broadcast_in_dim3A_408 = arith.constant 0.899999976 : f32
        %broadcast_in_dim3A_409 = vector.broadcast %broadcast_in_dim3A_408 : f32 to vector<16xf32>
        %convert_element_type3A_410 = arith.fptosi %get3A_397 : vector<16xf32> to vector<16xi32>
        %convert_element_type3A_411 = arith.fptosi %get3A_403 : vector<16xf32> to vector<16xi32>
        %convert_element_type3A_412 = arith.sitofp %convert_element_type3A_410 : vector<16xi32> to vector<16xf32>
        %convert_element_type3A_413 = arith.sitofp %convert_element_type3A_411 : vector<16xi32> to vector<16xf32>
        %sub3A_414 = arith.subf %get3A_397, %convert_element_type3A_412 : vector<16xf32>
        %add3A_415 = arith.addf %sub3A_414, %get3A_405 : vector<16xf32>
        %sub3A_416 = arith.subf %get3A_403, %convert_element_type3A_413 : vector<16xf32>
        %add3A_417 = arith.addf %sub3A_416, %get3A_407 : vector<16xf32>
        %min3A_418 = arith.constant 1.000000e+00 : f32
        %min3A_419 = vector.broadcast %min3A_418 : f32 to vector<16xf32>
        %min3A_420 = arith.minimumf %add3A_415, %min3A_419 : vector<16xf32>
        %sub3A_421 = arith.subf %min3A_420, %sub3A_414 : vector<16xf32>
        %sub3A_422 = arith.constant 1.000000e+00 : f32
        %sub3A_423 = vector.broadcast %sub3A_422 : f32 to vector<16xf32>
        %sub3A_424 = arith.subf %add3A_415, %sub3A_423 : vector<16xf32>
        %min3A_425 = arith.constant 1.000000e+00 : f32
        %min3A_426 = vector.broadcast %min3A_425 : f32 to vector<16xf32>
        %min3A_427 = arith.minimumf %sub3A_424, %min3A_426 : vector<16xf32>
        %max3A_428 = arith.constant 0.000000e+00 : f32
        %max3A_429 = vector.broadcast %max3A_428 : f32 to vector<16xf32>
        %max3A_430 = arith.maximumf %min3A_427, %max3A_429 : vector<16xf32>
        %sub3A_431 = arith.constant 2.000000e+00 : f32
        %sub3A_432 = vector.broadcast %sub3A_431 : f32 to vector<16xf32>
        %sub3A_433 = arith.subf %add3A_415, %sub3A_432 : vector<16xf32>
        %min3A_434 = arith.constant 1.000000e+00 : f32
        %min3A_435 = vector.broadcast %min3A_434 : f32 to vector<16xf32>
        %min3A_436 = arith.minimumf %sub3A_433, %min3A_435 : vector<16xf32>
        %max3A_437 = arith.constant 0.000000e+00 : f32
        %max3A_438 = vector.broadcast %max3A_437 : f32 to vector<16xf32>
        %max3A_439 = arith.maximumf %min3A_436, %max3A_438 : vector<16xf32>
        %sub3A_440 = arith.constant 3.000000e+00 : f32
        %sub3A_441 = vector.broadcast %sub3A_440 : f32 to vector<16xf32>
        %sub3A_442 = arith.subf %add3A_415, %sub3A_441 : vector<16xf32>
        %min3A_443 = arith.constant 1.000000e+00 : f32
        %min3A_444 = vector.broadcast %min3A_443 : f32 to vector<16xf32>
        %min3A_445 = arith.minimumf %sub3A_442, %min3A_444 : vector<16xf32>
        %max3A_446 = arith.constant 0.000000e+00 : f32
        %max3A_447 = vector.broadcast %max3A_446 : f32 to vector<16xf32>
        %max3A_448 = arith.maximumf %min3A_445, %max3A_447 : vector<16xf32>
        %sub3A_449 = arith.constant 4.000000e+00 : f32
        %sub3A_450 = vector.broadcast %sub3A_449 : f32 to vector<16xf32>
        %sub3A_451 = arith.subf %add3A_415, %sub3A_450 : vector<16xf32>
        %min3A_452 = arith.constant 1.000000e+00 : f32
        %min3A_453 = vector.broadcast %min3A_452 : f32 to vector<16xf32>
        %min3A_454 = arith.minimumf %sub3A_451, %min3A_453 : vector<16xf32>
        %max3A_455 = arith.constant 0.000000e+00 : f32
        %max3A_456 = vector.broadcast %max3A_455 : f32 to vector<16xf32>
        %max3A_457 = arith.maximumf %min3A_454, %max3A_456 : vector<16xf32>
        %min3A_458 = arith.constant 1.000000e+00 : f32
        %min3A_459 = vector.broadcast %min3A_458 : f32 to vector<16xf32>
        %min3A_460 = arith.minimumf %add3A_417, %min3A_459 : vector<16xf32>
        %sub3A_461 = arith.subf %min3A_460, %sub3A_416 : vector<16xf32>
        %sub3A_462 = arith.constant 1.000000e+00 : f32
        %sub3A_463 = vector.broadcast %sub3A_462 : f32 to vector<16xf32>
        %sub3A_464 = arith.subf %add3A_417, %sub3A_463 : vector<16xf32>
        %min3A_465 = arith.constant 1.000000e+00 : f32
        %min3A_466 = vector.broadcast %min3A_465 : f32 to vector<16xf32>
        %min3A_467 = arith.minimumf %sub3A_464, %min3A_466 : vector<16xf32>
        %max3A_468 = arith.constant 0.000000e+00 : f32
        %max3A_469 = vector.broadcast %max3A_468 : f32 to vector<16xf32>
        %max3A_470 = arith.maximumf %min3A_467, %max3A_469 : vector<16xf32>
        %sub3A_471 = arith.constant 2.000000e+00 : f32
        %sub3A_472 = vector.broadcast %sub3A_471 : f32 to vector<16xf32>
        %sub3A_473 = arith.subf %add3A_417, %sub3A_472 : vector<16xf32>
        %min3A_474 = arith.constant 1.000000e+00 : f32
        %min3A_475 = vector.broadcast %min3A_474 : f32 to vector<16xf32>
        %min3A_476 = arith.minimumf %sub3A_473, %min3A_475 : vector<16xf32>
        %max3A_477 = arith.constant 0.000000e+00 : f32
        %max3A_478 = vector.broadcast %max3A_477 : f32 to vector<16xf32>
        %max3A_479 = arith.maximumf %min3A_476, %max3A_478 : vector<16xf32>
        %sub3A_480 = arith.constant 3.000000e+00 : f32
        %sub3A_481 = vector.broadcast %sub3A_480 : f32 to vector<16xf32>
        %sub3A_482 = arith.subf %add3A_417, %sub3A_481 : vector<16xf32>
        %min3A_483 = arith.constant 1.000000e+00 : f32
        %min3A_484 = vector.broadcast %min3A_483 : f32 to vector<16xf32>
        %min3A_485 = arith.minimumf %sub3A_482, %min3A_484 : vector<16xf32>
        %max3A_486 = arith.constant 0.000000e+00 : f32
        %max3A_487 = vector.broadcast %max3A_486 : f32 to vector<16xf32>
        %max3A_488 = arith.maximumf %min3A_485, %max3A_487 : vector<16xf32>
        %sub3A_489 = arith.constant 4.000000e+00 : f32
        %sub3A_490 = vector.broadcast %sub3A_489 : f32 to vector<16xf32>
        %sub3A_491 = arith.subf %add3A_417, %sub3A_490 : vector<16xf32>
        %min3A_492 = arith.constant 1.000000e+00 : f32
        %min3A_493 = vector.broadcast %min3A_492 : f32 to vector<16xf32>
        %min3A_494 = arith.minimumf %sub3A_491, %min3A_493 : vector<16xf32>
        %max3A_495 = arith.constant 0.000000e+00 : f32
        %max3A_496 = vector.broadcast %max3A_495 : f32 to vector<16xf32>
        %max3A_497 = arith.maximumf %min3A_494, %max3A_496 : vector<16xf32>
        %shift_left3A = arith.constant 7 : i32
        %shift_left3A_498 = arith.shli %add3A, %shift_left3A : i32
        %sub3A_499 = vector.broadcast %shift_left3A_498 : i32 to vector<16xi32>
        %sub3A_500 = arith.subi %convert_element_type3A_410, %sub3A_499 : vector<16xi32>
        %mul3A_501 = arith.mulf %broadcast_in_dim3A_409, %sub3A_421 : vector<16xf32>
        %mul3A_502 = arith.mulf %broadcast_in_dim3A_409, %max3A_430 : vector<16xf32>
        %mul3A_503 = arith.mulf %broadcast_in_dim3A_409, %max3A_439 : vector<16xf32>
        %mul3A_504 = arith.mulf %broadcast_in_dim3A_409, %max3A_448 : vector<16xf32>
        %mul3A_505 = arith.mulf %broadcast_in_dim3A_409, %max3A_457 : vector<16xf32>
        %add3A_506 = arith.constant 0 : i32
        %add3A_507 = vector.broadcast %add3A_506 : i32 to vector<16xi32>
        %add3A_508 = arith.addi %sub3A_500, %add3A_507 : vector<16xi32>
        %add3A_509 = arith.constant 1 : i32
        %add3A_510 = vector.broadcast %add3A_509 : i32 to vector<16xi32>
        %add3A_511 = arith.addi %sub3A_500, %add3A_510 : vector<16xi32>
        %add3A_512 = arith.constant 2 : i32
        %add3A_513 = vector.broadcast %add3A_512 : i32 to vector<16xi32>
        %add3A_514 = arith.addi %sub3A_500, %add3A_513 : vector<16xi32>
        %add3A_515 = arith.constant 3 : i32
        %add3A_516 = vector.broadcast %add3A_515 : i32 to vector<16xi32>
        %add3A_517 = arith.addi %sub3A_500, %add3A_516 : vector<16xi32>
        %add3A_518 = arith.constant 4 : i32
        %add3A_519 = vector.broadcast %add3A_518 : i32 to vector<16xi32>
        %add3A_520 = arith.addi %sub3A_500, %add3A_519 : vector<16xi32>
        %bitcast_convert_type3A = tpu.bitcast %add3A_508 : vector<16xi32> -> vector<16xi32>
        %lt3A_521 = arith.constant 128 : i32
        %lt3A_522 = vector.broadcast %lt3A_521 : i32 to vector<16xi32>
        %lt3A_523 = arith.cmpi ult, %bitcast_convert_type3A, %lt3A_522 : vector<16xi32>
        %bitcast_convert_type3A_524 = tpu.bitcast %add3A_511 : vector<16xi32> -> vector<16xi32>
        %lt3A_525 = arith.constant 128 : i32
        %lt3A_526 = vector.broadcast %lt3A_525 : i32 to vector<16xi32>
        %lt3A_527 = arith.cmpi ult, %bitcast_convert_type3A_524, %lt3A_526 : vector<16xi32>
        %bitcast_convert_type3A_528 = tpu.bitcast %add3A_514 : vector<16xi32> -> vector<16xi32>
        %lt3A_529 = arith.constant 128 : i32
        %lt3A_530 = vector.broadcast %lt3A_529 : i32 to vector<16xi32>
        %lt3A_531 = arith.cmpi ult, %bitcast_convert_type3A_528, %lt3A_530 : vector<16xi32>
        %bitcast_convert_type3A_532 = tpu.bitcast %add3A_517 : vector<16xi32> -> vector<16xi32>
        %lt3A_533 = arith.constant 128 : i32
        %lt3A_534 = vector.broadcast %lt3A_533 : i32 to vector<16xi32>
        %lt3A_535 = arith.cmpi ult, %bitcast_convert_type3A_532, %lt3A_534 : vector<16xi32>
        %bitcast_convert_type3A_536 = tpu.bitcast %add3A_520 : vector<16xi32> -> vector<16xi32>
        %lt3A_537 = arith.constant 128 : i32
        %lt3A_538 = vector.broadcast %lt3A_537 : i32 to vector<16xi32>
        %lt3A_539 = arith.cmpi ult, %bitcast_convert_type3A_536, %lt3A_538 : vector<16xi32>
        %ge3A = arith.constant 0 : i32
        %ge3A_540 = vector.broadcast %ge3A : i32 to vector<16xi32>
        %ge3A_541 = arith.cmpi sge, %convert_element_type3A_411, %ge3A_540 : vector<16xi32>
        %jit3A_542 = arith.constant 0.000000e+00 : f32
        %broadcast_in_dim3A_543 = vector.broadcast %jit3A_542 : f32 to vector<16xf32>
        %select_n3A_544 = arith.select %ge3A_541, %sub3A_461, %broadcast_in_dim3A_543 : vector<16xi1>, vector<16xf32>
        %and3A_545 = arith.constant 511 : i32
        %and3A_546 = vector.broadcast %and3A_545 : i32 to vector<16xi32>
        %and3A_547 = arith.andi %convert_element_type3A_411, %and3A_546 : vector<16xi32>
        %add3A_548 = arith.constant 1 : i32
        %add3A_549 = vector.broadcast %add3A_548 : i32 to vector<16xi32>
        %add3A_550 = arith.addi %convert_element_type3A_411, %add3A_549 : vector<16xi32>
        %add3A_551 = arith.constant 2 : i32
        %add3A_552 = vector.broadcast %add3A_551 : i32 to vector<16xi32>
        %add3A_553 = arith.addi %convert_element_type3A_411, %add3A_552 : vector<16xi32>
        %add3A_554 = arith.constant 3 : i32
        %add3A_555 = vector.broadcast %add3A_554 : i32 to vector<16xi32>
        %add3A_556 = arith.addi %convert_element_type3A_411, %add3A_555 : vector<16xi32>
        %add3A_557 = arith.constant 4 : i32
        %add3A_558 = vector.broadcast %add3A_557 : i32 to vector<16xi32>
        %add3A_559 = arith.addi %convert_element_type3A_411, %add3A_558 : vector<16xi32>
        %shift_left3A_560 = arith.constant 9 : i32
        %shift_left3A_561 = vector.broadcast %shift_left3A_560 : i32 to vector<16xi32>
        %shift_left3A_562 = arith.shli %add3A_508, %shift_left3A_561 : vector<16xi32>
        %shift_left3A_563 = arith.constant 9 : i32
        %shift_left3A_564 = vector.broadcast %shift_left3A_563 : i32 to vector<16xi32>
        %shift_left3A_565 = arith.shli %add3A_511, %shift_left3A_564 : vector<16xi32>
        %shift_left3A_566 = arith.constant 9 : i32
        %shift_left3A_567 = vector.broadcast %shift_left3A_566 : i32 to vector<16xi32>
        %shift_left3A_568 = arith.shli %add3A_514, %shift_left3A_567 : vector<16xi32>
        %shift_left3A_569 = arith.constant 9 : i32
        %shift_left3A_570 = vector.broadcast %shift_left3A_569 : i32 to vector<16xi32>
        %shift_left3A_571 = arith.shli %add3A_517, %shift_left3A_570 : vector<16xi32>
        %shift_left3A_572 = arith.constant 9 : i32
        %shift_left3A_573 = vector.broadcast %shift_left3A_572 : i32 to vector<16xi32>
        %shift_left3A_574 = arith.shli %add3A_520, %shift_left3A_573 : vector<16xi32>
        %add3A_575 = arith.addi %shift_left3A_562, %and3A_547 : vector<16xi32>
        %mul3A_576 = arith.mulf %mul3A_501, %select_n3A_544 : vector<16xf32>
        tpu.vector_store_idx %arg7[%add3A_575], %mul3A_576 masked %lt3A_523 {add = true} : memref<65536xf32, #tpu.memory_space<vmem>>[vector<16xi32>], vector<16xf32>, vector<16xi1>
        %add3A_577 = arith.addi %shift_left3A_562, %add3A_550 : vector<16xi32>
        %mul3A_578 = arith.mulf %mul3A_501, %max3A_470 : vector<16xf32>
        tpu.vector_store_idx %arg7[%add3A_577], %mul3A_578 masked %lt3A_523 {add = true} : memref<65536xf32, #tpu.memory_space<vmem>>[vector<16xi32>], vector<16xf32>, vector<16xi1>
        %add3A_579 = arith.addi %shift_left3A_562, %add3A_553 : vector<16xi32>
        %mul3A_580 = arith.mulf %mul3A_501, %max3A_479 : vector<16xf32>
        tpu.vector_store_idx %arg7[%add3A_579], %mul3A_580 masked %lt3A_523 {add = true} : memref<65536xf32, #tpu.memory_space<vmem>>[vector<16xi32>], vector<16xf32>, vector<16xi1>
        %add3A_581 = arith.addi %shift_left3A_562, %add3A_556 : vector<16xi32>
        %mul3A_582 = arith.mulf %mul3A_501, %max3A_488 : vector<16xf32>
        tpu.vector_store_idx %arg7[%add3A_581], %mul3A_582 masked %lt3A_523 {add = true} : memref<65536xf32, #tpu.memory_space<vmem>>[vector<16xi32>], vector<16xf32>, vector<16xi1>
        %add3A_583 = arith.addi %shift_left3A_562, %add3A_559 : vector<16xi32>
        %mul3A_584 = arith.mulf %mul3A_501, %max3A_497 : vector<16xf32>
        tpu.vector_store_idx %arg7[%add3A_583], %mul3A_584 masked %lt3A_523 {add = true} : memref<65536xf32, #tpu.memory_space<vmem>>[vector<16xi32>], vector<16xf32>, vector<16xi1>
        %add3A_585 = arith.addi %shift_left3A_565, %and3A_547 : vector<16xi32>
        %mul3A_586 = arith.mulf %mul3A_502, %select_n3A_544 : vector<16xf32>
        tpu.vector_store_idx %arg7[%add3A_585], %mul3A_586 masked %lt3A_527 {add = true} : memref<65536xf32, #tpu.memory_space<vmem>>[vector<16xi32>], vector<16xf32>, vector<16xi1>
        %add3A_587 = arith.addi %shift_left3A_565, %add3A_550 : vector<16xi32>
        %mul3A_588 = arith.mulf %mul3A_502, %max3A_470 : vector<16xf32>
        tpu.vector_store_idx %arg7[%add3A_587], %mul3A_588 masked %lt3A_527 {add = true} : memref<65536xf32, #tpu.memory_space<vmem>>[vector<16xi32>], vector<16xf32>, vector<16xi1>
        %add3A_589 = arith.addi %shift_left3A_565, %add3A_553 : vector<16xi32>
        %mul3A_590 = arith.mulf %mul3A_502, %max3A_479 : vector<16xf32>
        tpu.vector_store_idx %arg7[%add3A_589], %mul3A_590 masked %lt3A_527 {add = true} : memref<65536xf32, #tpu.memory_space<vmem>>[vector<16xi32>], vector<16xf32>, vector<16xi1>
        %add3A_591 = arith.addi %shift_left3A_565, %add3A_556 : vector<16xi32>
        %mul3A_592 = arith.mulf %mul3A_502, %max3A_488 : vector<16xf32>
        tpu.vector_store_idx %arg7[%add3A_591], %mul3A_592 masked %lt3A_527 {add = true} : memref<65536xf32, #tpu.memory_space<vmem>>[vector<16xi32>], vector<16xf32>, vector<16xi1>
        %add3A_593 = arith.addi %shift_left3A_565, %add3A_559 : vector<16xi32>
        %mul3A_594 = arith.mulf %mul3A_502, %max3A_497 : vector<16xf32>
        tpu.vector_store_idx %arg7[%add3A_593], %mul3A_594 masked %lt3A_527 {add = true} : memref<65536xf32, #tpu.memory_space<vmem>>[vector<16xi32>], vector<16xf32>, vector<16xi1>
        %add3A_595 = arith.addi %shift_left3A_568, %and3A_547 : vector<16xi32>
        %mul3A_596 = arith.mulf %mul3A_503, %select_n3A_544 : vector<16xf32>
        tpu.vector_store_idx %arg7[%add3A_595], %mul3A_596 masked %lt3A_531 {add = true} : memref<65536xf32, #tpu.memory_space<vmem>>[vector<16xi32>], vector<16xf32>, vector<16xi1>
        %add3A_597 = arith.addi %shift_left3A_568, %add3A_550 : vector<16xi32>
        %mul3A_598 = arith.mulf %mul3A_503, %max3A_470 : vector<16xf32>
        tpu.vector_store_idx %arg7[%add3A_597], %mul3A_598 masked %lt3A_531 {add = true} : memref<65536xf32, #tpu.memory_space<vmem>>[vector<16xi32>], vector<16xf32>, vector<16xi1>
        %add3A_599 = arith.addi %shift_left3A_568, %add3A_553 : vector<16xi32>
        %mul3A_600 = arith.mulf %mul3A_503, %max3A_479 : vector<16xf32>
        tpu.vector_store_idx %arg7[%add3A_599], %mul3A_600 masked %lt3A_531 {add = true} : memref<65536xf32, #tpu.memory_space<vmem>>[vector<16xi32>], vector<16xf32>, vector<16xi1>
        %add3A_601 = arith.addi %shift_left3A_568, %add3A_556 : vector<16xi32>
        %mul3A_602 = arith.mulf %mul3A_503, %max3A_488 : vector<16xf32>
        tpu.vector_store_idx %arg7[%add3A_601], %mul3A_602 masked %lt3A_531 {add = true} : memref<65536xf32, #tpu.memory_space<vmem>>[vector<16xi32>], vector<16xf32>, vector<16xi1>
        %add3A_603 = arith.addi %shift_left3A_568, %add3A_559 : vector<16xi32>
        %mul3A_604 = arith.mulf %mul3A_503, %max3A_497 : vector<16xf32>
        tpu.vector_store_idx %arg7[%add3A_603], %mul3A_604 masked %lt3A_531 {add = true} : memref<65536xf32, #tpu.memory_space<vmem>>[vector<16xi32>], vector<16xf32>, vector<16xi1>
        %add3A_605 = arith.addi %shift_left3A_571, %and3A_547 : vector<16xi32>
        %mul3A_606 = arith.mulf %mul3A_504, %select_n3A_544 : vector<16xf32>
        tpu.vector_store_idx %arg7[%add3A_605], %mul3A_606 masked %lt3A_535 {add = true} : memref<65536xf32, #tpu.memory_space<vmem>>[vector<16xi32>], vector<16xf32>, vector<16xi1>
        %add3A_607 = arith.addi %shift_left3A_571, %add3A_550 : vector<16xi32>
        %mul3A_608 = arith.mulf %mul3A_504, %max3A_470 : vector<16xf32>
        tpu.vector_store_idx %arg7[%add3A_607], %mul3A_608 masked %lt3A_535 {add = true} : memref<65536xf32, #tpu.memory_space<vmem>>[vector<16xi32>], vector<16xf32>, vector<16xi1>
        %add3A_609 = arith.addi %shift_left3A_571, %add3A_553 : vector<16xi32>
        %mul3A_610 = arith.mulf %mul3A_504, %max3A_479 : vector<16xf32>
        tpu.vector_store_idx %arg7[%add3A_609], %mul3A_610 masked %lt3A_535 {add = true} : memref<65536xf32, #tpu.memory_space<vmem>>[vector<16xi32>], vector<16xf32>, vector<16xi1>
        %add3A_611 = arith.addi %shift_left3A_571, %add3A_556 : vector<16xi32>
        %mul3A_612 = arith.mulf %mul3A_504, %max3A_488 : vector<16xf32>
        tpu.vector_store_idx %arg7[%add3A_611], %mul3A_612 masked %lt3A_535 {add = true} : memref<65536xf32, #tpu.memory_space<vmem>>[vector<16xi32>], vector<16xf32>, vector<16xi1>
        %add3A_613 = arith.addi %shift_left3A_571, %add3A_559 : vector<16xi32>
        %mul3A_614 = arith.mulf %mul3A_504, %max3A_497 : vector<16xf32>
        tpu.vector_store_idx %arg7[%add3A_613], %mul3A_614 masked %lt3A_535 {add = true} : memref<65536xf32, #tpu.memory_space<vmem>>[vector<16xi32>], vector<16xf32>, vector<16xi1>
        %add3A_615 = arith.addi %shift_left3A_574, %and3A_547 : vector<16xi32>
        %mul3A_616 = arith.mulf %mul3A_505, %select_n3A_544 : vector<16xf32>
        tpu.vector_store_idx %arg7[%add3A_615], %mul3A_616 masked %lt3A_539 {add = true} : memref<65536xf32, #tpu.memory_space<vmem>>[vector<16xi32>], vector<16xf32>, vector<16xi1>
        %add3A_617 = arith.addi %shift_left3A_574, %add3A_550 : vector<16xi32>
        %mul3A_618 = arith.mulf %mul3A_505, %max3A_470 : vector<16xf32>
        tpu.vector_store_idx %arg7[%add3A_617], %mul3A_618 masked %lt3A_539 {add = true} : memref<65536xf32, #tpu.memory_space<vmem>>[vector<16xi32>], vector<16xf32>, vector<16xi1>
        %add3A_619 = arith.addi %shift_left3A_574, %add3A_553 : vector<16xi32>
        %mul3A_620 = arith.mulf %mul3A_505, %max3A_479 : vector<16xf32>
        tpu.vector_store_idx %arg7[%add3A_619], %mul3A_620 masked %lt3A_539 {add = true} : memref<65536xf32, #tpu.memory_space<vmem>>[vector<16xi32>], vector<16xf32>, vector<16xi1>
        %add3A_621 = arith.addi %shift_left3A_574, %add3A_556 : vector<16xi32>
        %mul3A_622 = arith.mulf %mul3A_505, %max3A_488 : vector<16xf32>
        tpu.vector_store_idx %arg7[%add3A_621], %mul3A_622 masked %lt3A_539 {add = true} : memref<65536xf32, #tpu.memory_space<vmem>>[vector<16xi32>], vector<16xf32>, vector<16xi1>
        %add3A_623 = arith.addi %shift_left3A_574, %add3A_559 : vector<16xi32>
        %mul3A_624 = arith.mulf %mul3A_505, %max3A_497 : vector<16xf32>
        tpu.vector_store_idx %arg7[%add3A_623], %mul3A_624 masked %lt3A_539 {add = true} : memref<65536xf32, #tpu.memory_space<vmem>>[vector<16xi32>], vector<16xf32>, vector<16xi1>
      }
      %while3A_392 = arith.constant 1 : i32
      scf.for %while3A_394 = %while3A_390 to %while3A_386 step %while3A_392  : i32 {
        %mul3A_395 = arith.constant 16 : i32
        %mul3A_396 = arith.muli %while3A_394, %mul3A_395 : i32
        %get3A = arith.index_cast %mul3A_396 : i32 to index
        %get3A_397 = tpu.vector_load %arg8[%get3A] {strides = array<i32>} : memref<8192xf32, #tpu.memory_space<vmem>>, vector<16xf32>,
        %mul3A_398 = arith.constant 16 : i32
        %mul3A_399 = arith.muli %while3A_394, %mul3A_398 : i32
        %add3A_400 = arith.constant 8 : i32
        %add3A_401 = arith.addi %mul3A_399, %add3A_400 : i32
        %get3A_402 = arith.index_cast %add3A_401 : i32 to index
        %get3A_403 = tpu.vector_load %arg9[%get3A_402] {strides = array<i32>} : memref<8208xf32, #tpu.memory_space<vmem>>, vector<16xf32>,
        %get3A_404 = arith.index_cast %mul3A_396 : i32 to index
        %get3A_405 = tpu.vector_load %arg10[%get3A_404] {strides = array<i32>} : memref<8192xf32, #tpu.memory_space<vmem>>, vector<16xf32>,
        %get3A_406 = arith.index_cast %mul3A_396 : i32 to index
        %get3A_407 = tpu.vector_load %arg11[%get3A_406] {strides = array<i32>} : memref<8192xf32, #tpu.memory_space<vmem>>, vector<16xf32>,
        %broadcast_in_dim3A_408 = arith.constant 0.899999976 : f32
        %broadcast_in_dim3A_409 = vector.broadcast %broadcast_in_dim3A_408 : f32 to vector<16xf32>
        %convert_element_type3A_410 = arith.fptosi %get3A_397 : vector<16xf32> to vector<16xi32>
        %convert_element_type3A_411 = arith.fptosi %get3A_403 : vector<16xf32> to vector<16xi32>
        %convert_element_type3A_412 = arith.sitofp %convert_element_type3A_410 : vector<16xi32> to vector<16xf32>
        %convert_element_type3A_413 = arith.sitofp %convert_element_type3A_411 : vector<16xi32> to vector<16xf32>
        %sub3A_414 = arith.subf %get3A_397, %convert_element_type3A_412 : vector<16xf32>
        %add3A_415 = arith.addf %sub3A_414, %get3A_405 : vector<16xf32>
        %sub3A_416 = arith.subf %get3A_403, %convert_element_type3A_413 : vector<16xf32>
        %add3A_417 = arith.addf %sub3A_416, %get3A_407 : vector<16xf32>
        %min3A_418 = arith.constant 1.000000e+00 : f32
        %min3A_419 = vector.broadcast %min3A_418 : f32 to vector<16xf32>
        %min3A_420 = arith.minimumf %add3A_415, %min3A_419 : vector<16xf32>
        %sub3A_421 = arith.subf %min3A_420, %sub3A_414 : vector<16xf32>
        %sub3A_422 = arith.constant 1.000000e+00 : f32
        %sub3A_423 = vector.broadcast %sub3A_422 : f32 to vector<16xf32>
        %sub3A_424 = arith.subf %add3A_415, %sub3A_423 : vector<16xf32>
        %min3A_425 = arith.constant 1.000000e+00 : f32
        %min3A_426 = vector.broadcast %min3A_425 : f32 to vector<16xf32>
        %min3A_427 = arith.minimumf %sub3A_424, %min3A_426 : vector<16xf32>
        %max3A_428 = arith.constant 0.000000e+00 : f32
        %max3A_429 = vector.broadcast %max3A_428 : f32 to vector<16xf32>
        %max3A_430 = arith.maximumf %min3A_427, %max3A_429 : vector<16xf32>
        %sub3A_431 = arith.constant 2.000000e+00 : f32
        %sub3A_432 = vector.broadcast %sub3A_431 : f32 to vector<16xf32>
        %sub3A_433 = arith.subf %add3A_415, %sub3A_432 : vector<16xf32>
        %min3A_434 = arith.constant 1.000000e+00 : f32
        %min3A_435 = vector.broadcast %min3A_434 : f32 to vector<16xf32>
        %min3A_436 = arith.minimumf %sub3A_433, %min3A_435 : vector<16xf32>
        %max3A_437 = arith.constant 0.000000e+00 : f32
        %max3A_438 = vector.broadcast %max3A_437 : f32 to vector<16xf32>
        %max3A_439 = arith.maximumf %min3A_436, %max3A_438 : vector<16xf32>
        %sub3A_440 = arith.constant 3.000000e+00 : f32
        %sub3A_441 = vector.broadcast %sub3A_440 : f32 to vector<16xf32>
        %sub3A_442 = arith.subf %add3A_415, %sub3A_441 : vector<16xf32>
        %min3A_443 = arith.constant 1.000000e+00 : f32
        %min3A_444 = vector.broadcast %min3A_443 : f32 to vector<16xf32>
        %min3A_445 = arith.minimumf %sub3A_442, %min3A_444 : vector<16xf32>
        %max3A_446 = arith.constant 0.000000e+00 : f32
        %max3A_447 = vector.broadcast %max3A_446 : f32 to vector<16xf32>
        %max3A_448 = arith.maximumf %min3A_445, %max3A_447 : vector<16xf32>
        %sub3A_449 = arith.constant 4.000000e+00 : f32
        %sub3A_450 = vector.broadcast %sub3A_449 : f32 to vector<16xf32>
        %sub3A_451 = arith.subf %add3A_415, %sub3A_450 : vector<16xf32>
        %min3A_452 = arith.constant 1.000000e+00 : f32
        %min3A_453 = vector.broadcast %min3A_452 : f32 to vector<16xf32>
        %min3A_454 = arith.minimumf %sub3A_451, %min3A_453 : vector<16xf32>
        %max3A_455 = arith.constant 0.000000e+00 : f32
        %max3A_456 = vector.broadcast %max3A_455 : f32 to vector<16xf32>
        %max3A_457 = arith.maximumf %min3A_454, %max3A_456 : vector<16xf32>
        %min3A_458 = arith.constant 1.000000e+00 : f32
        %min3A_459 = vector.broadcast %min3A_458 : f32 to vector<16xf32>
        %min3A_460 = arith.minimumf %add3A_417, %min3A_459 : vector<16xf32>
        %sub3A_461 = arith.subf %min3A_460, %sub3A_416 : vector<16xf32>
        %sub3A_462 = arith.constant 1.000000e+00 : f32
        %sub3A_463 = vector.broadcast %sub3A_462 : f32 to vector<16xf32>
        %sub3A_464 = arith.subf %add3A_417, %sub3A_463 : vector<16xf32>
        %min3A_465 = arith.constant 1.000000e+00 : f32
        %min3A_466 = vector.broadcast %min3A_465 : f32 to vector<16xf32>
        %min3A_467 = arith.minimumf %sub3A_464, %min3A_466 : vector<16xf32>
        %max3A_468 = arith.constant 0.000000e+00 : f32
        %max3A_469 = vector.broadcast %max3A_468 : f32 to vector<16xf32>
        %max3A_470 = arith.maximumf %min3A_467, %max3A_469 : vector<16xf32>
        %sub3A_471 = arith.constant 2.000000e+00 : f32
        %sub3A_472 = vector.broadcast %sub3A_471 : f32 to vector<16xf32>
        %sub3A_473 = arith.subf %add3A_417, %sub3A_472 : vector<16xf32>
        %min3A_474 = arith.constant 1.000000e+00 : f32
        %min3A_475 = vector.broadcast %min3A_474 : f32 to vector<16xf32>
        %min3A_476 = arith.minimumf %sub3A_473, %min3A_475 : vector<16xf32>
        %max3A_477 = arith.constant 0.000000e+00 : f32
        %max3A_478 = vector.broadcast %max3A_477 : f32 to vector<16xf32>
        %max3A_479 = arith.maximumf %min3A_476, %max3A_478 : vector<16xf32>
        %sub3A_480 = arith.constant 3.000000e+00 : f32
        %sub3A_481 = vector.broadcast %sub3A_480 : f32 to vector<16xf32>
        %sub3A_482 = arith.subf %add3A_417, %sub3A_481 : vector<16xf32>
        %min3A_483 = arith.constant 1.000000e+00 : f32
        %min3A_484 = vector.broadcast %min3A_483 : f32 to vector<16xf32>
        %min3A_485 = arith.minimumf %sub3A_482, %min3A_484 : vector<16xf32>
        %max3A_486 = arith.constant 0.000000e+00 : f32
        %max3A_487 = vector.broadcast %max3A_486 : f32 to vector<16xf32>
        %max3A_488 = arith.maximumf %min3A_485, %max3A_487 : vector<16xf32>
        %sub3A_489 = arith.constant 4.000000e+00 : f32
        %sub3A_490 = vector.broadcast %sub3A_489 : f32 to vector<16xf32>
        %sub3A_491 = arith.subf %add3A_417, %sub3A_490 : vector<16xf32>
        %min3A_492 = arith.constant 1.000000e+00 : f32
        %min3A_493 = vector.broadcast %min3A_492 : f32 to vector<16xf32>
        %min3A_494 = arith.minimumf %sub3A_491, %min3A_493 : vector<16xf32>
        %max3A_495 = arith.constant 0.000000e+00 : f32
        %max3A_496 = vector.broadcast %max3A_495 : f32 to vector<16xf32>
        %max3A_497 = arith.maximumf %min3A_494, %max3A_496 : vector<16xf32>
        %shift_left3A = arith.constant 7 : i32
        %shift_left3A_498 = arith.shli %add3A, %shift_left3A : i32
        %sub3A_499 = vector.broadcast %shift_left3A_498 : i32 to vector<16xi32>
        %sub3A_500 = arith.subi %convert_element_type3A_410, %sub3A_499 : vector<16xi32>
        %mul3A_501 = arith.mulf %broadcast_in_dim3A_409, %sub3A_421 : vector<16xf32>
        %mul3A_502 = arith.mulf %broadcast_in_dim3A_409, %max3A_430 : vector<16xf32>
        %mul3A_503 = arith.mulf %broadcast_in_dim3A_409, %max3A_439 : vector<16xf32>
        %mul3A_504 = arith.mulf %broadcast_in_dim3A_409, %max3A_448 : vector<16xf32>
        %mul3A_505 = arith.mulf %broadcast_in_dim3A_409, %max3A_457 : vector<16xf32>
        %add3A_506 = arith.constant 0 : i32
        %add3A_507 = vector.broadcast %add3A_506 : i32 to vector<16xi32>
        %add3A_508 = arith.addi %sub3A_500, %add3A_507 : vector<16xi32>
        %add3A_509 = arith.constant 1 : i32
        %add3A_510 = vector.broadcast %add3A_509 : i32 to vector<16xi32>
        %add3A_511 = arith.addi %sub3A_500, %add3A_510 : vector<16xi32>
        %add3A_512 = arith.constant 2 : i32
        %add3A_513 = vector.broadcast %add3A_512 : i32 to vector<16xi32>
        %add3A_514 = arith.addi %sub3A_500, %add3A_513 : vector<16xi32>
        %add3A_515 = arith.constant 3 : i32
        %add3A_516 = vector.broadcast %add3A_515 : i32 to vector<16xi32>
        %add3A_517 = arith.addi %sub3A_500, %add3A_516 : vector<16xi32>
        %add3A_518 = arith.constant 4 : i32
        %add3A_519 = vector.broadcast %add3A_518 : i32 to vector<16xi32>
        %add3A_520 = arith.addi %sub3A_500, %add3A_519 : vector<16xi32>
        %bitcast_convert_type3A = tpu.bitcast %add3A_508 : vector<16xi32> -> vector<16xi32>
        %lt3A_521 = arith.constant 128 : i32
        %lt3A_522 = vector.broadcast %lt3A_521 : i32 to vector<16xi32>
        %lt3A_523 = arith.cmpi ult, %bitcast_convert_type3A, %lt3A_522 : vector<16xi32>
        %bitcast_convert_type3A_524 = tpu.bitcast %add3A_511 : vector<16xi32> -> vector<16xi32>
        %lt3A_525 = arith.constant 128 : i32
        %lt3A_526 = vector.broadcast %lt3A_525 : i32 to vector<16xi32>
        %lt3A_527 = arith.cmpi ult, %bitcast_convert_type3A_524, %lt3A_526 : vector<16xi32>
        %bitcast_convert_type3A_528 = tpu.bitcast %add3A_514 : vector<16xi32> -> vector<16xi32>
        %lt3A_529 = arith.constant 128 : i32
        %lt3A_530 = vector.broadcast %lt3A_529 : i32 to vector<16xi32>
        %lt3A_531 = arith.cmpi ult, %bitcast_convert_type3A_528, %lt3A_530 : vector<16xi32>
        %bitcast_convert_type3A_532 = tpu.bitcast %add3A_517 : vector<16xi32> -> vector<16xi32>
        %lt3A_533 = arith.constant 128 : i32
        %lt3A_534 = vector.broadcast %lt3A_533 : i32 to vector<16xi32>
        %lt3A_535 = arith.cmpi ult, %bitcast_convert_type3A_532, %lt3A_534 : vector<16xi32>
        %bitcast_convert_type3A_536 = tpu.bitcast %add3A_520 : vector<16xi32> -> vector<16xi32>
        %lt3A_537 = arith.constant 128 : i32
        %lt3A_538 = vector.broadcast %lt3A_537 : i32 to vector<16xi32>
        %lt3A_539 = arith.cmpi ult, %bitcast_convert_type3A_536, %lt3A_538 : vector<16xi32>
        %ge3A = arith.constant 0 : i32
        %ge3A_540 = vector.broadcast %ge3A : i32 to vector<16xi32>
        %ge3A_541 = arith.cmpi sge, %convert_element_type3A_411, %ge3A_540 : vector<16xi32>
        %jit3A_542 = arith.constant 0.000000e+00 : f32
        %broadcast_in_dim3A_543 = vector.broadcast %jit3A_542 : f32 to vector<16xf32>
        %select_n3A_544 = arith.select %ge3A_541, %sub3A_461, %broadcast_in_dim3A_543 : vector<16xi1>, vector<16xf32>
        %and3A_545 = arith.constant 511 : i32
        %and3A_546 = vector.broadcast %and3A_545 : i32 to vector<16xi32>
        %and3A_547 = arith.andi %convert_element_type3A_411, %and3A_546 : vector<16xi32>
        %add3A_548 = arith.constant 1 : i32
        %add3A_549 = vector.broadcast %add3A_548 : i32 to vector<16xi32>
        %add3A_550 = arith.addi %convert_element_type3A_411, %add3A_549 : vector<16xi32>
        %add3A_551 = arith.constant 2 : i32
        %add3A_552 = vector.broadcast %add3A_551 : i32 to vector<16xi32>
        %add3A_553 = arith.addi %convert_element_type3A_411, %add3A_552 : vector<16xi32>
        %add3A_554 = arith.constant 3 : i32
        %add3A_555 = vector.broadcast %add3A_554 : i32 to vector<16xi32>
        %add3A_556 = arith.addi %convert_element_type3A_411, %add3A_555 : vector<16xi32>
        %add3A_557 = arith.constant 4 : i32
        %add3A_558 = vector.broadcast %add3A_557 : i32 to vector<16xi32>
        %add3A_559 = arith.addi %convert_element_type3A_411, %add3A_558 : vector<16xi32>
        %shift_left3A_560 = arith.constant 9 : i32
        %shift_left3A_561 = vector.broadcast %shift_left3A_560 : i32 to vector<16xi32>
        %shift_left3A_562 = arith.shli %add3A_508, %shift_left3A_561 : vector<16xi32>
        %shift_left3A_563 = arith.constant 9 : i32
        %shift_left3A_564 = vector.broadcast %shift_left3A_563 : i32 to vector<16xi32>
        %shift_left3A_565 = arith.shli %add3A_511, %shift_left3A_564 : vector<16xi32>
        %shift_left3A_566 = arith.constant 9 : i32
        %shift_left3A_567 = vector.broadcast %shift_left3A_566 : i32 to vector<16xi32>
        %shift_left3A_568 = arith.shli %add3A_514, %shift_left3A_567 : vector<16xi32>
        %shift_left3A_569 = arith.constant 9 : i32
        %shift_left3A_570 = vector.broadcast %shift_left3A_569 : i32 to vector<16xi32>
        %shift_left3A_571 = arith.shli %add3A_517, %shift_left3A_570 : vector<16xi32>
        %shift_left3A_572 = arith.constant 9 : i32
        %shift_left3A_573 = vector.broadcast %shift_left3A_572 : i32 to vector<16xi32>
        %shift_left3A_574 = arith.shli %add3A_520, %shift_left3A_573 : vector<16xi32>
        %add3A_575 = arith.addi %shift_left3A_562, %and3A_547 : vector<16xi32>
        %mul3A_576 = arith.mulf %mul3A_501, %select_n3A_544 : vector<16xf32>
        tpu.vector_store_idx %arg7[%add3A_575], %mul3A_576 masked %lt3A_523 {add = true} : memref<65536xf32, #tpu.memory_space<vmem>>[vector<16xi32>], vector<16xf32>, vector<16xi1>
        %add3A_577 = arith.addi %shift_left3A_562, %add3A_550 : vector<16xi32>
        %mul3A_578 = arith.mulf %mul3A_501, %max3A_470 : vector<16xf32>
        tpu.vector_store_idx %arg7[%add3A_577], %mul3A_578 masked %lt3A_523 {add = true} : memref<65536xf32, #tpu.memory_space<vmem>>[vector<16xi32>], vector<16xf32>, vector<16xi1>
        %add3A_579 = arith.addi %shift_left3A_562, %add3A_553 : vector<16xi32>
        %mul3A_580 = arith.mulf %mul3A_501, %max3A_479 : vector<16xf32>
        tpu.vector_store_idx %arg7[%add3A_579], %mul3A_580 masked %lt3A_523 {add = true} : memref<65536xf32, #tpu.memory_space<vmem>>[vector<16xi32>], vector<16xf32>, vector<16xi1>
        %add3A_581 = arith.addi %shift_left3A_562, %add3A_556 : vector<16xi32>
        %mul3A_582 = arith.mulf %mul3A_501, %max3A_488 : vector<16xf32>
        tpu.vector_store_idx %arg7[%add3A_581], %mul3A_582 masked %lt3A_523 {add = true} : memref<65536xf32, #tpu.memory_space<vmem>>[vector<16xi32>], vector<16xf32>, vector<16xi1>
        %add3A_583 = arith.addi %shift_left3A_562, %add3A_559 : vector<16xi32>
        %mul3A_584 = arith.mulf %mul3A_501, %max3A_497 : vector<16xf32>
        tpu.vector_store_idx %arg7[%add3A_583], %mul3A_584 masked %lt3A_523 {add = true} : memref<65536xf32, #tpu.memory_space<vmem>>[vector<16xi32>], vector<16xf32>, vector<16xi1>
        %add3A_585 = arith.addi %shift_left3A_565, %and3A_547 : vector<16xi32>
        %mul3A_586 = arith.mulf %mul3A_502, %select_n3A_544 : vector<16xf32>
        tpu.vector_store_idx %arg7[%add3A_585], %mul3A_586 masked %lt3A_527 {add = true} : memref<65536xf32, #tpu.memory_space<vmem>>[vector<16xi32>], vector<16xf32>, vector<16xi1>
        %add3A_587 = arith.addi %shift_left3A_565, %add3A_550 : vector<16xi32>
        %mul3A_588 = arith.mulf %mul3A_502, %max3A_470 : vector<16xf32>
        tpu.vector_store_idx %arg7[%add3A_587], %mul3A_588 masked %lt3A_527 {add = true} : memref<65536xf32, #tpu.memory_space<vmem>>[vector<16xi32>], vector<16xf32>, vector<16xi1>
        %add3A_589 = arith.addi %shift_left3A_565, %add3A_553 : vector<16xi32>
        %mul3A_590 = arith.mulf %mul3A_502, %max3A_479 : vector<16xf32>
        tpu.vector_store_idx %arg7[%add3A_589], %mul3A_590 masked %lt3A_527 {add = true} : memref<65536xf32, #tpu.memory_space<vmem>>[vector<16xi32>], vector<16xf32>, vector<16xi1>
        %add3A_591 = arith.addi %shift_left3A_565, %add3A_556 : vector<16xi32>
        %mul3A_592 = arith.mulf %mul3A_502, %max3A_488 : vector<16xf32>
        tpu.vector_store_idx %arg7[%add3A_591], %mul3A_592 masked %lt3A_527 {add = true} : memref<65536xf32, #tpu.memory_space<vmem>>[vector<16xi32>], vector<16xf32>, vector<16xi1>
        %add3A_593 = arith.addi %shift_left3A_565, %add3A_559 : vector<16xi32>
        %mul3A_594 = arith.mulf %mul3A_502, %max3A_497 : vector<16xf32>
        tpu.vector_store_idx %arg7[%add3A_593], %mul3A_594 masked %lt3A_527 {add = true} : memref<65536xf32, #tpu.memory_space<vmem>>[vector<16xi32>], vector<16xf32>, vector<16xi1>
        %add3A_595 = arith.addi %shift_left3A_568, %and3A_547 : vector<16xi32>
        %mul3A_596 = arith.mulf %mul3A_503, %select_n3A_544 : vector<16xf32>
        tpu.vector_store_idx %arg7[%add3A_595], %mul3A_596 masked %lt3A_531 {add = true} : memref<65536xf32, #tpu.memory_space<vmem>>[vector<16xi32>], vector<16xf32>, vector<16xi1>
        %add3A_597 = arith.addi %shift_left3A_568, %add3A_550 : vector<16xi32>
        %mul3A_598 = arith.mulf %mul3A_503, %max3A_470 : vector<16xf32>
        tpu.vector_store_idx %arg7[%add3A_597], %mul3A_598 masked %lt3A_531 {add = true} : memref<65536xf32, #tpu.memory_space<vmem>>[vector<16xi32>], vector<16xf32>, vector<16xi1>
        %add3A_599 = arith.addi %shift_left3A_568, %add3A_553 : vector<16xi32>
        %mul3A_600 = arith.mulf %mul3A_503, %max3A_479 : vector<16xf32>
        tpu.vector_store_idx %arg7[%add3A_599], %mul3A_600 masked %lt3A_531 {add = true} : memref<65536xf32, #tpu.memory_space<vmem>>[vector<16xi32>], vector<16xf32>, vector<16xi1>
        %add3A_601 = arith.addi %shift_left3A_568, %add3A_556 : vector<16xi32>
        %mul3A_602 = arith.mulf %mul3A_503, %max3A_488 : vector<16xf32>
        tpu.vector_store_idx %arg7[%add3A_601], %mul3A_602 masked %lt3A_531 {add = true} : memref<65536xf32, #tpu.memory_space<vmem>>[vector<16xi32>], vector<16xf32>, vector<16xi1>
        %add3A_603 = arith.addi %shift_left3A_568, %add3A_559 : vector<16xi32>
        %mul3A_604 = arith.mulf %mul3A_503, %max3A_497 : vector<16xf32>
        tpu.vector_store_idx %arg7[%add3A_603], %mul3A_604 masked %lt3A_531 {add = true} : memref<65536xf32, #tpu.memory_space<vmem>>[vector<16xi32>], vector<16xf32>, vector<16xi1>
        %add3A_605 = arith.addi %shift_left3A_571, %and3A_547 : vector<16xi32>
        %mul3A_606 = arith.mulf %mul3A_504, %select_n3A_544 : vector<16xf32>
        tpu.vector_store_idx %arg7[%add3A_605], %mul3A_606 masked %lt3A_535 {add = true} : memref<65536xf32, #tpu.memory_space<vmem>>[vector<16xi32>], vector<16xf32>, vector<16xi1>
        %add3A_607 = arith.addi %shift_left3A_571, %add3A_550 : vector<16xi32>
        %mul3A_608 = arith.mulf %mul3A_504, %max3A_470 : vector<16xf32>
        tpu.vector_store_idx %arg7[%add3A_607], %mul3A_608 masked %lt3A_535 {add = true} : memref<65536xf32, #tpu.memory_space<vmem>>[vector<16xi32>], vector<16xf32>, vector<16xi1>
        %add3A_609 = arith.addi %shift_left3A_571, %add3A_553 : vector<16xi32>
        %mul3A_610 = arith.mulf %mul3A_504, %max3A_479 : vector<16xf32>
        tpu.vector_store_idx %arg7[%add3A_609], %mul3A_610 masked %lt3A_535 {add = true} : memref<65536xf32, #tpu.memory_space<vmem>>[vector<16xi32>], vector<16xf32>, vector<16xi1>
        %add3A_611 = arith.addi %shift_left3A_571, %add3A_556 : vector<16xi32>
        %mul3A_612 = arith.mulf %mul3A_504, %max3A_488 : vector<16xf32>
        tpu.vector_store_idx %arg7[%add3A_611], %mul3A_612 masked %lt3A_535 {add = true} : memref<65536xf32, #tpu.memory_space<vmem>>[vector<16xi32>], vector<16xf32>, vector<16xi1>
        %add3A_613 = arith.addi %shift_left3A_571, %add3A_559 : vector<16xi32>
        %mul3A_614 = arith.mulf %mul3A_504, %max3A_497 : vector<16xf32>
        tpu.vector_store_idx %arg7[%add3A_613], %mul3A_614 masked %lt3A_535 {add = true} : memref<65536xf32, #tpu.memory_space<vmem>>[vector<16xi32>], vector<16xf32>, vector<16xi1>
        %add3A_615 = arith.addi %shift_left3A_574, %and3A_547 : vector<16xi32>
        %mul3A_616 = arith.mulf %mul3A_505, %select_n3A_544 : vector<16xf32>
        tpu.vector_store_idx %arg7[%add3A_615], %mul3A_616 masked %lt3A_539 {add = true} : memref<65536xf32, #tpu.memory_space<vmem>>[vector<16xi32>], vector<16xf32>, vector<16xi1>
        %add3A_617 = arith.addi %shift_left3A_574, %add3A_550 : vector<16xi32>
        %mul3A_618 = arith.mulf %mul3A_505, %max3A_470 : vector<16xf32>
        tpu.vector_store_idx %arg7[%add3A_617], %mul3A_618 masked %lt3A_539 {add = true} : memref<65536xf32, #tpu.memory_space<vmem>>[vector<16xi32>], vector<16xf32>, vector<16xi1>
        %add3A_619 = arith.addi %shift_left3A_574, %add3A_553 : vector<16xi32>
        %mul3A_620 = arith.mulf %mul3A_505, %max3A_479 : vector<16xf32>
        tpu.vector_store_idx %arg7[%add3A_619], %mul3A_620 masked %lt3A_539 {add = true} : memref<65536xf32, #tpu.memory_space<vmem>>[vector<16xi32>], vector<16xf32>, vector<16xi1>
        %add3A_621 = arith.addi %shift_left3A_574, %add3A_556 : vector<16xi32>
        %mul3A_622 = arith.mulf %mul3A_505, %max3A_488 : vector<16xf32>
        tpu.vector_store_idx %arg7[%add3A_621], %mul3A_622 masked %lt3A_539 {add = true} : memref<65536xf32, #tpu.memory_space<vmem>>[vector<16xi32>], vector<16xf32>, vector<16xi1>
        %add3A_623 = arith.addi %shift_left3A_574, %add3A_559 : vector<16xi32>
        %mul3A_624 = arith.mulf %mul3A_505, %max3A_497 : vector<16xf32>
        tpu.vector_store_idx %arg7[%add3A_623], %mul3A_624 masked %lt3A_539 {add = true} : memref<65536xf32, #tpu.memory_space<vmem>>[vector<16xi32>], vector<16xf32>, vector<16xi1>
      }
      %while3A_393 = arith.constant 0 : i32
      scf.yield %while3A_393 : i32
    }
    "tpu.region"() ({
      %run_scoped3A = tpu.sem_alloc : memref<!tpu.dma_semaphore, #tpu.memory_space<semaphore_mem>>
      %dma_start3A_358 = arith.constant 0 : i32
      %dma_start3A_359 = tpu.memref_slice %arg6[%arg0, %arg1, %dma_start3A_358] : memref<2x16x65536xf32, #tpu.memory_space<hbm>> -> memref<1x1x65536xf32, #tpu.memory_space<hbm>>
      %dma_start3A_360 = tpu.memref_squeeze %dma_start3A_359 : memref<1x1x65536xf32, #tpu.memory_space<hbm>> -> memref<65536xf32, #tpu.memory_space<hbm>>
      %dma_start3A_361 = arith.constant 0 : i32
      %dma_start3A_362 = tpu.memref_slice %arg6[%arg0, %arg1, %dma_start3A_361] : memref<2x16x65536xf32, #tpu.memory_space<hbm>> -> memref<1x1x65536xf32, #tpu.memory_space<hbm>>
      %dma_start3A_363 = tpu.memref_squeeze %dma_start3A_362 : memref<1x1x65536xf32, #tpu.memory_space<hbm>> -> memref<65536xf32, #tpu.memory_space<hbm>>
      tpu.enqueue_dma source(%arg7 : memref<65536xf32, #tpu.memory_space<vmem>>) target(%dma_start3A_363 : memref<65536xf32, #tpu.memory_space<hbm>>) target_semaphore(%run_scoped3A : memref<!tpu.dma_semaphore, #tpu.memory_space<semaphore_mem>>)
      %dma_wait3A_364 = arith.constant 0 : i32
      %dma_wait3A_365 = tpu.memref_slice %arg6[%arg0, %arg1, %dma_wait3A_364] : memref<2x16x65536xf32, #tpu.memory_space<hbm>> -> memref<1x1x65536xf32, #tpu.memory_space<hbm>>
      %dma_wait3A_366 = tpu.memref_squeeze %dma_wait3A_365 : memref<1x1x65536xf32, #tpu.memory_space<hbm>> -> memref<65536xf32, #tpu.memory_space<hbm>>
      %dma_wait3A_367 = arith.constant 0 : i32
      %dma_wait3A_368 = tpu.memref_slice %arg6[%arg0, %arg1, %dma_wait3A_367] : memref<2x16x65536xf32, #tpu.memory_space<hbm>> -> memref<1x1x65536xf32, #tpu.memory_space<hbm>>
      %dma_wait3A_369 = tpu.memref_squeeze %dma_wait3A_368 : memref<1x1x65536xf32, #tpu.memory_space<hbm>> -> memref<65536xf32, #tpu.memory_space<hbm>>
      tpu.wait_dma2 semaphore(%run_scoped3A : memref<!tpu.dma_semaphore, #tpu.memory_space<semaphore_mem>>) src(%arg7 : memref<65536xf32, #tpu.memory_space<vmem>>) dst(%dma_wait3A_369 : memref<65536xf32, #tpu.memory_space<hbm>>)
      tpu.yield
    }) : () -> ()
    %barrier3A = arith.constant 0 : index
    tpu.barrier barrier_id(%barrier3A)
    %shift_right_arithmetic3A_227 = arith.constant 1 : i32
    %shift_right_arithmetic3A_228 = arith.shrsi %arg1, %shift_right_arithmetic3A_227 : i32
    %mul3A_229 = arith.constant 8192 : i32
    %mul3A_230 = arith.muli %shift_right_arithmetic3A_228, %mul3A_229 : i32
    "tpu.region"() ({
      %run_scoped3A = tpu.sem_alloc : memref<!tpu.dma_semaphore, #tpu.memory_space<semaphore_mem>>
      %dma_start3A_358 = tpu.memref_slice %arg6[%arg0, %and3A_3, %mul3A_230] : memref<2x16x65536xf32, #tpu.memory_space<hbm>> -> memref<1x1x8192xf32, #tpu.memory_space<hbm>>
      %dma_start3A_359 = tpu.memref_squeeze %dma_start3A_358 : memref<1x1x8192xf32, #tpu.memory_space<hbm>> -> memref<8192xf32, #tpu.memory_space<hbm>>
      %dma_start3A_360 = tpu.memref_slice %arg6[%arg0, %and3A_3, %mul3A_230] : memref<2x16x65536xf32, #tpu.memory_space<hbm>> -> memref<1x1x8192xf32, #tpu.memory_space<hbm>>
      %dma_start3A_361 = tpu.memref_squeeze %dma_start3A_360 : memref<1x1x8192xf32, #tpu.memory_space<hbm>> -> memref<8192xf32, #tpu.memory_space<hbm>>
      tpu.enqueue_dma source(%dma_start3A_361 : memref<8192xf32, #tpu.memory_space<hbm>>) target(%arg12 : memref<8192xf32, #tpu.memory_space<vmem>>) target_semaphore(%run_scoped3A : memref<!tpu.dma_semaphore, #tpu.memory_space<semaphore_mem>>)
      %dma_wait3A_362 = tpu.memref_slice %arg6[%arg0, %and3A_3, %mul3A_230] : memref<2x16x65536xf32, #tpu.memory_space<hbm>> -> memref<1x1x8192xf32, #tpu.memory_space<hbm>>
      %dma_wait3A_363 = tpu.memref_squeeze %dma_wait3A_362 : memref<1x1x8192xf32, #tpu.memory_space<hbm>> -> memref<8192xf32, #tpu.memory_space<hbm>>
      %dma_wait3A_364 = tpu.memref_slice %arg6[%arg0, %and3A_3, %mul3A_230] : memref<2x16x65536xf32, #tpu.memory_space<hbm>> -> memref<1x1x8192xf32, #tpu.memory_space<hbm>>
      %dma_wait3A_365 = tpu.memref_squeeze %dma_wait3A_364 : memref<1x1x8192xf32, #tpu.memory_space<hbm>> -> memref<8192xf32, #tpu.memory_space<hbm>>
      tpu.wait_dma2 semaphore(%run_scoped3A : memref<!tpu.dma_semaphore, #tpu.memory_space<semaphore_mem>>) src(%dma_wait3A_365 : memref<8192xf32, #tpu.memory_space<hbm>>) dst(%arg12 : memref<8192xf32, #tpu.memory_space<vmem>>)
      tpu.yield
    }) : () -> ()
    %add3A_231 = arith.constant 2 : i32
    %add3A_232 = arith.addi %add3A_231, %and3A_3 : i32
    %dma_start3A = tpu.memref_slice %arg6[%arg0, %add3A_232, %mul3A_230] : memref<2x16x65536xf32, #tpu.memory_space<hbm>> -> memref<1x1x8192xf32, #tpu.memory_space<hbm>>
    %dma_start3A_233 = tpu.memref_squeeze %dma_start3A : memref<1x1x8192xf32, #tpu.memory_space<hbm>> -> memref<8192xf32, #tpu.memory_space<hbm>>
    %dma_start3A_234 = tpu.memref_slice %arg6[%arg0, %add3A_232, %mul3A_230] : memref<2x16x65536xf32, #tpu.memory_space<hbm>> -> memref<1x1x8192xf32, #tpu.memory_space<hbm>>
    %dma_start3A_235 = tpu.memref_squeeze %dma_start3A_234 : memref<1x1x8192xf32, #tpu.memory_space<hbm>> -> memref<8192xf32, #tpu.memory_space<hbm>>
    tpu.enqueue_dma source(%dma_start3A_235 : memref<8192xf32, #tpu.memory_space<hbm>>) target(%arg13 : memref<8192xf32, #tpu.memory_space<vmem>>) target_semaphore(%arg16 : memref<!tpu.dma_semaphore, #tpu.memory_space<semaphore_mem>>)
    %dma_wait3A = tpu.memref_slice %arg6[%arg0, %add3A_232, %mul3A_230] : memref<2x16x65536xf32, #tpu.memory_space<hbm>> -> memref<1x1x8192xf32, #tpu.memory_space<hbm>>
    %dma_wait3A_236 = tpu.memref_squeeze %dma_wait3A : memref<1x1x8192xf32, #tpu.memory_space<hbm>> -> memref<8192xf32, #tpu.memory_space<hbm>>
    %dma_wait3A_237 = tpu.memref_slice %arg6[%arg0, %add3A_232, %mul3A_230] : memref<2x16x65536xf32, #tpu.memory_space<hbm>> -> memref<1x1x8192xf32, #tpu.memory_space<hbm>>
    %dma_wait3A_238 = tpu.memref_squeeze %dma_wait3A_237 : memref<1x1x8192xf32, #tpu.memory_space<hbm>> -> memref<8192xf32, #tpu.memory_space<hbm>>
    tpu.wait_dma2 semaphore(%arg16 : memref<!tpu.dma_semaphore, #tpu.memory_space<semaphore_mem>>) src(%dma_wait3A_238 : memref<8192xf32, #tpu.memory_space<hbm>>) dst(%arg13 : memref<8192xf32, #tpu.memory_space<vmem>>)
    %add3A_239 = arith.constant 4 : i32
    %add3A_240 = arith.addi %add3A_239, %and3A_3 : i32
    %dma_start3A_241 = tpu.memref_slice %arg6[%arg0, %add3A_240, %mul3A_230] : memref<2x16x65536xf32, #tpu.memory_space<hbm>> -> memref<1x1x8192xf32, #tpu.memory_space<hbm>>
    %dma_start3A_242 = tpu.memref_squeeze %dma_start3A_241 : memref<1x1x8192xf32, #tpu.memory_space<hbm>> -> memref<8192xf32, #tpu.memory_space<hbm>>
    %dma_start3A_243 = tpu.memref_slice %arg6[%arg0, %add3A_240, %mul3A_230] : memref<2x16x65536xf32, #tpu.memory_space<hbm>> -> memref<1x1x8192xf32, #tpu.memory_space<hbm>>
    %dma_start3A_244 = tpu.memref_squeeze %dma_start3A_243 : memref<1x1x8192xf32, #tpu.memory_space<hbm>> -> memref<8192xf32, #tpu.memory_space<hbm>>
    tpu.enqueue_dma source(%dma_start3A_244 : memref<8192xf32, #tpu.memory_space<hbm>>) target(%arg14 : memref<8192xf32, #tpu.memory_space<vmem>>) target_semaphore(%arg16 : memref<!tpu.dma_semaphore, #tpu.memory_space<semaphore_mem>>)
    %scan3A_245 = arith.constant 0 : i32
    %scan3A_246 = arith.constant 0 : i32
    %scan3A_247 = arith.constant 64 : i32
    %scan3A_248 = arith.addi %scan3A_246, %scan3A_247 : i32
    %scan3A_249 = arith.constant 1 : i32
    %scan3A_250 = scf.for %scan3A_358 = %scan3A_246 to %scan3A_248 step %scan3A_249 iter_args(%scan3A_359 = %scan3A_245) -> (i32)  : i32 {
      %mul3A_360 = arith.constant 128 : i32
      %mul3A_361 = arith.muli %scan3A_358, %mul3A_360 : i32
      %add3A_362 = arith.constant 0 : i32
      %add3A_363 = arith.addi %mul3A_361, %add3A_362 : i32
      %get3A = arith.index_cast %add3A_363 : i32 to index
      %get3A_364 = tpu.vector_load %arg12[%get3A] {strides = array<i32>} : memref<8192xf32, #tpu.memory_space<vmem>>, vector<16xf32>,
      %get3A_365 = arith.index_cast %add3A_363 : i32 to index
      %get3A_366 = tpu.vector_load %arg13[%get3A_365] {strides = array<i32>} : memref<8192xf32, #tpu.memory_space<vmem>>, vector<16xf32>,
      %add3A_367 = arith.addf %get3A_364, %get3A_366 : vector<16xf32>
      %swap3A = arith.index_cast %add3A_363 : i32 to index
      %swap3A_368 = tpu.vector_load %arg12[%swap3A] {strides = array<i32>} : memref<8192xf32, #tpu.memory_space<vmem>>, vector<16xf32>,
      tpu.vector_store %arg12[%swap3A], %add3A_367 {strides = array<i32>} : memref<8192xf32, #tpu.memory_space<vmem>>, vector<16xf32>,
      %mul3A_369 = arith.constant 128 : i32
      %mul3A_370 = arith.muli %scan3A_358, %mul3A_369 : i32
      %add3A_371 = arith.constant 16 : i32
      %add3A_372 = arith.addi %mul3A_370, %add3A_371 : i32
      %get3A_373 = arith.index_cast %add3A_372 : i32 to index
      %get3A_374 = tpu.vector_load %arg12[%get3A_373] {strides = array<i32>} : memref<8192xf32, #tpu.memory_space<vmem>>, vector<16xf32>,
      %get3A_375 = arith.index_cast %add3A_372 : i32 to index
      %get3A_376 = tpu.vector_load %arg13[%get3A_375] {strides = array<i32>} : memref<8192xf32, #tpu.memory_space<vmem>>, vector<16xf32>,
      %add3A_377 = arith.addf %get3A_374, %get3A_376 : vector<16xf32>
      %swap3A_378 = arith.index_cast %add3A_372 : i32 to index
      %swap3A_379 = tpu.vector_load %arg12[%swap3A_378] {strides = array<i32>} : memref<8192xf32, #tpu.memory_space<vmem>>, vector<16xf32>,
      tpu.vector_store %arg12[%swap3A_378], %add3A_377 {strides = array<i32>} : memref<8192xf32, #tpu.memory_space<vmem>>, vector<16xf32>,
      %mul3A_380 = arith.constant 128 : i32
      %mul3A_381 = arith.muli %scan3A_358, %mul3A_380 : i32
      %add3A_382 = arith.constant 32 : i32
      %add3A_383 = arith.addi %mul3A_381, %add3A_382 : i32
      %get3A_384 = arith.index_cast %add3A_383 : i32 to index
      %get3A_385 = tpu.vector_load %arg12[%get3A_384] {strides = array<i32>} : memref<8192xf32, #tpu.memory_space<vmem>>, vector<16xf32>,
      %get3A_386 = arith.index_cast %add3A_383 : i32 to index
      %get3A_387 = tpu.vector_load %arg13[%get3A_386] {strides = array<i32>} : memref<8192xf32, #tpu.memory_space<vmem>>, vector<16xf32>,
      %add3A_388 = arith.addf %get3A_385, %get3A_387 : vector<16xf32>
      %swap3A_389 = arith.index_cast %add3A_383 : i32 to index
      %swap3A_390 = tpu.vector_load %arg12[%swap3A_389] {strides = array<i32>} : memref<8192xf32, #tpu.memory_space<vmem>>, vector<16xf32>,
      tpu.vector_store %arg12[%swap3A_389], %add3A_388 {strides = array<i32>} : memref<8192xf32, #tpu.memory_space<vmem>>, vector<16xf32>,
      %mul3A_391 = arith.constant 128 : i32
      %mul3A_392 = arith.muli %scan3A_358, %mul3A_391 : i32
      %add3A_393 = arith.constant 48 : i32
      %add3A_394 = arith.addi %mul3A_392, %add3A_393 : i32
      %get3A_395 = arith.index_cast %add3A_394 : i32 to index
      %get3A_396 = tpu.vector_load %arg12[%get3A_395] {strides = array<i32>} : memref<8192xf32, #tpu.memory_space<vmem>>, vector<16xf32>,
      %get3A_397 = arith.index_cast %add3A_394 : i32 to index
      %get3A_398 = tpu.vector_load %arg13[%get3A_397] {strides = array<i32>} : memref<8192xf32, #tpu.memory_space<vmem>>, vector<16xf32>,
      %add3A_399 = arith.addf %get3A_396, %get3A_398 : vector<16xf32>
      %swap3A_400 = arith.index_cast %add3A_394 : i32 to index
      %swap3A_401 = tpu.vector_load %arg12[%swap3A_400] {strides = array<i32>} : memref<8192xf32, #tpu.memory_space<vmem>>, vector<16xf32>,
      tpu.vector_store %arg12[%swap3A_400], %add3A_399 {strides = array<i32>} : memref<8192xf32, #tpu.memory_space<vmem>>, vector<16xf32>,
      %mul3A_402 = arith.constant 128 : i32
      %mul3A_403 = arith.muli %scan3A_358, %mul3A_402 : i32
      %add3A_404 = arith.constant 64 : i32
      %add3A_405 = arith.addi %mul3A_403, %add3A_404 : i32
      %get3A_406 = arith.index_cast %add3A_405 : i32 to index
      %get3A_407 = tpu.vector_load %arg12[%get3A_406] {strides = array<i32>} : memref<8192xf32, #tpu.memory_space<vmem>>, vector<16xf32>,
      %get3A_408 = arith.index_cast %add3A_405 : i32 to index
      %get3A_409 = tpu.vector_load %arg13[%get3A_408] {strides = array<i32>} : memref<8192xf32, #tpu.memory_space<vmem>>, vector<16xf32>,
      %add3A_410 = arith.addf %get3A_407, %get3A_409 : vector<16xf32>
      %swap3A_411 = arith.index_cast %add3A_405 : i32 to index
      %swap3A_412 = tpu.vector_load %arg12[%swap3A_411] {strides = array<i32>} : memref<8192xf32, #tpu.memory_space<vmem>>, vector<16xf32>,
      tpu.vector_store %arg12[%swap3A_411], %add3A_410 {strides = array<i32>} : memref<8192xf32, #tpu.memory_space<vmem>>, vector<16xf32>,
      %mul3A_413 = arith.constant 128 : i32
      %mul3A_414 = arith.muli %scan3A_358, %mul3A_413 : i32
      %add3A_415 = arith.constant 80 : i32
      %add3A_416 = arith.addi %mul3A_414, %add3A_415 : i32
      %get3A_417 = arith.index_cast %add3A_416 : i32 to index
      %get3A_418 = tpu.vector_load %arg12[%get3A_417] {strides = array<i32>} : memref<8192xf32, #tpu.memory_space<vmem>>, vector<16xf32>,
      %get3A_419 = arith.index_cast %add3A_416 : i32 to index
      %get3A_420 = tpu.vector_load %arg13[%get3A_419] {strides = array<i32>} : memref<8192xf32, #tpu.memory_space<vmem>>, vector<16xf32>,
      %add3A_421 = arith.addf %get3A_418, %get3A_420 : vector<16xf32>
      %swap3A_422 = arith.index_cast %add3A_416 : i32 to index
      %swap3A_423 = tpu.vector_load %arg12[%swap3A_422] {strides = array<i32>} : memref<8192xf32, #tpu.memory_space<vmem>>, vector<16xf32>,
      tpu.vector_store %arg12[%swap3A_422], %add3A_421 {strides = array<i32>} : memref<8192xf32, #tpu.memory_space<vmem>>, vector<16xf32>,
      %mul3A_424 = arith.constant 128 : i32
      %mul3A_425 = arith.muli %scan3A_358, %mul3A_424 : i32
      %add3A_426 = arith.constant 96 : i32
      %add3A_427 = arith.addi %mul3A_425, %add3A_426 : i32
      %get3A_428 = arith.index_cast %add3A_427 : i32 to index
      %get3A_429 = tpu.vector_load %arg12[%get3A_428] {strides = array<i32>} : memref<8192xf32, #tpu.memory_space<vmem>>, vector<16xf32>,
      %get3A_430 = arith.index_cast %add3A_427 : i32 to index
      %get3A_431 = tpu.vector_load %arg13[%get3A_430] {strides = array<i32>} : memref<8192xf32, #tpu.memory_space<vmem>>, vector<16xf32>,
      %add3A_432 = arith.addf %get3A_429, %get3A_431 : vector<16xf32>
      %swap3A_433 = arith.index_cast %add3A_427 : i32 to index
      %swap3A_434 = tpu.vector_load %arg12[%swap3A_433] {strides = array<i32>} : memref<8192xf32, #tpu.memory_space<vmem>>, vector<16xf32>,
      tpu.vector_store %arg12[%swap3A_433], %add3A_432 {strides = array<i32>} : memref<8192xf32, #tpu.memory_space<vmem>>, vector<16xf32>,
      %mul3A_435 = arith.constant 128 : i32
      %mul3A_436 = arith.muli %scan3A_358, %mul3A_435 : i32
      %add3A_437 = arith.constant 112 : i32
      %add3A_438 = arith.addi %mul3A_436, %add3A_437 : i32
      %get3A_439 = arith.index_cast %add3A_438 : i32 to index
      %get3A_440 = tpu.vector_load %arg12[%get3A_439] {strides = array<i32>} : memref<8192xf32, #tpu.memory_space<vmem>>, vector<16xf32>,
      %get3A_441 = arith.index_cast %add3A_438 : i32 to index
      %get3A_442 = tpu.vector_load %arg13[%get3A_441] {strides = array<i32>} : memref<8192xf32, #tpu.memory_space<vmem>>, vector<16xf32>,
      %add3A_443 = arith.addf %get3A_440, %get3A_442 : vector<16xf32>
      %swap3A_444 = arith.index_cast %add3A_438 : i32 to index
      %swap3A_445 = tpu.vector_load %arg12[%swap3A_444] {strides = array<i32>} : memref<8192xf32, #tpu.memory_space<vmem>>, vector<16xf32>,
      tpu.vector_store %arg12[%swap3A_444], %add3A_443 {strides = array<i32>} : memref<8192xf32, #tpu.memory_space<vmem>>, vector<16xf32>,
      %scan3A_446 = arith.constant 0 : i32
      scf.yield %scan3A_446 : i32
    }
    %scan3A_251 = arith.constant 64 : i32
    %dma_wait3A_252 = tpu.memref_slice %arg6[%arg0, %add3A_240, %mul3A_230] : memref<2x16x65536xf32, #tpu.memory_space<hbm>> -> memref<1x1x8192xf32, #tpu.memory_space<hbm>>
    %dma_wait3A_253 = tpu.memref_squeeze %dma_wait3A_252 : memref<1x1x8192xf32, #tpu.memory_space<hbm>> -> memref<8192xf32, #tpu.memory_space<hbm>>
    %dma_wait3A_254 = tpu.memref_slice %arg6[%arg0, %add3A_240, %mul3A_230] : memref<2x16x65536xf32, #tpu.memory_space<hbm>> -> memref<1x1x8192xf32, #tpu.memory_space<hbm>>
    %dma_wait3A_255 = tpu.memref_squeeze %dma_wait3A_254 : memref<1x1x8192xf32, #tpu.memory_space<hbm>> -> memref<8192xf32, #tpu.memory_space<hbm>>
    tpu.wait_dma2 semaphore(%arg16 : memref<!tpu.dma_semaphore, #tpu.memory_space<semaphore_mem>>) src(%dma_wait3A_255 : memref<8192xf32, #tpu.memory_space<hbm>>) dst(%arg14 : memref<8192xf32, #tpu.memory_space<vmem>>)
    %add3A_256 = arith.constant 6 : i32
    %add3A_257 = arith.addi %add3A_256, %and3A_3 : i32
    %dma_start3A_258 = tpu.memref_slice %arg6[%arg0, %add3A_257, %mul3A_230] : memref<2x16x65536xf32, #tpu.memory_space<hbm>> -> memref<1x1x8192xf32, #tpu.memory_space<hbm>>
    %dma_start3A_259 = tpu.memref_squeeze %dma_start3A_258 : memref<1x1x8192xf32, #tpu.memory_space<hbm>> -> memref<8192xf32, #tpu.memory_space<hbm>>
    %dma_start3A_260 = tpu.memref_slice %arg6[%arg0, %add3A_257, %mul3A_230] : memref<2x16x65536xf32, #tpu.memory_space<hbm>> -> memref<1x1x8192xf32, #tpu.memory_space<hbm>>
    %dma_start3A_261 = tpu.memref_squeeze %dma_start3A_260 : memref<1x1x8192xf32, #tpu.memory_space<hbm>> -> memref<8192xf32, #tpu.memory_space<hbm>>
    tpu.enqueue_dma source(%dma_start3A_261 : memref<8192xf32, #tpu.memory_space<hbm>>) target(%arg13 : memref<8192xf32, #tpu.memory_space<vmem>>) target_semaphore(%arg16 : memref<!tpu.dma_semaphore, #tpu.memory_space<semaphore_mem>>)
    %scan3A_262 = arith.constant 0 : i32
    %scan3A_263 = arith.constant 0 : i32
    %scan3A_264 = arith.constant 64 : i32
    %scan3A_265 = arith.addi %scan3A_263, %scan3A_264 : i32
    %scan3A_266 = arith.constant 1 : i32
    %scan3A_267 = scf.for %scan3A_358 = %scan3A_263 to %scan3A_265 step %scan3A_266 iter_args(%scan3A_359 = %scan3A_262) -> (i32)  : i32 {
      %mul3A_360 = arith.constant 128 : i32
      %mul3A_361 = arith.muli %scan3A_358, %mul3A_360 : i32
      %add3A_362 = arith.constant 0 : i32
      %add3A_363 = arith.addi %mul3A_361, %add3A_362 : i32
      %get3A = arith.index_cast %add3A_363 : i32 to index
      %get3A_364 = tpu.vector_load %arg12[%get3A] {strides = array<i32>} : memref<8192xf32, #tpu.memory_space<vmem>>, vector<16xf32>,
      %get3A_365 = arith.index_cast %add3A_363 : i32 to index
      %get3A_366 = tpu.vector_load %arg14[%get3A_365] {strides = array<i32>} : memref<8192xf32, #tpu.memory_space<vmem>>, vector<16xf32>,
      %add3A_367 = arith.addf %get3A_364, %get3A_366 : vector<16xf32>
      %swap3A = arith.index_cast %add3A_363 : i32 to index
      %swap3A_368 = tpu.vector_load %arg12[%swap3A] {strides = array<i32>} : memref<8192xf32, #tpu.memory_space<vmem>>, vector<16xf32>,
      tpu.vector_store %arg12[%swap3A], %add3A_367 {strides = array<i32>} : memref<8192xf32, #tpu.memory_space<vmem>>, vector<16xf32>,
      %mul3A_369 = arith.constant 128 : i32
      %mul3A_370 = arith.muli %scan3A_358, %mul3A_369 : i32
      %add3A_371 = arith.constant 16 : i32
      %add3A_372 = arith.addi %mul3A_370, %add3A_371 : i32
      %get3A_373 = arith.index_cast %add3A_372 : i32 to index
      %get3A_374 = tpu.vector_load %arg12[%get3A_373] {strides = array<i32>} : memref<8192xf32, #tpu.memory_space<vmem>>, vector<16xf32>,
      %get3A_375 = arith.index_cast %add3A_372 : i32 to index
      %get3A_376 = tpu.vector_load %arg14[%get3A_375] {strides = array<i32>} : memref<8192xf32, #tpu.memory_space<vmem>>, vector<16xf32>,
      %add3A_377 = arith.addf %get3A_374, %get3A_376 : vector<16xf32>
      %swap3A_378 = arith.index_cast %add3A_372 : i32 to index
      %swap3A_379 = tpu.vector_load %arg12[%swap3A_378] {strides = array<i32>} : memref<8192xf32, #tpu.memory_space<vmem>>, vector<16xf32>,
      tpu.vector_store %arg12[%swap3A_378], %add3A_377 {strides = array<i32>} : memref<8192xf32, #tpu.memory_space<vmem>>, vector<16xf32>,
      %mul3A_380 = arith.constant 128 : i32
      %mul3A_381 = arith.muli %scan3A_358, %mul3A_380 : i32
      %add3A_382 = arith.constant 32 : i32
      %add3A_383 = arith.addi %mul3A_381, %add3A_382 : i32
      %get3A_384 = arith.index_cast %add3A_383 : i32 to index
      %get3A_385 = tpu.vector_load %arg12[%get3A_384] {strides = array<i32>} : memref<8192xf32, #tpu.memory_space<vmem>>, vector<16xf32>,
      %get3A_386 = arith.index_cast %add3A_383 : i32 to index
      %get3A_387 = tpu.vector_load %arg14[%get3A_386] {strides = array<i32>} : memref<8192xf32, #tpu.memory_space<vmem>>, vector<16xf32>,
      %add3A_388 = arith.addf %get3A_385, %get3A_387 : vector<16xf32>
      %swap3A_389 = arith.index_cast %add3A_383 : i32 to index
      %swap3A_390 = tpu.vector_load %arg12[%swap3A_389] {strides = array<i32>} : memref<8192xf32, #tpu.memory_space<vmem>>, vector<16xf32>,
      tpu.vector_store %arg12[%swap3A_389], %add3A_388 {strides = array<i32>} : memref<8192xf32, #tpu.memory_space<vmem>>, vector<16xf32>,
      %mul3A_391 = arith.constant 128 : i32
      %mul3A_392 = arith.muli %scan3A_358, %mul3A_391 : i32
      %add3A_393 = arith.constant 48 : i32
      %add3A_394 = arith.addi %mul3A_392, %add3A_393 : i32
      %get3A_395 = arith.index_cast %add3A_394 : i32 to index
      %get3A_396 = tpu.vector_load %arg12[%get3A_395] {strides = array<i32>} : memref<8192xf32, #tpu.memory_space<vmem>>, vector<16xf32>,
      %get3A_397 = arith.index_cast %add3A_394 : i32 to index
      %get3A_398 = tpu.vector_load %arg14[%get3A_397] {strides = array<i32>} : memref<8192xf32, #tpu.memory_space<vmem>>, vector<16xf32>,
      %add3A_399 = arith.addf %get3A_396, %get3A_398 : vector<16xf32>
      %swap3A_400 = arith.index_cast %add3A_394 : i32 to index
      %swap3A_401 = tpu.vector_load %arg12[%swap3A_400] {strides = array<i32>} : memref<8192xf32, #tpu.memory_space<vmem>>, vector<16xf32>,
      tpu.vector_store %arg12[%swap3A_400], %add3A_399 {strides = array<i32>} : memref<8192xf32, #tpu.memory_space<vmem>>, vector<16xf32>,
      %mul3A_402 = arith.constant 128 : i32
      %mul3A_403 = arith.muli %scan3A_358, %mul3A_402 : i32
      %add3A_404 = arith.constant 64 : i32
      %add3A_405 = arith.addi %mul3A_403, %add3A_404 : i32
      %get3A_406 = arith.index_cast %add3A_405 : i32 to index
      %get3A_407 = tpu.vector_load %arg12[%get3A_406] {strides = array<i32>} : memref<8192xf32, #tpu.memory_space<vmem>>, vector<16xf32>,
      %get3A_408 = arith.index_cast %add3A_405 : i32 to index
      %get3A_409 = tpu.vector_load %arg14[%get3A_408] {strides = array<i32>} : memref<8192xf32, #tpu.memory_space<vmem>>, vector<16xf32>,
      %add3A_410 = arith.addf %get3A_407, %get3A_409 : vector<16xf32>
      %swap3A_411 = arith.index_cast %add3A_405 : i32 to index
      %swap3A_412 = tpu.vector_load %arg12[%swap3A_411] {strides = array<i32>} : memref<8192xf32, #tpu.memory_space<vmem>>, vector<16xf32>,
      tpu.vector_store %arg12[%swap3A_411], %add3A_410 {strides = array<i32>} : memref<8192xf32, #tpu.memory_space<vmem>>, vector<16xf32>,
      %mul3A_413 = arith.constant 128 : i32
      %mul3A_414 = arith.muli %scan3A_358, %mul3A_413 : i32
      %add3A_415 = arith.constant 80 : i32
      %add3A_416 = arith.addi %mul3A_414, %add3A_415 : i32
      %get3A_417 = arith.index_cast %add3A_416 : i32 to index
      %get3A_418 = tpu.vector_load %arg12[%get3A_417] {strides = array<i32>} : memref<8192xf32, #tpu.memory_space<vmem>>, vector<16xf32>,
      %get3A_419 = arith.index_cast %add3A_416 : i32 to index
      %get3A_420 = tpu.vector_load %arg14[%get3A_419] {strides = array<i32>} : memref<8192xf32, #tpu.memory_space<vmem>>, vector<16xf32>,
      %add3A_421 = arith.addf %get3A_418, %get3A_420 : vector<16xf32>
      %swap3A_422 = arith.index_cast %add3A_416 : i32 to index
      %swap3A_423 = tpu.vector_load %arg12[%swap3A_422] {strides = array<i32>} : memref<8192xf32, #tpu.memory_space<vmem>>, vector<16xf32>,
      tpu.vector_store %arg12[%swap3A_422], %add3A_421 {strides = array<i32>} : memref<8192xf32, #tpu.memory_space<vmem>>, vector<16xf32>,
      %mul3A_424 = arith.constant 128 : i32
      %mul3A_425 = arith.muli %scan3A_358, %mul3A_424 : i32
      %add3A_426 = arith.constant 96 : i32
      %add3A_427 = arith.addi %mul3A_425, %add3A_426 : i32
      %get3A_428 = arith.index_cast %add3A_427 : i32 to index
      %get3A_429 = tpu.vector_load %arg12[%get3A_428] {strides = array<i32>} : memref<8192xf32, #tpu.memory_space<vmem>>, vector<16xf32>,
      %get3A_430 = arith.index_cast %add3A_427 : i32 to index
      %get3A_431 = tpu.vector_load %arg14[%get3A_430] {strides = array<i32>} : memref<8192xf32, #tpu.memory_space<vmem>>, vector<16xf32>,
      %add3A_432 = arith.addf %get3A_429, %get3A_431 : vector<16xf32>
      %swap3A_433 = arith.index_cast %add3A_427 : i32 to index
      %swap3A_434 = tpu.vector_load %arg12[%swap3A_433] {strides = array<i32>} : memref<8192xf32, #tpu.memory_space<vmem>>, vector<16xf32>,
      tpu.vector_store %arg12[%swap3A_433], %add3A_432 {strides = array<i32>} : memref<8192xf32, #tpu.memory_space<vmem>>, vector<16xf32>,
      %mul3A_435 = arith.constant 128 : i32
      %mul3A_436 = arith.muli %scan3A_358, %mul3A_435 : i32
      %add3A_437 = arith.constant 112 : i32
      %add3A_438 = arith.addi %mul3A_436, %add3A_437 : i32
      %get3A_439 = arith.index_cast %add3A_438 : i32 to index
      %get3A_440 = tpu.vector_load %arg12[%get3A_439] {strides = array<i32>} : memref<8192xf32, #tpu.memory_space<vmem>>, vector<16xf32>,
      %get3A_441 = arith.index_cast %add3A_438 : i32 to index
      %get3A_442 = tpu.vector_load %arg14[%get3A_441] {strides = array<i32>} : memref<8192xf32, #tpu.memory_space<vmem>>, vector<16xf32>,
      %add3A_443 = arith.addf %get3A_440, %get3A_442 : vector<16xf32>
      %swap3A_444 = arith.index_cast %add3A_438 : i32 to index
      %swap3A_445 = tpu.vector_load %arg12[%swap3A_444] {strides = array<i32>} : memref<8192xf32, #tpu.memory_space<vmem>>, vector<16xf32>,
      tpu.vector_store %arg12[%swap3A_444], %add3A_443 {strides = array<i32>} : memref<8192xf32, #tpu.memory_space<vmem>>, vector<16xf32>,
      %scan3A_446 = arith.constant 0 : i32
      scf.yield %scan3A_446 : i32
    }
    %scan3A_268 = arith.constant 64 : i32
    %dma_wait3A_269 = tpu.memref_slice %arg6[%arg0, %add3A_257, %mul3A_230] : memref<2x16x65536xf32, #tpu.memory_space<hbm>> -> memref<1x1x8192xf32, #tpu.memory_space<hbm>>
    %dma_wait3A_270 = tpu.memref_squeeze %dma_wait3A_269 : memref<1x1x8192xf32, #tpu.memory_space<hbm>> -> memref<8192xf32, #tpu.memory_space<hbm>>
    %dma_wait3A_271 = tpu.memref_slice %arg6[%arg0, %add3A_257, %mul3A_230] : memref<2x16x65536xf32, #tpu.memory_space<hbm>> -> memref<1x1x8192xf32, #tpu.memory_space<hbm>>
    %dma_wait3A_272 = tpu.memref_squeeze %dma_wait3A_271 : memref<1x1x8192xf32, #tpu.memory_space<hbm>> -> memref<8192xf32, #tpu.memory_space<hbm>>
    tpu.wait_dma2 semaphore(%arg16 : memref<!tpu.dma_semaphore, #tpu.memory_space<semaphore_mem>>) src(%dma_wait3A_272 : memref<8192xf32, #tpu.memory_space<hbm>>) dst(%arg13 : memref<8192xf32, #tpu.memory_space<vmem>>)
    %add3A_273 = arith.constant 8 : i32
    %add3A_274 = arith.addi %add3A_273, %and3A_3 : i32
    %dma_start3A_275 = tpu.memref_slice %arg6[%arg0, %add3A_274, %mul3A_230] : memref<2x16x65536xf32, #tpu.memory_space<hbm>> -> memref<1x1x8192xf32, #tpu.memory_space<hbm>>
    %dma_start3A_276 = tpu.memref_squeeze %dma_start3A_275 : memref<1x1x8192xf32, #tpu.memory_space<hbm>> -> memref<8192xf32, #tpu.memory_space<hbm>>
    %dma_start3A_277 = tpu.memref_slice %arg6[%arg0, %add3A_274, %mul3A_230] : memref<2x16x65536xf32, #tpu.memory_space<hbm>> -> memref<1x1x8192xf32, #tpu.memory_space<hbm>>
    %dma_start3A_278 = tpu.memref_squeeze %dma_start3A_277 : memref<1x1x8192xf32, #tpu.memory_space<hbm>> -> memref<8192xf32, #tpu.memory_space<hbm>>
    tpu.enqueue_dma source(%dma_start3A_278 : memref<8192xf32, #tpu.memory_space<hbm>>) target(%arg14 : memref<8192xf32, #tpu.memory_space<vmem>>) target_semaphore(%arg16 : memref<!tpu.dma_semaphore, #tpu.memory_space<semaphore_mem>>)
    %scan3A_279 = arith.constant 0 : i32
    %scan3A_280 = arith.constant 0 : i32
    %scan3A_281 = arith.constant 64 : i32
    %scan3A_282 = arith.addi %scan3A_280, %scan3A_281 : i32
    %scan3A_283 = arith.constant 1 : i32
    %scan3A_284 = scf.for %scan3A_358 = %scan3A_280 to %scan3A_282 step %scan3A_283 iter_args(%scan3A_359 = %scan3A_279) -> (i32)  : i32 {
      %mul3A_360 = arith.constant 128 : i32
      %mul3A_361 = arith.muli %scan3A_358, %mul3A_360 : i32
      %add3A_362 = arith.constant 0 : i32
      %add3A_363 = arith.addi %mul3A_361, %add3A_362 : i32
      %get3A = arith.index_cast %add3A_363 : i32 to index
      %get3A_364 = tpu.vector_load %arg12[%get3A] {strides = array<i32>} : memref<8192xf32, #tpu.memory_space<vmem>>, vector<16xf32>,
      %get3A_365 = arith.index_cast %add3A_363 : i32 to index
      %get3A_366 = tpu.vector_load %arg13[%get3A_365] {strides = array<i32>} : memref<8192xf32, #tpu.memory_space<vmem>>, vector<16xf32>,
      %add3A_367 = arith.addf %get3A_364, %get3A_366 : vector<16xf32>
      %swap3A = arith.index_cast %add3A_363 : i32 to index
      %swap3A_368 = tpu.vector_load %arg12[%swap3A] {strides = array<i32>} : memref<8192xf32, #tpu.memory_space<vmem>>, vector<16xf32>,
      tpu.vector_store %arg12[%swap3A], %add3A_367 {strides = array<i32>} : memref<8192xf32, #tpu.memory_space<vmem>>, vector<16xf32>,
      %mul3A_369 = arith.constant 128 : i32
      %mul3A_370 = arith.muli %scan3A_358, %mul3A_369 : i32
      %add3A_371 = arith.constant 16 : i32
      %add3A_372 = arith.addi %mul3A_370, %add3A_371 : i32
      %get3A_373 = arith.index_cast %add3A_372 : i32 to index
      %get3A_374 = tpu.vector_load %arg12[%get3A_373] {strides = array<i32>} : memref<8192xf32, #tpu.memory_space<vmem>>, vector<16xf32>,
      %get3A_375 = arith.index_cast %add3A_372 : i32 to index
      %get3A_376 = tpu.vector_load %arg13[%get3A_375] {strides = array<i32>} : memref<8192xf32, #tpu.memory_space<vmem>>, vector<16xf32>,
      %add3A_377 = arith.addf %get3A_374, %get3A_376 : vector<16xf32>
      %swap3A_378 = arith.index_cast %add3A_372 : i32 to index
      %swap3A_379 = tpu.vector_load %arg12[%swap3A_378] {strides = array<i32>} : memref<8192xf32, #tpu.memory_space<vmem>>, vector<16xf32>,
      tpu.vector_store %arg12[%swap3A_378], %add3A_377 {strides = array<i32>} : memref<8192xf32, #tpu.memory_space<vmem>>, vector<16xf32>,
      %mul3A_380 = arith.constant 128 : i32
      %mul3A_381 = arith.muli %scan3A_358, %mul3A_380 : i32
      %add3A_382 = arith.constant 32 : i32
      %add3A_383 = arith.addi %mul3A_381, %add3A_382 : i32
      %get3A_384 = arith.index_cast %add3A_383 : i32 to index
      %get3A_385 = tpu.vector_load %arg12[%get3A_384] {strides = array<i32>} : memref<8192xf32, #tpu.memory_space<vmem>>, vector<16xf32>,
      %get3A_386 = arith.index_cast %add3A_383 : i32 to index
      %get3A_387 = tpu.vector_load %arg13[%get3A_386] {strides = array<i32>} : memref<8192xf32, #tpu.memory_space<vmem>>, vector<16xf32>,
      %add3A_388 = arith.addf %get3A_385, %get3A_387 : vector<16xf32>
      %swap3A_389 = arith.index_cast %add3A_383 : i32 to index
      %swap3A_390 = tpu.vector_load %arg12[%swap3A_389] {strides = array<i32>} : memref<8192xf32, #tpu.memory_space<vmem>>, vector<16xf32>,
      tpu.vector_store %arg12[%swap3A_389], %add3A_388 {strides = array<i32>} : memref<8192xf32, #tpu.memory_space<vmem>>, vector<16xf32>,
      %mul3A_391 = arith.constant 128 : i32
      %mul3A_392 = arith.muli %scan3A_358, %mul3A_391 : i32
      %add3A_393 = arith.constant 48 : i32
      %add3A_394 = arith.addi %mul3A_392, %add3A_393 : i32
      %get3A_395 = arith.index_cast %add3A_394 : i32 to index
      %get3A_396 = tpu.vector_load %arg12[%get3A_395] {strides = array<i32>} : memref<8192xf32, #tpu.memory_space<vmem>>, vector<16xf32>,
      %get3A_397 = arith.index_cast %add3A_394 : i32 to index
      %get3A_398 = tpu.vector_load %arg13[%get3A_397] {strides = array<i32>} : memref<8192xf32, #tpu.memory_space<vmem>>, vector<16xf32>,
      %add3A_399 = arith.addf %get3A_396, %get3A_398 : vector<16xf32>
      %swap3A_400 = arith.index_cast %add3A_394 : i32 to index
      %swap3A_401 = tpu.vector_load %arg12[%swap3A_400] {strides = array<i32>} : memref<8192xf32, #tpu.memory_space<vmem>>, vector<16xf32>,
      tpu.vector_store %arg12[%swap3A_400], %add3A_399 {strides = array<i32>} : memref<8192xf32, #tpu.memory_space<vmem>>, vector<16xf32>,
      %mul3A_402 = arith.constant 128 : i32
      %mul3A_403 = arith.muli %scan3A_358, %mul3A_402 : i32
      %add3A_404 = arith.constant 64 : i32
      %add3A_405 = arith.addi %mul3A_403, %add3A_404 : i32
      %get3A_406 = arith.index_cast %add3A_405 : i32 to index
      %get3A_407 = tpu.vector_load %arg12[%get3A_406] {strides = array<i32>} : memref<8192xf32, #tpu.memory_space<vmem>>, vector<16xf32>,
      %get3A_408 = arith.index_cast %add3A_405 : i32 to index
      %get3A_409 = tpu.vector_load %arg13[%get3A_408] {strides = array<i32>} : memref<8192xf32, #tpu.memory_space<vmem>>, vector<16xf32>,
      %add3A_410 = arith.addf %get3A_407, %get3A_409 : vector<16xf32>
      %swap3A_411 = arith.index_cast %add3A_405 : i32 to index
      %swap3A_412 = tpu.vector_load %arg12[%swap3A_411] {strides = array<i32>} : memref<8192xf32, #tpu.memory_space<vmem>>, vector<16xf32>,
      tpu.vector_store %arg12[%swap3A_411], %add3A_410 {strides = array<i32>} : memref<8192xf32, #tpu.memory_space<vmem>>, vector<16xf32>,
      %mul3A_413 = arith.constant 128 : i32
      %mul3A_414 = arith.muli %scan3A_358, %mul3A_413 : i32
      %add3A_415 = arith.constant 80 : i32
      %add3A_416 = arith.addi %mul3A_414, %add3A_415 : i32
      %get3A_417 = arith.index_cast %add3A_416 : i32 to index
      %get3A_418 = tpu.vector_load %arg12[%get3A_417] {strides = array<i32>} : memref<8192xf32, #tpu.memory_space<vmem>>, vector<16xf32>,
      %get3A_419 = arith.index_cast %add3A_416 : i32 to index
      %get3A_420 = tpu.vector_load %arg13[%get3A_419] {strides = array<i32>} : memref<8192xf32, #tpu.memory_space<vmem>>, vector<16xf32>,
      %add3A_421 = arith.addf %get3A_418, %get3A_420 : vector<16xf32>
      %swap3A_422 = arith.index_cast %add3A_416 : i32 to index
      %swap3A_423 = tpu.vector_load %arg12[%swap3A_422] {strides = array<i32>} : memref<8192xf32, #tpu.memory_space<vmem>>, vector<16xf32>,
      tpu.vector_store %arg12[%swap3A_422], %add3A_421 {strides = array<i32>} : memref<8192xf32, #tpu.memory_space<vmem>>, vector<16xf32>,
      %mul3A_424 = arith.constant 128 : i32
      %mul3A_425 = arith.muli %scan3A_358, %mul3A_424 : i32
      %add3A_426 = arith.constant 96 : i32
      %add3A_427 = arith.addi %mul3A_425, %add3A_426 : i32
      %get3A_428 = arith.index_cast %add3A_427 : i32 to index
      %get3A_429 = tpu.vector_load %arg12[%get3A_428] {strides = array<i32>} : memref<8192xf32, #tpu.memory_space<vmem>>, vector<16xf32>,
      %get3A_430 = arith.index_cast %add3A_427 : i32 to index
      %get3A_431 = tpu.vector_load %arg13[%get3A_430] {strides = array<i32>} : memref<8192xf32, #tpu.memory_space<vmem>>, vector<16xf32>,
      %add3A_432 = arith.addf %get3A_429, %get3A_431 : vector<16xf32>
      %swap3A_433 = arith.index_cast %add3A_427 : i32 to index
      %swap3A_434 = tpu.vector_load %arg12[%swap3A_433] {strides = array<i32>} : memref<8192xf32, #tpu.memory_space<vmem>>, vector<16xf32>,
      tpu.vector_store %arg12[%swap3A_433], %add3A_432 {strides = array<i32>} : memref<8192xf32, #tpu.memory_space<vmem>>, vector<16xf32>,
      %mul3A_435 = arith.constant 128 : i32
      %mul3A_436 = arith.muli %scan3A_358, %mul3A_435 : i32
      %add3A_437 = arith.constant 112 : i32
      %add3A_438 = arith.addi %mul3A_436, %add3A_437 : i32
      %get3A_439 = arith.index_cast %add3A_438 : i32 to index
      %get3A_440 = tpu.vector_load %arg12[%get3A_439] {strides = array<i32>} : memref<8192xf32, #tpu.memory_space<vmem>>, vector<16xf32>,
      %get3A_441 = arith.index_cast %add3A_438 : i32 to index
      %get3A_442 = tpu.vector_load %arg13[%get3A_441] {strides = array<i32>} : memref<8192xf32, #tpu.memory_space<vmem>>, vector<16xf32>,
      %add3A_443 = arith.addf %get3A_440, %get3A_442 : vector<16xf32>
      %swap3A_444 = arith.index_cast %add3A_438 : i32 to index
      %swap3A_445 = tpu.vector_load %arg12[%swap3A_444] {strides = array<i32>} : memref<8192xf32, #tpu.memory_space<vmem>>, vector<16xf32>,
      tpu.vector_store %arg12[%swap3A_444], %add3A_443 {strides = array<i32>} : memref<8192xf32, #tpu.memory_space<vmem>>, vector<16xf32>,
      %scan3A_446 = arith.constant 0 : i32
      scf.yield %scan3A_446 : i32
    }
    %scan3A_285 = arith.constant 64 : i32
    %dma_wait3A_286 = tpu.memref_slice %arg6[%arg0, %add3A_274, %mul3A_230] : memref<2x16x65536xf32, #tpu.memory_space<hbm>> -> memref<1x1x8192xf32, #tpu.memory_space<hbm>>
    %dma_wait3A_287 = tpu.memref_squeeze %dma_wait3A_286 : memref<1x1x8192xf32, #tpu.memory_space<hbm>> -> memref<8192xf32, #tpu.memory_space<hbm>>
    %dma_wait3A_288 = tpu.memref_slice %arg6[%arg0, %add3A_274, %mul3A_230] : memref<2x16x65536xf32, #tpu.memory_space<hbm>> -> memref<1x1x8192xf32, #tpu.memory_space<hbm>>
    %dma_wait3A_289 = tpu.memref_squeeze %dma_wait3A_288 : memref<1x1x8192xf32, #tpu.memory_space<hbm>> -> memref<8192xf32, #tpu.memory_space<hbm>>
    tpu.wait_dma2 semaphore(%arg16 : memref<!tpu.dma_semaphore, #tpu.memory_space<semaphore_mem>>) src(%dma_wait3A_289 : memref<8192xf32, #tpu.memory_space<hbm>>) dst(%arg14 : memref<8192xf32, #tpu.memory_space<vmem>>)
    %add3A_290 = arith.constant 10 : i32
    %add3A_291 = arith.addi %add3A_290, %and3A_3 : i32
    %dma_start3A_292 = tpu.memref_slice %arg6[%arg0, %add3A_291, %mul3A_230] : memref<2x16x65536xf32, #tpu.memory_space<hbm>> -> memref<1x1x8192xf32, #tpu.memory_space<hbm>>
    %dma_start3A_293 = tpu.memref_squeeze %dma_start3A_292 : memref<1x1x8192xf32, #tpu.memory_space<hbm>> -> memref<8192xf32, #tpu.memory_space<hbm>>
    %dma_start3A_294 = tpu.memref_slice %arg6[%arg0, %add3A_291, %mul3A_230] : memref<2x16x65536xf32, #tpu.memory_space<hbm>> -> memref<1x1x8192xf32, #tpu.memory_space<hbm>>
    %dma_start3A_295 = tpu.memref_squeeze %dma_start3A_294 : memref<1x1x8192xf32, #tpu.memory_space<hbm>> -> memref<8192xf32, #tpu.memory_space<hbm>>
    tpu.enqueue_dma source(%dma_start3A_295 : memref<8192xf32, #tpu.memory_space<hbm>>) target(%arg13 : memref<8192xf32, #tpu.memory_space<vmem>>) target_semaphore(%arg16 : memref<!tpu.dma_semaphore, #tpu.memory_space<semaphore_mem>>)
    %scan3A_296 = arith.constant 0 : i32
    %scan3A_297 = arith.constant 0 : i32
    %scan3A_298 = arith.constant 64 : i32
    %scan3A_299 = arith.addi %scan3A_297, %scan3A_298 : i32
    %scan3A_300 = arith.constant 1 : i32
    %scan3A_301 = scf.for %scan3A_358 = %scan3A_297 to %scan3A_299 step %scan3A_300 iter_args(%scan3A_359 = %scan3A_296) -> (i32)  : i32 {
      %mul3A_360 = arith.constant 128 : i32
      %mul3A_361 = arith.muli %scan3A_358, %mul3A_360 : i32
      %add3A_362 = arith.constant 0 : i32
      %add3A_363 = arith.addi %mul3A_361, %add3A_362 : i32
      %get3A = arith.index_cast %add3A_363 : i32 to index
      %get3A_364 = tpu.vector_load %arg12[%get3A] {strides = array<i32>} : memref<8192xf32, #tpu.memory_space<vmem>>, vector<16xf32>,
      %get3A_365 = arith.index_cast %add3A_363 : i32 to index
      %get3A_366 = tpu.vector_load %arg14[%get3A_365] {strides = array<i32>} : memref<8192xf32, #tpu.memory_space<vmem>>, vector<16xf32>,
      %add3A_367 = arith.addf %get3A_364, %get3A_366 : vector<16xf32>
      %swap3A = arith.index_cast %add3A_363 : i32 to index
      %swap3A_368 = tpu.vector_load %arg12[%swap3A] {strides = array<i32>} : memref<8192xf32, #tpu.memory_space<vmem>>, vector<16xf32>,
      tpu.vector_store %arg12[%swap3A], %add3A_367 {strides = array<i32>} : memref<8192xf32, #tpu.memory_space<vmem>>, vector<16xf32>,
      %mul3A_369 = arith.constant 128 : i32
      %mul3A_370 = arith.muli %scan3A_358, %mul3A_369 : i32
      %add3A_371 = arith.constant 16 : i32
      %add3A_372 = arith.addi %mul3A_370, %add3A_371 : i32
      %get3A_373 = arith.index_cast %add3A_372 : i32 to index
      %get3A_374 = tpu.vector_load %arg12[%get3A_373] {strides = array<i32>} : memref<8192xf32, #tpu.memory_space<vmem>>, vector<16xf32>,
      %get3A_375 = arith.index_cast %add3A_372 : i32 to index
      %get3A_376 = tpu.vector_load %arg14[%get3A_375] {strides = array<i32>} : memref<8192xf32, #tpu.memory_space<vmem>>, vector<16xf32>,
      %add3A_377 = arith.addf %get3A_374, %get3A_376 : vector<16xf32>
      %swap3A_378 = arith.index_cast %add3A_372 : i32 to index
      %swap3A_379 = tpu.vector_load %arg12[%swap3A_378] {strides = array<i32>} : memref<8192xf32, #tpu.memory_space<vmem>>, vector<16xf32>,
      tpu.vector_store %arg12[%swap3A_378], %add3A_377 {strides = array<i32>} : memref<8192xf32, #tpu.memory_space<vmem>>, vector<16xf32>,
      %mul3A_380 = arith.constant 128 : i32
      %mul3A_381 = arith.muli %scan3A_358, %mul3A_380 : i32
      %add3A_382 = arith.constant 32 : i32
      %add3A_383 = arith.addi %mul3A_381, %add3A_382 : i32
      %get3A_384 = arith.index_cast %add3A_383 : i32 to index
      %get3A_385 = tpu.vector_load %arg12[%get3A_384] {strides = array<i32>} : memref<8192xf32, #tpu.memory_space<vmem>>, vector<16xf32>,
      %get3A_386 = arith.index_cast %add3A_383 : i32 to index
      %get3A_387 = tpu.vector_load %arg14[%get3A_386] {strides = array<i32>} : memref<8192xf32, #tpu.memory_space<vmem>>, vector<16xf32>,
      %add3A_388 = arith.addf %get3A_385, %get3A_387 : vector<16xf32>
      %swap3A_389 = arith.index_cast %add3A_383 : i32 to index
      %swap3A_390 = tpu.vector_load %arg12[%swap3A_389] {strides = array<i32>} : memref<8192xf32, #tpu.memory_space<vmem>>, vector<16xf32>,
      tpu.vector_store %arg12[%swap3A_389], %add3A_388 {strides = array<i32>} : memref<8192xf32, #tpu.memory_space<vmem>>, vector<16xf32>,
      %mul3A_391 = arith.constant 128 : i32
      %mul3A_392 = arith.muli %scan3A_358, %mul3A_391 : i32
      %add3A_393 = arith.constant 48 : i32
      %add3A_394 = arith.addi %mul3A_392, %add3A_393 : i32
      %get3A_395 = arith.index_cast %add3A_394 : i32 to index
      %get3A_396 = tpu.vector_load %arg12[%get3A_395] {strides = array<i32>} : memref<8192xf32, #tpu.memory_space<vmem>>, vector<16xf32>,
      %get3A_397 = arith.index_cast %add3A_394 : i32 to index
      %get3A_398 = tpu.vector_load %arg14[%get3A_397] {strides = array<i32>} : memref<8192xf32, #tpu.memory_space<vmem>>, vector<16xf32>,
      %add3A_399 = arith.addf %get3A_396, %get3A_398 : vector<16xf32>
      %swap3A_400 = arith.index_cast %add3A_394 : i32 to index
      %swap3A_401 = tpu.vector_load %arg12[%swap3A_400] {strides = array<i32>} : memref<8192xf32, #tpu.memory_space<vmem>>, vector<16xf32>,
      tpu.vector_store %arg12[%swap3A_400], %add3A_399 {strides = array<i32>} : memref<8192xf32, #tpu.memory_space<vmem>>, vector<16xf32>,
      %mul3A_402 = arith.constant 128 : i32
      %mul3A_403 = arith.muli %scan3A_358, %mul3A_402 : i32
      %add3A_404 = arith.constant 64 : i32
      %add3A_405 = arith.addi %mul3A_403, %add3A_404 : i32
      %get3A_406 = arith.index_cast %add3A_405 : i32 to index
      %get3A_407 = tpu.vector_load %arg12[%get3A_406] {strides = array<i32>} : memref<8192xf32, #tpu.memory_space<vmem>>, vector<16xf32>,
      %get3A_408 = arith.index_cast %add3A_405 : i32 to index
      %get3A_409 = tpu.vector_load %arg14[%get3A_408] {strides = array<i32>} : memref<8192xf32, #tpu.memory_space<vmem>>, vector<16xf32>,
      %add3A_410 = arith.addf %get3A_407, %get3A_409 : vector<16xf32>
      %swap3A_411 = arith.index_cast %add3A_405 : i32 to index
      %swap3A_412 = tpu.vector_load %arg12[%swap3A_411] {strides = array<i32>} : memref<8192xf32, #tpu.memory_space<vmem>>, vector<16xf32>,
      tpu.vector_store %arg12[%swap3A_411], %add3A_410 {strides = array<i32>} : memref<8192xf32, #tpu.memory_space<vmem>>, vector<16xf32>,
      %mul3A_413 = arith.constant 128 : i32
      %mul3A_414 = arith.muli %scan3A_358, %mul3A_413 : i32
      %add3A_415 = arith.constant 80 : i32
      %add3A_416 = arith.addi %mul3A_414, %add3A_415 : i32
      %get3A_417 = arith.index_cast %add3A_416 : i32 to index
      %get3A_418 = tpu.vector_load %arg12[%get3A_417] {strides = array<i32>} : memref<8192xf32, #tpu.memory_space<vmem>>, vector<16xf32>,
      %get3A_419 = arith.index_cast %add3A_416 : i32 to index
      %get3A_420 = tpu.vector_load %arg14[%get3A_419] {strides = array<i32>} : memref<8192xf32, #tpu.memory_space<vmem>>, vector<16xf32>,
      %add3A_421 = arith.addf %get3A_418, %get3A_420 : vector<16xf32>
      %swap3A_422 = arith.index_cast %add3A_416 : i32 to index
      %swap3A_423 = tpu.vector_load %arg12[%swap3A_422] {strides = array<i32>} : memref<8192xf32, #tpu.memory_space<vmem>>, vector<16xf32>,
      tpu.vector_store %arg12[%swap3A_422], %add3A_421 {strides = array<i32>} : memref<8192xf32, #tpu.memory_space<vmem>>, vector<16xf32>,
      %mul3A_424 = arith.constant 128 : i32
      %mul3A_425 = arith.muli %scan3A_358, %mul3A_424 : i32
      %add3A_426 = arith.constant 96 : i32
      %add3A_427 = arith.addi %mul3A_425, %add3A_426 : i32
      %get3A_428 = arith.index_cast %add3A_427 : i32 to index
      %get3A_429 = tpu.vector_load %arg12[%get3A_428] {strides = array<i32>} : memref<8192xf32, #tpu.memory_space<vmem>>, vector<16xf32>,
      %get3A_430 = arith.index_cast %add3A_427 : i32 to index
      %get3A_431 = tpu.vector_load %arg14[%get3A_430] {strides = array<i32>} : memref<8192xf32, #tpu.memory_space<vmem>>, vector<16xf32>,
      %add3A_432 = arith.addf %get3A_429, %get3A_431 : vector<16xf32>
      %swap3A_433 = arith.index_cast %add3A_427 : i32 to index
      %swap3A_434 = tpu.vector_load %arg12[%swap3A_433] {strides = array<i32>} : memref<8192xf32, #tpu.memory_space<vmem>>, vector<16xf32>,
      tpu.vector_store %arg12[%swap3A_433], %add3A_432 {strides = array<i32>} : memref<8192xf32, #tpu.memory_space<vmem>>, vector<16xf32>,
      %mul3A_435 = arith.constant 128 : i32
      %mul3A_436 = arith.muli %scan3A_358, %mul3A_435 : i32
      %add3A_437 = arith.constant 112 : i32
      %add3A_438 = arith.addi %mul3A_436, %add3A_437 : i32
      %get3A_439 = arith.index_cast %add3A_438 : i32 to index
      %get3A_440 = tpu.vector_load %arg12[%get3A_439] {strides = array<i32>} : memref<8192xf32, #tpu.memory_space<vmem>>, vector<16xf32>,
      %get3A_441 = arith.index_cast %add3A_438 : i32 to index
      %get3A_442 = tpu.vector_load %arg14[%get3A_441] {strides = array<i32>} : memref<8192xf32, #tpu.memory_space<vmem>>, vector<16xf32>,
      %add3A_443 = arith.addf %get3A_440, %get3A_442 : vector<16xf32>
      %swap3A_444 = arith.index_cast %add3A_438 : i32 to index
      %swap3A_445 = tpu.vector_load %arg12[%swap3A_444] {strides = array<i32>} : memref<8192xf32, #tpu.memory_space<vmem>>, vector<16xf32>,
      tpu.vector_store %arg12[%swap3A_444], %add3A_443 {strides = array<i32>} : memref<8192xf32, #tpu.memory_space<vmem>>, vector<16xf32>,
      %scan3A_446 = arith.constant 0 : i32
      scf.yield %scan3A_446 : i32
    }
    %scan3A_302 = arith.constant 64 : i32
    %dma_wait3A_303 = tpu.memref_slice %arg6[%arg0, %add3A_291, %mul3A_230] : memref<2x16x65536xf32, #tpu.memory_space<hbm>> -> memref<1x1x8192xf32, #tpu.memory_space<hbm>>
    %dma_wait3A_304 = tpu.memref_squeeze %dma_wait3A_303 : memref<1x1x8192xf32, #tpu.memory_space<hbm>> -> memref<8192xf32, #tpu.memory_space<hbm>>
    %dma_wait3A_305 = tpu.memref_slice %arg6[%arg0, %add3A_291, %mul3A_230] : memref<2x16x65536xf32, #tpu.memory_space<hbm>> -> memref<1x1x8192xf32, #tpu.memory_space<hbm>>
    %dma_wait3A_306 = tpu.memref_squeeze %dma_wait3A_305 : memref<1x1x8192xf32, #tpu.memory_space<hbm>> -> memref<8192xf32, #tpu.memory_space<hbm>>
    tpu.wait_dma2 semaphore(%arg16 : memref<!tpu.dma_semaphore, #tpu.memory_space<semaphore_mem>>) src(%dma_wait3A_306 : memref<8192xf32, #tpu.memory_space<hbm>>) dst(%arg13 : memref<8192xf32, #tpu.memory_space<vmem>>)
    %add3A_307 = arith.constant 12 : i32
    %add3A_308 = arith.addi %add3A_307, %and3A_3 : i32
    %dma_start3A_309 = tpu.memref_slice %arg6[%arg0, %add3A_308, %mul3A_230] : memref<2x16x65536xf32, #tpu.memory_space<hbm>> -> memref<1x1x8192xf32, #tpu.memory_space<hbm>>
    %dma_start3A_310 = tpu.memref_squeeze %dma_start3A_309 : memref<1x1x8192xf32, #tpu.memory_space<hbm>> -> memref<8192xf32, #tpu.memory_space<hbm>>
    %dma_start3A_311 = tpu.memref_slice %arg6[%arg0, %add3A_308, %mul3A_230] : memref<2x16x65536xf32, #tpu.memory_space<hbm>> -> memref<1x1x8192xf32, #tpu.memory_space<hbm>>
    %dma_start3A_312 = tpu.memref_squeeze %dma_start3A_311 : memref<1x1x8192xf32, #tpu.memory_space<hbm>> -> memref<8192xf32, #tpu.memory_space<hbm>>
    tpu.enqueue_dma source(%dma_start3A_312 : memref<8192xf32, #tpu.memory_space<hbm>>) target(%arg14 : memref<8192xf32, #tpu.memory_space<vmem>>) target_semaphore(%arg16 : memref<!tpu.dma_semaphore, #tpu.memory_space<semaphore_mem>>)
    %scan3A_313 = arith.constant 0 : i32
    %scan3A_314 = arith.constant 0 : i32
    %scan3A_315 = arith.constant 64 : i32
    %scan3A_316 = arith.addi %scan3A_314, %scan3A_315 : i32
    %scan3A_317 = arith.constant 1 : i32
    %scan3A_318 = scf.for %scan3A_358 = %scan3A_314 to %scan3A_316 step %scan3A_317 iter_args(%scan3A_359 = %scan3A_313) -> (i32)  : i32 {
      %mul3A_360 = arith.constant 128 : i32
      %mul3A_361 = arith.muli %scan3A_358, %mul3A_360 : i32
      %add3A_362 = arith.constant 0 : i32
      %add3A_363 = arith.addi %mul3A_361, %add3A_362 : i32
      %get3A = arith.index_cast %add3A_363 : i32 to index
      %get3A_364 = tpu.vector_load %arg12[%get3A] {strides = array<i32>} : memref<8192xf32, #tpu.memory_space<vmem>>, vector<16xf32>,
      %get3A_365 = arith.index_cast %add3A_363 : i32 to index
      %get3A_366 = tpu.vector_load %arg13[%get3A_365] {strides = array<i32>} : memref<8192xf32, #tpu.memory_space<vmem>>, vector<16xf32>,
      %add3A_367 = arith.addf %get3A_364, %get3A_366 : vector<16xf32>
      %swap3A = arith.index_cast %add3A_363 : i32 to index
      %swap3A_368 = tpu.vector_load %arg12[%swap3A] {strides = array<i32>} : memref<8192xf32, #tpu.memory_space<vmem>>, vector<16xf32>,
      tpu.vector_store %arg12[%swap3A], %add3A_367 {strides = array<i32>} : memref<8192xf32, #tpu.memory_space<vmem>>, vector<16xf32>,
      %mul3A_369 = arith.constant 128 : i32
      %mul3A_370 = arith.muli %scan3A_358, %mul3A_369 : i32
      %add3A_371 = arith.constant 16 : i32
      %add3A_372 = arith.addi %mul3A_370, %add3A_371 : i32
      %get3A_373 = arith.index_cast %add3A_372 : i32 to index
      %get3A_374 = tpu.vector_load %arg12[%get3A_373] {strides = array<i32>} : memref<8192xf32, #tpu.memory_space<vmem>>, vector<16xf32>,
      %get3A_375 = arith.index_cast %add3A_372 : i32 to index
      %get3A_376 = tpu.vector_load %arg13[%get3A_375] {strides = array<i32>} : memref<8192xf32, #tpu.memory_space<vmem>>, vector<16xf32>,
      %add3A_377 = arith.addf %get3A_374, %get3A_376 : vector<16xf32>
      %swap3A_378 = arith.index_cast %add3A_372 : i32 to index
      %swap3A_379 = tpu.vector_load %arg12[%swap3A_378] {strides = array<i32>} : memref<8192xf32, #tpu.memory_space<vmem>>, vector<16xf32>,
      tpu.vector_store %arg12[%swap3A_378], %add3A_377 {strides = array<i32>} : memref<8192xf32, #tpu.memory_space<vmem>>, vector<16xf32>,
      %mul3A_380 = arith.constant 128 : i32
      %mul3A_381 = arith.muli %scan3A_358, %mul3A_380 : i32
      %add3A_382 = arith.constant 32 : i32
      %add3A_383 = arith.addi %mul3A_381, %add3A_382 : i32
      %get3A_384 = arith.index_cast %add3A_383 : i32 to index
      %get3A_385 = tpu.vector_load %arg12[%get3A_384] {strides = array<i32>} : memref<8192xf32, #tpu.memory_space<vmem>>, vector<16xf32>,
      %get3A_386 = arith.index_cast %add3A_383 : i32 to index
      %get3A_387 = tpu.vector_load %arg13[%get3A_386] {strides = array<i32>} : memref<8192xf32, #tpu.memory_space<vmem>>, vector<16xf32>,
      %add3A_388 = arith.addf %get3A_385, %get3A_387 : vector<16xf32>
      %swap3A_389 = arith.index_cast %add3A_383 : i32 to index
      %swap3A_390 = tpu.vector_load %arg12[%swap3A_389] {strides = array<i32>} : memref<8192xf32, #tpu.memory_space<vmem>>, vector<16xf32>,
      tpu.vector_store %arg12[%swap3A_389], %add3A_388 {strides = array<i32>} : memref<8192xf32, #tpu.memory_space<vmem>>, vector<16xf32>,
      %mul3A_391 = arith.constant 128 : i32
      %mul3A_392 = arith.muli %scan3A_358, %mul3A_391 : i32
      %add3A_393 = arith.constant 48 : i32
      %add3A_394 = arith.addi %mul3A_392, %add3A_393 : i32
      %get3A_395 = arith.index_cast %add3A_394 : i32 to index
      %get3A_396 = tpu.vector_load %arg12[%get3A_395] {strides = array<i32>} : memref<8192xf32, #tpu.memory_space<vmem>>, vector<16xf32>,
      %get3A_397 = arith.index_cast %add3A_394 : i32 to index
      %get3A_398 = tpu.vector_load %arg13[%get3A_397] {strides = array<i32>} : memref<8192xf32, #tpu.memory_space<vmem>>, vector<16xf32>,
      %add3A_399 = arith.addf %get3A_396, %get3A_398 : vector<16xf32>
      %swap3A_400 = arith.index_cast %add3A_394 : i32 to index
      %swap3A_401 = tpu.vector_load %arg12[%swap3A_400] {strides = array<i32>} : memref<8192xf32, #tpu.memory_space<vmem>>, vector<16xf32>,
      tpu.vector_store %arg12[%swap3A_400], %add3A_399 {strides = array<i32>} : memref<8192xf32, #tpu.memory_space<vmem>>, vector<16xf32>,
      %mul3A_402 = arith.constant 128 : i32
      %mul3A_403 = arith.muli %scan3A_358, %mul3A_402 : i32
      %add3A_404 = arith.constant 64 : i32
      %add3A_405 = arith.addi %mul3A_403, %add3A_404 : i32
      %get3A_406 = arith.index_cast %add3A_405 : i32 to index
      %get3A_407 = tpu.vector_load %arg12[%get3A_406] {strides = array<i32>} : memref<8192xf32, #tpu.memory_space<vmem>>, vector<16xf32>,
      %get3A_408 = arith.index_cast %add3A_405 : i32 to index
      %get3A_409 = tpu.vector_load %arg13[%get3A_408] {strides = array<i32>} : memref<8192xf32, #tpu.memory_space<vmem>>, vector<16xf32>,
      %add3A_410 = arith.addf %get3A_407, %get3A_409 : vector<16xf32>
      %swap3A_411 = arith.index_cast %add3A_405 : i32 to index
      %swap3A_412 = tpu.vector_load %arg12[%swap3A_411] {strides = array<i32>} : memref<8192xf32, #tpu.memory_space<vmem>>, vector<16xf32>,
      tpu.vector_store %arg12[%swap3A_411], %add3A_410 {strides = array<i32>} : memref<8192xf32, #tpu.memory_space<vmem>>, vector<16xf32>,
      %mul3A_413 = arith.constant 128 : i32
      %mul3A_414 = arith.muli %scan3A_358, %mul3A_413 : i32
      %add3A_415 = arith.constant 80 : i32
      %add3A_416 = arith.addi %mul3A_414, %add3A_415 : i32
      %get3A_417 = arith.index_cast %add3A_416 : i32 to index
      %get3A_418 = tpu.vector_load %arg12[%get3A_417] {strides = array<i32>} : memref<8192xf32, #tpu.memory_space<vmem>>, vector<16xf32>,
      %get3A_419 = arith.index_cast %add3A_416 : i32 to index
      %get3A_420 = tpu.vector_load %arg13[%get3A_419] {strides = array<i32>} : memref<8192xf32, #tpu.memory_space<vmem>>, vector<16xf32>,
      %add3A_421 = arith.addf %get3A_418, %get3A_420 : vector<16xf32>
      %swap3A_422 = arith.index_cast %add3A_416 : i32 to index
      %swap3A_423 = tpu.vector_load %arg12[%swap3A_422] {strides = array<i32>} : memref<8192xf32, #tpu.memory_space<vmem>>, vector<16xf32>,
      tpu.vector_store %arg12[%swap3A_422], %add3A_421 {strides = array<i32>} : memref<8192xf32, #tpu.memory_space<vmem>>, vector<16xf32>,
      %mul3A_424 = arith.constant 128 : i32
      %mul3A_425 = arith.muli %scan3A_358, %mul3A_424 : i32
      %add3A_426 = arith.constant 96 : i32
      %add3A_427 = arith.addi %mul3A_425, %add3A_426 : i32
      %get3A_428 = arith.index_cast %add3A_427 : i32 to index
      %get3A_429 = tpu.vector_load %arg12[%get3A_428] {strides = array<i32>} : memref<8192xf32, #tpu.memory_space<vmem>>, vector<16xf32>,
      %get3A_430 = arith.index_cast %add3A_427 : i32 to index
      %get3A_431 = tpu.vector_load %arg13[%get3A_430] {strides = array<i32>} : memref<8192xf32, #tpu.memory_space<vmem>>, vector<16xf32>,
      %add3A_432 = arith.addf %get3A_429, %get3A_431 : vector<16xf32>
      %swap3A_433 = arith.index_cast %add3A_427 : i32 to index
      %swap3A_434 = tpu.vector_load %arg12[%swap3A_433] {strides = array<i32>} : memref<8192xf32, #tpu.memory_space<vmem>>, vector<16xf32>,
      tpu.vector_store %arg12[%swap3A_433], %add3A_432 {strides = array<i32>} : memref<8192xf32, #tpu.memory_space<vmem>>, vector<16xf32>,
      %mul3A_435 = arith.constant 128 : i32
      %mul3A_436 = arith.muli %scan3A_358, %mul3A_435 : i32
      %add3A_437 = arith.constant 112 : i32
      %add3A_438 = arith.addi %mul3A_436, %add3A_437 : i32
      %get3A_439 = arith.index_cast %add3A_438 : i32 to index
      %get3A_440 = tpu.vector_load %arg12[%get3A_439] {strides = array<i32>} : memref<8192xf32, #tpu.memory_space<vmem>>, vector<16xf32>,
      %get3A_441 = arith.index_cast %add3A_438 : i32 to index
      %get3A_442 = tpu.vector_load %arg13[%get3A_441] {strides = array<i32>} : memref<8192xf32, #tpu.memory_space<vmem>>, vector<16xf32>,
      %add3A_443 = arith.addf %get3A_440, %get3A_442 : vector<16xf32>
      %swap3A_444 = arith.index_cast %add3A_438 : i32 to index
      %swap3A_445 = tpu.vector_load %arg12[%swap3A_444] {strides = array<i32>} : memref<8192xf32, #tpu.memory_space<vmem>>, vector<16xf32>,
      tpu.vector_store %arg12[%swap3A_444], %add3A_443 {strides = array<i32>} : memref<8192xf32, #tpu.memory_space<vmem>>, vector<16xf32>,
      %scan3A_446 = arith.constant 0 : i32
      scf.yield %scan3A_446 : i32
    }
    %scan3A_319 = arith.constant 64 : i32
    %dma_wait3A_320 = tpu.memref_slice %arg6[%arg0, %add3A_308, %mul3A_230] : memref<2x16x65536xf32, #tpu.memory_space<hbm>> -> memref<1x1x8192xf32, #tpu.memory_space<hbm>>
    %dma_wait3A_321 = tpu.memref_squeeze %dma_wait3A_320 : memref<1x1x8192xf32, #tpu.memory_space<hbm>> -> memref<8192xf32, #tpu.memory_space<hbm>>
    %dma_wait3A_322 = tpu.memref_slice %arg6[%arg0, %add3A_308, %mul3A_230] : memref<2x16x65536xf32, #tpu.memory_space<hbm>> -> memref<1x1x8192xf32, #tpu.memory_space<hbm>>
    %dma_wait3A_323 = tpu.memref_squeeze %dma_wait3A_322 : memref<1x1x8192xf32, #tpu.memory_space<hbm>> -> memref<8192xf32, #tpu.memory_space<hbm>>
    tpu.wait_dma2 semaphore(%arg16 : memref<!tpu.dma_semaphore, #tpu.memory_space<semaphore_mem>>) src(%dma_wait3A_323 : memref<8192xf32, #tpu.memory_space<hbm>>) dst(%arg14 : memref<8192xf32, #tpu.memory_space<vmem>>)
    %add3A_324 = arith.constant 14 : i32
    %add3A_325 = arith.addi %add3A_324, %and3A_3 : i32
    %dma_start3A_326 = tpu.memref_slice %arg6[%arg0, %add3A_325, %mul3A_230] : memref<2x16x65536xf32, #tpu.memory_space<hbm>> -> memref<1x1x8192xf32, #tpu.memory_space<hbm>>
    %dma_start3A_327 = tpu.memref_squeeze %dma_start3A_326 : memref<1x1x8192xf32, #tpu.memory_space<hbm>> -> memref<8192xf32, #tpu.memory_space<hbm>>
    %dma_start3A_328 = tpu.memref_slice %arg6[%arg0, %add3A_325, %mul3A_230] : memref<2x16x65536xf32, #tpu.memory_space<hbm>> -> memref<1x1x8192xf32, #tpu.memory_space<hbm>>
    %dma_start3A_329 = tpu.memref_squeeze %dma_start3A_328 : memref<1x1x8192xf32, #tpu.memory_space<hbm>> -> memref<8192xf32, #tpu.memory_space<hbm>>
    tpu.enqueue_dma source(%dma_start3A_329 : memref<8192xf32, #tpu.memory_space<hbm>>) target(%arg13 : memref<8192xf32, #tpu.memory_space<vmem>>) target_semaphore(%arg16 : memref<!tpu.dma_semaphore, #tpu.memory_space<semaphore_mem>>)
    %scan3A_330 = arith.constant 0 : i32
    %scan3A_331 = arith.constant 0 : i32
    %scan3A_332 = arith.constant 64 : i32
    %scan3A_333 = arith.addi %scan3A_331, %scan3A_332 : i32
    %scan3A_334 = arith.constant 1 : i32
    %scan3A_335 = scf.for %scan3A_358 = %scan3A_331 to %scan3A_333 step %scan3A_334 iter_args(%scan3A_359 = %scan3A_330) -> (i32)  : i32 {
      %mul3A_360 = arith.constant 128 : i32
      %mul3A_361 = arith.muli %scan3A_358, %mul3A_360 : i32
      %add3A_362 = arith.constant 0 : i32
      %add3A_363 = arith.addi %mul3A_361, %add3A_362 : i32
      %get3A = arith.index_cast %add3A_363 : i32 to index
      %get3A_364 = tpu.vector_load %arg12[%get3A] {strides = array<i32>} : memref<8192xf32, #tpu.memory_space<vmem>>, vector<16xf32>,
      %get3A_365 = arith.index_cast %add3A_363 : i32 to index
      %get3A_366 = tpu.vector_load %arg14[%get3A_365] {strides = array<i32>} : memref<8192xf32, #tpu.memory_space<vmem>>, vector<16xf32>,
      %add3A_367 = arith.addf %get3A_364, %get3A_366 : vector<16xf32>
      %swap3A = arith.index_cast %add3A_363 : i32 to index
      %swap3A_368 = tpu.vector_load %arg12[%swap3A] {strides = array<i32>} : memref<8192xf32, #tpu.memory_space<vmem>>, vector<16xf32>,
      tpu.vector_store %arg12[%swap3A], %add3A_367 {strides = array<i32>} : memref<8192xf32, #tpu.memory_space<vmem>>, vector<16xf32>,
      %mul3A_369 = arith.constant 128 : i32
      %mul3A_370 = arith.muli %scan3A_358, %mul3A_369 : i32
      %add3A_371 = arith.constant 16 : i32
      %add3A_372 = arith.addi %mul3A_370, %add3A_371 : i32
      %get3A_373 = arith.index_cast %add3A_372 : i32 to index
      %get3A_374 = tpu.vector_load %arg12[%get3A_373] {strides = array<i32>} : memref<8192xf32, #tpu.memory_space<vmem>>, vector<16xf32>,
      %get3A_375 = arith.index_cast %add3A_372 : i32 to index
      %get3A_376 = tpu.vector_load %arg14[%get3A_375] {strides = array<i32>} : memref<8192xf32, #tpu.memory_space<vmem>>, vector<16xf32>,
      %add3A_377 = arith.addf %get3A_374, %get3A_376 : vector<16xf32>
      %swap3A_378 = arith.index_cast %add3A_372 : i32 to index
      %swap3A_379 = tpu.vector_load %arg12[%swap3A_378] {strides = array<i32>} : memref<8192xf32, #tpu.memory_space<vmem>>, vector<16xf32>,
      tpu.vector_store %arg12[%swap3A_378], %add3A_377 {strides = array<i32>} : memref<8192xf32, #tpu.memory_space<vmem>>, vector<16xf32>,
      %mul3A_380 = arith.constant 128 : i32
      %mul3A_381 = arith.muli %scan3A_358, %mul3A_380 : i32
      %add3A_382 = arith.constant 32 : i32
      %add3A_383 = arith.addi %mul3A_381, %add3A_382 : i32
      %get3A_384 = arith.index_cast %add3A_383 : i32 to index
      %get3A_385 = tpu.vector_load %arg12[%get3A_384] {strides = array<i32>} : memref<8192xf32, #tpu.memory_space<vmem>>, vector<16xf32>,
      %get3A_386 = arith.index_cast %add3A_383 : i32 to index
      %get3A_387 = tpu.vector_load %arg14[%get3A_386] {strides = array<i32>} : memref<8192xf32, #tpu.memory_space<vmem>>, vector<16xf32>,
      %add3A_388 = arith.addf %get3A_385, %get3A_387 : vector<16xf32>
      %swap3A_389 = arith.index_cast %add3A_383 : i32 to index
      %swap3A_390 = tpu.vector_load %arg12[%swap3A_389] {strides = array<i32>} : memref<8192xf32, #tpu.memory_space<vmem>>, vector<16xf32>,
      tpu.vector_store %arg12[%swap3A_389], %add3A_388 {strides = array<i32>} : memref<8192xf32, #tpu.memory_space<vmem>>, vector<16xf32>,
      %mul3A_391 = arith.constant 128 : i32
      %mul3A_392 = arith.muli %scan3A_358, %mul3A_391 : i32
      %add3A_393 = arith.constant 48 : i32
      %add3A_394 = arith.addi %mul3A_392, %add3A_393 : i32
      %get3A_395 = arith.index_cast %add3A_394 : i32 to index
      %get3A_396 = tpu.vector_load %arg12[%get3A_395] {strides = array<i32>} : memref<8192xf32, #tpu.memory_space<vmem>>, vector<16xf32>,
      %get3A_397 = arith.index_cast %add3A_394 : i32 to index
      %get3A_398 = tpu.vector_load %arg14[%get3A_397] {strides = array<i32>} : memref<8192xf32, #tpu.memory_space<vmem>>, vector<16xf32>,
      %add3A_399 = arith.addf %get3A_396, %get3A_398 : vector<16xf32>
      %swap3A_400 = arith.index_cast %add3A_394 : i32 to index
      %swap3A_401 = tpu.vector_load %arg12[%swap3A_400] {strides = array<i32>} : memref<8192xf32, #tpu.memory_space<vmem>>, vector<16xf32>,
      tpu.vector_store %arg12[%swap3A_400], %add3A_399 {strides = array<i32>} : memref<8192xf32, #tpu.memory_space<vmem>>, vector<16xf32>,
      %mul3A_402 = arith.constant 128 : i32
      %mul3A_403 = arith.muli %scan3A_358, %mul3A_402 : i32
      %add3A_404 = arith.constant 64 : i32
      %add3A_405 = arith.addi %mul3A_403, %add3A_404 : i32
      %get3A_406 = arith.index_cast %add3A_405 : i32 to index
      %get3A_407 = tpu.vector_load %arg12[%get3A_406] {strides = array<i32>} : memref<8192xf32, #tpu.memory_space<vmem>>, vector<16xf32>,
      %get3A_408 = arith.index_cast %add3A_405 : i32 to index
      %get3A_409 = tpu.vector_load %arg14[%get3A_408] {strides = array<i32>} : memref<8192xf32, #tpu.memory_space<vmem>>, vector<16xf32>,
      %add3A_410 = arith.addf %get3A_407, %get3A_409 : vector<16xf32>
      %swap3A_411 = arith.index_cast %add3A_405 : i32 to index
      %swap3A_412 = tpu.vector_load %arg12[%swap3A_411] {strides = array<i32>} : memref<8192xf32, #tpu.memory_space<vmem>>, vector<16xf32>,
      tpu.vector_store %arg12[%swap3A_411], %add3A_410 {strides = array<i32>} : memref<8192xf32, #tpu.memory_space<vmem>>, vector<16xf32>,
      %mul3A_413 = arith.constant 128 : i32
      %mul3A_414 = arith.muli %scan3A_358, %mul3A_413 : i32
      %add3A_415 = arith.constant 80 : i32
      %add3A_416 = arith.addi %mul3A_414, %add3A_415 : i32
      %get3A_417 = arith.index_cast %add3A_416 : i32 to index
      %get3A_418 = tpu.vector_load %arg12[%get3A_417] {strides = array<i32>} : memref<8192xf32, #tpu.memory_space<vmem>>, vector<16xf32>,
      %get3A_419 = arith.index_cast %add3A_416 : i32 to index
      %get3A_420 = tpu.vector_load %arg14[%get3A_419] {strides = array<i32>} : memref<8192xf32, #tpu.memory_space<vmem>>, vector<16xf32>,
      %add3A_421 = arith.addf %get3A_418, %get3A_420 : vector<16xf32>
      %swap3A_422 = arith.index_cast %add3A_416 : i32 to index
      %swap3A_423 = tpu.vector_load %arg12[%swap3A_422] {strides = array<i32>} : memref<8192xf32, #tpu.memory_space<vmem>>, vector<16xf32>,
      tpu.vector_store %arg12[%swap3A_422], %add3A_421 {strides = array<i32>} : memref<8192xf32, #tpu.memory_space<vmem>>, vector<16xf32>,
      %mul3A_424 = arith.constant 128 : i32
      %mul3A_425 = arith.muli %scan3A_358, %mul3A_424 : i32
      %add3A_426 = arith.constant 96 : i32
      %add3A_427 = arith.addi %mul3A_425, %add3A_426 : i32
      %get3A_428 = arith.index_cast %add3A_427 : i32 to index
      %get3A_429 = tpu.vector_load %arg12[%get3A_428] {strides = array<i32>} : memref<8192xf32, #tpu.memory_space<vmem>>, vector<16xf32>,
      %get3A_430 = arith.index_cast %add3A_427 : i32 to index
      %get3A_431 = tpu.vector_load %arg14[%get3A_430] {strides = array<i32>} : memref<8192xf32, #tpu.memory_space<vmem>>, vector<16xf32>,
      %add3A_432 = arith.addf %get3A_429, %get3A_431 : vector<16xf32>
      %swap3A_433 = arith.index_cast %add3A_427 : i32 to index
      %swap3A_434 = tpu.vector_load %arg12[%swap3A_433] {strides = array<i32>} : memref<8192xf32, #tpu.memory_space<vmem>>, vector<16xf32>,
      tpu.vector_store %arg12[%swap3A_433], %add3A_432 {strides = array<i32>} : memref<8192xf32, #tpu.memory_space<vmem>>, vector<16xf32>,
      %mul3A_435 = arith.constant 128 : i32
      %mul3A_436 = arith.muli %scan3A_358, %mul3A_435 : i32
      %add3A_437 = arith.constant 112 : i32
      %add3A_438 = arith.addi %mul3A_436, %add3A_437 : i32
      %get3A_439 = arith.index_cast %add3A_438 : i32 to index
      %get3A_440 = tpu.vector_load %arg12[%get3A_439] {strides = array<i32>} : memref<8192xf32, #tpu.memory_space<vmem>>, vector<16xf32>,
      %get3A_441 = arith.index_cast %add3A_438 : i32 to index
      %get3A_442 = tpu.vector_load %arg14[%get3A_441] {strides = array<i32>} : memref<8192xf32, #tpu.memory_space<vmem>>, vector<16xf32>,
      %add3A_443 = arith.addf %get3A_440, %get3A_442 : vector<16xf32>
      %swap3A_444 = arith.index_cast %add3A_438 : i32 to index
      %swap3A_445 = tpu.vector_load %arg12[%swap3A_444] {strides = array<i32>} : memref<8192xf32, #tpu.memory_space<vmem>>, vector<16xf32>,
      tpu.vector_store %arg12[%swap3A_444], %add3A_443 {strides = array<i32>} : memref<8192xf32, #tpu.memory_space<vmem>>, vector<16xf32>,
      %scan3A_446 = arith.constant 0 : i32
      scf.yield %scan3A_446 : i32
    }
    %scan3A_336 = arith.constant 64 : i32
    %dma_wait3A_337 = tpu.memref_slice %arg6[%arg0, %add3A_325, %mul3A_230] : memref<2x16x65536xf32, #tpu.memory_space<hbm>> -> memref<1x1x8192xf32, #tpu.memory_space<hbm>>
    %dma_wait3A_338 = tpu.memref_squeeze %dma_wait3A_337 : memref<1x1x8192xf32, #tpu.memory_space<hbm>> -> memref<8192xf32, #tpu.memory_space<hbm>>
    %dma_wait3A_339 = tpu.memref_slice %arg6[%arg0, %add3A_325, %mul3A_230] : memref<2x16x65536xf32, #tpu.memory_space<hbm>> -> memref<1x1x8192xf32, #tpu.memory_space<hbm>>
    %dma_wait3A_340 = tpu.memref_squeeze %dma_wait3A_339 : memref<1x1x8192xf32, #tpu.memory_space<hbm>> -> memref<8192xf32, #tpu.memory_space<hbm>>
    tpu.wait_dma2 semaphore(%arg16 : memref<!tpu.dma_semaphore, #tpu.memory_space<semaphore_mem>>) src(%dma_wait3A_340 : memref<8192xf32, #tpu.memory_space<hbm>>) dst(%arg13 : memref<8192xf32, #tpu.memory_space<vmem>>)
    %scan3A_341 = arith.constant 0 : i32
    %scan3A_342 = arith.constant 0 : i32
    %scan3A_343 = arith.constant 64 : i32
    %scan3A_344 = arith.addi %scan3A_342, %scan3A_343 : i32
    %scan3A_345 = arith.constant 1 : i32
    %scan3A_346 = scf.for %scan3A_358 = %scan3A_342 to %scan3A_344 step %scan3A_345 iter_args(%scan3A_359 = %scan3A_341) -> (i32)  : i32 {
      %mul3A_360 = arith.constant 128 : i32
      %mul3A_361 = arith.muli %scan3A_358, %mul3A_360 : i32
      %add3A_362 = arith.constant 0 : i32
      %add3A_363 = arith.addi %mul3A_361, %add3A_362 : i32
      %get3A = arith.index_cast %add3A_363 : i32 to index
      %get3A_364 = tpu.vector_load %arg12[%get3A] {strides = array<i32>} : memref<8192xf32, #tpu.memory_space<vmem>>, vector<16xf32>,
      %get3A_365 = arith.index_cast %add3A_363 : i32 to index
      %get3A_366 = tpu.vector_load %arg13[%get3A_365] {strides = array<i32>} : memref<8192xf32, #tpu.memory_space<vmem>>, vector<16xf32>,
      %add3A_367 = arith.addf %get3A_364, %get3A_366 : vector<16xf32>
      %swap3A = arith.index_cast %add3A_363 : i32 to index
      %swap3A_368 = tpu.vector_load %arg12[%swap3A] {strides = array<i32>} : memref<8192xf32, #tpu.memory_space<vmem>>, vector<16xf32>,
      tpu.vector_store %arg12[%swap3A], %add3A_367 {strides = array<i32>} : memref<8192xf32, #tpu.memory_space<vmem>>, vector<16xf32>,
      %mul3A_369 = arith.constant 128 : i32
      %mul3A_370 = arith.muli %scan3A_358, %mul3A_369 : i32
      %add3A_371 = arith.constant 16 : i32
      %add3A_372 = arith.addi %mul3A_370, %add3A_371 : i32
      %get3A_373 = arith.index_cast %add3A_372 : i32 to index
      %get3A_374 = tpu.vector_load %arg12[%get3A_373] {strides = array<i32>} : memref<8192xf32, #tpu.memory_space<vmem>>, vector<16xf32>,
      %get3A_375 = arith.index_cast %add3A_372 : i32 to index
      %get3A_376 = tpu.vector_load %arg13[%get3A_375] {strides = array<i32>} : memref<8192xf32, #tpu.memory_space<vmem>>, vector<16xf32>,
      %add3A_377 = arith.addf %get3A_374, %get3A_376 : vector<16xf32>
      %swap3A_378 = arith.index_cast %add3A_372 : i32 to index
      %swap3A_379 = tpu.vector_load %arg12[%swap3A_378] {strides = array<i32>} : memref<8192xf32, #tpu.memory_space<vmem>>, vector<16xf32>,
      tpu.vector_store %arg12[%swap3A_378], %add3A_377 {strides = array<i32>} : memref<8192xf32, #tpu.memory_space<vmem>>, vector<16xf32>,
      %mul3A_380 = arith.constant 128 : i32
      %mul3A_381 = arith.muli %scan3A_358, %mul3A_380 : i32
      %add3A_382 = arith.constant 32 : i32
      %add3A_383 = arith.addi %mul3A_381, %add3A_382 : i32
      %get3A_384 = arith.index_cast %add3A_383 : i32 to index
      %get3A_385 = tpu.vector_load %arg12[%get3A_384] {strides = array<i32>} : memref<8192xf32, #tpu.memory_space<vmem>>, vector<16xf32>,
      %get3A_386 = arith.index_cast %add3A_383 : i32 to index
      %get3A_387 = tpu.vector_load %arg13[%get3A_386] {strides = array<i32>} : memref<8192xf32, #tpu.memory_space<vmem>>, vector<16xf32>,
      %add3A_388 = arith.addf %get3A_385, %get3A_387 : vector<16xf32>
      %swap3A_389 = arith.index_cast %add3A_383 : i32 to index
      %swap3A_390 = tpu.vector_load %arg12[%swap3A_389] {strides = array<i32>} : memref<8192xf32, #tpu.memory_space<vmem>>, vector<16xf32>,
      tpu.vector_store %arg12[%swap3A_389], %add3A_388 {strides = array<i32>} : memref<8192xf32, #tpu.memory_space<vmem>>, vector<16xf32>,
      %mul3A_391 = arith.constant 128 : i32
      %mul3A_392 = arith.muli %scan3A_358, %mul3A_391 : i32
      %add3A_393 = arith.constant 48 : i32
      %add3A_394 = arith.addi %mul3A_392, %add3A_393 : i32
      %get3A_395 = arith.index_cast %add3A_394 : i32 to index
      %get3A_396 = tpu.vector_load %arg12[%get3A_395] {strides = array<i32>} : memref<8192xf32, #tpu.memory_space<vmem>>, vector<16xf32>,
      %get3A_397 = arith.index_cast %add3A_394 : i32 to index
      %get3A_398 = tpu.vector_load %arg13[%get3A_397] {strides = array<i32>} : memref<8192xf32, #tpu.memory_space<vmem>>, vector<16xf32>,
      %add3A_399 = arith.addf %get3A_396, %get3A_398 : vector<16xf32>
      %swap3A_400 = arith.index_cast %add3A_394 : i32 to index
      %swap3A_401 = tpu.vector_load %arg12[%swap3A_400] {strides = array<i32>} : memref<8192xf32, #tpu.memory_space<vmem>>, vector<16xf32>,
      tpu.vector_store %arg12[%swap3A_400], %add3A_399 {strides = array<i32>} : memref<8192xf32, #tpu.memory_space<vmem>>, vector<16xf32>,
      %mul3A_402 = arith.constant 128 : i32
      %mul3A_403 = arith.muli %scan3A_358, %mul3A_402 : i32
      %add3A_404 = arith.constant 64 : i32
      %add3A_405 = arith.addi %mul3A_403, %add3A_404 : i32
      %get3A_406 = arith.index_cast %add3A_405 : i32 to index
      %get3A_407 = tpu.vector_load %arg12[%get3A_406] {strides = array<i32>} : memref<8192xf32, #tpu.memory_space<vmem>>, vector<16xf32>,
      %get3A_408 = arith.index_cast %add3A_405 : i32 to index
      %get3A_409 = tpu.vector_load %arg13[%get3A_408] {strides = array<i32>} : memref<8192xf32, #tpu.memory_space<vmem>>, vector<16xf32>,
      %add3A_410 = arith.addf %get3A_407, %get3A_409 : vector<16xf32>
      %swap3A_411 = arith.index_cast %add3A_405 : i32 to index
      %swap3A_412 = tpu.vector_load %arg12[%swap3A_411] {strides = array<i32>} : memref<8192xf32, #tpu.memory_space<vmem>>, vector<16xf32>,
      tpu.vector_store %arg12[%swap3A_411], %add3A_410 {strides = array<i32>} : memref<8192xf32, #tpu.memory_space<vmem>>, vector<16xf32>,
      %mul3A_413 = arith.constant 128 : i32
      %mul3A_414 = arith.muli %scan3A_358, %mul3A_413 : i32
      %add3A_415 = arith.constant 80 : i32
      %add3A_416 = arith.addi %mul3A_414, %add3A_415 : i32
      %get3A_417 = arith.index_cast %add3A_416 : i32 to index
      %get3A_418 = tpu.vector_load %arg12[%get3A_417] {strides = array<i32>} : memref<8192xf32, #tpu.memory_space<vmem>>, vector<16xf32>,
      %get3A_419 = arith.index_cast %add3A_416 : i32 to index
      %get3A_420 = tpu.vector_load %arg13[%get3A_419] {strides = array<i32>} : memref<8192xf32, #tpu.memory_space<vmem>>, vector<16xf32>,
      %add3A_421 = arith.addf %get3A_418, %get3A_420 : vector<16xf32>
      %swap3A_422 = arith.index_cast %add3A_416 : i32 to index
      %swap3A_423 = tpu.vector_load %arg12[%swap3A_422] {strides = array<i32>} : memref<8192xf32, #tpu.memory_space<vmem>>, vector<16xf32>,
      tpu.vector_store %arg12[%swap3A_422], %add3A_421 {strides = array<i32>} : memref<8192xf32, #tpu.memory_space<vmem>>, vector<16xf32>,
      %mul3A_424 = arith.constant 128 : i32
      %mul3A_425 = arith.muli %scan3A_358, %mul3A_424 : i32
      %add3A_426 = arith.constant 96 : i32
      %add3A_427 = arith.addi %mul3A_425, %add3A_426 : i32
      %get3A_428 = arith.index_cast %add3A_427 : i32 to index
      %get3A_429 = tpu.vector_load %arg12[%get3A_428] {strides = array<i32>} : memref<8192xf32, #tpu.memory_space<vmem>>, vector<16xf32>,
      %get3A_430 = arith.index_cast %add3A_427 : i32 to index
      %get3A_431 = tpu.vector_load %arg13[%get3A_430] {strides = array<i32>} : memref<8192xf32, #tpu.memory_space<vmem>>, vector<16xf32>,
      %add3A_432 = arith.addf %get3A_429, %get3A_431 : vector<16xf32>
      %swap3A_433 = arith.index_cast %add3A_427 : i32 to index
      %swap3A_434 = tpu.vector_load %arg12[%swap3A_433] {strides = array<i32>} : memref<8192xf32, #tpu.memory_space<vmem>>, vector<16xf32>,
      tpu.vector_store %arg12[%swap3A_433], %add3A_432 {strides = array<i32>} : memref<8192xf32, #tpu.memory_space<vmem>>, vector<16xf32>,
      %mul3A_435 = arith.constant 128 : i32
      %mul3A_436 = arith.muli %scan3A_358, %mul3A_435 : i32
      %add3A_437 = arith.constant 112 : i32
      %add3A_438 = arith.addi %mul3A_436, %add3A_437 : i32
      %get3A_439 = arith.index_cast %add3A_438 : i32 to index
      %get3A_440 = tpu.vector_load %arg12[%get3A_439] {strides = array<i32>} : memref<8192xf32, #tpu.memory_space<vmem>>, vector<16xf32>,
      %get3A_441 = arith.index_cast %add3A_438 : i32 to index
      %get3A_442 = tpu.vector_load %arg13[%get3A_441] {strides = array<i32>} : memref<8192xf32, #tpu.memory_space<vmem>>, vector<16xf32>,
      %add3A_443 = arith.addf %get3A_440, %get3A_442 : vector<16xf32>
      %swap3A_444 = arith.index_cast %add3A_438 : i32 to index
      %swap3A_445 = tpu.vector_load %arg12[%swap3A_444] {strides = array<i32>} : memref<8192xf32, #tpu.memory_space<vmem>>, vector<16xf32>,
      tpu.vector_store %arg12[%swap3A_444], %add3A_443 {strides = array<i32>} : memref<8192xf32, #tpu.memory_space<vmem>>, vector<16xf32>,
      %scan3A_446 = arith.constant 0 : i32
      scf.yield %scan3A_446 : i32
    }
    %scan3A_347 = arith.constant 64 : i32
    %mul3A_348 = arith.constant 2 : i32
    %mul3A_349 = arith.muli %mul3A_348, %arg0 : i32
    %add3A_350 = arith.addi %mul3A_349, %and3A_3 : i32
    %mul3A_351 = arith.constant 128 : i32
    %mul3A_352 = arith.muli %add3A_350, %mul3A_351 : i32
    %mul3A_353 = arith.constant 512 : i32
    %mul3A_354 = arith.muli %mul3A_352, %mul3A_353 : i32
    %mul3A_355 = arith.constant 8192 : i32
    %mul3A_356 = arith.muli %shift_right_arithmetic3A_228, %mul3A_355 : i32
    %add3A_357 = arith.addi %mul3A_354, %mul3A_356 : i32
    "tpu.region"() ({
      %run_scoped3A = tpu.sem_alloc : memref<!tpu.dma_semaphore, #tpu.memory_space<semaphore_mem>>
      %dma_start3A_358 = tpu.memref_slice %arg5[%add3A_357] : memref<262144xf32, #tpu.memory_space<hbm>> -> memref<8192xf32, #tpu.memory_space<hbm>>
      %dma_start3A_359 = tpu.memref_slice %arg5[%add3A_357] : memref<262144xf32, #tpu.memory_space<hbm>> -> memref<8192xf32, #tpu.memory_space<hbm>>
      tpu.enqueue_dma source(%arg12 : memref<8192xf32, #tpu.memory_space<vmem>>) target(%dma_start3A_359 : memref<8192xf32, #tpu.memory_space<hbm>>) target_semaphore(%run_scoped3A : memref<!tpu.dma_semaphore, #tpu.memory_space<semaphore_mem>>)
      %dma_wait3A_360 = tpu.memref_slice %arg5[%add3A_357] : memref<262144xf32, #tpu.memory_space<hbm>> -> memref<8192xf32, #tpu.memory_space<hbm>>
      %dma_wait3A_361 = tpu.memref_slice %arg5[%add3A_357] : memref<262144xf32, #tpu.memory_space<hbm>> -> memref<8192xf32, #tpu.memory_space<hbm>>
      tpu.wait_dma2 semaphore(%run_scoped3A : memref<!tpu.dma_semaphore, #tpu.memory_space<semaphore_mem>>) src(%arg12 : memref<8192xf32, #tpu.memory_space<vmem>>) dst(%dma_wait3A_361 : memref<8192xf32, #tpu.memory_space<hbm>>)
      tpu.yield
    }) : () -> ()
    return
  }
}

</mosaic_0001>

<sc_bundles>
// kernel: _density.3.cloned.1.call-start
scs
__scs_entry_jumppad:
0x0: {  	(pc) =	sbr.rel $0x88, $3  }
0x1: {  	(tag) =	ssettag $0x0;
	lr =	simm.s32 $0x1  }
0x2: {  	[smem:$0x3F9E] =	sst lr;
	_ =	strace $0xD0000000  }
0x3: {  	_ = 	snop  }
0x4: {  	_ = 	snop  }
0x5: {  	_ = 	snop  }
0x6: {  	_ = 	snop  }
0x7: {  	_ = 	snop  }
__scs_overlays_trampoline_lowered:
0x8: {  	[smem:$0x3FAD] =	sst s0  }
0x9: {  	[smem:$0x3FAE] =	sst s1  }
0xa: {  	[smem:$0x3FAF] =	sst s2  }
0xb: {  	[smem:$0x3FB0] =	sst s3  }
0xc: {  	[smem:$0x3FB1] =	sst s4  }
0xd: {  	[smem:$0x3FB2] =	sst s5  }
0xe: {  	[smem:$0x3FB3] =	sst s6  }
0xf: {  	[smem:$0x3FB4] =	sst s7  }
0x10: {  	[smem:$0x3FB5] =	sst s8  }
0x11: {  	[smem:$0x3FB6] =	sst s9;
	s0 =	simm.s32 @!p0 $0x0  }
0x12: {  	s1 =	sld [smem:$0x3F9C];
	s0 =	simm.s32 @p0 $0x1  }
0x13: {  	[smem:$0x3FB7] =	sst s0;
	s0 =	simm.s32 @!p1 $0x0  }
0x14: {  	s2 =	sld [smem:$0x3F9B];
	s0 =	simm.s32 @p1 $0x1  }
0x15: {  	[smem:$0x3FB8] =	sst s0;
	s0 =	simm.s32 @!p2 $0x0  }
0x16: {  	s3 =	sld [smem:$0x3FDB];
	s0 =	simm.s32 @p2 $0x1  }
0x17: {  	s4 =	simm.s32 $0x1BF5;
	[smem:$0x3FBA] =	sst s0  }
0x18: {  	s0 =	sld [smem:$0x3F9D];
	_ =	swait.ge [sflag:s4], $0x0  }
0x19: {  	s7 =	sld [smem:$0x3F9E]  }
0x1a: {  	s8 =	sadd.s32 $0xFFFFE003, lr  }
0x1b: {  	s9 =	sadd.s32 $0xFFFFFEF7, lr;
	s5 =	simm.s32 $0xFFFFFFFF;
	p2 =	slt.u32 s8, $0xFFFFF086  }
0x1c: {  	p1 =	slt.u32 s9, $0xF7A;
	s5 =	simm.s32 @!p2 $0x0  }
0x1d: {  	s5 =	simm.s32 @p1 $0x1;
	p0 =	seq.s32 s7, s2  }
0x1e: {  	s7 =	smul.u32 @!p0 $0xF7A, s2;
	p2 =	seq.s32 @!p0 s5, $0x0  }
0x1f: {  	s9 =	smul.u32 $0xF7A, s1;
	s8 =	simm.s32 @!p0 $0x1BF5;
	p2 =	por !p2, p0  }
0x20: {  	[sflag:s8] =	ssyncset.s32 @!p0 $0xFFFFF086;
	s6 =	sadd.s32 @!p0 s3, s7;
	s7 =	simm.s32 @!p0 $0x108  }
0x21: {  	s3 =	sadd.s32 s3, s9;
	s6 =	sadd.s32 @!p0 $0x88, s6;
	s7 =	simm.s32 @p2 $0x1082  }
0x22: {  	[simem:s7], [sflag:s8] =	dma.local @!p0 [hbm:s6], $0xF7A  }
0x23: {  	s9 =	sor.u32 $0xD0000000, s2;
	s6 =	simm.s32 $0x108;
	_ =	swait.ge @!p0 [sflag:s8], $0x0  }
0x24: {  	s3 =	sadd.s32 $0x88, s3;
	s6 =	simm.s32 @!p1 $0x1082;
	[sflag:s4] =	ssyncset.s32 $0xFFFFF086  }
0x25: {  	[simem:s6], [sflag:s4] =	dma.local [hbm:s3], $0xF7A  }
0x26: {  	[smem:$0x3F9E] =	sst s1;
	(tag) =	ssettag s2;
	_ =	strace s9  }
0x27: {  	s1 =	sld [smem:$0x3FAE]  }
0x28: {  	s2 =	sld [smem:$0x3FAF]  }
0x29: {  	s4 =	sld [smem:$0x3FB1]  }
0x2a: {  	p0 =	seq.s32 s5, $0x0;
	s5 =	sld [smem:$0x3FB2]  }
0x2b: {  	s6 =	sld [smem:$0x3FB3]  }
0x2c: {  	s7 =	sld [smem:$0x3FB4]  }
0x2d: {  	s3 =	simm.s32 $0x108;
	s8 =	sld [smem:$0x3FB5]  }
0x2e: {  	s3 =	simm.s32 @!p0 $0x1082;
	s9 =	sld [smem:$0x3FB6]  }
0x2f: {  	lr =	sadd.s32 s0, s3;
	s0 =	sld [smem:$0x3FAD]  }
0x30: {  	s3 =	sld [smem:$0x3FB0]  }
0x31: {  	[smem:$0x3FB9] =	sst s10  }
0x32: {  	s10 =	sld [smem:$0x3FB7];
	_ =	sdelay $0x3  }
0x33: {  	p0 =	seq.s32 s10, $0x1;
	s10 =	sld [smem:$0x3FB9];
	_ =	sdelay $0x3  }
0x34: {  	[smem:$0x3FB9] =	sst s10  }
0x35: {  	s10 =	sld [smem:$0x3FB8];
	_ =	sdelay $0x3  }
0x36: {  	p1 =	seq.s32 s10, $0x1;
	s10 =	sld [smem:$0x3FB9];
	_ =	sdelay $0x3  }
0x37: {  	[smem:$0x3FB9] =	sst s10  }
0x38: {  	s10 =	sld [smem:$0x3FBA]  }
0x39: {  	_ = 	snop;
	(pc) =	sbr.ind lr, $3  }
0x3a: {  	_ = 	snop  }
0x3b: {  	_ = 	snop  }
0x3c: {  	p2 =	seq.s32 s10, $0x1;
	s10 =	sld [smem:$0x3FB9]  }
0x3d: {  	_ =	shalt  }
0x3e: {  	_ =	shalt  }
0x3f: {  	_ =	shalt  }
0x40: {  	_ =	shalt  }
0x41: {  	_ =	shalt  }
0x42: {  	_ =	shalt  }
0x43: {  	_ =	shalt  }
0x44: {  	_ =	shalt  }
0x45: {  	_ =	shalt  }
0x46: {  	_ =	shalt  }
0x47: {  	_ =	shalt  }
0x48: {  	_ =	shalt  }
0x49: {  	_ =	shalt  }
0x4a: {  	_ =	shalt  }
0x4b: {  	_ =	shalt  }
0x4c: {  	_ =	shalt  }
0x4d: {  	_ =	shalt  }
0x4e: {  	_ =	shalt  }
0x4f: {  	_ =	shalt  }
0x50: {  	_ =	shalt  }
0x51: {  	_ =	shalt  }
0x52: {  	_ =	shalt  }
0x53: {  	_ =	shalt  }
0x54: {  	_ =	shalt  }
0x55: {  	_ =	shalt  }
0x56: {  	_ =	shalt  }
0x57: {  	_ =	shalt  }
0x58: {  	_ =	shalt  }
0x59: {  	_ =	shalt  }
0x5a: {  	_ =	shalt  }
0x5b: {  	_ =	shalt  }
0x5c: {  	_ =	shalt  }
0x5d: {  	_ =	shalt  }
0x5e: {  	_ =	shalt  }
0x5f: {  	_ =	shalt  }
0x60: {  	_ =	shalt  }
0x61: {  	_ =	shalt  }
0x62: {  	_ =	shalt  }
0x63: {  	_ =	shalt  }
0x64: {  	_ =	shalt  }
0x65: {  	_ =	shalt  }
0x66: {  	_ =	shalt  }
0x67: {  	_ =	shalt  }
0x68: {  	_ =	shalt  }
0x69: {  	_ =	shalt  }
0x6a: {  	_ =	shalt  }
0x6b: {  	_ =	shalt  }
0x6c: {  	_ =	shalt  }
0x6d: {  	_ =	shalt  }
0x6e: {  	_ =	shalt  }
0x6f: {  	_ =	shalt  }
0x70: {  	_ =	shalt  }
0x71: {  	_ =	shalt  }
0x72: {  	_ =	shalt  }
0x73: {  	_ =	shalt  }
0x74: {  	_ =	shalt  }
0x75: {  	_ =	shalt  }
0x76: {  	_ =	shalt  }
0x77: {  	_ =	shalt  }
0x78: {  	_ =	shalt  }
0x79: {  	_ =	shalt  }
0x7a: {  	_ =	shalt  }
0x7b: {  	_ =	shalt  }
0x7c: {  	_ =	shalt  }
0x7d: {  	_ =	shalt  }
0x7e: {  	_ =	shalt  }
0x7f: {  	_ =	shalt  }
0x80: {  	_ =	shalt  }
0x81: {  	_ =	shalt  }
0x82: {  	_ =	shalt  }
0x83: {  	_ =	shalt  }
0x84: {  	_ =	shalt  }
0x85: {  	_ =	shalt  }
0x86: {  	_ =	shalt  }
0x87: {  	_ =	shalt  }
.Lfunc_end0:
.L_simem_size_0:
called_computation_lowered:
.L_overlay_start_0:
0x88: {  	s2 =	sld [smem:$0x3FD9]  }
0x89: {  	s3 =	sld [smem:$0x3FFE];
	_ =	sdelay $0x1  }
0x8a: {  	s1 =	srdreg.scid  }
0x8b: {  	s0 =	sand.u32 $0x1, s1  }
0x8c: {  	s17 =	sshll.u32 s0, $0xA;
	s2 =	sadd.s32 s3, s2  }
0x8d: {  	s2 =	sadd.s32 s2, s17  }
0x8e: {  	[smem:$0x3FC5] =	sst s2  }
0x8f: {  	_ = 	snop  }
0x90: {  	s2 =	sld [smem:$0x3FC9]  }
0x91: {  	s18 =	sld [smem:$0x3FC8]  }
0x92: {  	s4 =	sld [smem:$0x3FC7];
	(tm) =	ssettm $0x1  }
0x93: {  	s5 =	sld [smem:$0x3FFB];
	_ =	sdelay $0x3  }
0x94: {  	_ =	strace s5  }
0x95: {  	s5 =	sld [smem:$0x3FFC];
	_ =	sdelay $0x3  }
0x96: {  	_ =	strace s5  }
0x97: {  	s5 =	sld [smem:$0x3FFD];
	_ =	sdelay $0x3  }
0x98: {  	_ =	strace s5  }
0x99: {  	_ =	strace $0x8FFFFFFF  }
0x9a: {  	s19 =	sld [smem:$0x3FDB];
	_ =	sdelay $0x1  }
0x9b: {  	s6 =	simm.s32 $_scs_section_size  }
0x9c: {  	s7 =	simm.s32 $_size__tile_overlayer_lowered;
	s8 =	simm.s32 $_tile_overlayer_lowered  }
0x9d: {  	s22 =	simm.s32 $0x1BFF;
	s21 =	sshll.u32 s8, $0x1;
	s5 =	sadd.s32 s6, s19  }
0x9e: {  	s9 =	simm.s32 $0x0;
	s20 =	sshll.u32 s7, $0x1;
	s7 =	sadd.s32 s21, s5  }
0x9f: {  	[timem:s9], [sflag:s22] =	dma.local [hbm:s7], s20  }
0xa0: {  	_ =	swait.ge [sflag:s22], s20  }
0xa1: {  	s6 =	ssub.s32 $0x0, s20;
	[sflag:s22] =	ssyncset.done $0x0  }
0xa2: {  	[sflag:s22] =	ssyncadd.s32 s6;
	_ =	sdelay $0x1  }
0xa3: {  	s23 =	simm.s32 $0x1B8B  }
0xa4: {  	_ =	swait.ge [sflag:s23], $0x1  }
0xa5: {  	[sflag:s23] =	ssyncset.done $0x0  }
0xa6: {  	s25 =	simm.s32 $0x1B8E;
	s24 =	sld [smem:$0x3FFE];
	[sflag:s23] =	ssyncadd.s32 $0xFFFFFFFF  }
0xa7: {  	s26 =	simm.s32 $execute0_lowered;
	[smem:$0x3FD2] =	sst s25  }
0xa8: {  	s7 =	sshll.u32 s26, $0x1;
	_ =	strace $0x80000046;
	[dreg:$0x1] =	wrdreg $0xFFFFFFFF  }
0xa9: {  	s28 =	simm.s32 $_size_execute0_lowered;
	s5 =	sadd.s32 s5, s7;
	[dreg:$0x0] =	wrdreg $0x0  }
0xaa: {  	s7 =	sshll.u32 s28, $0x1;
	[dreg:$0x2] =	wrdreg s5  }
0xab: {  	[dreg:$0x3] =	wrdreg s7  }
0xac: {  	[dreg:$0x4] =	wrdreg $0xC0  }
0xad: {  	_ =	task [dreg:s9], $0x5FFFF  }
0xae: {  	[dreg:$0x1] =	wrdreg $0xFFFFFFFF  }
0xaf: {  	[dreg:$0x0] =	wrdreg $0x60  }
0xb0: {  	[dreg:$0x2] =	wrdreg s2  }
0xb1: {  	[dreg:$0x3] =	wrdreg s18  }
0xb2: {  	[dreg:$0x4] =	wrdreg s4  }
0xb3: {  	[dreg:$0x5] =	wrdreg s24  }
0xb4: {  	[dreg:$0x6] =	wrdreg $0x9  }
0xb5: {  	_ =	task.clear_ibuf [dreg:s9], $0x7FFFF;
	_ =	strace $0x90000046  }
0xb6: {  	s29 =	simm.s32 $0x9;
	_ =	strace $0x80000048  }
0xb7: {  	_ =	swait.ge [sflag:s29], $0x1  }
0xb8: {  	[sflag:s29] =	ssyncadd.s32 $0xFFFFFFFF  }
0xb9: {  	_ =	strace $0x90000048  }
0xba: {  	_ =	sfence  }
0xbb: {  	s30 =	sld [smem:$0x0];
	_ =	sdelay $0x2  }
0xbc: {  	s31 =	sshll.u32 s1, $0xD;
	s1 =	sshrl.u32 s1, $0x2  }
0xbd: {  	s3 =	sand.u32 $0x4000, s31;
	s1 =	sadd.s32 s1, s30  }
0xbe: {  	s0 =	sor.u32 s3, s0;
	s1 =	sshll.u32 s1, $0x11  }
0xbf: {  	s0 =	sor.u32 s1, s0  }
0xc0: {  	s0 =	sadd.s32 $0x8F2B, s0  }
0xc1: {  	[sflag:s0] =	ssyncadd.remote.s32 $0x1  }
0xc2: {  	_ =	sfence.sel $0xFFFF  }
0xc3: {  	[dreg:$0x0] =	wrdreg $0xFFFFFFFF;
	(pc) =	sbr.abs _section_cstart, $3  }
0xc4: {  	[dreg:$0x1] =	wrdreg $0xFFFFFFFF  }
0xc5: {  	_ =	task.clear_ibuf [dreg:s9], $0x2FFFF;
	_ =	strace $0x9FFFFFFF  }
0xc6: {  	(tm) =	ssettm $0x7FFFFFFF  }
0xc7: {  	_ =	shalt  }
tec
execute0_lowered:
.L_overlay_start_1:
0x0: {  	(tag) =	ssettag $0x1  }
0x1: {  	s2 =	rddreg [dreg:$0x0]  }
0x2: {  	s3 =	rddreg [dreg:$0x1]  }
0x3: {  	s4 =	rddreg [dreg:$0x2]  }
0x4: {  	s0 =	rddreg [dreg:$0x3]  }
0x5: {  	s18 =	stileid.u32;
	s5 =	simm.s32 $0x0;
	s7 =	srdreg.scid  }
0x6: {  	s1 =	sshrl.u32 s18, $0x1;
	[smem:$0x7FF] =	sst s5;
	s7 =	sand.u32 $0x1, s7  }
0x7: {  	s12 =	sadd.s32 $0x800, s0;
	s13 =	sand.u32 $0x1, s18;
	s29 =	sadd.s32 $0x3C00, s2  }
0x8: {  	s30 =	sadd.s32 $0x7B79, s2;
	s31 =	sadd.s32 $0x3C00, s3;
	s6 =	sshll.u32 s1, $0xA  }
0x9: {  	_ =	strace $0x80000047;
	s17 =	ssub.s32 $0x2, s7;
	s19 =	smul.u32 $0x1D4C, s1  }
0xa: {  	s9 =	sshll.u32 s7, $0x1;
	s15 =	smul.u32 $0x271, s1;
	s7 =	sshll.u32 s7, $0x14  }
0xb: {  	s1 =	sshll.u32 s1, $0x10;
	s11 =	sadd.s32 s6, s0;
	s8 =	sshrl.u32 s17, $0x1  }
0xc: {  	s14 =	sor.u32 s13, s9;
	s1 =	sor.u32 s7, s1;
	s13 =	sshll.u32 s13, $0x7  }
0xd: {  	s0 =	ssub.s32 s17, s8;
	s20 =	sadd.s32 $0x1D4C, s19;
	s21 =	sshrl.u32 s19, $0x3  }
0xe: {  	s24 =	sshrl.u32 s15, $0x3;
	s15 =	sadd.s32 $0x271, s15;
	s17 =	sshll.u32 s18, $0x10  }
0xf: {  	s18 =	sshll.u32 s18, $0x7;
	s26 =	sor.u32 s13, s1;
	s19 =	sor.u32 $0x100, s13  }
0x10: {  	s10 =	sshrl.u32 s20, $0x3;
	s6 =	smin.u32 s21, $0x186A;
	s22 =	smax.u32 s21, $0x186A  }
0x11: {  	s15 =	sshrl.u32 s15, $0x3;
	s17 =	sor.u32 s17, s18;
	s20 =	sor.u32 s19, s1  }
0x12: {  	s21 =	sor.u32 $0x200, s13;
	s18 =	sand.u32 $0x80, s18;
	s0 =	smax.u32 s0, $0x1  }
0x13: {  	s23 =	smin.u32 s10, $0x186A;
	s8 =	sadd.s32 $0x271, s22;
	s16 =	smax.u32 s10, $0x186A  }
0x14: {  	s10 =	sadd.s32 $0x186A, s24;
	s17 =	sand.u32 $0x80380, s17;
	s22 =	sor.u32 $0x80000, s1  }
0x15: {  	s1 =	sor.u32 s21, s1;
	s28 =	sshrl.u32 s20, $0x3;
	[dreg:$0xf] =	wrdreg s0  }
0x16: {  	s0 =	sadd.s32 $0x3C00, s4;
	s25 =	sadd.s32 $0x271, s16;
	s7 =	sor.u32 s7, s17  }
0x17: {  	s13 =	sor.u32 s13, s22;
	s19 =	sor.u32 s19, s22;
	s21 =	sor.u32 s21, s22  }
0x18: {  	s18 =	sor.u32 s22, s18;
	s9 =	smov.u32 s23;
	s22 =	sadd.s32 $0x1FF, s23  }
0x19: {  	s17 =	sshrl.u32 s26, $0x3;
	s1 =	sshrl.u32 s1, $0x3;
	[dreg:$0x5] =	wrdreg s25  }
0x1a: {  	s7 =	sshrl.u32 s7, $0x3;
	s17 =	sadd.s32 s12, s17;
	s20 =	sshrl.u32 s13, $0x3  }
0x1b: {  	s1 =	sadd.s32 s12, s1;
	s24 =	sshrl.u32 s19, $0x3;
	s25 =	sshrl.u32 s21, $0x3  }
0x1c: {  	s26 =	sshrl.u32 s18, $0x3;
	s18 =	sadd.s32 $0x186A, s15;
	s19 =	sshrl.u32 s22, $0x9  }
0x1d: {  	s13 =	sadd.s32 $0x470, s16;
	s16 =	sshrl.u32 s6, $0x9;
	[dreg:$0x9] =	wrdreg s1  }
0x1e: {  	s22 =	sshrl.u32 s8, $0x9;
	s7 =	sadd.s32 s12, s7;
	[dreg:$0x10] =	wrdreg s16  }
0x1f: {  	s23 =	sadd.s32 s12, s20;
	s1 =	sadd.s32 s12, s24;
	[dreg:$0x11] =	wrdreg s22  }
0x20: {  	s20 =	sshrl.u32 s13, $0x9;
	p0 =	sge.u32 s16, s19;
	[dreg:$0x7] =	wrdreg s17  }
0x21: {  	s24 =	sadd.s32 $0x60, s17;
	s16 =	simm.s32 $0x10000;
	[dreg:$0x6] =	wrdreg s7  }
0x22: {  	s17 =	simm.s32 $0x12000;
	s7 =	sadd.s32 s12, s28;
	[dreg:$0xa] =	wrdreg s23  }
0x23: {  	[dreg:$0xb] =	wrdreg s1;
	s1 =	sadd.s32 s12, s25;
	s28 =	sadd.s32 s26, s12  }
0x24: {  	s12 =	sshll.u32 s14, $0xD;
	s23 =	sshrl.u32 s10, $0x9;
	[dreg:$0x13] =	wrdreg s24  }
0x25: {  	p1 =	sge.u32 s22, s20;
	s25 =	sand.u32 $0x1FF, s6;
	[dreg:$0x8] =	wrdreg s7  }
0x26: {  	s26 =	sand.u32 $0x1FF, s8;
	s22 =	simm.s32 $0x14080;
	[dreg:$0xc] =	wrdreg s1  }
0x27: {  	s24 =	simm.s32 $0x1;
	s7 =	sadd.s32 s12, s11;
	[dreg:$0x12] =	wrdreg s23  }
0x28: {  	s11 =	sshll.u32 s14, $0x7;
	s14 =	sadd.s32 $0x1A69, s15;
	[dreg:$0x14] =	wrdreg s25  }
0x29: {  	s1 =	sadd.s32 $0x60, s28;
	[dreg:$0x15] =	wrdreg s26;
	s28 =	sand.u32 $0x1FF, s10  }
0x2a: {  	s12 =	simm.s32 $0x0;
	s21 =	sshrl.u32 s14, $0x9;
	[dreg:$0xd] =	wrdreg s1  }
0x2b: {  	s15 =	sadd.s32 $0x40800, s7;
	s1 =	sadd.s32 $0x3F79, s2;
	[dreg:$0x16] =	wrdreg s28  }
0x2c: {  	v1 =	vimm.f32 $0.0e+00;
	v0 =	vmov s11;
	[dreg:$0xe] =	wrdreg s15;
	p2 =	sge.u32 s23, s21;
	s23 =	simm.s32 $0x16080  }
.LBB2_1:
0x2d: {  	[dreg:$0x17] =	wrdreg s12;
	s7 =	simm.s32 $0x0;
	s11 =	simm.s32 $0x800  }
.LBB2_2:
0x2e: {  	p3 =	sne.s32 s11, $0x3F800;
	[tilespmem:s7+$0x1F0] =	vst v1  }
0x2f: {  	[tilespmem:s7+$0x0] =	vst v1  }
0x30: {  	[tilespmem:s7+$0x10] =	vst v1  }
0x31: {  	[tilespmem:s7+$0x20] =	vst v1  }
0x32: {  	[tilespmem:s7+$0x30] =	vst v1  }
0x33: {  	[tilespmem:s7+$0x40] =	vst v1  }
0x34: {  	[tilespmem:s7+$0x50] =	vst v1  }
0x35: {  	[tilespmem:s7+$0x60] =	vst v1  }
0x36: {  	[tilespmem:s7+$0x70] =	vst v1  }
0x37: {  	[tilespmem:s7+$0x80] =	vst v1  }
0x38: {  	[tilespmem:s7+$0x90] =	vst v1  }
0x39: {  	[tilespmem:s7+$0xA0] =	vst v1  }
0x3a: {  	[tilespmem:s7+$0xB0] =	vst v1  }
0x3b: {  	[tilespmem:s7+$0xC0] =	vst v1  }
0x3c: {  	[tilespmem:s7+$0xD0] =	vst v1  }
0x3d: {  	[tilespmem:s7+$0xE0] =	vst v1  }
0x3e: {  	[tilespmem:s7+$0xF0] =	vst v1  }
0x3f: {  	[tilespmem:s7+$0x100] =	vst v1  }
0x40: {  	[tilespmem:s7+$0x110] =	vst v1  }
0x41: {  	[tilespmem:s7+$0x120] =	vst v1  }
0x42: {  	[tilespmem:s7+$0x130] =	vst v1  }
0x43: {  	[tilespmem:s7+$0x140] =	vst v1  }
0x44: {  	[tilespmem:s7+$0x150] =	vst v1  }
0x45: {  	[tilespmem:s7+$0x160] =	vst v1  }
0x46: {  	[tilespmem:s7+$0x170] =	vst v1  }
0x47: {  	[tilespmem:s7+$0x180] =	vst v1  }
0x48: {  	[tilespmem:s7+$0x190] =	vst v1  }
.Ltmp0:
0x49: {  	[tilespmem:s7+$0x1A0] =	vst v1;
	(pc) =	sbr.rel @p3 .LBB2_2-.Ltmp0, $4  }
0x4a: {  	[tilespmem:s7+$0x1B0] =	vst v1  }
0x4b: {  	[tilespmem:s7+$0x1C0] =	vst v1  }
0x4c: {  	[tilespmem:s7+$0x1D0] =	vst v1  }
0x4d: {  	[tilespmem:s7+$0x1E0] =	vst v1;
	s7 =	sshra.s32 s11, $0x2;
	s11 =	sadd.s32 $0x800, s11  }
0x4e: {  	[tilespmem:s7+$0x1F0] =	vst v1  }
0x4f: {  	[tilespmem:s7+$0x0] =	vst v1  }
0x50: {  	[tilespmem:s7+$0x10] =	vst v1  }
0x51: {  	[tilespmem:s7+$0x20] =	vst v1  }
0x52: {  	[tilespmem:s7+$0x30] =	vst v1  }
0x53: {  	[tilespmem:s7+$0x40] =	vst v1  }
0x54: {  	[tilespmem:s7+$0x50] =	vst v1  }
0x55: {  	[tilespmem:s7+$0x60] =	vst v1  }
0x56: {  	[tilespmem:s7+$0x70] =	vst v1  }
0x57: {  	[tilespmem:s7+$0x80] =	vst v1  }
0x58: {  	[tilespmem:s7+$0x90] =	vst v1  }
0x59: {  	[tilespmem:s7+$0xA0] =	vst v1  }
0x5a: {  	[tilespmem:s7+$0xB0] =	vst v1  }
0x5b: {  	[tilespmem:s7+$0xC0] =	vst v1  }
0x5c: {  	[tilespmem:s7+$0xD0] =	vst v1  }
0x5d: {  	[tilespmem:s7+$0xE0] =	vst v1  }
0x5e: {  	[tilespmem:s7+$0xF0] =	vst v1  }
0x5f: {  	[tilespmem:s7+$0x100] =	vst v1  }
0x60: {  	[tilespmem:s7+$0x110] =	vst v1  }
0x61: {  	[tilespmem:s7+$0x120] =	vst v1  }
0x62: {  	[tilespmem:s7+$0x130] =	vst v1  }
0x63: {  	[tilespmem:s7+$0x140] =	vst v1  }
0x64: {  	[tilespmem:s7+$0x150] =	vst v1  }
0x65: {  	[tilespmem:s7+$0x160] =	vst v1  }
0x66: {  	[tilespmem:s7+$0x170] =	vst v1  }
0x67: {  	[tilespmem:s7+$0x180] =	vst v1  }
0x68: {  	[tilespmem:s7+$0x190] =	vst v1  }
.Ltmp1:
0x69: {  	[tilespmem:s7+$0x1A0] =	vst v1;
	(pc) =	sbr.rel @!p0 .LBB2_4-.Ltmp1, $4  }
0x6a: {  	[tilespmem:s7+$0x1B0] =	vst v1  }
0x6b: {  	[tilespmem:s7+$0x1C0] =	vst v1  }
0x6c: {  	[tilespmem:s7+$0x1D0] =	vst v1;
	s11 =	rddreg [dreg:$0x14]  }
0x6d: {  	[tilespmem:s7+$0x1E0] =	vst v1;
	s12 =	rddreg [dreg:$0x10]  }
.LBB2_9:
.Ltmp2:
0x6e: {  	(pc) =	sbr.rel @!p1 .LBB2_10-.Ltmp2, $3  }
0x6f: {  	_ =	sdelay $0x1  }
0x70: {  	s11 =	rddreg [dreg:$0x15]  }
0x71: {  	s12 =	rddreg [dreg:$0x11]  }
.LBB2_15:
.Ltmp3:
0x72: {  	(pc) =	sbr.rel @!p2 .LBB2_16-.Ltmp3, $3  }
0x73: {  	_ =	sdelay $0x1  }
0x74: {  	s28 =	rddreg [dreg:$0x16]  }
0x75: {  	s25 =	rddreg [dreg:$0x12]  }
.LBB2_21:
0x76: {  	s7 =	simm.s32 $0x0;
	s11 =	rddreg [dreg:$0x6]  }
0x77: {  	s13 =	simm.s32 $0x80;
	s14 =	simm.s32 $0x400;
	s26 =	simm.s32 $0x3  }
0x78: {  	[hbm4b:s11+s13] =	stream.strided.scatter [tilespmem:s7], [sflag:$0x3], $0x10000, s14, s13, $0x38;
	[tilespmem:$0x1E080] =	vst v63  }
0x79: {  	_ =	swait.ge [sflag:s26], $0x10000  }
0x7a: {  	[sflag:s26] =	ssyncset.done $0x0  }
0x7b: {  	[sflag:s26] =	ssyncadd.s32 $0xFFFF0000  }
0x7c: {  	[bflag:$0x0] =	sbarrier.arrive $0xFFFF  }
0x7d: {  	s12 =	simm.s32 $0x18080;
	s28 =	rddreg [dreg:$0x7]  }
0x7e: {  	[tilespmem:s12], [sflag:$0x3] =	stream.strided.gather [hbm4b:s28+s13], $0x2000, s14, s13, $0x38;
	[tilespmem:$0x1E080] =	vst v63  }
0x7f: {  	_ =	swait.ge [sflag:s26], $0x2000  }
0x80: {  	s15 =	simm.s32 $0x1A080;
	[sflag:s26] =	ssyncset.done $0x0  }
0x81: {  	s25 =	simm.s32 $0x2;
	s12 =	rddreg [dreg:$0x8];
	[sflag:s26] =	ssyncadd.s32 $0xFFFFE000  }
0x82: {  	[tilespmem:s15], [sflag:$0x2] =	stream.strided.gather [hbm4b:s12+s13], $0x2000, s14, s13, $0x38;
	[tilespmem:$0x1E080] =	vst v63  }
0x83: {  	_ =	swait.ge [sflag:s25], $0x2000  }
0x84: {  	s7 =	simm.s32 $0x0;
	[sflag:s25] =	ssyncset.done $0x0  }
0x85: {  	s28 =	simm.s32 $0x1C080;
	s26 =	rddreg [dreg:$0x9];
	[sflag:s25] =	ssyncadd.s32 $0xFFFFE000  }
0x86: {  	[tilespmem:s28], [sflag:$0x2] =	stream.strided.gather [hbm4b:s26+s13], $0x2000, s14, s13, $0x38;
	[tilespmem:$0x1E080] =	vst v63  }
0x87: {  	v9 =	vld [tilespmem:s7+$0x1A080]  }
0x88: {  	v13 =	vld [tilespmem:s7+$0x1A090]  }
0x89: {  	v7 =	vld [tilespmem:s7+$0x1A0A0]  }
0x8a: {  	v6 =	vld [tilespmem:s7+$0x1A0B0]  }
0x8b: {  	v5 =	vld [tilespmem:s7+$0x1A0C0]  }
0x8c: {  	v4 =	vld [tilespmem:s7+$0x1A0D0]  }
0x8d: {  	v3 =	vld [tilespmem:s7+$0x1A0E0]  }
0x8e: {  	v2 =	vld [tilespmem:s7+$0x1A0F0]  }
0x8f: {  	v14 =	vld [tilespmem:s7+$0x18080]  }
0x90: {  	v15 =	vld [tilespmem:s7+$0x18090]  }
0x91: {  	v12 =	vld [tilespmem:s7+$0x180A0]  }
0x92: {  	v11 =	vld [tilespmem:s7+$0x180B0]  }
0x93: {  	v10 =	vld [tilespmem:s7+$0x180C0]  }
0x94: {  	v8 =	vld [tilespmem:s7+$0x180D0];
	v14 =	vadd.f32 v9, v14  }
0x95: {  	s11 =	simm.s32 $0x200;
	v13 =	vadd.f32 v13, v15;
	v9 =	vld [tilespmem:s7+$0x180E0]  }
.LBB2_22:
0x96: {  	s12 =	sshra.s32 s11, $0x2;
	p3 =	sne.s32 s11, $0x7E00;
	[tilespmem:s7+$0x18080] =	vst v14;
	v7 =	vadd.f32 v7, v12;
	v12 =	vld [tilespmem:s7+$0x180F0]  }
0x97: {  	v14 =	vld [tilespmem:s12+$0x1A080];
	[tilespmem:s7+$0x18090] =	vst v13;
	v6 =	vadd.f32 v6, v11  }
0x98: {  	v13 =	vld [tilespmem:s12+$0x1A090];
	[tilespmem:s7+$0x180A0] =	vst v7;
	v5 =	vadd.f32 v5, v10  }
0x99: {  	v7 =	vld [tilespmem:s12+$0x1A0A0];
	[tilespmem:s7+$0x180B0] =	vst v6;
	v4 =	vadd.f32 v4, v8  }
0x9a: {  	v6 =	vld [tilespmem:s12+$0x1A0B0];
	[tilespmem:s7+$0x180C0] =	vst v5;
	v3 =	vadd.f32 v3, v9  }
0x9b: {  	v5 =	vld [tilespmem:s12+$0x1A0C0];
	[tilespmem:s7+$0x180D0] =	vst v4;
	v2 =	vadd.f32 v2, v12  }
0x9c: {  	v4 =	vld [tilespmem:s12+$0x1A0D0];
	[tilespmem:s7+$0x180E0] =	vst v3  }
0x9d: {  	v3 =	vld [tilespmem:s12+$0x1A0E0];
	[tilespmem:s7+$0x180F0] =	vst v2;
	s7 =	smov.u32 s12  }
0x9e: {  	v2 =	vld [tilespmem:s7+$0x1A0F0]  }
0x9f: {  	v8 =	vld [tilespmem:s7+$0x18080]  }
0xa0: {  	v9 =	vld [tilespmem:s7+$0x18090]  }
.Ltmp4:
0xa1: {  	v12 =	vld [tilespmem:s7+$0x180A0];
	(pc) =	sbr.rel @p3 .LBB2_22-.Ltmp4, $4  }
0xa2: {  	v11 =	vld [tilespmem:s7+$0x180B0]  }
0xa3: {  	v10 =	vld [tilespmem:s7+$0x180C0]  }
0xa4: {  	v14 =	vadd.f32 v14, v8;
	v8 =	vld [tilespmem:s7+$0x180D0]  }
0xa5: {  	s11 =	sadd.s32 $0x200, s11;
	v13 =	vadd.f32 v13, v9;
	v9 =	vld [tilespmem:s7+$0x180E0]  }
0xa6: {  	[tilespmem:s7+$0x18080] =	vst v14;
	v7 =	vadd.f32 v7, v12;
	v12 =	vld [tilespmem:s7+$0x180F0]  }
0xa7: {  	[tilespmem:s7+$0x18090] =	vst v13;
	v6 =	vadd.f32 v6, v11  }
0xa8: {  	[tilespmem:s7+$0x180A0] =	vst v7;
	v5 =	vadd.f32 v5, v10  }
0xa9: {  	[tilespmem:s7+$0x180B0] =	vst v6;
	v4 =	vadd.f32 v4, v8  }
0xaa: {  	[tilespmem:s7+$0x180C0] =	vst v5;
	v3 =	vadd.f32 v3, v9  }
0xab: {  	[tilespmem:s7+$0x180D0] =	vst v4;
	v2 =	vadd.f32 v2, v12  }
0xac: {  	[tilespmem:s7+$0x180E0] =	vst v3  }
0xad: {  	s26 =	simm.s32 $0x2;
	[tilespmem:s7+$0x180F0] =	vst v2  }
0xae: {  	_ =	swait.ge [sflag:s26], $0x2000  }
0xaf: {  	s11 =	simm.s32 $0x1A080;
	[sflag:s26] =	ssyncset.done $0x0  }
0xb0: {  	s7 =	simm.s32 $0x0;
	s28 =	rddreg [dreg:$0x13];
	[sflag:s26] =	ssyncadd.s32 $0xFFFFE000  }
0xb1: {  	[tilespmem:s11], [sflag:$0x2] =	stream.strided.gather [hbm4b:s28+s13], $0x2000, s14, s13, $0x38;
	[tilespmem:$0x1E080] =	vst v63  }
0xb2: {  	v9 =	vld [tilespmem:s7+$0x1C080]  }
0xb3: {  	v13 =	vld [tilespmem:s7+$0x1C090]  }
0xb4: {  	v7 =	vld [tilespmem:s7+$0x1C0A0]  }
0xb5: {  	v6 =	vld [tilespmem:s7+$0x1C0B0]  }
0xb6: {  	v5 =	vld [tilespmem:s7+$0x1C0C0]  }
0xb7: {  	v4 =	vld [tilespmem:s7+$0x1C0D0]  }
0xb8: {  	v3 =	vld [tilespmem:s7+$0x1C0E0]  }
0xb9: {  	v2 =	vld [tilespmem:s7+$0x1C0F0]  }
0xba: {  	v14 =	vld [tilespmem:s7+$0x18080]  }
0xbb: {  	v15 =	vld [tilespmem:s7+$0x18090]  }
0xbc: {  	v12 =	vld [tilespmem:s7+$0x180A0]  }
0xbd: {  	v11 =	vld [tilespmem:s7+$0x180B0]  }
0xbe: {  	v10 =	vld [tilespmem:s7+$0x180C0]  }
0xbf: {  	v8 =	vld [tilespmem:s7+$0x180D0];
	v14 =	vadd.f32 v9, v14  }
0xc0: {  	s11 =	simm.s32 $0x200;
	v13 =	vadd.f32 v13, v15;
	v9 =	vld [tilespmem:s7+$0x180E0]  }
.LBB2_24:
0xc1: {  	s12 =	sshra.s32 s11, $0x2;
	p3 =	sne.s32 s11, $0x7E00;
	[tilespmem:s7+$0x18080] =	vst v14;
	v7 =	vadd.f32 v7, v12;
	v12 =	vld [tilespmem:s7+$0x180F0]  }
0xc2: {  	v14 =	vld [tilespmem:s12+$0x1C080];
	[tilespmem:s7+$0x18090] =	vst v13;
	v6 =	vadd.f32 v6, v11  }
0xc3: {  	v13 =	vld [tilespmem:s12+$0x1C090];
	[tilespmem:s7+$0x180A0] =	vst v7;
	v5 =	vadd.f32 v5, v10  }
0xc4: {  	v7 =	vld [tilespmem:s12+$0x1C0A0];
	[tilespmem:s7+$0x180B0] =	vst v6;
	v4 =	vadd.f32 v4, v8  }
0xc5: {  	v6 =	vld [tilespmem:s12+$0x1C0B0];
	[tilespmem:s7+$0x180C0] =	vst v5;
	v3 =	vadd.f32 v3, v9  }
0xc6: {  	v5 =	vld [tilespmem:s12+$0x1C0C0];
	[tilespmem:s7+$0x180D0] =	vst v4;
	v2 =	vadd.f32 v2, v12  }
0xc7: {  	v4 =	vld [tilespmem:s12+$0x1C0D0];
	[tilespmem:s7+$0x180E0] =	vst v3  }
0xc8: {  	v3 =	vld [tilespmem:s12+$0x1C0E0];
	[tilespmem:s7+$0x180F0] =	vst v2;
	s7 =	smov.u32 s12  }
0xc9: {  	v2 =	vld [tilespmem:s7+$0x1C0F0]  }
0xca: {  	v8 =	vld [tilespmem:s7+$0x18080]  }
0xcb: {  	v9 =	vld [tilespmem:s7+$0x18090]  }
.Ltmp5:
0xcc: {  	v12 =	vld [tilespmem:s7+$0x180A0];
	(pc) =	sbr.rel @p3 .LBB2_24-.Ltmp5, $4  }
0xcd: {  	v11 =	vld [tilespmem:s7+$0x180B0]  }
0xce: {  	v10 =	vld [tilespmem:s7+$0x180C0]  }
0xcf: {  	v14 =	vadd.f32 v14, v8;
	v8 =	vld [tilespmem:s7+$0x180D0]  }
0xd0: {  	s11 =	sadd.s32 $0x200, s11;
	v13 =	vadd.f32 v13, v9;
	v9 =	vld [tilespmem:s7+$0x180E0]  }
0xd1: {  	[tilespmem:s7+$0x18080] =	vst v14;
	v7 =	vadd.f32 v7, v12;
	v12 =	vld [tilespmem:s7+$0x180F0]  }
0xd2: {  	[tilespmem:s7+$0x18090] =	vst v13;
	v6 =	vadd.f32 v6, v11  }
0xd3: {  	[tilespmem:s7+$0x180A0] =	vst v7;
	v5 =	vadd.f32 v5, v10  }
0xd4: {  	[tilespmem:s7+$0x180B0] =	vst v6;
	v4 =	vadd.f32 v4, v8  }
0xd5: {  	[tilespmem:s7+$0x180C0] =	vst v5;
	v3 =	vadd.f32 v3, v9  }
0xd6: {  	[tilespmem:s7+$0x180D0] =	vst v4;
	v2 =	vadd.f32 v2, v12  }
0xd7: {  	[tilespmem:s7+$0x180E0] =	vst v3  }
0xd8: {  	s26 =	simm.s32 $0x2;
	[tilespmem:s7+$0x180F0] =	vst v2  }
0xd9: {  	_ =	swait.ge [sflag:s26], $0x2000  }
0xda: {  	s11 =	simm.s32 $0x1C080;
	[sflag:s26] =	ssyncset.done $0x0  }
0xdb: {  	s7 =	simm.s32 $0x0;
	s28 =	rddreg [dreg:$0xa];
	[sflag:s26] =	ssyncadd.s32 $0xFFFFE000  }
0xdc: {  	[tilespmem:s11], [sflag:$0x2] =	stream.strided.gather [hbm4b:s28+s13], $0x2000, s14, s13, $0x38;
	[tilespmem:$0x1E080] =	vst v63  }
0xdd: {  	v9 =	vld [tilespmem:s7+$0x1A080]  }
0xde: {  	v13 =	vld [tilespmem:s7+$0x1A090]  }
0xdf: {  	v7 =	vld [tilespmem:s7+$0x1A0A0]  }
0xe0: {  	v6 =	vld [tilespmem:s7+$0x1A0B0]  }
0xe1: {  	v5 =	vld [tilespmem:s7+$0x1A0C0]  }
0xe2: {  	v4 =	vld [tilespmem:s7+$0x1A0D0]  }
0xe3: {  	v3 =	vld [tilespmem:s7+$0x1A0E0]  }
0xe4: {  	v2 =	vld [tilespmem:s7+$0x1A0F0]  }
0xe5: {  	v14 =	vld [tilespmem:s7+$0x18080]  }
0xe6: {  	v15 =	vld [tilespmem:s7+$0x18090]  }
0xe7: {  	v12 =	vld [tilespmem:s7+$0x180A0]  }
0xe8: {  	v11 =	vld [tilespmem:s7+$0x180B0]  }
0xe9: {  	v10 =	vld [tilespmem:s7+$0x180C0]  }
0xea: {  	v8 =	vld [tilespmem:s7+$0x180D0];
	v14 =	vadd.f32 v9, v14  }
0xeb: {  	s11 =	simm.s32 $0x200;
	v13 =	vadd.f32 v13, v15;
	v9 =	vld [tilespmem:s7+$0x180E0]  }
.LBB2_26:
0xec: {  	s12 =	sshra.s32 s11, $0x2;
	p3 =	sne.s32 s11, $0x7E00;
	[tilespmem:s7+$0x18080] =	vst v14;
	v7 =	vadd.f32 v7, v12;
	v12 =	vld [tilespmem:s7+$0x180F0]  }
0xed: {  	v14 =	vld [tilespmem:s12+$0x1A080];
	[tilespmem:s7+$0x18090] =	vst v13;
	v6 =	vadd.f32 v6, v11  }
0xee: {  	v13 =	vld [tilespmem:s12+$0x1A090];
	[tilespmem:s7+$0x180A0] =	vst v7;
	v5 =	vadd.f32 v5, v10  }
0xef: {  	v7 =	vld [tilespmem:s12+$0x1A0A0];
	[tilespmem:s7+$0x180B0] =	vst v6;
	v4 =	vadd.f32 v4, v8  }
0xf0: {  	v6 =	vld [tilespmem:s12+$0x1A0B0];
	[tilespmem:s7+$0x180C0] =	vst v5;
	v3 =	vadd.f32 v3, v9  }
0xf1: {  	v5 =	vld [tilespmem:s12+$0x1A0C0];
	[tilespmem:s7+$0x180D0] =	vst v4;
	v2 =	vadd.f32 v2, v12  }
0xf2: {  	v4 =	vld [tilespmem:s12+$0x1A0D0];
	[tilespmem:s7+$0x180E0] =	vst v3  }
0xf3: {  	v3 =	vld [tilespmem:s12+$0x1A0E0];
	[tilespmem:s7+$0x180F0] =	vst v2;
	s7 =	smov.u32 s12  }
0xf4: {  	v2 =	vld [tilespmem:s7+$0x1A0F0]  }
0xf5: {  	v8 =	vld [tilespmem:s7+$0x18080]  }
0xf6: {  	v9 =	vld [tilespmem:s7+$0x18090]  }
.Ltmp6:
0xf7: {  	v12 =	vld [tilespmem:s7+$0x180A0];
	(pc) =	sbr.rel @p3 .LBB2_26-.Ltmp6, $4  }
0xf8: {  	v11 =	vld [tilespmem:s7+$0x180B0]  }
0xf9: {  	v10 =	vld [tilespmem:s7+$0x180C0]  }
0xfa: {  	v14 =	vadd.f32 v14, v8;
	v8 =	vld [tilespmem:s7+$0x180D0]  }
0xfb: {  	s11 =	sadd.s32 $0x200, s11;
	v13 =	vadd.f32 v13, v9;
	v9 =	vld [tilespmem:s7+$0x180E0]  }
0xfc: {  	[tilespmem:s7+$0x18080] =	vst v14;
	v7 =	vadd.f32 v7, v12;
	v12 =	vld [tilespmem:s7+$0x180F0]  }
0xfd: {  	[tilespmem:s7+$0x18090] =	vst v13;
	v6 =	vadd.f32 v6, v11  }
0xfe: {  	[tilespmem:s7+$0x180A0] =	vst v7;
	v5 =	vadd.f32 v5, v10  }
0xff: {  	[tilespmem:s7+$0x180B0] =	vst v6;
	v4 =	vadd.f32 v4, v8  }
0x100: {  	[tilespmem:s7+$0x180C0] =	vst v5;
	v3 =	vadd.f32 v3, v9  }
0x101: {  	[tilespmem:s7+$0x180D0] =	vst v4;
	v2 =	vadd.f32 v2, v12  }
0x102: {  	[tilespmem:s7+$0x180E0] =	vst v3  }
0x103: {  	s26 =	simm.s32 $0x2;
	[tilespmem:s7+$0x180F0] =	vst v2  }
0x104: {  	_ =	swait.ge [sflag:s26], $0x2000  }
0x105: {  	s11 =	simm.s32 $0x1A080;
	[sflag:s26] =	ssyncset.done $0x0  }
0x106: {  	s7 =	simm.s32 $0x0;
	s28 =	rddreg [dreg:$0xb];
	[sflag:s26] =	ssyncadd.s32 $0xFFFFE000  }
0x107: {  	[tilespmem:s11], [sflag:$0x2] =	stream.strided.gather [hbm4b:s28+s13], $0x2000, s14, s13, $0x38;
	[tilespmem:$0x1E080] =	vst v63  }
0x108: {  	v9 =	vld [tilespmem:s7+$0x1C080]  }
0x109: {  	v13 =	vld [tilespmem:s7+$0x1C090]  }
0x10a: {  	v7 =	vld [tilespmem:s7+$0x1C0A0]  }
0x10b: {  	v6 =	vld [tilespmem:s7+$0x1C0B0]  }
0x10c: {  	v5 =	vld [tilespmem:s7+$0x1C0C0]  }
0x10d: {  	v4 =	vld [tilespmem:s7+$0x1C0D0]  }
0x10e: {  	v3 =	vld [tilespmem:s7+$0x1C0E0]  }
0x10f: {  	v2 =	vld [tilespmem:s7+$0x1C0F0]  }
0x110: {  	v14 =	vld [tilespmem:s7+$0x18080]  }
0x111: {  	v15 =	vld [tilespmem:s7+$0x18090]  }
0x112: {  	v12 =	vld [tilespmem:s7+$0x180A0]  }
0x113: {  	v11 =	vld [tilespmem:s7+$0x180B0]  }
0x114: {  	v10 =	vld [tilespmem:s7+$0x180C0]  }
0x115: {  	v8 =	vld [tilespmem:s7+$0x180D0];
	v14 =	vadd.f32 v9, v14  }
0x116: {  	s11 =	simm.s32 $0x200;
	v13 =	vadd.f32 v13, v15;
	v9 =	vld [tilespmem:s7+$0x180E0]  }
.LBB2_28:
0x117: {  	s12 =	sshra.s32 s11, $0x2;
	p3 =	sne.s32 s11, $0x7E00;
	[tilespmem:s7+$0x18080] =	vst v14;
	v7 =	vadd.f32 v7, v12;
	v12 =	vld [tilespmem:s7+$0x180F0]  }
0x118: {  	v14 =	vld [tilespmem:s12+$0x1C080];
	[tilespmem:s7+$0x18090] =	vst v13;
	v6 =	vadd.f32 v6, v11  }
0x119: {  	v13 =	vld [tilespmem:s12+$0x1C090];
	[tilespmem:s7+$0x180A0] =	vst v7;
	v5 =	vadd.f32 v5, v10  }
0x11a: {  	v7 =	vld [tilespmem:s12+$0x1C0A0];
	[tilespmem:s7+$0x180B0] =	vst v6;
	v4 =	vadd.f32 v4, v8  }
0x11b: {  	v6 =	vld [tilespmem:s12+$0x1C0B0];
	[tilespmem:s7+$0x180C0] =	vst v5;
	v3 =	vadd.f32 v3, v9  }
0x11c: {  	v5 =	vld [tilespmem:s12+$0x1C0C0];
	[tilespmem:s7+$0x180D0] =	vst v4;
	v2 =	vadd.f32 v2, v12  }
0x11d: {  	v4 =	vld [tilespmem:s12+$0x1C0D0];
	[tilespmem:s7+$0x180E0] =	vst v3  }
0x11e: {  	v3 =	vld [tilespmem:s12+$0x1C0E0];
	[tilespmem:s7+$0x180F0] =	vst v2;
	s7 =	smov.u32 s12  }
0x11f: {  	v2 =	vld [tilespmem:s7+$0x1C0F0]  }
0x120: {  	v8 =	vld [tilespmem:s7+$0x18080]  }
0x121: {  	v9 =	vld [tilespmem:s7+$0x18090]  }
.Ltmp7:
0x122: {  	v12 =	vld [tilespmem:s7+$0x180A0];
	(pc) =	sbr.rel @p3 .LBB2_28-.Ltmp7, $4  }
0x123: {  	v11 =	vld [tilespmem:s7+$0x180B0]  }
0x124: {  	v10 =	vld [tilespmem:s7+$0x180C0]  }
0x125: {  	v14 =	vadd.f32 v14, v8;
	v8 =	vld [tilespmem:s7+$0x180D0]  }
0x126: {  	s11 =	sadd.s32 $0x200, s11;
	v13 =	vadd.f32 v13, v9;
	v9 =	vld [tilespmem:s7+$0x180E0]  }
0x127: {  	[tilespmem:s7+$0x18080] =	vst v14;
	v7 =	vadd.f32 v7, v12;
	v12 =	vld [tilespmem:s7+$0x180F0]  }
0x128: {  	[tilespmem:s7+$0x18090] =	vst v13;
	v6 =	vadd.f32 v6, v11  }
0x129: {  	[tilespmem:s7+$0x180A0] =	vst v7;
	v5 =	vadd.f32 v5, v10  }
0x12a: {  	[tilespmem:s7+$0x180B0] =	vst v6;
	v4 =	vadd.f32 v4, v8  }
0x12b: {  	[tilespmem:s7+$0x180C0] =	vst v5;
	v3 =	vadd.f32 v3, v9  }
0x12c: {  	[tilespmem:s7+$0x180D0] =	vst v4;
	v2 =	vadd.f32 v2, v12  }
0x12d: {  	[tilespmem:s7+$0x180E0] =	vst v3  }
0x12e: {  	s26 =	simm.s32 $0x2;
	[tilespmem:s7+$0x180F0] =	vst v2  }
0x12f: {  	_ =	swait.ge [sflag:s26], $0x2000  }
0x130: {  	s11 =	simm.s32 $0x1C080;
	[sflag:s26] =	ssyncset.done $0x0  }
0x131: {  	s7 =	simm.s32 $0x0;
	s28 =	rddreg [dreg:$0xc];
	[sflag:s26] =	ssyncadd.s32 $0xFFFFE000  }
0x132: {  	[tilespmem:s11], [sflag:$0x2] =	stream.strided.gather [hbm4b:s28+s13], $0x2000, s14, s13, $0x38;
	[tilespmem:$0x1E080] =	vst v63  }
0x133: {  	v9 =	vld [tilespmem:s7+$0x1A080]  }
0x134: {  	v13 =	vld [tilespmem:s7+$0x1A090]  }
0x135: {  	v7 =	vld [tilespmem:s7+$0x1A0A0]  }
0x136: {  	v6 =	vld [tilespmem:s7+$0x1A0B0]  }
0x137: {  	v5 =	vld [tilespmem:s7+$0x1A0C0]  }
0x138: {  	v4 =	vld [tilespmem:s7+$0x1A0D0]  }
0x139: {  	v3 =	vld [tilespmem:s7+$0x1A0E0]  }
0x13a: {  	v2 =	vld [tilespmem:s7+$0x1A0F0]  }
0x13b: {  	v14 =	vld [tilespmem:s7+$0x18080]  }
0x13c: {  	v15 =	vld [tilespmem:s7+$0x18090]  }
0x13d: {  	v12 =	vld [tilespmem:s7+$0x180A0]  }
0x13e: {  	v11 =	vld [tilespmem:s7+$0x180B0]  }
0x13f: {  	v10 =	vld [tilespmem:s7+$0x180C0]  }
0x140: {  	v8 =	vld [tilespmem:s7+$0x180D0];
	v14 =	vadd.f32 v9, v14  }
0x141: {  	s11 =	simm.s32 $0x200;
	v13 =	vadd.f32 v13, v15;
	v9 =	vld [tilespmem:s7+$0x180E0]  }
.LBB2_30:
0x142: {  	s12 =	sshra.s32 s11, $0x2;
	p3 =	sne.s32 s11, $0x7E00;
	[tilespmem:s7+$0x18080] =	vst v14;
	v7 =	vadd.f32 v7, v12;
	v12 =	vld [tilespmem:s7+$0x180F0]  }
0x143: {  	v14 =	vld [tilespmem:s12+$0x1A080];
	[tilespmem:s7+$0x18090] =	vst v13;
	v6 =	vadd.f32 v6, v11  }
0x144: {  	v13 =	vld [tilespmem:s12+$0x1A090];
	[tilespmem:s7+$0x180A0] =	vst v7;
	v5 =	vadd.f32 v5, v10  }
0x145: {  	v7 =	vld [tilespmem:s12+$0x1A0A0];
	[tilespmem:s7+$0x180B0] =	vst v6;
	v4 =	vadd.f32 v4, v8  }
0x146: {  	v6 =	vld [tilespmem:s12+$0x1A0B0];
	[tilespmem:s7+$0x180C0] =	vst v5;
	v3 =	vadd.f32 v3, v9  }
0x147: {  	v5 =	vld [tilespmem:s12+$0x1A0C0];
	[tilespmem:s7+$0x180D0] =	vst v4;
	v2 =	vadd.f32 v2, v12  }
0x148: {  	v4 =	vld [tilespmem:s12+$0x1A0D0];
	[tilespmem:s7+$0x180E0] =	vst v3  }
0x149: {  	v3 =	vld [tilespmem:s12+$0x1A0E0];
	[tilespmem:s7+$0x180F0] =	vst v2;
	s7 =	smov.u32 s12  }
0x14a: {  	v2 =	vld [tilespmem:s7+$0x1A0F0]  }
0x14b: {  	v8 =	vld [tilespmem:s7+$0x18080]  }
0x14c: {  	v9 =	vld [tilespmem:s7+$0x18090]  }
.Ltmp8:
0x14d: {  	v12 =	vld [tilespmem:s7+$0x180A0];
	(pc) =	sbr.rel @p3 .LBB2_30-.Ltmp8, $4  }
0x14e: {  	v11 =	vld [tilespmem:s7+$0x180B0]  }
0x14f: {  	v10 =	vld [tilespmem:s7+$0x180C0]  }
0x150: {  	v14 =	vadd.f32 v14, v8;
	v8 =	vld [tilespmem:s7+$0x180D0]  }
0x151: {  	s11 =	sadd.s32 $0x200, s11;
	v13 =	vadd.f32 v13, v9;
	v9 =	vld [tilespmem:s7+$0x180E0]  }
0x152: {  	[tilespmem:s7+$0x18080] =	vst v14;
	v7 =	vadd.f32 v7, v12;
	v12 =	vld [tilespmem:s7+$0x180F0]  }
0x153: {  	[tilespmem:s7+$0x18090] =	vst v13;
	v6 =	vadd.f32 v6, v11  }
0x154: {  	[tilespmem:s7+$0x180A0] =	vst v7;
	v5 =	vadd.f32 v5, v10  }
0x155: {  	[tilespmem:s7+$0x180B0] =	vst v6;
	v4 =	vadd.f32 v4, v8  }
0x156: {  	[tilespmem:s7+$0x180C0] =	vst v5;
	v3 =	vadd.f32 v3, v9  }
0x157: {  	[tilespmem:s7+$0x180D0] =	vst v4;
	v2 =	vadd.f32 v2, v12  }
0x158: {  	[tilespmem:s7+$0x180E0] =	vst v3  }
0x159: {  	s26 =	simm.s32 $0x2;
	[tilespmem:s7+$0x180F0] =	vst v2  }
0x15a: {  	_ =	swait.ge [sflag:s26], $0x2000  }
0x15b: {  	s11 =	simm.s32 $0x1A080;
	[sflag:s26] =	ssyncset.done $0x0  }
0x15c: {  	s7 =	simm.s32 $0x0;
	s28 =	rddreg [dreg:$0xd];
	[sflag:s26] =	ssyncadd.s32 $0xFFFFE000  }
0x15d: {  	[tilespmem:s11], [sflag:$0x2] =	stream.strided.gather [hbm4b:s28+s13], $0x2000, s14, s13, $0x38;
	[tilespmem:$0x1E080] =	vst v63  }
0x15e: {  	v9 =	vld [tilespmem:s7+$0x1C080]  }
0x15f: {  	v13 =	vld [tilespmem:s7+$0x1C090]  }
0x160: {  	v7 =	vld [tilespmem:s7+$0x1C0A0]  }
0x161: {  	v6 =	vld [tilespmem:s7+$0x1C0B0]  }
0x162: {  	v5 =	vld [tilespmem:s7+$0x1C0C0]  }
0x163: {  	v4 =	vld [tilespmem:s7+$0x1C0D0]  }
0x164: {  	v3 =	vld [tilespmem:s7+$0x1C0E0]  }
0x165: {  	v2 =	vld [tilespmem:s7+$0x1C0F0]  }
0x166: {  	v14 =	vld [tilespmem:s7+$0x18080]  }
0x167: {  	v15 =	vld [tilespmem:s7+$0x18090]  }
0x168: {  	v12 =	vld [tilespmem:s7+$0x180A0]  }
0x169: {  	v11 =	vld [tilespmem:s7+$0x180B0]  }
0x16a: {  	v10 =	vld [tilespmem:s7+$0x180C0]  }
0x16b: {  	v8 =	vld [tilespmem:s7+$0x180D0];
	v14 =	vadd.f32 v9, v14  }
0x16c: {  	s11 =	simm.s32 $0x200;
	v13 =	vadd.f32 v13, v15;
	v9 =	vld [tilespmem:s7+$0x180E0]  }
.LBB2_32:
0x16d: {  	s12 =	sshra.s32 s11, $0x2;
	p3 =	sne.s32 s11, $0x7E00;
	[tilespmem:s7+$0x18080] =	vst v14;
	v7 =	vadd.f32 v7, v12;
	v12 =	vld [tilespmem:s7+$0x180F0]  }
0x16e: {  	v14 =	vld [tilespmem:s12+$0x1C080];
	[tilespmem:s7+$0x18090] =	vst v13;
	v6 =	vadd.f32 v6, v11  }
0x16f: {  	v13 =	vld [tilespmem:s12+$0x1C090];
	[tilespmem:s7+$0x180A0] =	vst v7;
	v5 =	vadd.f32 v5, v10  }
0x170: {  	v7 =	vld [tilespmem:s12+$0x1C0A0];
	[tilespmem:s7+$0x180B0] =	vst v6;
	v4 =	vadd.f32 v4, v8  }
0x171: {  	v6 =	vld [tilespmem:s12+$0x1C0B0];
	[tilespmem:s7+$0x180C0] =	vst v5;
	v3 =	vadd.f32 v3, v9  }
0x172: {  	v5 =	vld [tilespmem:s12+$0x1C0C0];
	[tilespmem:s7+$0x180D0] =	vst v4;
	v2 =	vadd.f32 v2, v12  }
0x173: {  	v4 =	vld [tilespmem:s12+$0x1C0D0];
	[tilespmem:s7+$0x180E0] =	vst v3  }
0x174: {  	v3 =	vld [tilespmem:s12+$0x1C0E0];
	[tilespmem:s7+$0x180F0] =	vst v2;
	s7 =	smov.u32 s12  }
0x175: {  	v2 =	vld [tilespmem:s7+$0x1C0F0]  }
0x176: {  	v8 =	vld [tilespmem:s7+$0x18080]  }
0x177: {  	v9 =	vld [tilespmem:s7+$0x18090]  }
.Ltmp9:
0x178: {  	v12 =	vld [tilespmem:s7+$0x180A0];
	(pc) =	sbr.rel @p3 .LBB2_32-.Ltmp9, $4  }
0x179: {  	v11 =	vld [tilespmem:s7+$0x180B0]  }
0x17a: {  	v10 =	vld [tilespmem:s7+$0x180C0]  }
0x17b: {  	v14 =	vadd.f32 v14, v8;
	v8 =	vld [tilespmem:s7+$0x180D0]  }
0x17c: {  	s11 =	sadd.s32 $0x200, s11;
	v13 =	vadd.f32 v13, v9;
	v9 =	vld [tilespmem:s7+$0x180E0]  }
0x17d: {  	[tilespmem:s7+$0x18080] =	vst v14;
	v7 =	vadd.f32 v7, v12;
	v12 =	vld [tilespmem:s7+$0x180F0]  }
0x17e: {  	[tilespmem:s7+$0x18090] =	vst v13;
	v6 =	vadd.f32 v6, v11  }
0x17f: {  	[tilespmem:s7+$0x180A0] =	vst v7;
	v5 =	vadd.f32 v5, v10  }
0x180: {  	[tilespmem:s7+$0x180B0] =	vst v6;
	v4 =	vadd.f32 v4, v8  }
0x181: {  	[tilespmem:s7+$0x180C0] =	vst v5;
	v3 =	vadd.f32 v3, v9  }
0x182: {  	[tilespmem:s7+$0x180D0] =	vst v4;
	v2 =	vadd.f32 v2, v12  }
0x183: {  	[tilespmem:s7+$0x180E0] =	vst v3  }
0x184: {  	s28 =	simm.s32 $0x2;
	[tilespmem:s7+$0x180F0] =	vst v2  }
0x185: {  	_ =	swait.ge [sflag:s28], $0x2000  }
0x186: {  	[sflag:s28] =	ssyncset.done $0x0  }
0x187: {  	s7 =	simm.s32 $0x0;
	[sflag:s28] =	ssyncadd.s32 $0xFFFFE000  }
0x188: {  	v9 =	vld [tilespmem:s7+$0x1A080]  }
0x189: {  	v13 =	vld [tilespmem:s7+$0x1A090]  }
0x18a: {  	v7 =	vld [tilespmem:s7+$0x1A0A0]  }
0x18b: {  	v6 =	vld [tilespmem:s7+$0x1A0B0]  }
0x18c: {  	v5 =	vld [tilespmem:s7+$0x1A0C0]  }
0x18d: {  	v4 =	vld [tilespmem:s7+$0x1A0D0]  }
0x18e: {  	v3 =	vld [tilespmem:s7+$0x1A0E0]  }
0x18f: {  	v2 =	vld [tilespmem:s7+$0x1A0F0]  }
0x190: {  	v14 =	vld [tilespmem:s7+$0x18080]  }
0x191: {  	v15 =	vld [tilespmem:s7+$0x18090]  }
0x192: {  	v12 =	vld [tilespmem:s7+$0x180A0]  }
0x193: {  	v11 =	vld [tilespmem:s7+$0x180B0]  }
0x194: {  	v10 =	vld [tilespmem:s7+$0x180C0]  }
0x195: {  	v8 =	vld [tilespmem:s7+$0x180D0];
	v14 =	vadd.f32 v9, v14  }
0x196: {  	s11 =	simm.s32 $0x200;
	v13 =	vadd.f32 v13, v15;
	v9 =	vld [tilespmem:s7+$0x180E0]  }
.LBB2_34:
0x197: {  	s12 =	sshra.s32 s11, $0x2;
	p3 =	sne.s32 s11, $0x7E00;
	[tilespmem:s7+$0x18080] =	vst v14;
	v7 =	vadd.f32 v7, v12;
	v12 =	vld [tilespmem:s7+$0x180F0]  }
0x198: {  	v14 =	vld [tilespmem:s12+$0x1A080];
	[tilespmem:s7+$0x18090] =	vst v13;
	v6 =	vadd.f32 v6, v11  }
0x199: {  	v13 =	vld [tilespmem:s12+$0x1A090];
	[tilespmem:s7+$0x180A0] =	vst v7;
	v5 =	vadd.f32 v5, v10  }
0x19a: {  	v7 =	vld [tilespmem:s12+$0x1A0A0];
	[tilespmem:s7+$0x180B0] =	vst v6;
	v4 =	vadd.f32 v4, v8  }
0x19b: {  	v6 =	vld [tilespmem:s12+$0x1A0B0];
	[tilespmem:s7+$0x180C0] =	vst v5;
	v3 =	vadd.f32 v3, v9  }
0x19c: {  	v5 =	vld [tilespmem:s12+$0x1A0C0];
	[tilespmem:s7+$0x180D0] =	vst v4;
	v2 =	vadd.f32 v2, v12  }
0x19d: {  	v4 =	vld [tilespmem:s12+$0x1A0D0];
	[tilespmem:s7+$0x180E0] =	vst v3  }
0x19e: {  	v3 =	vld [tilespmem:s12+$0x1A0E0];
	[tilespmem:s7+$0x180F0] =	vst v2;
	s7 =	smov.u32 s12  }
0x19f: {  	v2 =	vld [tilespmem:s7+$0x1A0F0]  }
0x1a0: {  	v8 =	vld [tilespmem:s7+$0x18080]  }
0x1a1: {  	v9 =	vld [tilespmem:s7+$0x18090]  }
.Ltmp10:
0x1a2: {  	v12 =	vld [tilespmem:s7+$0x180A0];
	(pc) =	sbr.rel @p3 .LBB2_34-.Ltmp10, $4  }
0x1a3: {  	v11 =	vld [tilespmem:s7+$0x180B0]  }
0x1a4: {  	v10 =	vld [tilespmem:s7+$0x180C0]  }
0x1a5: {  	v14 =	vadd.f32 v14, v8;
	v8 =	vld [tilespmem:s7+$0x180D0]  }
0x1a6: {  	s11 =	sadd.s32 $0x200, s11;
	v13 =	vadd.f32 v13, v9;
	v9 =	vld [tilespmem:s7+$0x180E0]  }
0x1a7: {  	[tilespmem:s7+$0x18080] =	vst v14;
	v7 =	vadd.f32 v7, v12;
	v63 =	vld [tilespmem:s7+$0x180F0]  }
0x1a8: {  	[tilespmem:s7+$0x18090] =	vst v13;
	v6 =	vadd.f32 v6, v11  }
0x1a9: {  	[tilespmem:s7+$0x180A0] =	vst v7;
	v5 =	vadd.f32 v5, v10  }
0x1aa: {  	[tilespmem:s7+$0x180B0] =	vst v6;
	v4 =	vadd.f32 v4, v8  }
0x1ab: {  	[tilespmem:s7+$0x180C0] =	vst v5;
	v3 =	vadd.f32 v3, v9  }
0x1ac: {  	[tilespmem:s7+$0x180D0] =	vst v4;
	v2 =	vadd.f32 v2, v63  }
0x1ad: {  	[tilespmem:s7+$0x180E0] =	vst v3  }
0x1ae: {  	s25 =	rddreg [dreg:$0xe];
	s11 =	simm.s32 $0x18080;
	s26 =	simm.s32 $0x3;
	[tilespmem:s7+$0x180F0] =	vst v2  }
0x1af: {  	[hbm4b:s25+s5] =	stream.linear.scatter [tilespmem:s11], [sflag:$0x3], $0x2000, $0x38;
	[tilespmem:$0x1E080] =	vst v63  }
0x1b0: {  	_ =	swait.ge [sflag:s26], $0x2000  }
0x1b1: {  	s12 =	rddreg [dreg:$0x17]  }
0x1b2: {  	s28 =	rddreg [dreg:$0xf];
	s12 =	sadd.s32 $0x1, s12  }
0x1b3: {  	p3 =	sne.s32 s12, s28  }
.Ltmp11:
0x1b4: {  	_ = 	snop;
	(pc) =	sbr.rel @p3 .LBB2_1-.Ltmp11, $4  }
.Ltmp12:
0x1b5: {  	_ = 	snop;
	(pc) =	sbr.rel @!p3 .LBB2_36-.Ltmp12, $4  }
0x1b6: {  	_ = 	snop  }
0x1b7: {  	[sflag:s26] =	ssyncset.done $0x0  }
0x1b8: {  	[sflag:s26] =	ssyncadd.s32 $0xFFFFE000  }
0x1b9: {  	_ = 	snop  }
.LBB2_7:
0x1ba: {  	_ =	sdelay $0x4  }
0x1bb: {  	[tilespmem:v5+s5+$0x0] =	vst.idx.add.f32.msk vm0, v10  }
0x1bc: {  	v2 =	vmul.f32 v2, v7;
	[tilespmem:v6+s5+$0x0] =	vst.idx.add.f32.msk vm1, v9  }
0x1bd: {  	[tilespmem:v4+s5+$0x0] =	vst.idx.add.f32.msk vm1, v8  }
0x1be: {  	[tilespmem:v3+s5+$0x0] =	vst.idx.add.f32.msk vm1, v2  }
.LBB2_8:
0x1bf: {  	s12 =	sadd.s32 $0x1, s12  }
0x1c0: {  	p3 =	sne.s32 s12, s19  }
.Ltmp13:
0x1c1: {  	_ = 	snop;
	(pc) =	sbr.rel @!p3 .LBB2_9-.Ltmp13, $2  }
0x1c2: {  	_ =	sdelay $0x2  }
0x1c3: {  	s11 =	sadd.s32 $0xFFFFFE00, s11  }
.LBB2_4:
0x1c4: {  	s7 =	sshll.u32 s12, $0xD  }
0x1c5: {  	s13 =	sshrl.u32 s7, $0x3;
	s7 =	sadd.s32 $0x1FBC8, s7  }
0x1c6: {  	s14 =	sadd.s32 s2, s13;
	s7 =	sshrl.u32 s7, $0x3  }
0x1c7: {  	[tilespmem:s16], [sflag:$0x1] =	stream.linear.gather [hbm4b:s14+s5], $0x2000, $0x38;
	[tilespmem:$0x1E080] =	vst v63  }
0x1c8: {  	s7 =	sadd.s32 s2, s7  }
0x1c9: {  	[tilespmem:s17], [sflag:$0x1] =	stream.linear.gather [hbm4b:s7+s5], $0x2010, $0x38;
	[tilespmem:$0x1E080] =	vst v63  }
0x1ca: {  	s25 =	sadd.s32 s3, s13  }
0x1cb: {  	[tilespmem:s22], [sflag:$0x1] =	stream.linear.gather [hbm4b:s25+s5], $0x2000, $0x38;
	[tilespmem:$0x1E080] =	vst v63  }
0x1cc: {  	s26 =	sadd.s32 s4, s13  }
0x1cd: {  	[tilespmem:s23], [sflag:$0x1] =	stream.linear.gather [hbm4b:s26+s5], $0x2000, $0x38;
	[tilespmem:$0x1E080] =	vst v63  }
0x1ce: {  	_ =	swait.ge [sflag:s24], $0x2000  }
0x1cf: {  	s28 =	sshll.u32 s12, $0x9;
	[sflag:s24] =	ssyncset.done $0x0  }
0x1d0: {  	s13 =	ssub.s32 s9, s28;
	[sflag:s24] =	ssyncadd.s32 $0xFFFFE000  }
0x1d1: {  	p3 =	sgt.s32 s13, $0x0;
	s7 =	ssub.s32 s6, s28;
	_ =	swait.ge [sflag:s24], $0x2010  }
0x1d2: {  	s13 =	simm.s32 @!p3 $0x0;
	p3 =	sgt.s32 s7, $0x0;
	[sflag:s24] =	ssyncset.done $0x0  }
0x1d3: {  	s14 =	smin.u32 s13, $0x200;
	s7 =	simm.s32 @!p3 $0x0;
	[sflag:s24] =	ssyncadd.s32 $0xFFFFDFF0  }
0x1d4: {  	p3 =	sge.u32 s7, s14;
	_ =	swait.ge [sflag:s24], $0x2000  }
.Ltmp14:
0x1d5: {  	[sflag:s24] =	ssyncset.done $0x0;
	(pc) =	sbr.rel @p3 .LBB2_8-.Ltmp14, $4  }
0x1d6: {  	[sflag:s24] =	ssyncadd.s32 $0xFFFFE000  }
0x1d7: {  	_ =	swait.ge [sflag:s24], $0x2000  }
0x1d8: {  	[sflag:s24] =	ssyncset.done $0x0  }
0x1d9: {  	[sflag:s24] =	ssyncadd.s32 $0xFFFFE000  }
0x1da: {  	p3 =	sgt.s32 s11, $0x0;
	s13 =	smov.u32 s11  }
0x1db: {  	s13 =	simm.s32 @!p3 $0x0  }
0x1dc: {  	s13 =	sshll.u32 s13, $0x6  }
0x1dd: {  	s13 =	sshra.s32 s13, $0x2  }
0x1de: {  	s26 =	sadd.s32 $0x16080, s13  }
0x1df: {  	s15 =	sadd.s32 $0x14080, s13;
	v2 =	vld [tilespmem:s26+$0x0]  }
0x1e0: {  	v3 =	vld [tilespmem:s15+$0x0];
	_ =	sdelay $0x2  }
0x1e1: {  	s25 =	sadd.s32 $0x12008, s13  }
0x1e2: {  	s28 =	sadd.s32 $0x10000, s13;
	v4 =	vld [tilespmem:s25+$0x0];
	v5 =	vmax.f32 v2, $1.414213540e+00  }
0x1e3: {  	v6 =	vld [tilespmem:s28+$0x0];
	v7 =	vmax.f32 v3, $1.414213540e+00;
	v8 =	vsub.f32 v2, v5  }
0x1e4: {  	v9 =	vsub.f32 v3, v7  }
0x1e5: {  	v8 =	vmul.f32 $5.000000000e-01, v8  }
0x1e6: {  	v9 =	vmul.f32 $5.000000000e-01, v9  }
0x1e7: {  	v4 =	vadd.f32 v8, v4  }
0x1e8: {  	v8 =	vmul.f32 v5, v7;
	v6 =	vadd.f32 v9, v6  }
0x1e9: {  	v9 =	vadd.f32 $1.000000000e+00, v4  }
0x1ea: {  	(erf) = vrcp.f32 v8;
	v8 =	vadd.f32 $1.000000000e+00, v6  }
0x1eb: {  	v9 =	vtrunc.f32 v9  }
0x1ec: {  	v8 =	vtrunc.f32 v8;
	v9 =	vcvt.f32.s32 v9  }
0x1ed: {  	v8 =	vcvt.f32.s32 v8  }
0x1ee: {  	v10 =	vadd.s32 $0xFFFFFFFF, v9  }
0x1ef: {  	v2 =	vmul.f32 v2, v3;
	v3 =	vadd.s32 $0xFFFFFFFF, v8;
	v8 =	vcvt.s32.f32 v10  }
0x1f0: {  	v11 =	vcvt.s32.f32 v3  }
0x1f1: {  	v12 =	vadd.s32 $0x1, v9;
	v4 =	vsub.f32 v4, v8  }
0x1f2: {  	vm1 =	vgt.s32 v10, $0xFFFFFFFF;
	v3 =	vsub.s32 v3, v0;
	v6 =	vsub.f32 v6, v11  }
0x1f3: {  	v10 =	vand.u32 $0x1FF, v10;
	v13 =	vshll.u32 v3, $0x9;
	v5 =	vadd.f32 v4, v5  }
0x1f4: {  	v16 =	vadd.s32 $0x2, v3;
	vm2 =	vlt.u32 v3, $0x80;
	v14 =	vpop (erf);
	v7 =	vadd.f32 v6, v7  }
0x1f5: {  	v8 =	vadd.s32 $0x1, v3;
	v14 =	vmul.f32 v14, v2;
	v2 =	vmin.f32 v5, $1.000000000e+00  }
0x1f6: {  	v15 =	vadd.s32 v9, v13;
	v20 =	vmin.f32 v7, $1.000000000e+00;
	v4 =	vsub.f32 v2, v4  }
0x1f7: {  	v62 =	vor.u32 v10, v13;
	v2 =	vsub.f32 v20, v6;
	v6 =	vadd.f32 $-1.000000000e+00, v7  }
0x1f8: {  	v13 =	vadd.s32 v12, v13;
	v11 =	vshll.u32 v8, $0x9;
	v18 =	vadd.f32 $-1.000000000e+00, v5  }
0x1f9: {  	v3 =	vadd.f32 $-2.000000000e+00, v5;
	v5 =	vclamp.gez.f32 v6, $1.000000000e+00;
	v6 =	vmul.f32 v2, v14  }
0x1fa: {  	vm0 =	vlt.u32 v8, $0x80;
	v8 =	vclamp.gez.f32 v18, $1.000000000e+00;
	v63 =	vnsel vm1, $0x0, v4  }
0x1fb: {  	v19 =	vshll.u32 v16, $0x9;
	v2 =	vclamp.gez.f32 v3, $1.000000000e+00;
	v3 =	vmul.f32 v63, v6  }
0x1fc: {  	s13 =	sadd.s32 $0x1, s7;
	v17 =	vadd.s32 v9, v11;
	v22 =	vor.u32 v10, v11;
	v21 =	vmul.f32 v8, v6  }
0x1fd: {  	p3 =	slt.u32 s13, s14;
	v7 =	vadd.f32 $-2.000000000e+00, v7;
	v23 =	vmul.f32 v5, v14;
	v6 =	vmul.f32 v2, v6;
	[tilespmem:v62+s5+$0x0] =	vst.idx.add.f32.msk vm2, v3  }
.Ltmp15:
0x1fe: {  	v4 =	vadd.s32 v9, v19;
	vm1 =	vlt.u32 v16, $0x80;
	v5 =	vadd.s32 v12, v11;
	[tilespmem:v15+s5+$0x0] =	vst.idx.add.f32.msk vm2, v21;
	(pc) =	sbr.rel @!p3 .LBB2_7-.Ltmp15, $4  }
0x1ff: {  	v7 =	vclamp.gez.f32 v7, $1.000000000e+00;
	v9 =	vmul.f32 v63, v23;
	[tilespmem:v13+s5+$0x0] =	vst.idx.add.f32.msk vm2, v6;
	v6 =	vor.u32 v10, v19  }
0x200: {  	v7 =	vmul.f32 v7, v14;
	v11 =	vmul.f32 v8, v23  }
0x201: {  	v3 =	vadd.s32 v12, v19;
	v10 =	vmul.f32 v2, v23;
	[tilespmem:v22+s5+$0x0] =	vst.idx.add.f32.msk vm0, v9  }
0x202: {  	s15 =	sadd.s32 $0x10, s15;
	s26 =	sadd.s32 $0x10, s26;
	v8 =	vmul.f32 v8, v7;
	v9 =	vmul.f32 v63, v7;
	[tilespmem:v17+s5+$0x0] =	vst.idx.add.f32.msk vm0, v11  }
.LBB2_6:
0x203: {  	s13 =	sadd.s32 $0x1, s13;
	[tilespmem:v5+s5+$0x0] =	vst.idx.add.f32.msk vm0, v10;
	v2 =	vmul.f32 v2, v7;
	s25 =	sadd.s32 $0x10, s25;
	s28 =	sadd.s32 $0x10, s28  }
0x204: {  	p3 =	slt.u32 s13, s14;
	[tilespmem:v6+s5+$0x0] =	vst.idx.add.f32.msk vm1, v9  }
0x205: {  	[tilespmem:v4+s5+$0x0] =	vst.idx.add.f32.msk vm1, v8  }
0x206: {  	[tilespmem:v3+s5+$0x0] =	vst.idx.add.f32.msk vm1, v2  }
0x207: {  	v2 =	vld [tilespmem:s26+$0x0]  }
0x208: {  	v3 =	vld [tilespmem:s15+$0x0];
	_ =	sdelay $0x1  }
0x209: {  	v4 =	vld [tilespmem:s28+$0x0]  }
0x20a: {  	v5 =	vld [tilespmem:s25+$0x0]  }
0x20b: {  	v6 =	vmax.f32 v2, $1.414213540e+00  }
0x20c: {  	v7 =	vmax.f32 v3, $1.414213540e+00;
	v8 =	vsub.f32 v2, v6;
	v2 =	vmul.f32 v2, v3  }
0x20d: {  	v3 =	vsub.f32 v3, v7;
	v9 =	vmul.f32 v6, v7  }
0x20e: {  	v8 =	vmul.f32 $5.000000000e-01, v8  }
0x20f: {  	v3 =	vmul.f32 $5.000000000e-01, v3;
	(erf) = vrcp.f32 v9  }
0x210: {  	v5 =	vadd.f32 v8, v5  }
0x211: {  	v3 =	vadd.f32 v3, v4  }
0x212: {  	v4 =	vadd.f32 $1.000000000e+00, v5  }
0x213: {  	v8 =	vadd.f32 $1.000000000e+00, v3  }
0x214: {  	v4 =	vtrunc.f32 v4  }
0x215: {  	v8 =	vtrunc.f32 v8;
	v4 =	vcvt.f32.s32 v4  }
0x216: {  	v8 =	vcvt.f32.s32 v8  }
0x217: {  	v9 =	vadd.s32 $0xFFFFFFFF, v4  }
0x218: {  	v8 =	vadd.s32 $0xFFFFFFFF, v8;
	v10 =	vcvt.s32.f32 v9;
	vm1 =	vgt.s32 v9, $0xFFFFFFFF;
	v11 =	vpop (erf)  }
0x219: {  	v13 =	vadd.s32 $0x1, v4;
	v12 =	vcvt.s32.f32 v8;
	v8 =	vsub.s32 v8, v0  }
0x21a: {  	v5 =	vsub.f32 v5, v10;
	v10 =	vadd.s32 $0x1, v8;
	v14 =	vshll.u32 v8, $0x9  }
0x21b: {  	v3 =	vsub.f32 v3, v12;
	v12 =	vshll.u32 v10, $0x9;
	v15 =	vadd.s32 v4, v14  }
0x21c: {  	v16 =	vadd.s32 $0x2, v8;
	v6 =	vadd.f32 v5, v6;
	v17 =	vadd.s32 v4, v12  }
0x21d: {  	v11 =	vmul.f32 v11, v2;
	v2 =	vadd.f32 v3, v7;
	v7 =	vand.u32 $0x1FF, v9  }
0x21e: {  	v19 =	vshll.u32 v16, $0x9;
	v9 =	vmin.f32 v6, $1.000000000e+00;
	v18 =	vadd.f32 $-1.000000000e+00, v6  }
0x21f: {  	v20 =	vmin.f32 v2, $1.000000000e+00;
	v21 =	vadd.f32 $-2.000000000e+00, v2;
	v5 =	vsub.f32 v9, v5  }
0x220: {  	vm2 =	vlt.u32 v8, $0x80;
	v2 =	vadd.f32 $-1.000000000e+00, v2;
	v3 =	vsub.f32 v20, v3  }
0x221: {  	v6 =	vadd.f32 $-2.000000000e+00, v6;
	v8 =	vor.u32 v7, v14;
	v9 =	vadd.s32 v13, v14  }
0x222: {  	vm0 =	vlt.u32 v10, $0x80;
	v14 =	vclamp.gez.f32 v2, $1.000000000e+00;
	v3 =	vmul.f32 v3, v11  }
0x223: {  	v18 =	vclamp.gez.f32 v18, $1.000000000e+00;
	v2 =	vclamp.gez.f32 v6, $1.000000000e+00;
	v20 =	vnsel vm1, $0x0, v5  }
0x224: {  	v22 =	vor.u32 v7, v12;
	v6 =	vmul.f32 v20, v3;
	v10 =	vmul.f32 v18, v3  }
0x225: {  	v5 =	vadd.s32 v13, v12;
	v14 =	vmul.f32 v14, v11;
	v23 =	vmul.f32 v2, v3  }
.Ltmp16:
0x226: {  	v4 =	vadd.s32 v4, v19;
	vm1 =	vlt.u32 v16, $0x80;
	v3 =	vadd.s32 v13, v19;
	[tilespmem:v8+s5+$0x0] =	vst.idx.add.f32.msk vm2, v6;
	(pc) =	sbr.rel @p3 .LBB2_6-.Ltmp16, $4  }
0x227: {  	v8 =	vclamp.gez.f32 v21, $1.000000000e+00;
	v6 =	vor.u32 v7, v19;
	[tilespmem:v15+s5+$0x0] =	vst.idx.add.f32.msk vm2, v10;
	v10 =	vmul.f32 v20, v14  }
0x228: {  	v7 =	vmul.f32 v8, v11;
	v8 =	vmul.f32 v18, v14;
	[tilespmem:v9+s5+$0x0] =	vst.idx.add.f32.msk vm2, v23  }
0x229: {  	[tilespmem:v22+s5+$0x0] =	vst.idx.add.f32.msk vm0, v10;
	v10 =	vmul.f32 v2, v14  }
0x22a: {  	s26 =	sadd.s32 $0x10, s26;
	s15 =	sadd.s32 $0x10, s15;
	v9 =	vmul.f32 v20, v7;
	[tilespmem:v17+s5+$0x0] =	vst.idx.add.f32.msk vm0, v8;
	v8 =	vmul.f32 v18, v7  }
.Ltmp17:
0x22b: {  	_ = 	snop;
	(pc) =	sbr.rel .LBB2_7-.Ltmp17, $1  }
0x22c: {  	_ =	sdelay $0x3  }
.LBB2_13:
0x22d: {  	_ =	sdelay $0x4  }
0x22e: {  	[tilespmem:v5+s5+$0x0] =	vst.idx.add.f32.msk vm0, v10  }
0x22f: {  	v2 =	vmul.f32 v2, v7;
	[tilespmem:v6+s5+$0x0] =	vst.idx.add.f32.msk vm1, v9  }
0x230: {  	[tilespmem:v4+s5+$0x0] =	vst.idx.add.f32.msk vm1, v8  }
0x231: {  	[tilespmem:v3+s5+$0x0] =	vst.idx.add.f32.msk vm1, v2  }
.LBB2_14:
0x232: {  	s12 =	sadd.s32 $0x1, s12  }
0x233: {  	p3 =	sne.s32 s12, s20  }
.Ltmp18:
0x234: {  	_ = 	snop;
	(pc) =	sbr.rel @!p3 .LBB2_15-.Ltmp18, $2  }
0x235: {  	_ =	sdelay $0x2  }
0x236: {  	s11 =	sadd.s32 $0xFFFFFE00, s11  }
.LBB2_10:
0x237: {  	p3 =	sgt.u32 s12, $0xE  }
0x238: {  	p4 =	sne.s32 @p3 s12, $0xF  }
0x239: {  	p4 =	por p4, !p3  }
0x23a: {  	s7 =	simm.s32 @!p4 $0x0;
	s13 =	simm.s32 @!p4 $0x10000  }
0x23b: {  	[tilespmem:s13], [sflag:$0x1] =	stream.linear.gather @!p4 [hbm4b:s29+s7], $0x1BD0, $0x38;
	[tilespmem:$0x1E080] =	vst v63  }
0x23c: {  	s13 =	simm.s32 @!p4 $0x12000  }
0x23d: {  	[tilespmem:s13], [sflag:$0x1] =	stream.linear.gather @!p4 [hbm4b:s30+s7], $0x1BD8, $0x38;
	[tilespmem:$0x1E080] =	vst v63  }
0x23e: {  	s13 =	simm.s32 @!p4 $0x14080  }
0x23f: {  	[tilespmem:s13], [sflag:$0x1] =	stream.linear.gather @!p4 [hbm4b:s31+s7], $0x1BD0, $0x38;
	[tilespmem:$0x1E080] =	vst v63  }
0x240: {  	s13 =	simm.s32 @!p4 $0x16080  }
0x241: {  	[tilespmem:s13], [sflag:$0x1] =	stream.linear.gather @!p4 [hbm4b:s0+s7], $0x1BD0, $0x38;
	[tilespmem:$0x1E080] =	vst v63  }
0x242: {  	s7 =	simm.s32 @!p4 $0x1  }
0x243: {  	_ =	swait.ge @!p4 [sflag:s7], $0x1BD0  }
0x244: {  	[sflag:s7] =	ssyncset.done @!p4 $0x0  }
0x245: {  	[sflag:s7] =	ssyncadd.s32 @!p4 $0xFFFFE430  }
0x246: {  	_ =	swait.ge @!p4 [sflag:s7], $0x1BD8  }
0x247: {  	[sflag:s7] =	ssyncset.done @!p4 $0x0  }
0x248: {  	[sflag:s7] =	ssyncadd.s32 @!p4 $0xFFFFE428  }
0x249: {  	_ =	swait.ge @!p4 [sflag:s7], $0x1BD0  }
0x24a: {  	[sflag:s7] =	ssyncset.done @!p4 $0x0  }
0x24b: {  	[sflag:s7] =	ssyncadd.s32 @!p4 $0xFFFFE430  }
0x24c: {  	_ =	swait.ge @!p4 [sflag:s7], $0x1BD0  }
0x24d: {  	[sflag:s7] =	ssyncset.done @!p4 $0x0  }
0x24e: {  	[sflag:s7] =	ssyncadd.s32 @!p4 $0xFFFFE430;
	s7 =	sshll.u32 @!p3 s12, $0xA  }
0x24f: {  	s14 =	simm.s32 @!p3 $0x0;
	s15 =	simm.s32 @!p3 $0x10000;
	s13 =	sadd.s32 @!p3 s2, s7  }
0x250: {  	[tilespmem:s15], [sflag:$0x1] =	stream.linear.gather @!p3 [hbm4b:s13+s14], $0x2000, $0x38;
	[tilespmem:$0x1E080] =	vst v63  }
0x251: {  	s13 =	sadd.s32 @!p3 s7, s1;
	s15 =	simm.s32 @!p3 $0x12000  }
0x252: {  	[tilespmem:s15], [sflag:$0x1] =	stream.linear.gather @!p3 [hbm4b:s13+s14], $0x2010, $0x38;
	[tilespmem:$0x1E080] =	vst v63  }
0x253: {  	s13 =	sadd.s32 @!p3 s3, s7;
	s15 =	simm.s32 @!p3 $0x14080  }
0x254: {  	[tilespmem:s15], [sflag:$0x1] =	stream.linear.gather @!p3 [hbm4b:s13+s14], $0x2000, $0x38;
	[tilespmem:$0x1E080] =	vst v63  }
0x255: {  	s7 =	sadd.s32 @!p3 s4, s7;
	s13 =	simm.s32 @!p3 $0x16080  }
0x256: {  	[tilespmem:s13], [sflag:$0x1] =	stream.linear.gather @!p3 [hbm4b:s7+s14], $0x2000, $0x38;
	[tilespmem:$0x1E080] =	vst v63  }
0x257: {  	s13 =	simm.s32 @!p3 $0x1  }
0x258: {  	_ =	swait.ge @!p3 [sflag:s13], $0x2000  }
0x259: {  	[sflag:s13] =	ssyncset.done @!p3 $0x0  }
0x25a: {  	[sflag:s13] =	ssyncadd.s32 @!p3 $0xFFFFE000  }
0x25b: {  	_ =	swait.ge @!p3 [sflag:s13], $0x2010  }
0x25c: {  	[sflag:s13] =	ssyncset.done @!p3 $0x0  }
0x25d: {  	[sflag:s13] =	ssyncadd.s32 @!p3 $0xFFFFDFF0  }
0x25e: {  	_ =	swait.ge @!p3 [sflag:s13], $0x2000  }
0x25f: {  	s26 =	sshll.u32 s12, $0x9;
	s28 =	rddreg [dreg:$0x5]  }
0x260: {  	s14 =	ssub.s32 s28, s26  }
0x261: {  	s7 =	ssub.s32 s8, s26;
	p4 =	sgt.s32 s14, $0x0  }
0x262: {  	s14 =	simm.s32 @!p4 $0x0;
	p4 =	sgt.s32 s7, $0x0  }
0x263: {  	s7 =	simm.s32 @!p4 $0x0;
	s14 =	smin.u32 s14, $0x200  }
0x264: {  	p4 =	sge.u32 s7, s14  }
.Ltmp19:
0x265: {  	[sflag:s13] =	ssyncset.done @!p3 $0x0;
	(pc) =	sbr.rel @p4 .LBB2_14-.Ltmp19, $4  }
0x266: {  	[sflag:s13] =	ssyncadd.s32 @!p3 $0xFFFFE000  }
0x267: {  	_ =	swait.ge @!p3 [sflag:s13], $0x2000  }
0x268: {  	[sflag:s13] =	ssyncset.done @!p3 $0x0  }
0x269: {  	[sflag:s13] =	ssyncadd.s32 @!p3 $0xFFFFE000  }
0x26a: {  	p3 =	sgt.s32 s11, $0x0;
	s13 =	smov.u32 s11  }
0x26b: {  	s13 =	simm.s32 @!p3 $0x0  }
0x26c: {  	s13 =	sshll.u32 s13, $0x4  }
0x26d: {  	s13 =	sand.u32 $0x3FFFFFF0, s13  }
0x26e: {  	s26 =	sadd.s32 $0x16080, s13  }
0x26f: {  	s15 =	sadd.s32 $0x14080, s13;
	v2 =	vld [tilespmem:s26+$0x0]  }
0x270: {  	v3 =	vld [tilespmem:s15+$0x0];
	_ =	sdelay $0x2  }
0x271: {  	s25 =	sadd.s32 $0x12008, s13  }
0x272: {  	s28 =	sadd.s32 $0x10000, s13;
	v4 =	vld [tilespmem:s25+$0x0];
	v5 =	vmax.f32 v2, $1.414213540e+00  }
0x273: {  	v6 =	vld [tilespmem:s28+$0x0];
	v7 =	vmax.f32 v3, $1.414213540e+00;
	v8 =	vsub.f32 v2, v5  }
0x274: {  	v9 =	vsub.f32 v3, v7  }
0x275: {  	v8 =	vmul.f32 $5.000000000e-01, v8  }
0x276: {  	v9 =	vmul.f32 $5.000000000e-01, v9  }
0x277: {  	v4 =	vadd.f32 v8, v4  }
0x278: {  	v8 =	vmul.f32 v5, v7;
	v6 =	vadd.f32 v9, v6  }
0x279: {  	v9 =	vadd.f32 $1.000000000e+00, v4  }
0x27a: {  	(erf) = vrcp.f32 v8;
	v8 =	vadd.f32 $1.000000000e+00, v6  }
0x27b: {  	v9 =	vtrunc.f32 v9  }
0x27c: {  	v8 =	vtrunc.f32 v8;
	v9 =	vcvt.f32.s32 v9  }
0x27d: {  	v8 =	vcvt.f32.s32 v8  }
0x27e: {  	v10 =	vadd.s32 $0xFFFFFFFF, v9  }
0x27f: {  	v2 =	vmul.f32 v2, v3;
	v3 =	vadd.s32 $0xFFFFFFFF, v8;
	v8 =	vcvt.s32.f32 v10  }
0x280: {  	v11 =	vcvt.s32.f32 v3  }
0x281: {  	v12 =	vadd.s32 $0x1, v9;
	v4 =	vsub.f32 v4, v8  }
0x282: {  	vm1 =	vgt.s32 v10, $0xFFFFFFFF;
	v3 =	vsub.s32 v3, v0;
	v6 =	vsub.f32 v6, v11  }
0x283: {  	v10 =	vand.u32 $0x1FF, v10;
	v13 =	vshll.u32 v3, $0x9;
	v5 =	vadd.f32 v4, v5  }
0x284: {  	v16 =	vadd.s32 $0x2, v3;
	vm2 =	vlt.u32 v3, $0x80;
	v14 =	vpop (erf);
	v7 =	vadd.f32 v6, v7  }
0x285: {  	v8 =	vadd.s32 $0x1, v3;
	v14 =	vmul.f32 v14, v2;
	v2 =	vmin.f32 v5, $1.000000000e+00  }
0x286: {  	v15 =	vadd.s32 v9, v13;
	v20 =	vmin.f32 v7, $1.000000000e+00;
	v4 =	vsub.f32 v2, v4  }
0x287: {  	v62 =	vor.u32 v10, v13;
	v2 =	vsub.f32 v20, v6;
	v6 =	vadd.f32 $-1.000000000e+00, v7  }
0x288: {  	v13 =	vadd.s32 v12, v13;
	v11 =	vshll.u32 v8, $0x9;
	v18 =	vadd.f32 $-1.000000000e+00, v5  }
0x289: {  	v3 =	vadd.f32 $-2.000000000e+00, v5;
	v5 =	vclamp.gez.f32 v6, $1.000000000e+00;
	v6 =	vmul.f32 v2, v14  }
0x28a: {  	vm0 =	vlt.u32 v8, $0x80;
	v8 =	vclamp.gez.f32 v18, $1.000000000e+00;
	v63 =	vnsel vm1, $0x0, v4  }
0x28b: {  	v19 =	vshll.u32 v16, $0x9;
	v2 =	vclamp.gez.f32 v3, $1.000000000e+00;
	v3 =	vmul.f32 v63, v6  }
0x28c: {  	s13 =	sadd.s32 $0x1, s7;
	v17 =	vadd.s32 v9, v11;
	v22 =	vor.u32 v10, v11;
	v21 =	vmul.f32 v8, v6  }
0x28d: {  	p3 =	slt.u32 s13, s14;
	v7 =	vadd.f32 $-2.000000000e+00, v7;
	v23 =	vmul.f32 v5, v14;
	v6 =	vmul.f32 v2, v6;
	[tilespmem:v62+s5+$0x0] =	vst.idx.add.f32.msk vm2, v3  }
.Ltmp20:
0x28e: {  	v4 =	vadd.s32 v9, v19;
	vm1 =	vlt.u32 v16, $0x80;
	v5 =	vadd.s32 v12, v11;
	[tilespmem:v15+s5+$0x0] =	vst.idx.add.f32.msk vm2, v21;
	(pc) =	sbr.rel @!p3 .LBB2_13-.Ltmp20, $4  }
0x28f: {  	v7 =	vclamp.gez.f32 v7, $1.000000000e+00;
	v9 =	vmul.f32 v63, v23;
	[tilespmem:v13+s5+$0x0] =	vst.idx.add.f32.msk vm2, v6;
	v6 =	vor.u32 v10, v19  }
0x290: {  	v7 =	vmul.f32 v7, v14;
	v11 =	vmul.f32 v8, v23  }
0x291: {  	v3 =	vadd.s32 v12, v19;
	v10 =	vmul.f32 v2, v23;
	[tilespmem:v22+s5+$0x0] =	vst.idx.add.f32.msk vm0, v9  }
0x292: {  	s15 =	sadd.s32 $0x10, s15;
	s26 =	sadd.s32 $0x10, s26;
	v8 =	vmul.f32 v8, v7;
	v9 =	vmul.f32 v63, v7;
	[tilespmem:v17+s5+$0x0] =	vst.idx.add.f32.msk vm0, v11  }
.LBB2_12:
0x293: {  	s13 =	sadd.s32 $0x1, s13;
	[tilespmem:v5+s5+$0x0] =	vst.idx.add.f32.msk vm0, v10;
	v2 =	vmul.f32 v2, v7;
	s25 =	sadd.s32 $0x10, s25;
	s28 =	sadd.s32 $0x10, s28  }
0x294: {  	p3 =	slt.u32 s13, s14;
	[tilespmem:v6+s5+$0x0] =	vst.idx.add.f32.msk vm1, v9  }
0x295: {  	[tilespmem:v4+s5+$0x0] =	vst.idx.add.f32.msk vm1, v8  }
0x296: {  	[tilespmem:v3+s5+$0x0] =	vst.idx.add.f32.msk vm1, v2  }
0x297: {  	v2 =	vld [tilespmem:s26+$0x0]  }
0x298: {  	v3 =	vld [tilespmem:s15+$0x0];
	_ =	sdelay $0x1  }
0x299: {  	v4 =	vld [tilespmem:s28+$0x0]  }
0x29a: {  	v5 =	vld [tilespmem:s25+$0x0]  }
0x29b: {  	v6 =	vmax.f32 v2, $1.414213540e+00  }
0x29c: {  	v7 =	vmax.f32 v3, $1.414213540e+00;
	v8 =	vsub.f32 v2, v6;
	v2 =	vmul.f32 v2, v3  }
0x29d: {  	v3 =	vsub.f32 v3, v7;
	v9 =	vmul.f32 v6, v7  }
0x29e: {  	v8 =	vmul.f32 $5.000000000e-01, v8  }
0x29f: {  	v3 =	vmul.f32 $5.000000000e-01, v3;
	(erf) = vrcp.f32 v9  }
0x2a0: {  	v5 =	vadd.f32 v8, v5  }
0x2a1: {  	v3 =	vadd.f32 v3, v4  }
0x2a2: {  	v4 =	vadd.f32 $1.000000000e+00, v5  }
0x2a3: {  	v8 =	vadd.f32 $1.000000000e+00, v3  }
0x2a4: {  	v4 =	vtrunc.f32 v4  }
0x2a5: {  	v8 =	vtrunc.f32 v8;
	v4 =	vcvt.f32.s32 v4  }
0x2a6: {  	v8 =	vcvt.f32.s32 v8  }
0x2a7: {  	v9 =	vadd.s32 $0xFFFFFFFF, v4  }
0x2a8: {  	v8 =	vadd.s32 $0xFFFFFFFF, v8;
	v10 =	vcvt.s32.f32 v9;
	vm1 =	vgt.s32 v9, $0xFFFFFFFF;
	v11 =	vpop (erf)  }
0x2a9: {  	v13 =	vadd.s32 $0x1, v4;
	v12 =	vcvt.s32.f32 v8;
	v8 =	vsub.s32 v8, v0  }
0x2aa: {  	v5 =	vsub.f32 v5, v10;
	v10 =	vadd.s32 $0x1, v8;
	v14 =	vshll.u32 v8, $0x9  }
0x2ab: {  	v3 =	vsub.f32 v3, v12;
	v12 =	vshll.u32 v10, $0x9;
	v15 =	vadd.s32 v4, v14  }
0x2ac: {  	v16 =	vadd.s32 $0x2, v8;
	v6 =	vadd.f32 v5, v6;
	v17 =	vadd.s32 v4, v12  }
0x2ad: {  	v11 =	vmul.f32 v11, v2;
	v2 =	vadd.f32 v3, v7;
	v7 =	vand.u32 $0x1FF, v9  }
0x2ae: {  	v19 =	vshll.u32 v16, $0x9;
	v9 =	vmin.f32 v6, $1.000000000e+00;
	v18 =	vadd.f32 $-1.000000000e+00, v6  }
0x2af: {  	v20 =	vmin.f32 v2, $1.000000000e+00;
	v21 =	vadd.f32 $-2.000000000e+00, v2;
	v5 =	vsub.f32 v9, v5  }
0x2b0: {  	vm2 =	vlt.u32 v8, $0x80;
	v2 =	vadd.f32 $-1.000000000e+00, v2;
	v3 =	vsub.f32 v20, v3  }
0x2b1: {  	v6 =	vadd.f32 $-2.000000000e+00, v6;
	v8 =	vor.u32 v7, v14;
	v9 =	vadd.s32 v13, v14  }
0x2b2: {  	vm0 =	vlt.u32 v10, $0x80;
	v14 =	vclamp.gez.f32 v2, $1.000000000e+00;
	v3 =	vmul.f32 v3, v11  }
0x2b3: {  	v18 =	vclamp.gez.f32 v18, $1.000000000e+00;
	v2 =	vclamp.gez.f32 v6, $1.000000000e+00;
	v20 =	vnsel vm1, $0x0, v5  }
0x2b4: {  	v22 =	vor.u32 v7, v12;
	v6 =	vmul.f32 v20, v3;
	v10 =	vmul.f32 v18, v3  }
0x2b5: {  	v5 =	vadd.s32 v13, v12;
	v14 =	vmul.f32 v14, v11;
	v23 =	vmul.f32 v2, v3  }
.Ltmp21:
0x2b6: {  	v4 =	vadd.s32 v4, v19;
	vm1 =	vlt.u32 v16, $0x80;
	v3 =	vadd.s32 v13, v19;
	[tilespmem:v8+s5+$0x0] =	vst.idx.add.f32.msk vm2, v6;
	(pc) =	sbr.rel @p3 .LBB2_12-.Ltmp21, $4  }
0x2b7: {  	v8 =	vclamp.gez.f32 v21, $1.000000000e+00;
	v6 =	vor.u32 v7, v19;
	[tilespmem:v15+s5+$0x0] =	vst.idx.add.f32.msk vm2, v10;
	v10 =	vmul.f32 v20, v14  }
0x2b8: {  	v7 =	vmul.f32 v8, v11;
	v8 =	vmul.f32 v18, v14;
	[tilespmem:v9+s5+$0x0] =	vst.idx.add.f32.msk vm2, v23  }
0x2b9: {  	[tilespmem:v22+s5+$0x0] =	vst.idx.add.f32.msk vm0, v10;
	v10 =	vmul.f32 v2, v14  }
0x2ba: {  	s26 =	sadd.s32 $0x10, s26;
	s15 =	sadd.s32 $0x10, s15;
	v9 =	vmul.f32 v20, v7;
	[tilespmem:v17+s5+$0x0] =	vst.idx.add.f32.msk vm0, v8;
	v8 =	vmul.f32 v18, v7  }
.Ltmp22:
0x2bb: {  	_ = 	snop;
	(pc) =	sbr.rel .LBB2_13-.Ltmp22, $1  }
0x2bc: {  	_ =	sdelay $0x3  }
.LBB2_19:
0x2bd: {  	_ =	sdelay $0x4  }
0x2be: {  	[tilespmem:v5+s5+$0x0] =	vst.idx.add.f32.msk vm0, v9  }
0x2bf: {  	[tilespmem:v2+s5+$0x0] =	vst.idx.add.f32.msk vm0, v6  }
0x2c0: {  	[tilespmem:v3+s5+$0x0] =	vst.idx.add.f32.msk vm0, v7  }
0x2c1: {  	[tilespmem:v4+s5+$0x0] =	vst.idx.add.f32.msk vm0, v8  }
.LBB2_20:
0x2c2: {  	s25 =	sadd.s32 $0x1, s25  }
0x2c3: {  	p3 =	sne.s32 s25, s21  }
.Ltmp23:
0x2c4: {  	_ = 	snop;
	(pc) =	sbr.rel @!p3 .LBB2_21-.Ltmp23, $2  }
0x2c5: {  	_ =	sdelay $0x2  }
0x2c6: {  	s28 =	sadd.s32 $0xFFFFFE00, s28  }
.LBB2_16:
0x2c7: {  	s7 =	sshll.u32 s25, $0xD;
	s11 =	sshll.u32 s25, $0xA  }
0x2c8: {  	s7 =	sadd.s32 $0x1FBC8, s7;
	s12 =	sadd.s32 s2, s11  }
0x2c9: {  	[tilespmem:s16], [sflag:$0x1] =	stream.linear.gather [hbm4b:s12+s5], $0x2000, $0x38;
	[tilespmem:$0x1E080] =	vst v63  }
0x2ca: {  	s7 =	sshrl.u32 s7, $0x3  }
0x2cb: {  	s7 =	sadd.s32 s2, s7  }
0x2cc: {  	[tilespmem:s17], [sflag:$0x1] =	stream.linear.gather [hbm4b:s7+s5], $0x2010, $0x38;
	[tilespmem:$0x1E080] =	vst v63  }
0x2cd: {  	s14 =	sadd.s32 s3, s11  }
0x2ce: {  	[tilespmem:s22], [sflag:$0x1] =	stream.linear.gather [hbm4b:s14+s5], $0x2000, $0x38;
	[tilespmem:$0x1E080] =	vst v63  }
0x2cf: {  	s15 =	sadd.s32 s4, s11  }
0x2d0: {  	[tilespmem:s23], [sflag:$0x1] =	stream.linear.gather [hbm4b:s15+s5], $0x2000, $0x38;
	[tilespmem:$0x1E080] =	vst v63  }
0x2d1: {  	_ =	swait.ge [sflag:s24], $0x2000  }
0x2d2: {  	s26 =	sshll.u32 s25, $0x9;
	[sflag:s24] =	ssyncset.done $0x0  }
0x2d3: {  	s11 =	ssub.s32 s18, s26;
	[sflag:s24] =	ssyncadd.s32 $0xFFFFE000  }
0x2d4: {  	s13 =	ssub.s32 s10, s26;
	p3 =	sgt.s32 s11, $0x0;
	_ =	swait.ge [sflag:s24], $0x2010  }
0x2d5: {  	s11 =	simm.s32 @!p3 $0x0;
	p3 =	sgt.s32 s13, $0x0;
	[sflag:s24] =	ssyncset.done $0x0  }
0x2d6: {  	s13 =	simm.s32 @!p3 $0x0;
	s14 =	smin.u32 s11, $0x200;
	[sflag:s24] =	ssyncadd.s32 $0xFFFFDFF0  }
0x2d7: {  	p3 =	sge.u32 s13, s14;
	_ =	swait.ge [sflag:s24], $0x2000  }
.Ltmp24:
0x2d8: {  	[sflag:s24] =	ssyncset.done $0x0;
	(pc) =	sbr.rel @p3 .LBB2_20-.Ltmp24, $4  }
0x2d9: {  	[sflag:s24] =	ssyncadd.s32 $0xFFFFE000  }
0x2da: {  	_ =	swait.ge [sflag:s24], $0x2000  }
0x2db: {  	[sflag:s24] =	ssyncset.done $0x0  }
0x2dc: {  	[sflag:s24] =	ssyncadd.s32 $0xFFFFE000  }
0x2dd: {  	p3 =	sgt.s32 s28, $0x0;
	s7 =	smov.u32 s28  }
0x2de: {  	s7 =	simm.s32 @!p3 $0x0  }
0x2df: {  	s7 =	sshll.u32 s7, $0x4  }
0x2e0: {  	s7 =	sand.u32 $0x3FFFFFF0, s7  }
0x2e1: {  	s11 =	sadd.s32 $0x10000, s7  }
0x2e2: {  	s12 =	sadd.s32 $0x12008, s7;
	v2 =	vld [tilespmem:s11+$0x0]  }
0x2e3: {  	v3 =	vld [tilespmem:s12+$0x0];
	_ =	sdelay $0x3  }
0x2e4: {  	v4 =	vtrunc.f32 v2  }
0x2e5: {  	v5 =	vtrunc.f32 v3;
	v4 =	vcvt.f32.s32 v4  }
0x2e6: {  	v5 =	vcvt.f32.s32 v5  }
0x2e7: {  	v8 =	vcvt.s32.f32 v4  }
0x2e8: {  	s15 =	sadd.s32 $0x14080, s7;
	v4 =	vsub.s32 v4, v0;
	v9 =	vcvt.s32.f32 v5;
	v11 =	vand.u32 $0x1FF, v5  }
0x2e9: {  	s7 =	sadd.s32 $0x16080, s7;
	v6 =	vld [tilespmem:s15+$0x0];
	v12 =	vadd.s32 $0x3, v5;
	vm1 =	vgt.s32 v5, $0xFFFFFFFF;
	v15 =	vadd.s32 $0x4, v5  }
0x2ea: {  	v7 =	vld [tilespmem:s7+$0x0];
	vm0 =	vlt.u32 v4, $0x80;
	v10 =	vshll.u32 v4, $0x9;
	v44 =	vadd.s32 $0x2, v4  }
0x2eb: {  	v52 =	vadd.s32 $0x3, v4;
	v2 =	vsub.f32 v2, v8;
	v8 =	vadd.s32 $0x2, v5  }
0x2ec: {  	v3 =	vsub.f32 v3, v9;
	v9 =	vadd.s32 $0x1, v5;
	v14 =	vadd.s32 v12, v10  }
0x2ed: {  	v17 =	vor.u32 v11, v10;
	v29 =	vshll.u32 v44, $0x9;
	v13 =	vadd.s32 v8, v10  }
0x2ee: {  	v18 =	vadd.s32 v9, v10;
	v10 =	vadd.s32 v15, v10;
	v6 =	vadd.f32 v2, v6  }
0x2ef: {  	v50 =	vadd.s32 v8, v29;
	v51 =	vadd.s32 v12, v29;
	v7 =	vadd.f32 v3, v7  }
0x2f0: {  	v53 =	vadd.s32 v15, v29;
	v5 =	vmin.f32 v6, $1.000000000e+00;
	v16 =	vadd.f32 $-1.000000000e+00, v6  }
0x2f1: {  	v19 =	vadd.f32 $-1.000000000e+00, v7;
	v2 =	vsub.f32 v5, v2;
	v5 =	vmin.f32 v7, $1.000000000e+00  }
0x2f2: {  	v20 =	vadd.f32 $-3.000000000e+00, v7;
	v16 =	vclamp.gez.f32 v16, $1.000000000e+00;
	v3 =	vsub.f32 v5, v3  }
0x2f3: {  	v5 =	vadd.f32 $-2.000000000e+00, v7;
	v7 =	vadd.f32 $-4.000000000e+00, v7;
	v2 =	vmul.f32 $8.999999760e-01, v2  }
0x2f4: {  	v19 =	vclamp.gez.f32 v19, $1.000000000e+00;
	v20 =	vclamp.gez.f32 v20, $1.000000000e+00;
	v21 =	vnsel vm1, $0x0, v3  }
0x2f5: {  	v22 =	vclamp.gez.f32 v5, $1.000000000e+00;
	v3 =	vadd.s32 $0x1, v4;
	v5 =	vmul.f32 v21, v2  }
0x2f6: {  	v23 =	vshll.u32 v3, $0x9;
	vm1 =	vlt.u32 v3, $0x80;
	v26 =	vmul.f32 v19, v2  }
0x2f7: {  	v16 =	vmul.f32 $8.999999760e-01, v16;
	v3 =	vmul.f32 v22, v2;
	v24 =	vor.u32 v11, v23;
	[tilespmem:v17+s5+$0x0] =	vst.idx.add.f32.msk vm0, v5  }
0x2f8: {  	v27 =	vclamp.gez.f32 v7, $1.000000000e+00;
	v28 =	vmul.f32 v20, v2;
	v25 =	vadd.s32 v9, v23;
	[tilespmem:v18+s5+$0x0] =	vst.idx.add.f32.msk vm0, v26  }
0x2f9: {  	vm2 =	vlt.u32 v44, $0x80;
	v2 =	vmul.f32 v27, v2;
	[tilespmem:v13+s5+$0x0] =	vst.idx.add.f32.msk vm0, v3;
	v3 =	vadd.s32 v8, v23  }
0x2fa: {  	v43 =	vmul.f32 v21, v16;
	v7 =	vadd.s32 v12, v23;
	v5 =	vadd.f32 $-2.000000000e+00, v6;
	[tilespmem:v14+s5+$0x0] =	vst.idx.add.f32.msk vm0, v28  }
0x2fb: {  	v54 =	vshll.u32 v52, $0x9;
	v48 =	vmul.f32 v19, v16;
	v46 =	vadd.s32 v15, v23;
	[tilespmem:v10+s5+$0x0] =	vst.idx.add.f32.msk vm0, v2  }
0x2fc: {  	v45 =	vmul.f32 v22, v16;
	v2 =	vclamp.gez.f32 v5, $1.000000000e+00;
	v5 =	vor.u32 v11, v29;
	[tilespmem:v24+s5+$0x0] =	vst.idx.add.f32.msk vm1, v43  }
0x2fd: {  	v47 =	vmul.f32 v20, v16;
	v10 =	vadd.s32 v9, v29;
	v2 =	vmul.f32 $8.999999760e-01, v2;
	[tilespmem:v25+s5+$0x0] =	vst.idx.add.f32.msk vm1, v48  }
0x2fe: {  	vm3 =	vlt.u32 v52, $0x80;
	v58 =	vadd.s32 v12, v54;
	v16 =	vmul.f32 v27, v16;
	[tilespmem:v3+s5+$0x0] =	vst.idx.add.f32.msk vm1, v45  }
0x2ff: {  	v49 =	vadd.f32 $-3.000000000e+00, v6;
	v4 =	vadd.s32 $0x4, v4;
	[tilespmem:v7+s5+$0x0] =	vst.idx.add.f32.msk vm1, v47;
	v7 =	vmul.f32 v21, v2  }
0x300: {  	v6 =	vadd.f32 $-4.000000000e+00, v6;
	v17 =	vadd.s32 v15, v54;
	v56 =	vmul.f32 v19, v2;
	[tilespmem:v46+s5+$0x0] =	vst.idx.add.f32.msk vm1, v16  }
0x301: {  	v3 =	vclamp.gez.f32 v49, $1.000000000e+00;
	v55 =	vmul.f32 v22, v2;
	[tilespmem:v5+s5+$0x0] =	vst.idx.add.f32.msk vm2, v7;
	v5 =	vor.u32 v11, v54  }
0x302: {  	v57 =	vmul.f32 v20, v2;
	v3 =	vmul.f32 $8.999999760e-01, v3;
	v7 =	vadd.s32 v9, v54;
	[tilespmem:v10+s5+$0x0] =	vst.idx.add.f32.msk vm2, v56  }
0x303: {  	v59 =	vshll.u32 v4, $0x9;
	v2 =	vmul.f32 v27, v2;
	v10 =	vadd.s32 v8, v54;
	[tilespmem:v50+s5+$0x0] =	vst.idx.add.f32.msk vm2, v55  }
0x304: {  	vm0 =	vlt.u32 v4, $0x80;
	v4 =	vclamp.gez.f32 v6, $1.000000000e+00;
	v60 =	vmul.f32 v21, v3;
	[tilespmem:v51+s5+$0x0] =	vst.idx.add.f32.msk vm2, v57  }
0x305: {  	s13 =	sadd.s32 $0x1, s13;
	v63 =	vmul.f32 $8.999999760e-01, v4;
	v4 =	vadd.s32 v15, v59;
	[tilespmem:v53+s5+$0x0] =	vst.idx.add.f32.msk vm2, v2;
	v2 =	vmul.f32 v19, v3  }
0x306: {  	p3 =	slt.u32 s13, s14;
	v61 =	vmul.f32 v22, v3;
	v11 =	vor.u32 v11, v59;
	[tilespmem:v5+s5+$0x0] =	vst.idx.add.f32.msk vm3, v60  }
.Ltmp25:
0x307: {  	v6 =	vmul.f32 v20, v3;
	v5 =	vadd.s32 v9, v59;
	[tilespmem:v7+s5+$0x0] =	vst.idx.add.f32.msk vm3, v2;
	(pc) =	sbr.rel @!p3 .LBB2_19-.Ltmp25, $4  }
0x308: {  	v62 =	vmul.f32 v27, v3;
	v2 =	vadd.s32 v8, v59;
	[tilespmem:v10+s5+$0x0] =	vst.idx.add.f32.msk vm3, v61  }
0x309: {  	v3 =	vadd.s32 v12, v59;
	v8 =	vmul.f32 v21, v63;
	[tilespmem:v58+s5+$0x0] =	vst.idx.add.f32.msk vm3, v6  }
0x30a: {  	v9 =	vmul.f32 v19, v63;
	v7 =	vmul.f32 v20, v63;
	[tilespmem:v17+s5+$0x0] =	vst.idx.add.f32.msk vm3, v62  }
0x30b: {  	s26 =	sadd.s32 $0x10, s15;
	s15 =	sadd.s32 $0x10, s7;
	v6 =	vmul.f32 v22, v63;
	[tilespmem:v11+s5+$0x0] =	vst.idx.add.f32.msk vm0, v8;
	v8 =	vmul.f32 v27, v63  }
.LBB2_18:
0x30c: {  	s13 =	sadd.s32 $0x1, s13;
	[tilespmem:v5+s5+$0x0] =	vst.idx.add.f32.msk vm0, v9;
	s12 =	sadd.s32 $0x10, s12;
	s11 =	sadd.s32 $0x10, s11  }
0x30d: {  	p3 =	slt.u32 s13, s14;
	[tilespmem:v2+s5+$0x0] =	vst.idx.add.f32.msk vm0, v6  }
0x30e: {  	[tilespmem:v3+s5+$0x0] =	vst.idx.add.f32.msk vm0, v7  }
0x30f: {  	[tilespmem:v4+s5+$0x0] =	vst.idx.add.f32.msk vm0, v8  }
0x310: {  	v2 =	vld [tilespmem:s11+$0x0]  }
0x311: {  	v3 =	vld [tilespmem:s12+$0x0];
	_ =	sdelay $0x3  }
0x312: {  	v4 =	vtrunc.f32 v2  }
0x313: {  	v4 =	vcvt.f32.s32 v4;
	v5 =	vtrunc.f32 v3  }
0x314: {  	v6 =	vld [tilespmem:s26+$0x0];
	v7 =	vcvt.f32.s32 v5  }
0x315: {  	v8 =	vld [tilespmem:s15+$0x0];
	v5 =	vcvt.s32.f32 v4;
	v9 =	vsub.s32 v4, v0  }
0x316: {  	v4 =	vcvt.s32.f32 v7;
	vm0 =	vlt.u32 v9, $0x80;
	v10 =	vshll.u32 v9, $0x9  }
0x317: {  	v11 =	vsub.f32 v2, v5;
	v2 =	vadd.s32 $0x2, v7;
	v5 =	vand.u32 $0x1FF, v7  }
0x318: {  	v12 =	vsub.f32 v3, v4;
	v4 =	vadd.s32 $0x1, v7;
	v3 =	vadd.s32 $0x3, v7  }
0x319: {  	v13 =	vadd.s32 v2, v10;
	v6 =	vadd.f32 v11, v6;
	v14 =	vadd.s32 v3, v10  }
0x31a: {  	vm1 =	vgt.s32 v7, $0xFFFFFFFF;
	v7 =	vadd.s32 $0x4, v7;
	v8 =	vadd.f32 v12, v8  }
0x31b: {  	v17 =	vor.u32 v5, v10;
	v15 =	vmin.f32 v6, $1.000000000e+00;
	v16 =	vadd.f32 $-1.000000000e+00, v6  }
0x31c: {  	v18 =	vadd.s32 v4, v10;
	v11 =	vsub.f32 v15, v11;
	v15 =	vmin.f32 v8, $1.000000000e+00  }
0x31d: {  	v16 =	vclamp.gez.f32 v16, $1.000000000e+00;
	v12 =	vsub.f32 v15, v12;
	v15 =	vadd.f32 $-2.000000000e+00, v8  }
0x31e: {  	v19 =	vadd.f32 $-1.000000000e+00, v8;
	v20 =	vadd.f32 $-3.000000000e+00, v8;
	v11 =	vmul.f32 $8.999999760e-01, v11  }
0x31f: {  	v8 =	vadd.f32 $-4.000000000e+00, v8;
	v16 =	vmul.f32 $8.999999760e-01, v16;
	v12 =	vnsel vm1, $0x0, v12  }
0x320: {  	v21 =	vadd.s32 $0x1, v9;
	v15 =	vclamp.gez.f32 v15, $1.000000000e+00;
	v22 =	vmul.f32 v12, v11  }
0x321: {  	v19 =	vclamp.gez.f32 v19, $1.000000000e+00;
	v20 =	vclamp.gez.f32 v20, $1.000000000e+00;
	vm1 =	vlt.u32 v21, $0x80  }
0x322: {  	v8 =	vclamp.gez.f32 v8, $1.000000000e+00;
	v21 =	vshll.u32 v21, $0x9;
	v23 =	vmul.f32 v15, v11  }
0x323: {  	v24 =	vor.u32 v5, v21;
	v25 =	vadd.s32 v4, v21;
	v26 =	vadd.s32 v3, v21  }
0x324: {  	v10 =	vadd.s32 v7, v10;
	v27 =	vmul.f32 v19, v11;
	v28 =	vmul.f32 v20, v11  }
0x325: {  	v29 =	vadd.f32 $-2.000000000e+00, v6;
	v11 =	vmul.f32 v8, v11;
	[tilespmem:v17+s5+$0x0] =	vst.idx.add.f32.msk vm0, v22;
	v17 =	vmul.f32 v12, v16  }
0x326: {  	v22 =	vadd.s32 $0x2, v9;
	[tilespmem:v18+s5+$0x0] =	vst.idx.add.f32.msk vm0, v27;
	v18 =	vmul.f32 v15, v16;
	v27 =	vadd.s32 v7, v21  }
0x327: {  	v29 =	vclamp.gez.f32 v29, $1.000000000e+00;
	[tilespmem:v13+s5+$0x0] =	vst.idx.add.f32.msk vm0, v23;
	v13 =	vadd.s32 v2, v21;
	v21 =	vmul.f32 v20, v16  }
0x328: {  	v23 =	vshll.u32 v22, $0x9;
	[tilespmem:v14+s5+$0x0] =	vst.idx.add.f32.msk vm0, v28;
	v14 =	vmul.f32 v19, v16;
	v16 =	vmul.f32 v8, v16  }
0x329: {  	vm2 =	vlt.u32 v22, $0x80;
	[tilespmem:v10+s5+$0x0] =	vst.idx.add.f32.msk vm0, v11;
	v10 =	vor.u32 v5, v23;
	v11 =	vadd.s32 v4, v23  }
0x32a: {  	v22 =	vadd.f32 $-3.000000000e+00, v6;
	[tilespmem:v24+s5+$0x0] =	vst.idx.add.f32.msk vm1, v17;
	v17 =	vadd.s32 v2, v23;
	v24 =	vadd.s32 v3, v23  }
0x32b: {  	v28 =	vmul.f32 $8.999999760e-01, v29;
	v29 =	vadd.s32 $0x3, v9;
	[tilespmem:v25+s5+$0x0] =	vst.idx.add.f32.msk vm1, v14;
	v14 =	vadd.s32 v7, v23  }
0x32c: {  	v6 =	vadd.f32 $-4.000000000e+00, v6;
	v22 =	vclamp.gez.f32 v22, $1.000000000e+00;
	v23 =	vshll.u32 v29, $0x9;
	[tilespmem:v13+s5+$0x0] =	vst.idx.add.f32.msk vm1, v18  }
0x32d: {  	v9 =	vadd.s32 $0x4, v9;
	v13 =	vmul.f32 v12, v28;
	v18 =	vmul.f32 v15, v28;
	[tilespmem:v26+s5+$0x0] =	vst.idx.add.f32.msk vm1, v21  }
0x32e: {  	vm3 =	vlt.u32 v29, $0x80;
	v21 =	vmul.f32 v20, v28;
	[tilespmem:v27+s5+$0x0] =	vst.idx.add.f32.msk vm1, v16;
	v16 =	vmul.f32 v19, v28  }
0x32f: {  	v6 =	vclamp.gez.f32 v6, $1.000000000e+00;
	[tilespmem:v10+s5+$0x0] =	vst.idx.add.f32.msk vm2, v13;
	v10 =	vmul.f32 v8, v28;
	v13 =	vor.u32 v5, v23  }
0x330: {  	v22 =	vmul.f32 $8.999999760e-01, v22;
	[tilespmem:v11+s5+$0x0] =	vst.idx.add.f32.msk vm2, v16;
	v11 =	vadd.s32 v4, v23;
	v16 =	vadd.s32 v2, v23  }
0x331: {  	v25 =	vshll.u32 v9, $0x9;
	[tilespmem:v17+s5+$0x0] =	vst.idx.add.f32.msk vm2, v18;
	v17 =	vadd.s32 v3, v23;
	v18 =	vadd.s32 v7, v23  }
0x332: {  	v23 =	vmul.f32 v15, v22;
	[tilespmem:v24+s5+$0x0] =	vst.idx.add.f32.msk vm2, v21;
	v21 =	vmul.f32 v12, v22  }
0x333: {  	vm0 =	vlt.u32 v9, $0x80;
	v9 =	vmul.f32 v19, v22;
	[tilespmem:v14+s5+$0x0] =	vst.idx.add.f32.msk vm2, v10;
	v10 =	vmul.f32 v20, v22  }
0x334: {  	v14 =	vor.u32 v5, v25;
	[tilespmem:v13+s5+$0x0] =	vst.idx.add.f32.msk vm3, v21;
	v13 =	vmul.f32 v8, v22  }
.Ltmp26:
0x335: {  	v2 =	vadd.s32 v2, v25;
	v5 =	vadd.s32 v4, v25;
	v21 =	vmul.f32 $8.999999760e-01, v6;
	[tilespmem:v11+s5+$0x0] =	vst.idx.add.f32.msk vm3, v9;
	(pc) =	sbr.rel @p3 .LBB2_18-.Ltmp26, $4  }
0x336: {  	v3 =	vadd.s32 v3, v25;
	v4 =	vadd.s32 v7, v25;
	[tilespmem:v16+s5+$0x0] =	vst.idx.add.f32.msk vm3, v23  }
0x337: {  	v6 =	vmul.f32 v15, v21;
	[tilespmem:v17+s5+$0x0] =	vst.idx.add.f32.msk vm3, v10;
	v10 =	vmul.f32 v12, v21  }
0x338: {  	v9 =	vmul.f32 v19, v21;
	v7 =	vmul.f32 v20, v21;
	[tilespmem:v18+s5+$0x0] =	vst.idx.add.f32.msk vm3, v13  }
0x339: {  	s26 =	sadd.s32 $0x10, s26;
	s15 =	sadd.s32 $0x10, s15;
	v8 =	vmul.f32 v8, v21;
	[tilespmem:v14+s5+$0x0] =	vst.idx.add.f32.msk vm0, v10  }
.Ltmp27:
0x33a: {  	_ = 	snop;
	(pc) =	sbr.rel .LBB2_19-.Ltmp27, $1  }
0x33b: {  	_ =	sdelay $0x3  }
.LBB2_36:
0x33c: {  	_ =	sfence.sel $0x180000  }
0x33d: {  	[bflag:$0x0] =	sbarrier.arrive $0xFFFF  }
0x33e: {  	_ =	strace $0x90000047  }
0x33f: {  	s0 =	stileid.u32;
	[bflag:$0x2] =	sbarrier.arrive $0xFFFF  }
0x340: {  	p0 =	sne.s32 s0, $0x0;
	s0 =	rddreg [dreg:$0x4]  }
0x341: {  	s0 =	sadd.s32 @!p0 $0x100000, s0  }
0x342: {  	[sflag:s0] =	ssyncadd.tile.s32 @!p0 $0x1;
	_ =	shalt  }
.Lfunc_end2:
_tile_overlayer_lowered:
.L_overlay_start_2:
0x343: {  	(tag) =	ssettag $0x2  }
0x344: {  	s0 =	rddreg [dreg:$0x0];
	s2 =	stileid.u32  }
0x345: {  	s1 =	rddreg [dreg:$0x1];
	p0 =	sne.s32 s2, $0x0  }
0x346: {  	s3 =	rddreg [dreg:$0x2];
	[bflag:$0x3] =	sbarrier.arrive $0xFFFF;
	s2 =	simm.s32 @!p0 $0x1C03  }
0x347: {  	[timem:s3], [sflag:s2] =	dma.local @!p0 [hbm:s0], s1  }
0x348: {  	s0 =	simm.s32 @!p0 $0x3  }
0x349: {  	_ =	swait.ge @!p0 [sflag:s0], s1  }
0x34a: {  	s1 =	ssub.s32 @!p0 $0x0, s1;
	[sflag:s0] =	ssyncset.done @!p0 $0x0  }
0x34b: {  	[sflag:s0] =	ssyncadd.s32 @!p0 s1  }
0x34c: {  	[bflag:$0x3] =	sbarrier.arrive $0xFFFF  }
0x34d: {  	_ =	shalt  }

</sc_bundles>
